<compile_context>
chip_gen: v7x
topology: tpu7x:2x2x1
jax: 0.10.2.dev20260603
libtpu: 0.0.44.dev20260713+nightly
codegen_flags: <defaults>
</compile_context>

<pallas_src>
import functools

import jax
import jax.numpy as jnp
from jax import lax
from jax.experimental import pallas as pl
from jax.experimental.pallas import tpu as pltpu
from jax.experimental.pallas import tpu_sc as plsc

NC = 2
NS = 16
NW = NC * NS
LANE = 16

B = 4096
L = 200
EMB = 64
NLAB = 5
VOCAB = 1000000
NPLANE = 8

BPW = B // NW
NIDX = BPW * L
CA, CB = 104, 96
INV_L = 1.0 / L

FW = 8192
FG = (VOCAB + FW - 1) // FW
VP = FG * FW

TCW = VP // 128 // NW
ICH = 6
NCH = TCW // ICH
CHV = ICH * 128


def _fold_body(w_ref, x_ref, o_ref):
    o_ref[...] = lax.dot_general(
        w_ref[...], x_ref[...],
        (((1,), (0,)), ((), ())),
        preferred_element_type=jnp.float32,
    )


def _fold(w8, table_t):
    return pl.pallas_call(
        _fold_body,
        grid=(FG,),
        in_specs=[
            pl.BlockSpec((NPLANE, EMB), lambda j: (0, 0)),
            pl.BlockSpec((EMB, FW), lambda j: (0, j)),
        ],
        out_specs=pl.BlockSpec((NPLANE, FW), lambda j: (0, j)),
        out_shape=jax.ShapeDtypeStruct((NPLANE, VP), jnp.float32),
    )(w8, table_t)


@functools.partial(
    pl.kernel,
    out_type=jax.ShapeDtypeStruct((VP * LANE,), jnp.float32),
    mesh=plsc.VectorSubcoreMesh(
        core_axis_name="c", subcore_axis_name="s",
        num_cores=NC, num_subcores=NS),
    compiler_params=pltpu.CompilerParams(
        use_tc_tiling_on_sc=True, needs_layout_passes=False),
    scratch_types=[
        pltpu.VMEM((NPLANE, CHV), jnp.float32),
        pltpu.VMEM((NPLANE, CHV), jnp.float32),
        pltpu.VMEM((CHV * LANE,), jnp.float32),
        pltpu.VMEM((CHV * LANE,), jnp.float32),
        pltpu.SemaphoreType.DMA,
        pltpu.SemaphoreType.DMA,
        pltpu.SemaphoreType.DMA,
        pltpu.SemaphoreType.DMA,
    ],
)
def _interleave_kernel(y_hbm, out_hbm, buf0, buf1, obuf0, obuf1,
                       sem0, sem1, osem0, osem1):
    wid = lax.axis_index("s") * NC + lax.axis_index("c")
    base = wid * TCW * 128

    def fire(ch, buf, sem):
        col0 = base + (ch % NCH) * CHV
        pltpu.async_copy(y_hbm.at[:, pl.ds(col0, CHV)], buf, sem)

    def wait(buf, sem):
        pltpu.make_async_copy(y_hbm.at[:, pl.ds(0, CHV)], buf, sem).wait()

    fire(0, buf0, sem0)
    fire(1, buf1, sem1)

    zvec = jnp.zeros((LANE,), jnp.float32)

    def zfill(i, carry):
        del carry
        obuf0[pl.ds(i * LANE, LANE)] = zvec
        obuf1[pl.ds(i * LANE, LANE)] = zvec
        return 0

    lax.fori_loop(0, CHV * LANE // LANE, zfill, 0)

    iota16 = lax.iota(jnp.int32, LANE) * LANE

    def transpose_chunk(buf, ob):
        unroll = 4
        for r in range(NPLANE):
            def body(g, idx, r=r):
                for u in range(unroll):
                    c0 = (unroll * g + u) * LANE
                    row = buf[r, pl.ds(c0, LANE)]
                    plsc.store_scatter(ob, [idx + u * LANE * LANE], row)
                return idx + unroll * LANE * LANE

            lax.fori_loop(0, CHV // LANE // unroll, body, iota16 + r)

    def flush(ch, ob, osem):
        col0 = base + ch * CHV
        pltpu.async_copy(ob, out_hbm.at[pl.ds(col0 * LANE, CHV * LANE)], osem)

    def owait(ob, osem):
        pltpu.make_async_copy(out_hbm.at[pl.ds(0, CHV * LANE)], ob, osem).wait()

    wait(buf0, sem0)
    transpose_chunk(buf0, obuf0)
    flush(0, obuf0, osem0)
    fire(2, buf0, sem0)
    wait(buf1, sem1)
    transpose_chunk(buf1, obuf1)
    flush(1, obuf1, osem1)
    fire(3, buf1, sem1)

    def step(t, carry):
        del carry
        c0 = 2 * t
        c1 = c0 + 1
        wait(buf0, sem0)
        owait(obuf0, osem0)
        transpose_chunk(buf0, obuf0)
        flush(c0, obuf0, osem0)
        fire(c0 + 2, buf0, sem0)
        wait(buf1, sem1)
        owait(obuf1, osem1)
        transpose_chunk(buf1, obuf1)
        flush(c1, obuf1, osem1)
        fire(c1 + 2, buf1, sem1)
        return 0

    lax.fori_loop(1, (NCH - 1) // 2, step, 0)
    wait(buf0, sem0)
    owait(obuf0, osem0)
    transpose_chunk(buf0, obuf0)
    flush(NCH - 1, obuf0, osem0)
    wait(buf1, sem1)
    owait(obuf0, osem0)
    owait(obuf1, osem1)


def _accum_chunk(buf, n, acc):

    def body(j, acc):
        out = acc
        for u in range(8):
            out = out + buf[8 * j + u, :]
        return out

    return lax.fori_loop(0, n // 8, body, acc)


@functools.partial(
    pl.kernel,
    out_type=jax.ShapeDtypeStruct((B, LANE), jnp.float32),
    mesh=plsc.VectorSubcoreMesh(
        core_axis_name="c", subcore_axis_name="s",
        num_cores=NC, num_subcores=NS),
    compiler_params=pltpu.CompilerParams(use_tc_tiling_on_sc=False),
    scratch_types=[
        pltpu.VMEM((NIDX,), jnp.int32),
        pltpu.VMEM((BPW, LANE), jnp.float32),
        pltpu.VMEM((LANE,), jnp.float32),
        pltpu.VMEM((CA, LANE), jnp.float32),
        pltpu.VMEM((CB, LANE), jnp.float32),
        pltpu.VMEM((CA, LANE), jnp.float32),
        pltpu.VMEM((CB, LANE), jnp.float32),
        pltpu.SemaphoreType.DMA,
        pltpu.SemaphoreType.DMA,
        pltpu.SemaphoreType.DMA,
        pltpu.SemaphoreType.DMA,
    ],
)
def _pool_kernel(idx_hbm, p_hbm, bias_hbm, out_hbm, idx_v, pooled_v, bias_v,
                 buf_a0, buf_b0, buf_a1, buf_b1,
                 sem_a0, sem_b0, sem_a1, sem_b1):
    wid = lax.axis_index("s") * NC + lax.axis_index("c")

    pltpu.sync_copy(idx_hbm.at[pl.ds(wid * NIDX, NIDX)], idx_v)
    pltpu.sync_copy(bias_hbm, bias_v)
    bias = bias_v[...]

    def fire(row, off, size, buf, sem):
        start = row * L + off
        pltpu.async_copy(p_hbm.at[idx_v.at[pl.ds(start, size)]], buf, sem)

    def wait(size, buf, sem):
        pltpu.make_async_copy(p_hbm.at[pl.ds(0, size)], buf, sem).wait()

    fire(0, 0, CA, buf_a0, sem_a0)
    fire(0, CA, CB, buf_b0, sem_b0)
    fire(1, 0, CA, buf_a1, sem_a1)
    fire(1, CA, CB, buf_b1, sem_b1)

    zero = jnp.zeros((LANE,), jnp.float32)

    def step(t, carry):
        del carry
        r0 = 2 * t
        r1 = r0 + 1
        n0 = (r0 + 2) & (BPW - 1)
        n1 = (r1 + 2) & (BPW - 1)

        wait(CA, buf_a0, sem_a0)
        acc = _accum_chunk(buf_a0, CA, zero)
        fire(n0, 0, CA, buf_a0, sem_a0)
        wait(CB, buf_b0, sem_b0)
        acc = _accum_chunk(buf_b0, CB, acc)
        fire(n0, CA, CB, buf_b0, sem_b0)
        pooled_v[r0, :] = acc + bias

        wait(CA, buf_a1, sem_a1)
        acc = _accum_chunk(buf_a1, CA, zero)
        fire(n1, 0, CA, buf_a1, sem_a1)
        wait(CB, buf_b1, sem_b1)
        acc = _accum_chunk(buf_b1, CB, acc)
        fire(n1, CA, CB, buf_b1, sem_b1)
        pooled_v[r1, :] = acc + bias

        return 0

    lax.fori_loop(0, BPW // 2, step, 0)

    wait(CA, buf_a0, sem_a0)
    wait(CB, buf_b0, sem_b0)
    wait(CA, buf_a1, sem_a1)
    wait(CB, buf_b1, sem_b1)

    pltpu.sync_copy(pooled_v, out_hbm.at[pl.ds(wid * BPW, BPW)])


@jax.jit
def kernel(text, emb_table, fc_w, fc_b):
    table_t = emb_table.T
    w8 = jnp.pad(fc_w * INV_L, ((0, NPLANE - NLAB), (0, 0)))
    y8 = _fold(w8, table_t)
    flat = _interleave_kernel(y8)
    p16 = flat.reshape(VP, LANE)
    bias16 = jnp.pad(fc_b, (0, LANE - NLAB))
    pooled = _pool_kernel(text.reshape(-1), p16, bias16)
    return pooled[:, :NLAB]

# --- scband reference (transcript-rebuilt; emitter-appended) ---
"""Pipeline reference for scband-fast-text-10170482557265 (READ-ONLY COPY).

The authoritative reference and input builder live on the scoring server;
editing this copy changes nothing except your own understanding.
"""

import jax, jax.numpy as jnp
import numpy as np

VOCAB = 1000000
EMB = 64
NUM_LABEL = 5
PAD_IDX = 0
B = 4096
L = 200


def setup_inputs(seed: int = 0) -> dict:
    key = jax.random.key(seed)
    k_text, k_emb, k_w, k_b = jax.random.split(key, 4)
    text = jax.random.randint(k_text, (B, L), 0, VOCAB, dtype=jnp.int64 if jax.config.jax_enable_x64 else jnp.int32).astype(jnp.int32)
    emb_table = jax.random.normal(k_emb, (VOCAB, EMB), dtype=jnp.float32) * 0.02
    emb_table = emb_table.at[PAD_IDX].set(0.0)  # padding_idx row is zero
    fc_w = jax.random.normal(k_w, (NUM_LABEL, EMB), dtype=jnp.float32) * (1.0 / np.sqrt(EMB))
    fc_b = jnp.zeros((NUM_LABEL,), dtype=jnp.float32)
    return {"text": text, "emb_table": emb_table, "fc_w": fc_w, "fc_b": fc_b}


def reference(text, emb_table, fc_w, fc_b):
    # embedding lookup (gather)
    embedded = jnp.take(emb_table, text, axis=0)  # [B, L, EMB]
    # avg_pool2d over (L, 1) == mean over sequence axis, then squeeze
    pooled = jnp.mean(embedded, axis=1)  # [B, EMB]
    # dropout is identity in eval/reference mode
    out = pooled @ fc_w.T + fc_b  # [B, NUM_LABEL]
    return out

if __name__ == "__main__":
    import jax
    _d = setup_inputs()
    print(jax.jit(kernel)(*tuple(_d.values())))

</pallas_src>

<mosaic_0001>
#map = affine_map<(d0, d1) -> (0)>
#map1 = affine_map<(d0, d1) -> (0, 0)>
module attributes {stable_mosaic.version = 14 : i64} {
  func.func @_pool_kernel(%arg0: i32, %arg1: i32, %arg2: memref<819200xi32, #tpu.memory_space<hbm>>, %arg3: memref<1007616x16xf32, #tpu.memory_space<hbm>>, %arg4: memref<16xf32, #tpu.memory_space<hbm>>, %arg5: memref<4096x16xf32, #tpu.memory_space<hbm>>, %arg6: memref<25600xi32, #tpu.memory_space<vmem>>, %arg7: memref<128x16xf32, #tpu.memory_space<vmem>>, %arg8: memref<16xf32, #tpu.memory_space<vmem>>, %arg9: memref<104x16xf32, #tpu.memory_space<vmem>>, %arg10: memref<96x16xf32, #tpu.memory_space<vmem>>, %arg11: memref<104x16xf32, #tpu.memory_space<vmem>>, %arg12: memref<96x16xf32, #tpu.memory_space<vmem>>, %arg13: memref<!tpu.dma_semaphore, #tpu.memory_space<semaphore_mem>>, %arg14: memref<!tpu.dma_semaphore, #tpu.memory_space<semaphore_mem>>, %arg15: memref<!tpu.dma_semaphore, #tpu.memory_space<semaphore_mem>>, %arg16: memref<!tpu.dma_semaphore, #tpu.memory_space<semaphore_mem>>) attributes {dimension_semantics = [#tpu.dimension_semantics<core_parallel>, #tpu.dimension_semantics<subcore_parallel>], iteration_bounds = array<i64: 2, 16>, scalar_prefetch = 0 : i64, scratch_operands = 11 : i64, tpu.core_type = #tpu.core_type<sc_vector_subcore>, window_params = [{transform_indices = #map}, {transform_indices = #map1}, {transform_indices = #map}, {transform_indices = #map1}]} {
    %mul3A = arith.constant 2 : i32
    %mul3A_0 = arith.muli %arg1, %mul3A : i32
    %add3A = arith.addi %mul3A_0, %arg0 : i32
    %mul3A_1 = arith.constant 25600 : i32
    %mul3A_2 = arith.muli %add3A, %mul3A_1 : i32
    "tpu.region"() ({
      %run_scoped3A = tpu.sem_alloc : memref<!tpu.dma_semaphore, #tpu.memory_space<semaphore_mem>>
      %dma_start3A_56 = tpu.memref_slice %arg2[%mul3A_2] : memref<819200xi32, #tpu.memory_space<hbm>> -> memref<25600xi32, #tpu.memory_space<hbm>>
      %dma_start3A_57 = tpu.memref_slice %arg2[%mul3A_2] : memref<819200xi32, #tpu.memory_space<hbm>> -> memref<25600xi32, #tpu.memory_space<hbm>>
      tpu.enqueue_dma source(%dma_start3A_57 : memref<25600xi32, #tpu.memory_space<hbm>>) target(%arg6 : memref<25600xi32, #tpu.memory_space<vmem>>) target_semaphore(%run_scoped3A : memref<!tpu.dma_semaphore, #tpu.memory_space<semaphore_mem>>)
      %dma_wait3A_58 = tpu.memref_slice %arg2[%mul3A_2] : memref<819200xi32, #tpu.memory_space<hbm>> -> memref<25600xi32, #tpu.memory_space<hbm>>
      %dma_wait3A_59 = tpu.memref_slice %arg2[%mul3A_2] : memref<819200xi32, #tpu.memory_space<hbm>> -> memref<25600xi32, #tpu.memory_space<hbm>>
      tpu.wait_dma2 semaphore(%run_scoped3A : memref<!tpu.dma_semaphore, #tpu.memory_space<semaphore_mem>>) src(%dma_wait3A_59 : memref<25600xi32, #tpu.memory_space<hbm>>) dst(%arg6 : memref<25600xi32, #tpu.memory_space<vmem>>)
      tpu.yield
    }) : () -> ()
    "tpu.region"() ({
      %run_scoped3A = tpu.sem_alloc : memref<!tpu.dma_semaphore, #tpu.memory_space<semaphore_mem>>
      tpu.enqueue_dma source(%arg4 : memref<16xf32, #tpu.memory_space<hbm>>) target(%arg8 : memref<16xf32, #tpu.memory_space<vmem>>) target_semaphore(%run_scoped3A : memref<!tpu.dma_semaphore, #tpu.memory_space<semaphore_mem>>)
      tpu.wait_dma2 semaphore(%run_scoped3A : memref<!tpu.dma_semaphore, #tpu.memory_space<semaphore_mem>>) src(%arg4 : memref<16xf32, #tpu.memory_space<hbm>>) dst(%arg8 : memref<16xf32, #tpu.memory_space<vmem>>)
      tpu.yield
    }) : () -> ()
    %get3A = arith.constant 0 : index
    %get3A_3 = tpu.vector_load %arg8[%get3A] {strides = array<i32>} : memref<16xf32, #tpu.memory_space<vmem>>, vector<16xf32>,
    %get3A_4 = vector.shape_cast %get3A_3 : vector<16xf32> to vector<16xf32>
    %dma_start3A = arith.constant 0 : i32
    %dma_start3A_5 = tpu.memref_slice %arg6[%dma_start3A] : memref<25600xi32, #tpu.memory_space<vmem>> -> memref<104xi32, #tpu.memory_space<vmem>>
    %dma_start3A_6 = arith.constant 0 : i32
    %dma_start3A_7 = arith.constant 0 : i32
    %dma_start3A_8 = tpu.memref_slice %arg3[%dma_start3A_6, %dma_start3A_7] : memref<1007616x16xf32, #tpu.memory_space<hbm>> -> memref<1007616x16xf32, #tpu.memory_space<hbm>>
    tpu.enqueue_indirect_dma source(%dma_start3A_8 : memref<1007616x16xf32, #tpu.memory_space<hbm>>) target(%arg9 : memref<104x16xf32, #tpu.memory_space<vmem>>) offsets(%dma_start3A_5 : memref<104xi32, #tpu.memory_space<vmem>>) semaphore(%arg13 : memref<!tpu.dma_semaphore, #tpu.memory_space<semaphore_mem>>)
    %dma_start3A_9 = arith.constant 104 : i32
    %dma_start3A_10 = tpu.memref_slice %arg6[%dma_start3A_9] : memref<25600xi32, #tpu.memory_space<vmem>> -> memref<96xi32, #tpu.memory_space<vmem>>
    %dma_start3A_11 = arith.constant 0 : i32
    %dma_start3A_12 = arith.constant 0 : i32
    %dma_start3A_13 = tpu.memref_slice %arg3[%dma_start3A_11, %dma_start3A_12] : memref<1007616x16xf32, #tpu.memory_space<hbm>> -> memref<1007616x16xf32, #tpu.memory_space<hbm>>
    tpu.enqueue_indirect_dma source(%dma_start3A_13 : memref<1007616x16xf32, #tpu.memory_space<hbm>>) target(%arg10 : memref<96x16xf32, #tpu.memory_space<vmem>>) offsets(%dma_start3A_10 : memref<96xi32, #tpu.memory_space<vmem>>) semaphore(%arg14 : memref<!tpu.dma_semaphore, #tpu.memory_space<semaphore_mem>>)
    %dma_start3A_14 = arith.constant 200 : i32
    %dma_start3A_15 = tpu.memref_slice %arg6[%dma_start3A_14] : memref<25600xi32, #tpu.memory_space<vmem>> -> memref<104xi32, #tpu.memory_space<vmem>>
    %dma_start3A_16 = arith.constant 0 : i32
    %dma_start3A_17 = arith.constant 0 : i32
    %dma_start3A_18 = tpu.memref_slice %arg3[%dma_start3A_16, %dma_start3A_17] : memref<1007616x16xf32, #tpu.memory_space<hbm>> -> memref<1007616x16xf32, #tpu.memory_space<hbm>>
    tpu.enqueue_indirect_dma source(%dma_start3A_18 : memref<1007616x16xf32, #tpu.memory_space<hbm>>) target(%arg11 : memref<104x16xf32, #tpu.memory_space<vmem>>) offsets(%dma_start3A_15 : memref<104xi32, #tpu.memory_space<vmem>>) semaphore(%arg15 : memref<!tpu.dma_semaphore, #tpu.memory_space<semaphore_mem>>)
    %dma_start3A_19 = arith.constant 304 : i32
    %dma_start3A_20 = tpu.memref_slice %arg6[%dma_start3A_19] : memref<25600xi32, #tpu.memory_space<vmem>> -> memref<96xi32, #tpu.memory_space<vmem>>
    %dma_start3A_21 = arith.constant 0 : i32
    %dma_start3A_22 = arith.constant 0 : i32
    %dma_start3A_23 = tpu.memref_slice %arg3[%dma_start3A_21, %dma_start3A_22] : memref<1007616x16xf32, #tpu.memory_space<hbm>> -> memref<1007616x16xf32, #tpu.memory_space<hbm>>
    tpu.enqueue_indirect_dma source(%dma_start3A_23 : memref<1007616x16xf32, #tpu.memory_space<hbm>>) target(%arg12 : memref<96x16xf32, #tpu.memory_space<vmem>>) offsets(%dma_start3A_20 : memref<96xi32, #tpu.memory_space<vmem>>) semaphore(%arg16 : memref<!tpu.dma_semaphore, #tpu.memory_space<semaphore_mem>>)
    %broadcast_in_dim3A = arith.constant 0.000000e+00 : f32
    %broadcast_in_dim3A_24 = vector.broadcast %broadcast_in_dim3A : f32 to vector<16xf32>
    %scan3A = arith.constant 0 : i32
    %scan3A_25 = arith.constant 0 : i32
    %scan3A_26 = arith.constant 64 : i32
    %scan3A_27 = arith.addi %scan3A_25, %scan3A_26 : i32
    %scan3A_28 = arith.constant 1 : i32
    %scan3A_29 = scf.for %scan3A_56 = %scan3A_25 to %scan3A_27 step %scan3A_28 iter_args(%scan3A_57 = %scan3A) -> (i32)  : i32 {
      %mul3A_58 = arith.constant 2 : i32
      %mul3A_59 = arith.muli %mul3A_58, %scan3A_56 : i32
      %add3A_60 = arith.constant 1 : i32
      %add3A_61 = arith.addi %mul3A_59, %add3A_60 : i32
      %add3A_62 = arith.constant 2 : i32
      %add3A_63 = arith.addi %mul3A_59, %add3A_62 : i32
      %and3A = arith.constant 127 : i32
      %and3A_64 = arith.andi %add3A_63, %and3A : i32
      %add3A_65 = arith.constant 2 : i32
      %add3A_66 = arith.addi %add3A_61, %add3A_65 : i32
      %and3A_67 = arith.constant 127 : i32
      %and3A_68 = arith.andi %add3A_66, %and3A_67 : i32
      %dma_wait3A_69 = arith.constant 0 : i32
      %dma_wait3A_70 = arith.constant 0 : i32
      %dma_wait3A_71 = tpu.memref_slice %arg3[%dma_wait3A_69, %dma_wait3A_70] : memref<1007616x16xf32, #tpu.memory_space<hbm>> -> memref<104x16xf32, #tpu.memory_space<hbm>>
      %dma_wait3A_72 = arith.constant 0 : i32
      %dma_wait3A_73 = arith.constant 0 : i32
      %dma_wait3A_74 = tpu.memref_slice %arg3[%dma_wait3A_72, %dma_wait3A_73] : memref<1007616x16xf32, #tpu.memory_space<hbm>> -> memref<104x16xf32, #tpu.memory_space<hbm>>
      tpu.wait_dma2 semaphore(%arg13 : memref<!tpu.dma_semaphore, #tpu.memory_space<semaphore_mem>>) src(%dma_wait3A_74 : memref<104x16xf32, #tpu.memory_space<hbm>>) dst(%arg9 : memref<104x16xf32, #tpu.memory_space<vmem>>)
      %scan3A_75 = arith.constant 0 : i32
      %scan3A_76 = arith.constant 13 : i32
      %scan3A_77 = arith.addi %scan3A_75, %scan3A_76 : i32
      %scan3A_78 = arith.constant 1 : i32
      %scan3A_79 = scf.for %scan3A_161 = %scan3A_75 to %scan3A_77 step %scan3A_78 iter_args(%scan3A_162 = %broadcast_in_dim3A_24) -> (vector<16xf32>)  : i32 {
        %mul3A_163 = arith.constant 8 : i32
        %mul3A_164 = arith.muli %mul3A_163, %scan3A_161 : i32
        %add3A_165 = arith.constant 0 : i32
        %add3A_166 = arith.addi %mul3A_164, %add3A_165 : i32
        %get3A_167 = arith.index_cast %add3A_166 : i32 to index
        %get3A_168 = arith.constant 0 : index
        %get3A_169 = tpu.vector_load %arg9[%get3A_167, %get3A_168] {strides = array<i32>} : memref<104x16xf32, #tpu.memory_space<vmem>>, vector<1x16xf32>,
        %get3A_170 = vector.shape_cast %get3A_169 : vector<1x16xf32> to vector<16xf32>
        %add3A_171 = arith.addf %scan3A_162, %get3A_170 : vector<16xf32>
        %mul3A_172 = arith.constant 8 : i32
        %mul3A_173 = arith.muli %mul3A_172, %scan3A_161 : i32
        %add3A_174 = arith.constant 1 : i32
        %add3A_175 = arith.addi %mul3A_173, %add3A_174 : i32
        %get3A_176 = arith.index_cast %add3A_175 : i32 to index
        %get3A_177 = arith.constant 0 : index
        %get3A_178 = tpu.vector_load %arg9[%get3A_176, %get3A_177] {strides = array<i32>} : memref<104x16xf32, #tpu.memory_space<vmem>>, vector<1x16xf32>,
        %get3A_179 = vector.shape_cast %get3A_178 : vector<1x16xf32> to vector<16xf32>
        %add3A_180 = arith.addf %add3A_171, %get3A_179 : vector<16xf32>
        %mul3A_181 = arith.constant 8 : i32
        %mul3A_182 = arith.muli %mul3A_181, %scan3A_161 : i32
        %add3A_183 = arith.constant 2 : i32
        %add3A_184 = arith.addi %mul3A_182, %add3A_183 : i32
        %get3A_185 = arith.index_cast %add3A_184 : i32 to index
        %get3A_186 = arith.constant 0 : index
        %get3A_187 = tpu.vector_load %arg9[%get3A_185, %get3A_186] {strides = array<i32>} : memref<104x16xf32, #tpu.memory_space<vmem>>, vector<1x16xf32>,
        %get3A_188 = vector.shape_cast %get3A_187 : vector<1x16xf32> to vector<16xf32>
        %add3A_189 = arith.addf %add3A_180, %get3A_188 : vector<16xf32>
        %mul3A_190 = arith.constant 8 : i32
        %mul3A_191 = arith.muli %mul3A_190, %scan3A_161 : i32
        %add3A_192 = arith.constant 3 : i32
        %add3A_193 = arith.addi %mul3A_191, %add3A_192 : i32
        %get3A_194 = arith.index_cast %add3A_193 : i32 to index
        %get3A_195 = arith.constant 0 : index
        %get3A_196 = tpu.vector_load %arg9[%get3A_194, %get3A_195] {strides = array<i32>} : memref<104x16xf32, #tpu.memory_space<vmem>>, vector<1x16xf32>,
        %get3A_197 = vector.shape_cast %get3A_196 : vector<1x16xf32> to vector<16xf32>
        %add3A_198 = arith.addf %add3A_189, %get3A_197 : vector<16xf32>
        %mul3A_199 = arith.constant 8 : i32
        %mul3A_200 = arith.muli %mul3A_199, %scan3A_161 : i32
        %add3A_201 = arith.constant 4 : i32
        %add3A_202 = arith.addi %mul3A_200, %add3A_201 : i32
        %get3A_203 = arith.index_cast %add3A_202 : i32 to index
        %get3A_204 = arith.constant 0 : index
        %get3A_205 = tpu.vector_load %arg9[%get3A_203, %get3A_204] {strides = array<i32>} : memref<104x16xf32, #tpu.memory_space<vmem>>, vector<1x16xf32>,
        %get3A_206 = vector.shape_cast %get3A_205 : vector<1x16xf32> to vector<16xf32>
        %add3A_207 = arith.addf %add3A_198, %get3A_206 : vector<16xf32>
        %mul3A_208 = arith.constant 8 : i32
        %mul3A_209 = arith.muli %mul3A_208, %scan3A_161 : i32
        %add3A_210 = arith.constant 5 : i32
        %add3A_211 = arith.addi %mul3A_209, %add3A_210 : i32
        %get3A_212 = arith.index_cast %add3A_211 : i32 to index
        %get3A_213 = arith.constant 0 : index
        %get3A_214 = tpu.vector_load %arg9[%get3A_212, %get3A_213] {strides = array<i32>} : memref<104x16xf32, #tpu.memory_space<vmem>>, vector<1x16xf32>,
        %get3A_215 = vector.shape_cast %get3A_214 : vector<1x16xf32> to vector<16xf32>
        %add3A_216 = arith.addf %add3A_207, %get3A_215 : vector<16xf32>
        %mul3A_217 = arith.constant 8 : i32
        %mul3A_218 = arith.muli %mul3A_217, %scan3A_161 : i32
        %add3A_219 = arith.constant 6 : i32
        %add3A_220 = arith.addi %mul3A_218, %add3A_219 : i32
        %get3A_221 = arith.index_cast %add3A_220 : i32 to index
        %get3A_222 = arith.constant 0 : index
        %get3A_223 = tpu.vector_load %arg9[%get3A_221, %get3A_222] {strides = array<i32>} : memref<104x16xf32, #tpu.memory_space<vmem>>, vector<1x16xf32>,
        %get3A_224 = vector.shape_cast %get3A_223 : vector<1x16xf32> to vector<16xf32>
        %add3A_225 = arith.addf %add3A_216, %get3A_224 : vector<16xf32>
        %mul3A_226 = arith.constant 8 : i32
        %mul3A_227 = arith.muli %mul3A_226, %scan3A_161 : i32
        %add3A_228 = arith.constant 7 : i32
        %add3A_229 = arith.addi %mul3A_227, %add3A_228 : i32
        %get3A_230 = arith.index_cast %add3A_229 : i32 to index
        %get3A_231 = arith.constant 0 : index
        %get3A_232 = tpu.vector_load %arg9[%get3A_230, %get3A_231] {strides = array<i32>} : memref<104x16xf32, #tpu.memory_space<vmem>>, vector<1x16xf32>,
        %get3A_233 = vector.shape_cast %get3A_232 : vector<1x16xf32> to vector<16xf32>
        %add3A_234 = arith.addf %add3A_225, %get3A_233 : vector<16xf32>
        scf.yield %add3A_234 : vector<16xf32>
      }
      %scan3A_80 = arith.constant 13 : i32
      %mul3A_81 = arith.constant 200 : i32
      %mul3A_82 = arith.muli %and3A_64, %mul3A_81 : i32
      %add3A_83 = arith.constant 0 : i32
      %add3A_84 = arith.addi %mul3A_82, %add3A_83 : i32
      %dma_start3A_85 = tpu.memref_slice %arg6[%add3A_84] : memref<25600xi32, #tpu.memory_space<vmem>> -> memref<104xi32, #tpu.memory_space<vmem>>
      %dma_start3A_86 = arith.constant 0 : i32
      %dma_start3A_87 = arith.constant 0 : i32
      %dma_start3A_88 = tpu.memref_slice %arg3[%dma_start3A_86, %dma_start3A_87] : memref<1007616x16xf32, #tpu.memory_space<hbm>> -> memref<1007616x16xf32, #tpu.memory_space<hbm>>
      tpu.enqueue_indirect_dma source(%dma_start3A_88 : memref<1007616x16xf32, #tpu.memory_space<hbm>>) target(%arg9 : memref<104x16xf32, #tpu.memory_space<vmem>>) offsets(%dma_start3A_85 : memref<104xi32, #tpu.memory_space<vmem>>) semaphore(%arg13 : memref<!tpu.dma_semaphore, #tpu.memory_space<semaphore_mem>>)
      %dma_wait3A_89 = arith.constant 0 : i32
      %dma_wait3A_90 = arith.constant 0 : i32
      %dma_wait3A_91 = tpu.memref_slice %arg3[%dma_wait3A_89, %dma_wait3A_90] : memref<1007616x16xf32, #tpu.memory_space<hbm>> -> memref<96x16xf32, #tpu.memory_space<hbm>>
      %dma_wait3A_92 = arith.constant 0 : i32
      %dma_wait3A_93 = arith.constant 0 : i32
      %dma_wait3A_94 = tpu.memref_slice %arg3[%dma_wait3A_92, %dma_wait3A_93] : memref<1007616x16xf32, #tpu.memory_space<hbm>> -> memref<96x16xf32, #tpu.memory_space<hbm>>
      tpu.wait_dma2 semaphore(%arg14 : memref<!tpu.dma_semaphore, #tpu.memory_space<semaphore_mem>>) src(%dma_wait3A_94 : memref<96x16xf32, #tpu.memory_space<hbm>>) dst(%arg10 : memref<96x16xf32, #tpu.memory_space<vmem>>)
      %scan3A_95 = arith.constant 0 : i32
      %scan3A_96 = arith.constant 12 : i32
      %scan3A_97 = arith.addi %scan3A_95, %scan3A_96 : i32
      %scan3A_98 = arith.constant 1 : i32
      %scan3A_99 = scf.for %scan3A_161 = %scan3A_95 to %scan3A_97 step %scan3A_98 iter_args(%scan3A_162 = %scan3A_79) -> (vector<16xf32>)  : i32 {
        %mul3A_163 = arith.constant 8 : i32
        %mul3A_164 = arith.muli %mul3A_163, %scan3A_161 : i32
        %add3A_165 = arith.constant 0 : i32
        %add3A_166 = arith.addi %mul3A_164, %add3A_165 : i32
        %get3A_167 = arith.index_cast %add3A_166 : i32 to index
        %get3A_168 = arith.constant 0 : index
        %get3A_169 = tpu.vector_load %arg10[%get3A_167, %get3A_168] {strides = array<i32>} : memref<96x16xf32, #tpu.memory_space<vmem>>, vector<1x16xf32>,
        %get3A_170 = vector.shape_cast %get3A_169 : vector<1x16xf32> to vector<16xf32>
        %add3A_171 = arith.addf %scan3A_162, %get3A_170 : vector<16xf32>
        %mul3A_172 = arith.constant 8 : i32
        %mul3A_173 = arith.muli %mul3A_172, %scan3A_161 : i32
        %add3A_174 = arith.constant 1 : i32
        %add3A_175 = arith.addi %mul3A_173, %add3A_174 : i32
        %get3A_176 = arith.index_cast %add3A_175 : i32 to index
        %get3A_177 = arith.constant 0 : index
        %get3A_178 = tpu.vector_load %arg10[%get3A_176, %get3A_177] {strides = array<i32>} : memref<96x16xf32, #tpu.memory_space<vmem>>, vector<1x16xf32>,
        %get3A_179 = vector.shape_cast %get3A_178 : vector<1x16xf32> to vector<16xf32>
        %add3A_180 = arith.addf %add3A_171, %get3A_179 : vector<16xf32>
        %mul3A_181 = arith.constant 8 : i32
        %mul3A_182 = arith.muli %mul3A_181, %scan3A_161 : i32
        %add3A_183 = arith.constant 2 : i32
        %add3A_184 = arith.addi %mul3A_182, %add3A_183 : i32
        %get3A_185 = arith.index_cast %add3A_184 : i32 to index
        %get3A_186 = arith.constant 0 : index
        %get3A_187 = tpu.vector_load %arg10[%get3A_185, %get3A_186] {strides = array<i32>} : memref<96x16xf32, #tpu.memory_space<vmem>>, vector<1x16xf32>,
        %get3A_188 = vector.shape_cast %get3A_187 : vector<1x16xf32> to vector<16xf32>
        %add3A_189 = arith.addf %add3A_180, %get3A_188 : vector<16xf32>
        %mul3A_190 = arith.constant 8 : i32
        %mul3A_191 = arith.muli %mul3A_190, %scan3A_161 : i32
        %add3A_192 = arith.constant 3 : i32
        %add3A_193 = arith.addi %mul3A_191, %add3A_192 : i32
        %get3A_194 = arith.index_cast %add3A_193 : i32 to index
        %get3A_195 = arith.constant 0 : index
        %get3A_196 = tpu.vector_load %arg10[%get3A_194, %get3A_195] {strides = array<i32>} : memref<96x16xf32, #tpu.memory_space<vmem>>, vector<1x16xf32>,
        %get3A_197 = vector.shape_cast %get3A_196 : vector<1x16xf32> to vector<16xf32>
        %add3A_198 = arith.addf %add3A_189, %get3A_197 : vector<16xf32>
        %mul3A_199 = arith.constant 8 : i32
        %mul3A_200 = arith.muli %mul3A_199, %scan3A_161 : i32
        %add3A_201 = arith.constant 4 : i32
        %add3A_202 = arith.addi %mul3A_200, %add3A_201 : i32
        %get3A_203 = arith.index_cast %add3A_202 : i32 to index
        %get3A_204 = arith.constant 0 : index
        %get3A_205 = tpu.vector_load %arg10[%get3A_203, %get3A_204] {strides = array<i32>} : memref<96x16xf32, #tpu.memory_space<vmem>>, vector<1x16xf32>,
        %get3A_206 = vector.shape_cast %get3A_205 : vector<1x16xf32> to vector<16xf32>
        %add3A_207 = arith.addf %add3A_198, %get3A_206 : vector<16xf32>
        %mul3A_208 = arith.constant 8 : i32
        %mul3A_209 = arith.muli %mul3A_208, %scan3A_161 : i32
        %add3A_210 = arith.constant 5 : i32
        %add3A_211 = arith.addi %mul3A_209, %add3A_210 : i32
        %get3A_212 = arith.index_cast %add3A_211 : i32 to index
        %get3A_213 = arith.constant 0 : index
        %get3A_214 = tpu.vector_load %arg10[%get3A_212, %get3A_213] {strides = array<i32>} : memref<96x16xf32, #tpu.memory_space<vmem>>, vector<1x16xf32>,
        %get3A_215 = vector.shape_cast %get3A_214 : vector<1x16xf32> to vector<16xf32>
        %add3A_216 = arith.addf %add3A_207, %get3A_215 : vector<16xf32>
        %mul3A_217 = arith.constant 8 : i32
        %mul3A_218 = arith.muli %mul3A_217, %scan3A_161 : i32
        %add3A_219 = arith.constant 6 : i32
        %add3A_220 = arith.addi %mul3A_218, %add3A_219 : i32
        %get3A_221 = arith.index_cast %add3A_220 : i32 to index
        %get3A_222 = arith.constant 0 : index
        %get3A_223 = tpu.vector_load %arg10[%get3A_221, %get3A_222] {strides = array<i32>} : memref<96x16xf32, #tpu.memory_space<vmem>>, vector<1x16xf32>,
        %get3A_224 = vector.shape_cast %get3A_223 : vector<1x16xf32> to vector<16xf32>
        %add3A_225 = arith.addf %add3A_216, %get3A_224 : vector<16xf32>
        %mul3A_226 = arith.constant 8 : i32
        %mul3A_227 = arith.muli %mul3A_226, %scan3A_161 : i32
        %add3A_228 = arith.constant 7 : i32
        %add3A_229 = arith.addi %mul3A_227, %add3A_228 : i32
        %get3A_230 = arith.index_cast %add3A_229 : i32 to index
        %get3A_231 = arith.constant 0 : index
        %get3A_232 = tpu.vector_load %arg10[%get3A_230, %get3A_231] {strides = array<i32>} : memref<96x16xf32, #tpu.memory_space<vmem>>, vector<1x16xf32>,
        %get3A_233 = vector.shape_cast %get3A_232 : vector<1x16xf32> to vector<16xf32>
        %add3A_234 = arith.addf %add3A_225, %get3A_233 : vector<16xf32>
        scf.yield %add3A_234 : vector<16xf32>
      }
      %scan3A_100 = arith.constant 12 : i32
      %mul3A_101 = arith.constant 200 : i32
      %mul3A_102 = arith.muli %and3A_64, %mul3A_101 : i32
      %add3A_103 = arith.constant 104 : i32
      %add3A_104 = arith.addi %mul3A_102, %add3A_103 : i32
      %dma_start3A_105 = tpu.memref_slice %arg6[%add3A_104] : memref<25600xi32, #tpu.memory_space<vmem>> -> memref<96xi32, #tpu.memory_space<vmem>>
      %dma_start3A_106 = arith.constant 0 : i32
      %dma_start3A_107 = arith.constant 0 : i32
      %dma_start3A_108 = tpu.memref_slice %arg3[%dma_start3A_106, %dma_start3A_107] : memref<1007616x16xf32, #tpu.memory_space<hbm>> -> memref<1007616x16xf32, #tpu.memory_space<hbm>>
      tpu.enqueue_indirect_dma source(%dma_start3A_108 : memref<1007616x16xf32, #tpu.memory_space<hbm>>) target(%arg10 : memref<96x16xf32, #tpu.memory_space<vmem>>) offsets(%dma_start3A_105 : memref<96xi32, #tpu.memory_space<vmem>>) semaphore(%arg14 : memref<!tpu.dma_semaphore, #tpu.memory_space<semaphore_mem>>)
      %add3A_109 = arith.addf %scan3A_99, %get3A_4 : vector<16xf32>
      %swap3A = arith.index_cast %mul3A_59 : i32 to index
      %swap3A_110 = arith.constant 0 : index
      %swap3A_111 = tpu.vector_load %arg7[%swap3A, %swap3A_110] {strides = array<i32>} : memref<128x16xf32, #tpu.memory_space<vmem>>, vector<1x16xf32>,
      %swap3A_112 = vector.shape_cast %swap3A_111 : vector<1x16xf32> to vector<16xf32>
      %swap3A_113 = vector.shape_cast %add3A_109 : vector<16xf32> to vector<1x16xf32>
      tpu.vector_store %arg7[%swap3A, %swap3A_110], %swap3A_113 {strides = array<i32>} : memref<128x16xf32, #tpu.memory_space<vmem>>, vector<1x16xf32>,
      %dma_wait3A_114 = arith.constant 0 : i32
      %dma_wait3A_115 = arith.constant 0 : i32
      %dma_wait3A_116 = tpu.memref_slice %arg3[%dma_wait3A_114, %dma_wait3A_115] : memref<1007616x16xf32, #tpu.memory_space<hbm>> -> memref<104x16xf32, #tpu.memory_space<hbm>>
      %dma_wait3A_117 = arith.constant 0 : i32
      %dma_wait3A_118 = arith.constant 0 : i32
      %dma_wait3A_119 = tpu.memref_slice %arg3[%dma_wait3A_117, %dma_wait3A_118] : memref<1007616x16xf32, #tpu.memory_space<hbm>> -> memref<104x16xf32, #tpu.memory_space<hbm>>
      tpu.wait_dma2 semaphore(%arg15 : memref<!tpu.dma_semaphore, #tpu.memory_space<semaphore_mem>>) src(%dma_wait3A_119 : memref<104x16xf32, #tpu.memory_space<hbm>>) dst(%arg11 : memref<104x16xf32, #tpu.memory_space<vmem>>)
      %scan3A_120 = arith.constant 0 : i32
      %scan3A_121 = arith.constant 13 : i32
      %scan3A_122 = arith.addi %scan3A_120, %scan3A_121 : i32
      %scan3A_123 = arith.constant 1 : i32
      %scan3A_124 = scf.for %scan3A_161 = %scan3A_120 to %scan3A_122 step %scan3A_123 iter_args(%scan3A_162 = %broadcast_in_dim3A_24) -> (vector<16xf32>)  : i32 {
        %mul3A_163 = arith.constant 8 : i32
        %mul3A_164 = arith.muli %mul3A_163, %scan3A_161 : i32
        %add3A_165 = arith.constant 0 : i32
        %add3A_166 = arith.addi %mul3A_164, %add3A_165 : i32
        %get3A_167 = arith.index_cast %add3A_166 : i32 to index
        %get3A_168 = arith.constant 0 : index
        %get3A_169 = tpu.vector_load %arg11[%get3A_167, %get3A_168] {strides = array<i32>} : memref<104x16xf32, #tpu.memory_space<vmem>>, vector<1x16xf32>,
        %get3A_170 = vector.shape_cast %get3A_169 : vector<1x16xf32> to vector<16xf32>
        %add3A_171 = arith.addf %scan3A_162, %get3A_170 : vector<16xf32>
        %mul3A_172 = arith.constant 8 : i32
        %mul3A_173 = arith.muli %mul3A_172, %scan3A_161 : i32
        %add3A_174 = arith.constant 1 : i32
        %add3A_175 = arith.addi %mul3A_173, %add3A_174 : i32
        %get3A_176 = arith.index_cast %add3A_175 : i32 to index
        %get3A_177 = arith.constant 0 : index
        %get3A_178 = tpu.vector_load %arg11[%get3A_176, %get3A_177] {strides = array<i32>} : memref<104x16xf32, #tpu.memory_space<vmem>>, vector<1x16xf32>,
        %get3A_179 = vector.shape_cast %get3A_178 : vector<1x16xf32> to vector<16xf32>
        %add3A_180 = arith.addf %add3A_171, %get3A_179 : vector<16xf32>
        %mul3A_181 = arith.constant 8 : i32
        %mul3A_182 = arith.muli %mul3A_181, %scan3A_161 : i32
        %add3A_183 = arith.constant 2 : i32
        %add3A_184 = arith.addi %mul3A_182, %add3A_183 : i32
        %get3A_185 = arith.index_cast %add3A_184 : i32 to index
        %get3A_186 = arith.constant 0 : index
        %get3A_187 = tpu.vector_load %arg11[%get3A_185, %get3A_186] {strides = array<i32>} : memref<104x16xf32, #tpu.memory_space<vmem>>, vector<1x16xf32>,
        %get3A_188 = vector.shape_cast %get3A_187 : vector<1x16xf32> to vector<16xf32>
        %add3A_189 = arith.addf %add3A_180, %get3A_188 : vector<16xf32>
        %mul3A_190 = arith.constant 8 : i32
        %mul3A_191 = arith.muli %mul3A_190, %scan3A_161 : i32
        %add3A_192 = arith.constant 3 : i32
        %add3A_193 = arith.addi %mul3A_191, %add3A_192 : i32
        %get3A_194 = arith.index_cast %add3A_193 : i32 to index
        %get3A_195 = arith.constant 0 : index
        %get3A_196 = tpu.vector_load %arg11[%get3A_194, %get3A_195] {strides = array<i32>} : memref<104x16xf32, #tpu.memory_space<vmem>>, vector<1x16xf32>,
        %get3A_197 = vector.shape_cast %get3A_196 : vector<1x16xf32> to vector<16xf32>
        %add3A_198 = arith.addf %add3A_189, %get3A_197 : vector<16xf32>
        %mul3A_199 = arith.constant 8 : i32
        %mul3A_200 = arith.muli %mul3A_199, %scan3A_161 : i32
        %add3A_201 = arith.constant 4 : i32
        %add3A_202 = arith.addi %mul3A_200, %add3A_201 : i32
        %get3A_203 = arith.index_cast %add3A_202 : i32 to index
        %get3A_204 = arith.constant 0 : index
        %get3A_205 = tpu.vector_load %arg11[%get3A_203, %get3A_204] {strides = array<i32>} : memref<104x16xf32, #tpu.memory_space<vmem>>, vector<1x16xf32>,
        %get3A_206 = vector.shape_cast %get3A_205 : vector<1x16xf32> to vector<16xf32>
        %add3A_207 = arith.addf %add3A_198, %get3A_206 : vector<16xf32>
        %mul3A_208 = arith.constant 8 : i32
        %mul3A_209 = arith.muli %mul3A_208, %scan3A_161 : i32
        %add3A_210 = arith.constant 5 : i32
        %add3A_211 = arith.addi %mul3A_209, %add3A_210 : i32
        %get3A_212 = arith.index_cast %add3A_211 : i32 to index
        %get3A_213 = arith.constant 0 : index
        %get3A_214 = tpu.vector_load %arg11[%get3A_212, %get3A_213] {strides = array<i32>} : memref<104x16xf32, #tpu.memory_space<vmem>>, vector<1x16xf32>,
        %get3A_215 = vector.shape_cast %get3A_214 : vector<1x16xf32> to vector<16xf32>
        %add3A_216 = arith.addf %add3A_207, %get3A_215 : vector<16xf32>
        %mul3A_217 = arith.constant 8 : i32
        %mul3A_218 = arith.muli %mul3A_217, %scan3A_161 : i32
        %add3A_219 = arith.constant 6 : i32
        %add3A_220 = arith.addi %mul3A_218, %add3A_219 : i32
        %get3A_221 = arith.index_cast %add3A_220 : i32 to index
        %get3A_222 = arith.constant 0 : index
        %get3A_223 = tpu.vector_load %arg11[%get3A_221, %get3A_222] {strides = array<i32>} : memref<104x16xf32, #tpu.memory_space<vmem>>, vector<1x16xf32>,
        %get3A_224 = vector.shape_cast %get3A_223 : vector<1x16xf32> to vector<16xf32>
        %add3A_225 = arith.addf %add3A_216, %get3A_224 : vector<16xf32>
        %mul3A_226 = arith.constant 8 : i32
        %mul3A_227 = arith.muli %mul3A_226, %scan3A_161 : i32
        %add3A_228 = arith.constant 7 : i32
        %add3A_229 = arith.addi %mul3A_227, %add3A_228 : i32
        %get3A_230 = arith.index_cast %add3A_229 : i32 to index
        %get3A_231 = arith.constant 0 : index
        %get3A_232 = tpu.vector_load %arg11[%get3A_230, %get3A_231] {strides = array<i32>} : memref<104x16xf32, #tpu.memory_space<vmem>>, vector<1x16xf32>,
        %get3A_233 = vector.shape_cast %get3A_232 : vector<1x16xf32> to vector<16xf32>
        %add3A_234 = arith.addf %add3A_225, %get3A_233 : vector<16xf32>
        scf.yield %add3A_234 : vector<16xf32>
      }
      %scan3A_125 = arith.constant 13 : i32
      %mul3A_126 = arith.constant 200 : i32
      %mul3A_127 = arith.muli %and3A_68, %mul3A_126 : i32
      %add3A_128 = arith.constant 0 : i32
      %add3A_129 = arith.addi %mul3A_127, %add3A_128 : i32
      %dma_start3A_130 = tpu.memref_slice %arg6[%add3A_129] : memref<25600xi32, #tpu.memory_space<vmem>> -> memref<104xi32, #tpu.memory_space<vmem>>
      %dma_start3A_131 = arith.constant 0 : i32
      %dma_start3A_132 = arith.constant 0 : i32
      %dma_start3A_133 = tpu.memref_slice %arg3[%dma_start3A_131, %dma_start3A_132] : memref<1007616x16xf32, #tpu.memory_space<hbm>> -> memref<1007616x16xf32, #tpu.memory_space<hbm>>
      tpu.enqueue_indirect_dma source(%dma_start3A_133 : memref<1007616x16xf32, #tpu.memory_space<hbm>>) target(%arg11 : memref<104x16xf32, #tpu.memory_space<vmem>>) offsets(%dma_start3A_130 : memref<104xi32, #tpu.memory_space<vmem>>) semaphore(%arg15 : memref<!tpu.dma_semaphore, #tpu.memory_space<semaphore_mem>>)
      %dma_wait3A_134 = arith.constant 0 : i32
      %dma_wait3A_135 = arith.constant 0 : i32
      %dma_wait3A_136 = tpu.memref_slice %arg3[%dma_wait3A_134, %dma_wait3A_135] : memref<1007616x16xf32, #tpu.memory_space<hbm>> -> memref<96x16xf32, #tpu.memory_space<hbm>>
      %dma_wait3A_137 = arith.constant 0 : i32
      %dma_wait3A_138 = arith.constant 0 : i32
      %dma_wait3A_139 = tpu.memref_slice %arg3[%dma_wait3A_137, %dma_wait3A_138] : memref<1007616x16xf32, #tpu.memory_space<hbm>> -> memref<96x16xf32, #tpu.memory_space<hbm>>
      tpu.wait_dma2 semaphore(%arg16 : memref<!tpu.dma_semaphore, #tpu.memory_space<semaphore_mem>>) src(%dma_wait3A_139 : memref<96x16xf32, #tpu.memory_space<hbm>>) dst(%arg12 : memref<96x16xf32, #tpu.memory_space<vmem>>)
      %scan3A_140 = arith.constant 0 : i32
      %scan3A_141 = arith.constant 12 : i32
      %scan3A_142 = arith.addi %scan3A_140, %scan3A_141 : i32
      %scan3A_143 = arith.constant 1 : i32
      %scan3A_144 = scf.for %scan3A_161 = %scan3A_140 to %scan3A_142 step %scan3A_143 iter_args(%scan3A_162 = %scan3A_124) -> (vector<16xf32>)  : i32 {
        %mul3A_163 = arith.constant 8 : i32
        %mul3A_164 = arith.muli %mul3A_163, %scan3A_161 : i32
        %add3A_165 = arith.constant 0 : i32
        %add3A_166 = arith.addi %mul3A_164, %add3A_165 : i32
        %get3A_167 = arith.index_cast %add3A_166 : i32 to index
        %get3A_168 = arith.constant 0 : index
        %get3A_169 = tpu.vector_load %arg12[%get3A_167, %get3A_168] {strides = array<i32>} : memref<96x16xf32, #tpu.memory_space<vmem>>, vector<1x16xf32>,
        %get3A_170 = vector.shape_cast %get3A_169 : vector<1x16xf32> to vector<16xf32>
        %add3A_171 = arith.addf %scan3A_162, %get3A_170 : vector<16xf32>
        %mul3A_172 = arith.constant 8 : i32
        %mul3A_173 = arith.muli %mul3A_172, %scan3A_161 : i32
        %add3A_174 = arith.constant 1 : i32
        %add3A_175 = arith.addi %mul3A_173, %add3A_174 : i32
        %get3A_176 = arith.index_cast %add3A_175 : i32 to index
        %get3A_177 = arith.constant 0 : index
        %get3A_178 = tpu.vector_load %arg12[%get3A_176, %get3A_177] {strides = array<i32>} : memref<96x16xf32, #tpu.memory_space<vmem>>, vector<1x16xf32>,
        %get3A_179 = vector.shape_cast %get3A_178 : vector<1x16xf32> to vector<16xf32>
        %add3A_180 = arith.addf %add3A_171, %get3A_179 : vector<16xf32>
        %mul3A_181 = arith.constant 8 : i32
        %mul3A_182 = arith.muli %mul3A_181, %scan3A_161 : i32
        %add3A_183 = arith.constant 2 : i32
        %add3A_184 = arith.addi %mul3A_182, %add3A_183 : i32
        %get3A_185 = arith.index_cast %add3A_184 : i32 to index
        %get3A_186 = arith.constant 0 : index
        %get3A_187 = tpu.vector_load %arg12[%get3A_185, %get3A_186] {strides = array<i32>} : memref<96x16xf32, #tpu.memory_space<vmem>>, vector<1x16xf32>,
        %get3A_188 = vector.shape_cast %get3A_187 : vector<1x16xf32> to vector<16xf32>
        %add3A_189 = arith.addf %add3A_180, %get3A_188 : vector<16xf32>
        %mul3A_190 = arith.constant 8 : i32
        %mul3A_191 = arith.muli %mul3A_190, %scan3A_161 : i32
        %add3A_192 = arith.constant 3 : i32
        %add3A_193 = arith.addi %mul3A_191, %add3A_192 : i32
        %get3A_194 = arith.index_cast %add3A_193 : i32 to index
        %get3A_195 = arith.constant 0 : index
        %get3A_196 = tpu.vector_load %arg12[%get3A_194, %get3A_195] {strides = array<i32>} : memref<96x16xf32, #tpu.memory_space<vmem>>, vector<1x16xf32>,
        %get3A_197 = vector.shape_cast %get3A_196 : vector<1x16xf32> to vector<16xf32>
        %add3A_198 = arith.addf %add3A_189, %get3A_197 : vector<16xf32>
        %mul3A_199 = arith.constant 8 : i32
        %mul3A_200 = arith.muli %mul3A_199, %scan3A_161 : i32
        %add3A_201 = arith.constant 4 : i32
        %add3A_202 = arith.addi %mul3A_200, %add3A_201 : i32
        %get3A_203 = arith.index_cast %add3A_202 : i32 to index
        %get3A_204 = arith.constant 0 : index
        %get3A_205 = tpu.vector_load %arg12[%get3A_203, %get3A_204] {strides = array<i32>} : memref<96x16xf32, #tpu.memory_space<vmem>>, vector<1x16xf32>,
        %get3A_206 = vector.shape_cast %get3A_205 : vector<1x16xf32> to vector<16xf32>
        %add3A_207 = arith.addf %add3A_198, %get3A_206 : vector<16xf32>
        %mul3A_208 = arith.constant 8 : i32
        %mul3A_209 = arith.muli %mul3A_208, %scan3A_161 : i32
        %add3A_210 = arith.constant 5 : i32
        %add3A_211 = arith.addi %mul3A_209, %add3A_210 : i32
        %get3A_212 = arith.index_cast %add3A_211 : i32 to index
        %get3A_213 = arith.constant 0 : index
        %get3A_214 = tpu.vector_load %arg12[%get3A_212, %get3A_213] {strides = array<i32>} : memref<96x16xf32, #tpu.memory_space<vmem>>, vector<1x16xf32>,
        %get3A_215 = vector.shape_cast %get3A_214 : vector<1x16xf32> to vector<16xf32>
        %add3A_216 = arith.addf %add3A_207, %get3A_215 : vector<16xf32>
        %mul3A_217 = arith.constant 8 : i32
        %mul3A_218 = arith.muli %mul3A_217, %scan3A_161 : i32
        %add3A_219 = arith.constant 6 : i32
        %add3A_220 = arith.addi %mul3A_218, %add3A_219 : i32
        %get3A_221 = arith.index_cast %add3A_220 : i32 to index
        %get3A_222 = arith.constant 0 : index
        %get3A_223 = tpu.vector_load %arg12[%get3A_221, %get3A_222] {strides = array<i32>} : memref<96x16xf32, #tpu.memory_space<vmem>>, vector<1x16xf32>,
        %get3A_224 = vector.shape_cast %get3A_223 : vector<1x16xf32> to vector<16xf32>
        %add3A_225 = arith.addf %add3A_216, %get3A_224 : vector<16xf32>
        %mul3A_226 = arith.constant 8 : i32
        %mul3A_227 = arith.muli %mul3A_226, %scan3A_161 : i32
        %add3A_228 = arith.constant 7 : i32
        %add3A_229 = arith.addi %mul3A_227, %add3A_228 : i32
        %get3A_230 = arith.index_cast %add3A_229 : i32 to index
        %get3A_231 = arith.constant 0 : index
        %get3A_232 = tpu.vector_load %arg12[%get3A_230, %get3A_231] {strides = array<i32>} : memref<96x16xf32, #tpu.memory_space<vmem>>, vector<1x16xf32>,
        %get3A_233 = vector.shape_cast %get3A_232 : vector<1x16xf32> to vector<16xf32>
        %add3A_234 = arith.addf %add3A_225, %get3A_233 : vector<16xf32>
        scf.yield %add3A_234 : vector<16xf32>
      }
      %scan3A_145 = arith.constant 12 : i32
      %mul3A_146 = arith.constant 200 : i32
      %mul3A_147 = arith.muli %and3A_68, %mul3A_146 : i32
      %add3A_148 = arith.constant 104 : i32
      %add3A_149 = arith.addi %mul3A_147, %add3A_148 : i32
      %dma_start3A_150 = tpu.memref_slice %arg6[%add3A_149] : memref<25600xi32, #tpu.memory_space<vmem>> -> memref<96xi32, #tpu.memory_space<vmem>>
      %dma_start3A_151 = arith.constant 0 : i32
      %dma_start3A_152 = arith.constant 0 : i32
      %dma_start3A_153 = tpu.memref_slice %arg3[%dma_start3A_151, %dma_start3A_152] : memref<1007616x16xf32, #tpu.memory_space<hbm>> -> memref<1007616x16xf32, #tpu.memory_space<hbm>>
      tpu.enqueue_indirect_dma source(%dma_start3A_153 : memref<1007616x16xf32, #tpu.memory_space<hbm>>) target(%arg12 : memref<96x16xf32, #tpu.memory_space<vmem>>) offsets(%dma_start3A_150 : memref<96xi32, #tpu.memory_space<vmem>>) semaphore(%arg16 : memref<!tpu.dma_semaphore, #tpu.memory_space<semaphore_mem>>)
      %add3A_154 = arith.addf %scan3A_144, %get3A_4 : vector<16xf32>
      %swap3A_155 = arith.index_cast %add3A_61 : i32 to index
      %swap3A_156 = arith.constant 0 : index
      %swap3A_157 = tpu.vector_load %arg7[%swap3A_155, %swap3A_156] {strides = array<i32>} : memref<128x16xf32, #tpu.memory_space<vmem>>, vector<1x16xf32>,
      %swap3A_158 = vector.shape_cast %swap3A_157 : vector<1x16xf32> to vector<16xf32>
      %swap3A_159 = vector.shape_cast %add3A_154 : vector<16xf32> to vector<1x16xf32>
      tpu.vector_store %arg7[%swap3A_155, %swap3A_156], %swap3A_159 {strides = array<i32>} : memref<128x16xf32, #tpu.memory_space<vmem>>, vector<1x16xf32>,
      %scan3A_160 = arith.constant 0 : i32
      scf.yield %scan3A_160 : i32
    }
    %scan3A_30 = arith.constant 64 : i32
    %dma_wait3A = arith.constant 0 : i32
    %dma_wait3A_31 = arith.constant 0 : i32
    %dma_wait3A_32 = tpu.memref_slice %arg3[%dma_wait3A, %dma_wait3A_31] : memref<1007616x16xf32, #tpu.memory_space<hbm>> -> memref<104x16xf32, #tpu.memory_space<hbm>>
    %dma_wait3A_33 = arith.constant 0 : i32
    %dma_wait3A_34 = arith.constant 0 : i32
    %dma_wait3A_35 = tpu.memref_slice %arg3[%dma_wait3A_33, %dma_wait3A_34] : memref<1007616x16xf32, #tpu.memory_space<hbm>> -> memref<104x16xf32, #tpu.memory_space<hbm>>
    tpu.wait_dma2 semaphore(%arg13 : memref<!tpu.dma_semaphore, #tpu.memory_space<semaphore_mem>>) src(%dma_wait3A_35 : memref<104x16xf32, #tpu.memory_space<hbm>>) dst(%arg9 : memref<104x16xf32, #tpu.memory_space<vmem>>)
    %dma_wait3A_36 = arith.constant 0 : i32
    %dma_wait3A_37 = arith.constant 0 : i32
    %dma_wait3A_38 = tpu.memref_slice %arg3[%dma_wait3A_36, %dma_wait3A_37] : memref<1007616x16xf32, #tpu.memory_space<hbm>> -> memref<96x16xf32, #tpu.memory_space<hbm>>
    %dma_wait3A_39 = arith.constant 0 : i32
    %dma_wait3A_40 = arith.constant 0 : i32
    %dma_wait3A_41 = tpu.memref_slice %arg3[%dma_wait3A_39, %dma_wait3A_40] : memref<1007616x16xf32, #tpu.memory_space<hbm>> -> memref<96x16xf32, #tpu.memory_space<hbm>>
    tpu.wait_dma2 semaphore(%arg14 : memref<!tpu.dma_semaphore, #tpu.memory_space<semaphore_mem>>) src(%dma_wait3A_41 : memref<96x16xf32, #tpu.memory_space<hbm>>) dst(%arg10 : memref<96x16xf32, #tpu.memory_space<vmem>>)
    %dma_wait3A_42 = arith.constant 0 : i32
    %dma_wait3A_43 = arith.constant 0 : i32
    %dma_wait3A_44 = tpu.memref_slice %arg3[%dma_wait3A_42, %dma_wait3A_43] : memref<1007616x16xf32, #tpu.memory_space<hbm>> -> memref<104x16xf32, #tpu.memory_space<hbm>>
    %dma_wait3A_45 = arith.constant 0 : i32
    %dma_wait3A_46 = arith.constant 0 : i32
    %dma_wait3A_47 = tpu.memref_slice %arg3[%dma_wait3A_45, %dma_wait3A_46] : memref<1007616x16xf32, #tpu.memory_space<hbm>> -> memref<104x16xf32, #tpu.memory_space<hbm>>
    tpu.wait_dma2 semaphore(%arg15 : memref<!tpu.dma_semaphore, #tpu.memory_space<semaphore_mem>>) src(%dma_wait3A_47 : memref<104x16xf32, #tpu.memory_space<hbm>>) dst(%arg11 : memref<104x16xf32, #tpu.memory_space<vmem>>)
    %dma_wait3A_48 = arith.constant 0 : i32
    %dma_wait3A_49 = arith.constant 0 : i32
    %dma_wait3A_50 = tpu.memref_slice %arg3[%dma_wait3A_48, %dma_wait3A_49] : memref<1007616x16xf32, #tpu.memory_space<hbm>> -> memref<96x16xf32, #tpu.memory_space<hbm>>
    %dma_wait3A_51 = arith.constant 0 : i32
    %dma_wait3A_52 = arith.constant 0 : i32
    %dma_wait3A_53 = tpu.memref_slice %arg3[%dma_wait3A_51, %dma_wait3A_52] : memref<1007616x16xf32, #tpu.memory_space<hbm>> -> memref<96x16xf32, #tpu.memory_space<hbm>>
    tpu.wait_dma2 semaphore(%arg16 : memref<!tpu.dma_semaphore, #tpu.memory_space<semaphore_mem>>) src(%dma_wait3A_53 : memref<96x16xf32, #tpu.memory_space<hbm>>) dst(%arg12 : memref<96x16xf32, #tpu.memory_space<vmem>>)
    %mul3A_54 = arith.constant 128 : i32
    %mul3A_55 = arith.muli %add3A, %mul3A_54 : i32
    "tpu.region"() ({
      %run_scoped3A = tpu.sem_alloc : memref<!tpu.dma_semaphore, #tpu.memory_space<semaphore_mem>>
      %dma_start3A_56 = arith.constant 0 : i32
      %dma_start3A_57 = tpu.memref_slice %arg5[%mul3A_55, %dma_start3A_56] : memref<4096x16xf32, #tpu.memory_space<hbm>> -> memref<128x16xf32, #tpu.memory_space<hbm>>
      %dma_start3A_58 = arith.constant 0 : i32
      %dma_start3A_59 = tpu.memref_slice %arg5[%mul3A_55, %dma_start3A_58] : memref<4096x16xf32, #tpu.memory_space<hbm>> -> memref<128x16xf32, #tpu.memory_space<hbm>>
      tpu.enqueue_dma source(%arg7 : memref<128x16xf32, #tpu.memory_space<vmem>>) target(%dma_start3A_59 : memref<128x16xf32, #tpu.memory_space<hbm>>) target_semaphore(%run_scoped3A : memref<!tpu.dma_semaphore, #tpu.memory_space<semaphore_mem>>)
      %dma_wait3A_60 = arith.constant 0 : i32
      %dma_wait3A_61 = tpu.memref_slice %arg5[%mul3A_55, %dma_wait3A_60] : memref<4096x16xf32, #tpu.memory_space<hbm>> -> memref<128x16xf32, #tpu.memory_space<hbm>>
      %dma_wait3A_62 = arith.constant 0 : i32
      %dma_wait3A_63 = tpu.memref_slice %arg5[%mul3A_55, %dma_wait3A_62] : memref<4096x16xf32, #tpu.memory_space<hbm>> -> memref<128x16xf32, #tpu.memory_space<hbm>>
      tpu.wait_dma2 semaphore(%run_scoped3A : memref<!tpu.dma_semaphore, #tpu.memory_space<semaphore_mem>>) src(%arg7 : memref<128x16xf32, #tpu.memory_space<vmem>>) dst(%dma_wait3A_63 : memref<128x16xf32, #tpu.memory_space<hbm>>)
      tpu.yield
    }) : () -> ()
    return
  }
}

#map = affine_map<(d0, d1) -> (0, 0)>
#map1 = affine_map<(d0, d1) -> (0)>
module attributes {stable_mosaic.version = 14 : i64} {
  func.func @_interleave_kernel(%arg0: i32, %arg1: i32, %arg2: memref<8x1007616xf32, #tpu.memory_space<hbm>>, %arg3: memref<16121856xf32, #tpu.memory_space<hbm>>, %arg4: memref<8x768xf32, #tpu.memory_space<vmem>>, %arg5: memref<8x768xf32, #tpu.memory_space<vmem>>, %arg6: memref<12288xf32, #tpu.memory_space<vmem>>, %arg7: memref<12288xf32, #tpu.memory_space<vmem>>, %arg8: memref<!tpu.dma_semaphore, #tpu.memory_space<semaphore_mem>>, %arg9: memref<!tpu.dma_semaphore, #tpu.memory_space<semaphore_mem>>, %arg10: memref<!tpu.dma_semaphore, #tpu.memory_space<semaphore_mem>>, %arg11: memref<!tpu.dma_semaphore, #tpu.memory_space<semaphore_mem>>) attributes {dimension_semantics = [#tpu.dimension_semantics<core_parallel>, #tpu.dimension_semantics<subcore_parallel>], iteration_bounds = array<i64: 2, 16>, scalar_prefetch = 0 : i64, scratch_operands = 8 : i64, tpu.core_type = #tpu.core_type<sc_vector_subcore>, window_params = [{transform_indices = #map}, {transform_indices = #map1}]} {
    %mul3A = arith.constant 2 : i32
    %mul3A_0 = arith.muli %arg1, %mul3A : i32
    %add3A = arith.addi %mul3A_0, %arg0 : i32
    %mul3A_1 = arith.constant 246 : i32
    %mul3A_2 = arith.muli %add3A, %mul3A_1 : i32
    %mul3A_3 = arith.constant 128 : i32
    %mul3A_4 = arith.muli %mul3A_2, %mul3A_3 : i32
    %add3A_5 = arith.constant 0 : i32
    %add3A_6 = arith.addi %mul3A_4, %add3A_5 : i32
    %dma_start3A = arith.constant 0 : i32
    %dma_start3A_7 = tpu.memref_slice %arg2[%dma_start3A, %add3A_6] : memref<8x1007616xf32, #tpu.memory_space<hbm>> -> memref<8x768xf32, #tpu.memory_space<hbm>>
    %dma_start3A_8 = arith.constant 0 : i32
    %dma_start3A_9 = tpu.memref_slice %arg2[%dma_start3A_8, %add3A_6] : memref<8x1007616xf32, #tpu.memory_space<hbm>> -> memref<8x768xf32, #tpu.memory_space<hbm>>
    tpu.enqueue_dma source(%dma_start3A_9 : memref<8x768xf32, #tpu.memory_space<hbm>>) target(%arg4 : memref<8x768xf32, #tpu.memory_space<vmem>>) target_semaphore(%arg8 : memref<!tpu.dma_semaphore, #tpu.memory_space<semaphore_mem>>)
    %add3A_10 = arith.constant 768 : i32
    %add3A_11 = arith.addi %mul3A_4, %add3A_10 : i32
    %dma_start3A_12 = arith.constant 0 : i32
    %dma_start3A_13 = tpu.memref_slice %arg2[%dma_start3A_12, %add3A_11] : memref<8x1007616xf32, #tpu.memory_space<hbm>> -> memref<8x768xf32, #tpu.memory_space<hbm>>
    %dma_start3A_14 = arith.constant 0 : i32
    %dma_start3A_15 = tpu.memref_slice %arg2[%dma_start3A_14, %add3A_11] : memref<8x1007616xf32, #tpu.memory_space<hbm>> -> memref<8x768xf32, #tpu.memory_space<hbm>>
    tpu.enqueue_dma source(%dma_start3A_15 : memref<8x768xf32, #tpu.memory_space<hbm>>) target(%arg5 : memref<8x768xf32, #tpu.memory_space<vmem>>) target_semaphore(%arg9 : memref<!tpu.dma_semaphore, #tpu.memory_space<semaphore_mem>>)
    %broadcast_in_dim3A = arith.constant 0.000000e+00 : f32
    %broadcast_in_dim3A_16 = vector.broadcast %broadcast_in_dim3A : f32 to vector<16xf32>
    %scan3A = arith.constant 0 : i32
    %scan3A_17 = arith.constant 0 : i32
    %scan3A_18 = arith.constant 768 : i32
    %scan3A_19 = arith.addi %scan3A_17, %scan3A_18 : i32
    %scan3A_20 = arith.constant 1 : i32
    %scan3A_21 = scf.for %scan3A_314 = %scan3A_17 to %scan3A_19 step %scan3A_20 iter_args(%scan3A_315 = %scan3A) -> (i32)  : i32 {
      %mul3A_316 = arith.constant 16 : i32
      %mul3A_317 = arith.muli %scan3A_314, %mul3A_316 : i32
      %swap3A = arith.index_cast %mul3A_317 : i32 to index
      %swap3A_318 = tpu.vector_load %arg6[%swap3A] {strides = array<i32>} : memref<12288xf32, #tpu.memory_space<vmem>>, vector<16xf32>,
      tpu.vector_store %arg6[%swap3A], %broadcast_in_dim3A_16 {strides = array<i32>} : memref<12288xf32, #tpu.memory_space<vmem>>, vector<16xf32>,
      %mul3A_319 = arith.constant 16 : i32
      %mul3A_320 = arith.muli %scan3A_314, %mul3A_319 : i32
      %swap3A_321 = arith.index_cast %mul3A_320 : i32 to index
      %swap3A_322 = tpu.vector_load %arg7[%swap3A_321] {strides = array<i32>} : memref<12288xf32, #tpu.memory_space<vmem>>, vector<16xf32>,
      tpu.vector_store %arg7[%swap3A_321], %broadcast_in_dim3A_16 {strides = array<i32>} : memref<12288xf32, #tpu.memory_space<vmem>>, vector<16xf32>,
      %scan3A_323 = arith.constant 0 : i32
      scf.yield %scan3A_323 : i32
    }
    %scan3A_22 = arith.constant 768 : i32
    %iota3A = tpu.iota {dimensions = array<i32: 0>} : vector<16xi32>
    %mul3A_23 = arith.constant 16 : i32
    %mul3A_24 = vector.broadcast %mul3A_23 : i32 to vector<16xi32>
    %mul3A_25 = arith.muli %iota3A, %mul3A_24 : vector<16xi32>
    %dma_wait3A = arith.constant 0 : i32
    %dma_wait3A_26 = arith.constant 0 : i32
    %dma_wait3A_27 = tpu.memref_slice %arg2[%dma_wait3A, %dma_wait3A_26] : memref<8x1007616xf32, #tpu.memory_space<hbm>> -> memref<8x768xf32, #tpu.memory_space<hbm>>
    %dma_wait3A_28 = arith.constant 0 : i32
    %dma_wait3A_29 = arith.constant 0 : i32
    %dma_wait3A_30 = tpu.memref_slice %arg2[%dma_wait3A_28, %dma_wait3A_29] : memref<8x1007616xf32, #tpu.memory_space<hbm>> -> memref<8x768xf32, #tpu.memory_space<hbm>>
    tpu.wait_dma2 semaphore(%arg8 : memref<!tpu.dma_semaphore, #tpu.memory_space<semaphore_mem>>) src(%dma_wait3A_30 : memref<8x768xf32, #tpu.memory_space<hbm>>) dst(%arg4 : memref<8x768xf32, #tpu.memory_space<vmem>>)
    %add3A_31 = arith.constant 0 : i32
    %add3A_32 = vector.broadcast %add3A_31 : i32 to vector<16xi32>
    %add3A_33 = arith.addi %mul3A_25, %add3A_32 : vector<16xi32>
    %scan3A_34 = arith.constant 0 : i32
    %scan3A_35 = arith.constant 12 : i32
    %scan3A_36 = arith.addi %scan3A_34, %scan3A_35 : i32
    %scan3A_37 = arith.constant 1 : i32
    %scan3A_38 = scf.for %scan3A_314 = %scan3A_34 to %scan3A_36 step %scan3A_37 iter_args(%scan3A_315 = %add3A_33) -> (vector<16xi32>)  : i32 {
      %mul3A_316 = arith.constant 4 : i32
      %mul3A_317 = arith.muli %mul3A_316, %scan3A_314 : i32
      %add3A_318 = arith.constant 0 : i32
      %add3A_319 = arith.addi %mul3A_317, %add3A_318 : i32
      %mul3A_320 = arith.constant 16 : i32
      %mul3A_321 = arith.muli %add3A_319, %mul3A_320 : i32
      %get3A = arith.constant 0 : i32
      %get3A_322 = arith.index_cast %get3A : i32 to index
      %get3A_323 = arith.index_cast %mul3A_321 : i32 to index
      %get3A_324 = tpu.vector_load %arg4[%get3A_322, %get3A_323] {strides = array<i32>} : memref<8x768xf32, #tpu.memory_space<vmem>>, vector<16xf32>,
      %add3A_325 = arith.constant 0 : i32
      %add3A_326 = vector.broadcast %add3A_325 : i32 to vector<16xi32>
      %add3A_327 = arith.addi %scan3A_315, %add3A_326 : vector<16xi32>
      tpu.vector_store_idx %arg6[%add3A_327], %get3A_324 : memref<12288xf32, #tpu.memory_space<vmem>>[vector<16xi32>], vector<16xf32>,
      %mul3A_328 = arith.constant 4 : i32
      %mul3A_329 = arith.muli %mul3A_328, %scan3A_314 : i32
      %add3A_330 = arith.constant 1 : i32
      %add3A_331 = arith.addi %mul3A_329, %add3A_330 : i32
      %mul3A_332 = arith.constant 16 : i32
      %mul3A_333 = arith.muli %add3A_331, %mul3A_332 : i32
      %get3A_334 = arith.constant 0 : i32
      %get3A_335 = arith.index_cast %get3A_334 : i32 to index
      %get3A_336 = arith.index_cast %mul3A_333 : i32 to index
      %get3A_337 = tpu.vector_load %arg4[%get3A_335, %get3A_336] {strides = array<i32>} : memref<8x768xf32, #tpu.memory_space<vmem>>, vector<16xf32>,
      %add3A_338 = arith.constant 256 : i32
      %add3A_339 = vector.broadcast %add3A_338 : i32 to vector<16xi32>
      %add3A_340 = arith.addi %scan3A_315, %add3A_339 : vector<16xi32>
      tpu.vector_store_idx %arg6[%add3A_340], %get3A_337 : memref<12288xf32, #tpu.memory_space<vmem>>[vector<16xi32>], vector<16xf32>,
      %mul3A_341 = arith.constant 4 : i32
      %mul3A_342 = arith.muli %mul3A_341, %scan3A_314 : i32
      %add3A_343 = arith.constant 2 : i32
      %add3A_344 = arith.addi %mul3A_342, %add3A_343 : i32
      %mul3A_345 = arith.constant 16 : i32
      %mul3A_346 = arith.muli %add3A_344, %mul3A_345 : i32
      %get3A_347 = arith.constant 0 : i32
      %get3A_348 = arith.index_cast %get3A_347 : i32 to index
      %get3A_349 = arith.index_cast %mul3A_346 : i32 to index
      %get3A_350 = tpu.vector_load %arg4[%get3A_348, %get3A_349] {strides = array<i32>} : memref<8x768xf32, #tpu.memory_space<vmem>>, vector<16xf32>,
      %add3A_351 = arith.constant 512 : i32
      %add3A_352 = vector.broadcast %add3A_351 : i32 to vector<16xi32>
      %add3A_353 = arith.addi %scan3A_315, %add3A_352 : vector<16xi32>
      tpu.vector_store_idx %arg6[%add3A_353], %get3A_350 : memref<12288xf32, #tpu.memory_space<vmem>>[vector<16xi32>], vector<16xf32>,
      %mul3A_354 = arith.constant 4 : i32
      %mul3A_355 = arith.muli %mul3A_354, %scan3A_314 : i32
      %add3A_356 = arith.constant 3 : i32
      %add3A_357 = arith.addi %mul3A_355, %add3A_356 : i32
      %mul3A_358 = arith.constant 16 : i32
      %mul3A_359 = arith.muli %add3A_357, %mul3A_358 : i32
      %get3A_360 = arith.constant 0 : i32
      %get3A_361 = arith.index_cast %get3A_360 : i32 to index
      %get3A_362 = arith.index_cast %mul3A_359 : i32 to index
      %get3A_363 = tpu.vector_load %arg4[%get3A_361, %get3A_362] {strides = array<i32>} : memref<8x768xf32, #tpu.memory_space<vmem>>, vector<16xf32>,
      %add3A_364 = arith.constant 768 : i32
      %add3A_365 = vector.broadcast %add3A_364 : i32 to vector<16xi32>
      %add3A_366 = arith.addi %scan3A_315, %add3A_365 : vector<16xi32>
      tpu.vector_store_idx %arg6[%add3A_366], %get3A_363 : memref<12288xf32, #tpu.memory_space<vmem>>[vector<16xi32>], vector<16xf32>,
      %add3A_367 = arith.constant 1024 : i32
      %add3A_368 = vector.broadcast %add3A_367 : i32 to vector<16xi32>
      %add3A_369 = arith.addi %scan3A_315, %add3A_368 : vector<16xi32>
      scf.yield %add3A_369 : vector<16xi32>
    }
    %scan3A_39 = arith.constant 12 : i32
    %add3A_40 = arith.constant 1 : i32
    %add3A_41 = vector.broadcast %add3A_40 : i32 to vector<16xi32>
    %add3A_42 = arith.addi %mul3A_25, %add3A_41 : vector<16xi32>
    %scan3A_43 = arith.constant 0 : i32
    %scan3A_44 = arith.constant 12 : i32
    %scan3A_45 = arith.addi %scan3A_43, %scan3A_44 : i32
    %scan3A_46 = arith.constant 1 : i32
    %scan3A_47 = scf.for %scan3A_314 = %scan3A_43 to %scan3A_45 step %scan3A_46 iter_args(%scan3A_315 = %add3A_42) -> (vector<16xi32>)  : i32 {
      %mul3A_316 = arith.constant 4 : i32
      %mul3A_317 = arith.muli %mul3A_316, %scan3A_314 : i32
      %add3A_318 = arith.constant 0 : i32
      %add3A_319 = arith.addi %mul3A_317, %add3A_318 : i32
      %mul3A_320 = arith.constant 16 : i32
      %mul3A_321 = arith.muli %add3A_319, %mul3A_320 : i32
      %get3A = arith.constant 1 : i32
      %get3A_322 = arith.index_cast %get3A : i32 to index
      %get3A_323 = arith.index_cast %mul3A_321 : i32 to index
      %get3A_324 = tpu.vector_load %arg4[%get3A_322, %get3A_323] {strides = array<i32>} : memref<8x768xf32, #tpu.memory_space<vmem>>, vector<16xf32>,
      %add3A_325 = arith.constant 0 : i32
      %add3A_326 = vector.broadcast %add3A_325 : i32 to vector<16xi32>
      %add3A_327 = arith.addi %scan3A_315, %add3A_326 : vector<16xi32>
      tpu.vector_store_idx %arg6[%add3A_327], %get3A_324 : memref<12288xf32, #tpu.memory_space<vmem>>[vector<16xi32>], vector<16xf32>,
      %mul3A_328 = arith.constant 4 : i32
      %mul3A_329 = arith.muli %mul3A_328, %scan3A_314 : i32
      %add3A_330 = arith.constant 1 : i32
      %add3A_331 = arith.addi %mul3A_329, %add3A_330 : i32
      %mul3A_332 = arith.constant 16 : i32
      %mul3A_333 = arith.muli %add3A_331, %mul3A_332 : i32
      %get3A_334 = arith.constant 1 : i32
      %get3A_335 = arith.index_cast %get3A_334 : i32 to index
      %get3A_336 = arith.index_cast %mul3A_333 : i32 to index
      %get3A_337 = tpu.vector_load %arg4[%get3A_335, %get3A_336] {strides = array<i32>} : memref<8x768xf32, #tpu.memory_space<vmem>>, vector<16xf32>,
      %add3A_338 = arith.constant 256 : i32
      %add3A_339 = vector.broadcast %add3A_338 : i32 to vector<16xi32>
      %add3A_340 = arith.addi %scan3A_315, %add3A_339 : vector<16xi32>
      tpu.vector_store_idx %arg6[%add3A_340], %get3A_337 : memref<12288xf32, #tpu.memory_space<vmem>>[vector<16xi32>], vector<16xf32>,
      %mul3A_341 = arith.constant 4 : i32
      %mul3A_342 = arith.muli %mul3A_341, %scan3A_314 : i32
      %add3A_343 = arith.constant 2 : i32
      %add3A_344 = arith.addi %mul3A_342, %add3A_343 : i32
      %mul3A_345 = arith.constant 16 : i32
      %mul3A_346 = arith.muli %add3A_344, %mul3A_345 : i32
      %get3A_347 = arith.constant 1 : i32
      %get3A_348 = arith.index_cast %get3A_347 : i32 to index
      %get3A_349 = arith.index_cast %mul3A_346 : i32 to index
      %get3A_350 = tpu.vector_load %arg4[%get3A_348, %get3A_349] {strides = array<i32>} : memref<8x768xf32, #tpu.memory_space<vmem>>, vector<16xf32>,
      %add3A_351 = arith.constant 512 : i32
      %add3A_352 = vector.broadcast %add3A_351 : i32 to vector<16xi32>
      %add3A_353 = arith.addi %scan3A_315, %add3A_352 : vector<16xi32>
      tpu.vector_store_idx %arg6[%add3A_353], %get3A_350 : memref<12288xf32, #tpu.memory_space<vmem>>[vector<16xi32>], vector<16xf32>,
      %mul3A_354 = arith.constant 4 : i32
      %mul3A_355 = arith.muli %mul3A_354, %scan3A_314 : i32
      %add3A_356 = arith.constant 3 : i32
      %add3A_357 = arith.addi %mul3A_355, %add3A_356 : i32
      %mul3A_358 = arith.constant 16 : i32
      %mul3A_359 = arith.muli %add3A_357, %mul3A_358 : i32
      %get3A_360 = arith.constant 1 : i32
      %get3A_361 = arith.index_cast %get3A_360 : i32 to index
      %get3A_362 = arith.index_cast %mul3A_359 : i32 to index
      %get3A_363 = tpu.vector_load %arg4[%get3A_361, %get3A_362] {strides = array<i32>} : memref<8x768xf32, #tpu.memory_space<vmem>>, vector<16xf32>,
      %add3A_364 = arith.constant 768 : i32
      %add3A_365 = vector.broadcast %add3A_364 : i32 to vector<16xi32>
      %add3A_366 = arith.addi %scan3A_315, %add3A_365 : vector<16xi32>
      tpu.vector_store_idx %arg6[%add3A_366], %get3A_363 : memref<12288xf32, #tpu.memory_space<vmem>>[vector<16xi32>], vector<16xf32>,
      %add3A_367 = arith.constant 1024 : i32
      %add3A_368 = vector.broadcast %add3A_367 : i32 to vector<16xi32>
      %add3A_369 = arith.addi %scan3A_315, %add3A_368 : vector<16xi32>
      scf.yield %add3A_369 : vector<16xi32>
    }
    %scan3A_48 = arith.constant 12 : i32
    %add3A_49 = arith.constant 2 : i32
    %add3A_50 = vector.broadcast %add3A_49 : i32 to vector<16xi32>
    %add3A_51 = arith.addi %mul3A_25, %add3A_50 : vector<16xi32>
    %scan3A_52 = arith.constant 0 : i32
    %scan3A_53 = arith.constant 12 : i32
    %scan3A_54 = arith.addi %scan3A_52, %scan3A_53 : i32
    %scan3A_55 = arith.constant 1 : i32
    %scan3A_56 = scf.for %scan3A_314 = %scan3A_52 to %scan3A_54 step %scan3A_55 iter_args(%scan3A_315 = %add3A_51) -> (vector<16xi32>)  : i32 {
      %mul3A_316 = arith.constant 4 : i32
      %mul3A_317 = arith.muli %mul3A_316, %scan3A_314 : i32
      %add3A_318 = arith.constant 0 : i32
      %add3A_319 = arith.addi %mul3A_317, %add3A_318 : i32
      %mul3A_320 = arith.constant 16 : i32
      %mul3A_321 = arith.muli %add3A_319, %mul3A_320 : i32
      %get3A = arith.constant 2 : i32
      %get3A_322 = arith.index_cast %get3A : i32 to index
      %get3A_323 = arith.index_cast %mul3A_321 : i32 to index
      %get3A_324 = tpu.vector_load %arg4[%get3A_322, %get3A_323] {strides = array<i32>} : memref<8x768xf32, #tpu.memory_space<vmem>>, vector<16xf32>,
      %add3A_325 = arith.constant 0 : i32
      %add3A_326 = vector.broadcast %add3A_325 : i32 to vector<16xi32>
      %add3A_327 = arith.addi %scan3A_315, %add3A_326 : vector<16xi32>
      tpu.vector_store_idx %arg6[%add3A_327], %get3A_324 : memref<12288xf32, #tpu.memory_space<vmem>>[vector<16xi32>], vector<16xf32>,
      %mul3A_328 = arith.constant 4 : i32
      %mul3A_329 = arith.muli %mul3A_328, %scan3A_314 : i32
      %add3A_330 = arith.constant 1 : i32
      %add3A_331 = arith.addi %mul3A_329, %add3A_330 : i32
      %mul3A_332 = arith.constant 16 : i32
      %mul3A_333 = arith.muli %add3A_331, %mul3A_332 : i32
      %get3A_334 = arith.constant 2 : i32
      %get3A_335 = arith.index_cast %get3A_334 : i32 to index
      %get3A_336 = arith.index_cast %mul3A_333 : i32 to index
      %get3A_337 = tpu.vector_load %arg4[%get3A_335, %get3A_336] {strides = array<i32>} : memref<8x768xf32, #tpu.memory_space<vmem>>, vector<16xf32>,
      %add3A_338 = arith.constant 256 : i32
      %add3A_339 = vector.broadcast %add3A_338 : i32 to vector<16xi32>
      %add3A_340 = arith.addi %scan3A_315, %add3A_339 : vector<16xi32>
      tpu.vector_store_idx %arg6[%add3A_340], %get3A_337 : memref<12288xf32, #tpu.memory_space<vmem>>[vector<16xi32>], vector<16xf32>,
      %mul3A_341 = arith.constant 4 : i32
      %mul3A_342 = arith.muli %mul3A_341, %scan3A_314 : i32
      %add3A_343 = arith.constant 2 : i32
      %add3A_344 = arith.addi %mul3A_342, %add3A_343 : i32
      %mul3A_345 = arith.constant 16 : i32
      %mul3A_346 = arith.muli %add3A_344, %mul3A_345 : i32
      %get3A_347 = arith.constant 2 : i32
      %get3A_348 = arith.index_cast %get3A_347 : i32 to index
      %get3A_349 = arith.index_cast %mul3A_346 : i32 to index
      %get3A_350 = tpu.vector_load %arg4[%get3A_348, %get3A_349] {strides = array<i32>} : memref<8x768xf32, #tpu.memory_space<vmem>>, vector<16xf32>,
      %add3A_351 = arith.constant 512 : i32
      %add3A_352 = vector.broadcast %add3A_351 : i32 to vector<16xi32>
      %add3A_353 = arith.addi %scan3A_315, %add3A_352 : vector<16xi32>
      tpu.vector_store_idx %arg6[%add3A_353], %get3A_350 : memref<12288xf32, #tpu.memory_space<vmem>>[vector<16xi32>], vector<16xf32>,
      %mul3A_354 = arith.constant 4 : i32
      %mul3A_355 = arith.muli %mul3A_354, %scan3A_314 : i32
      %add3A_356 = arith.constant 3 : i32
      %add3A_357 = arith.addi %mul3A_355, %add3A_356 : i32
      %mul3A_358 = arith.constant 16 : i32
      %mul3A_359 = arith.muli %add3A_357, %mul3A_358 : i32
      %get3A_360 = arith.constant 2 : i32
      %get3A_361 = arith.index_cast %get3A_360 : i32 to index
      %get3A_362 = arith.index_cast %mul3A_359 : i32 to index
      %get3A_363 = tpu.vector_load %arg4[%get3A_361, %get3A_362] {strides = array<i32>} : memref<8x768xf32, #tpu.memory_space<vmem>>, vector<16xf32>,
      %add3A_364 = arith.constant 768 : i32
      %add3A_365 = vector.broadcast %add3A_364 : i32 to vector<16xi32>
      %add3A_366 = arith.addi %scan3A_315, %add3A_365 : vector<16xi32>
      tpu.vector_store_idx %arg6[%add3A_366], %get3A_363 : memref<12288xf32, #tpu.memory_space<vmem>>[vector<16xi32>], vector<16xf32>,
      %add3A_367 = arith.constant 1024 : i32
      %add3A_368 = vector.broadcast %add3A_367 : i32 to vector<16xi32>
      %add3A_369 = arith.addi %scan3A_315, %add3A_368 : vector<16xi32>
      scf.yield %add3A_369 : vector<16xi32>
    }
    %scan3A_57 = arith.constant 12 : i32
    %add3A_58 = arith.constant 3 : i32
    %add3A_59 = vector.broadcast %add3A_58 : i32 to vector<16xi32>
    %add3A_60 = arith.addi %mul3A_25, %add3A_59 : vector<16xi32>
    %scan3A_61 = arith.constant 0 : i32
    %scan3A_62 = arith.constant 12 : i32
    %scan3A_63 = arith.addi %scan3A_61, %scan3A_62 : i32
    %scan3A_64 = arith.constant 1 : i32
    %scan3A_65 = scf.for %scan3A_314 = %scan3A_61 to %scan3A_63 step %scan3A_64 iter_args(%scan3A_315 = %add3A_60) -> (vector<16xi32>)  : i32 {
      %mul3A_316 = arith.constant 4 : i32
      %mul3A_317 = arith.muli %mul3A_316, %scan3A_314 : i32
      %add3A_318 = arith.constant 0 : i32
      %add3A_319 = arith.addi %mul3A_317, %add3A_318 : i32
      %mul3A_320 = arith.constant 16 : i32
      %mul3A_321 = arith.muli %add3A_319, %mul3A_320 : i32
      %get3A = arith.constant 3 : i32
      %get3A_322 = arith.index_cast %get3A : i32 to index
      %get3A_323 = arith.index_cast %mul3A_321 : i32 to index
      %get3A_324 = tpu.vector_load %arg4[%get3A_322, %get3A_323] {strides = array<i32>} : memref<8x768xf32, #tpu.memory_space<vmem>>, vector<16xf32>,
      %add3A_325 = arith.constant 0 : i32
      %add3A_326 = vector.broadcast %add3A_325 : i32 to vector<16xi32>
      %add3A_327 = arith.addi %scan3A_315, %add3A_326 : vector<16xi32>
      tpu.vector_store_idx %arg6[%add3A_327], %get3A_324 : memref<12288xf32, #tpu.memory_space<vmem>>[vector<16xi32>], vector<16xf32>,
      %mul3A_328 = arith.constant 4 : i32
      %mul3A_329 = arith.muli %mul3A_328, %scan3A_314 : i32
      %add3A_330 = arith.constant 1 : i32
      %add3A_331 = arith.addi %mul3A_329, %add3A_330 : i32
      %mul3A_332 = arith.constant 16 : i32
      %mul3A_333 = arith.muli %add3A_331, %mul3A_332 : i32
      %get3A_334 = arith.constant 3 : i32
      %get3A_335 = arith.index_cast %get3A_334 : i32 to index
      %get3A_336 = arith.index_cast %mul3A_333 : i32 to index
      %get3A_337 = tpu.vector_load %arg4[%get3A_335, %get3A_336] {strides = array<i32>} : memref<8x768xf32, #tpu.memory_space<vmem>>, vector<16xf32>,
      %add3A_338 = arith.constant 256 : i32
      %add3A_339 = vector.broadcast %add3A_338 : i32 to vector<16xi32>
      %add3A_340 = arith.addi %scan3A_315, %add3A_339 : vector<16xi32>
      tpu.vector_store_idx %arg6[%add3A_340], %get3A_337 : memref<12288xf32, #tpu.memory_space<vmem>>[vector<16xi32>], vector<16xf32>,
      %mul3A_341 = arith.constant 4 : i32
      %mul3A_342 = arith.muli %mul3A_341, %scan3A_314 : i32
      %add3A_343 = arith.constant 2 : i32
      %add3A_344 = arith.addi %mul3A_342, %add3A_343 : i32
      %mul3A_345 = arith.constant 16 : i32
      %mul3A_346 = arith.muli %add3A_344, %mul3A_345 : i32
      %get3A_347 = arith.constant 3 : i32
      %get3A_348 = arith.index_cast %get3A_347 : i32 to index
      %get3A_349 = arith.index_cast %mul3A_346 : i32 to index
      %get3A_350 = tpu.vector_load %arg4[%get3A_348, %get3A_349] {strides = array<i32>} : memref<8x768xf32, #tpu.memory_space<vmem>>, vector<16xf32>,
      %add3A_351 = arith.constant 512 : i32
      %add3A_352 = vector.broadcast %add3A_351 : i32 to vector<16xi32>
      %add3A_353 = arith.addi %scan3A_315, %add3A_352 : vector<16xi32>
      tpu.vector_store_idx %arg6[%add3A_353], %get3A_350 : memref<12288xf32, #tpu.memory_space<vmem>>[vector<16xi32>], vector<16xf32>,
      %mul3A_354 = arith.constant 4 : i32
      %mul3A_355 = arith.muli %mul3A_354, %scan3A_314 : i32
      %add3A_356 = arith.constant 3 : i32
      %add3A_357 = arith.addi %mul3A_355, %add3A_356 : i32
      %mul3A_358 = arith.constant 16 : i32
      %mul3A_359 = arith.muli %add3A_357, %mul3A_358 : i32
      %get3A_360 = arith.constant 3 : i32
      %get3A_361 = arith.index_cast %get3A_360 : i32 to index
      %get3A_362 = arith.index_cast %mul3A_359 : i32 to index
      %get3A_363 = tpu.vector_load %arg4[%get3A_361, %get3A_362] {strides = array<i32>} : memref<8x768xf32, #tpu.memory_space<vmem>>, vector<16xf32>,
      %add3A_364 = arith.constant 768 : i32
      %add3A_365 = vector.broadcast %add3A_364 : i32 to vector<16xi32>
      %add3A_366 = arith.addi %scan3A_315, %add3A_365 : vector<16xi32>
      tpu.vector_store_idx %arg6[%add3A_366], %get3A_363 : memref<12288xf32, #tpu.memory_space<vmem>>[vector<16xi32>], vector<16xf32>,
      %add3A_367 = arith.constant 1024 : i32
      %add3A_368 = vector.broadcast %add3A_367 : i32 to vector<16xi32>
      %add3A_369 = arith.addi %scan3A_315, %add3A_368 : vector<16xi32>
      scf.yield %add3A_369 : vector<16xi32>
    }
    %scan3A_66 = arith.constant 12 : i32
    %add3A_67 = arith.constant 4 : i32
    %add3A_68 = vector.broadcast %add3A_67 : i32 to vector<16xi32>
    %add3A_69 = arith.addi %mul3A_25, %add3A_68 : vector<16xi32>
    %scan3A_70 = arith.constant 0 : i32
    %scan3A_71 = arith.constant 12 : i32
    %scan3A_72 = arith.addi %scan3A_70, %scan3A_71 : i32
    %scan3A_73 = arith.constant 1 : i32
    %scan3A_74 = scf.for %scan3A_314 = %scan3A_70 to %scan3A_72 step %scan3A_73 iter_args(%scan3A_315 = %add3A_69) -> (vector<16xi32>)  : i32 {
      %mul3A_316 = arith.constant 4 : i32
      %mul3A_317 = arith.muli %mul3A_316, %scan3A_314 : i32
      %add3A_318 = arith.constant 0 : i32
      %add3A_319 = arith.addi %mul3A_317, %add3A_318 : i32
      %mul3A_320 = arith.constant 16 : i32
      %mul3A_321 = arith.muli %add3A_319, %mul3A_320 : i32
      %get3A = arith.constant 4 : i32
      %get3A_322 = arith.index_cast %get3A : i32 to index
      %get3A_323 = arith.index_cast %mul3A_321 : i32 to index
      %get3A_324 = tpu.vector_load %arg4[%get3A_322, %get3A_323] {strides = array<i32>} : memref<8x768xf32, #tpu.memory_space<vmem>>, vector<16xf32>,
      %add3A_325 = arith.constant 0 : i32
      %add3A_326 = vector.broadcast %add3A_325 : i32 to vector<16xi32>
      %add3A_327 = arith.addi %scan3A_315, %add3A_326 : vector<16xi32>
      tpu.vector_store_idx %arg6[%add3A_327], %get3A_324 : memref<12288xf32, #tpu.memory_space<vmem>>[vector<16xi32>], vector<16xf32>,
      %mul3A_328 = arith.constant 4 : i32
      %mul3A_329 = arith.muli %mul3A_328, %scan3A_314 : i32
      %add3A_330 = arith.constant 1 : i32
      %add3A_331 = arith.addi %mul3A_329, %add3A_330 : i32
      %mul3A_332 = arith.constant 16 : i32
      %mul3A_333 = arith.muli %add3A_331, %mul3A_332 : i32
      %get3A_334 = arith.constant 4 : i32
      %get3A_335 = arith.index_cast %get3A_334 : i32 to index
      %get3A_336 = arith.index_cast %mul3A_333 : i32 to index
      %get3A_337 = tpu.vector_load %arg4[%get3A_335, %get3A_336] {strides = array<i32>} : memref<8x768xf32, #tpu.memory_space<vmem>>, vector<16xf32>,
      %add3A_338 = arith.constant 256 : i32
      %add3A_339 = vector.broadcast %add3A_338 : i32 to vector<16xi32>
      %add3A_340 = arith.addi %scan3A_315, %add3A_339 : vector<16xi32>
      tpu.vector_store_idx %arg6[%add3A_340], %get3A_337 : memref<12288xf32, #tpu.memory_space<vmem>>[vector<16xi32>], vector<16xf32>,
      %mul3A_341 = arith.constant 4 : i32
      %mul3A_342 = arith.muli %mul3A_341, %scan3A_314 : i32
      %add3A_343 = arith.constant 2 : i32
      %add3A_344 = arith.addi %mul3A_342, %add3A_343 : i32
      %mul3A_345 = arith.constant 16 : i32
      %mul3A_346 = arith.muli %add3A_344, %mul3A_345 : i32
      %get3A_347 = arith.constant 4 : i32
      %get3A_348 = arith.index_cast %get3A_347 : i32 to index
      %get3A_349 = arith.index_cast %mul3A_346 : i32 to index
      %get3A_350 = tpu.vector_load %arg4[%get3A_348, %get3A_349] {strides = array<i32>} : memref<8x768xf32, #tpu.memory_space<vmem>>, vector<16xf32>,
      %add3A_351 = arith.constant 512 : i32
      %add3A_352 = vector.broadcast %add3A_351 : i32 to vector<16xi32>
      %add3A_353 = arith.addi %scan3A_315, %add3A_352 : vector<16xi32>
      tpu.vector_store_idx %arg6[%add3A_353], %get3A_350 : memref<12288xf32, #tpu.memory_space<vmem>>[vector<16xi32>], vector<16xf32>,
      %mul3A_354 = arith.constant 4 : i32
      %mul3A_355 = arith.muli %mul3A_354, %scan3A_314 : i32
      %add3A_356 = arith.constant 3 : i32
      %add3A_357 = arith.addi %mul3A_355, %add3A_356 : i32
      %mul3A_358 = arith.constant 16 : i32
      %mul3A_359 = arith.muli %add3A_357, %mul3A_358 : i32
      %get3A_360 = arith.constant 4 : i32
      %get3A_361 = arith.index_cast %get3A_360 : i32 to index
      %get3A_362 = arith.index_cast %mul3A_359 : i32 to index
      %get3A_363 = tpu.vector_load %arg4[%get3A_361, %get3A_362] {strides = array<i32>} : memref<8x768xf32, #tpu.memory_space<vmem>>, vector<16xf32>,
      %add3A_364 = arith.constant 768 : i32
      %add3A_365 = vector.broadcast %add3A_364 : i32 to vector<16xi32>
      %add3A_366 = arith.addi %scan3A_315, %add3A_365 : vector<16xi32>
      tpu.vector_store_idx %arg6[%add3A_366], %get3A_363 : memref<12288xf32, #tpu.memory_space<vmem>>[vector<16xi32>], vector<16xf32>,
      %add3A_367 = arith.constant 1024 : i32
      %add3A_368 = vector.broadcast %add3A_367 : i32 to vector<16xi32>
      %add3A_369 = arith.addi %scan3A_315, %add3A_368 : vector<16xi32>
      scf.yield %add3A_369 : vector<16xi32>
    }
    %scan3A_75 = arith.constant 12 : i32
    %add3A_76 = arith.constant 5 : i32
    %add3A_77 = vector.broadcast %add3A_76 : i32 to vector<16xi32>
    %add3A_78 = arith.addi %mul3A_25, %add3A_77 : vector<16xi32>
    %scan3A_79 = arith.constant 0 : i32
    %scan3A_80 = arith.constant 12 : i32
    %scan3A_81 = arith.addi %scan3A_79, %scan3A_80 : i32
    %scan3A_82 = arith.constant 1 : i32
    %scan3A_83 = scf.for %scan3A_314 = %scan3A_79 to %scan3A_81 step %scan3A_82 iter_args(%scan3A_315 = %add3A_78) -> (vector<16xi32>)  : i32 {
      %mul3A_316 = arith.constant 4 : i32
      %mul3A_317 = arith.muli %mul3A_316, %scan3A_314 : i32
      %add3A_318 = arith.constant 0 : i32
      %add3A_319 = arith.addi %mul3A_317, %add3A_318 : i32
      %mul3A_320 = arith.constant 16 : i32
      %mul3A_321 = arith.muli %add3A_319, %mul3A_320 : i32
      %get3A = arith.constant 5 : i32
      %get3A_322 = arith.index_cast %get3A : i32 to index
      %get3A_323 = arith.index_cast %mul3A_321 : i32 to index
      %get3A_324 = tpu.vector_load %arg4[%get3A_322, %get3A_323] {strides = array<i32>} : memref<8x768xf32, #tpu.memory_space<vmem>>, vector<16xf32>,
      %add3A_325 = arith.constant 0 : i32
      %add3A_326 = vector.broadcast %add3A_325 : i32 to vector<16xi32>
      %add3A_327 = arith.addi %scan3A_315, %add3A_326 : vector<16xi32>
      tpu.vector_store_idx %arg6[%add3A_327], %get3A_324 : memref<12288xf32, #tpu.memory_space<vmem>>[vector<16xi32>], vector<16xf32>,
      %mul3A_328 = arith.constant 4 : i32
      %mul3A_329 = arith.muli %mul3A_328, %scan3A_314 : i32
      %add3A_330 = arith.constant 1 : i32
      %add3A_331 = arith.addi %mul3A_329, %add3A_330 : i32
      %mul3A_332 = arith.constant 16 : i32
      %mul3A_333 = arith.muli %add3A_331, %mul3A_332 : i32
      %get3A_334 = arith.constant 5 : i32
      %get3A_335 = arith.index_cast %get3A_334 : i32 to index
      %get3A_336 = arith.index_cast %mul3A_333 : i32 to index
      %get3A_337 = tpu.vector_load %arg4[%get3A_335, %get3A_336] {strides = array<i32>} : memref<8x768xf32, #tpu.memory_space<vmem>>, vector<16xf32>,
      %add3A_338 = arith.constant 256 : i32
      %add3A_339 = vector.broadcast %add3A_338 : i32 to vector<16xi32>
      %add3A_340 = arith.addi %scan3A_315, %add3A_339 : vector<16xi32>
      tpu.vector_store_idx %arg6[%add3A_340], %get3A_337 : memref<12288xf32, #tpu.memory_space<vmem>>[vector<16xi32>], vector<16xf32>,
      %mul3A_341 = arith.constant 4 : i32
      %mul3A_342 = arith.muli %mul3A_341, %scan3A_314 : i32
      %add3A_343 = arith.constant 2 : i32
      %add3A_344 = arith.addi %mul3A_342, %add3A_343 : i32
      %mul3A_345 = arith.constant 16 : i32
      %mul3A_346 = arith.muli %add3A_344, %mul3A_345 : i32
      %get3A_347 = arith.constant 5 : i32
      %get3A_348 = arith.index_cast %get3A_347 : i32 to index
      %get3A_349 = arith.index_cast %mul3A_346 : i32 to index
      %get3A_350 = tpu.vector_load %arg4[%get3A_348, %get3A_349] {strides = array<i32>} : memref<8x768xf32, #tpu.memory_space<vmem>>, vector<16xf32>,
      %add3A_351 = arith.constant 512 : i32
      %add3A_352 = vector.broadcast %add3A_351 : i32 to vector<16xi32>
      %add3A_353 = arith.addi %scan3A_315, %add3A_352 : vector<16xi32>
      tpu.vector_store_idx %arg6[%add3A_353], %get3A_350 : memref<12288xf32, #tpu.memory_space<vmem>>[vector<16xi32>], vector<16xf32>,
      %mul3A_354 = arith.constant 4 : i32
      %mul3A_355 = arith.muli %mul3A_354, %scan3A_314 : i32
      %add3A_356 = arith.constant 3 : i32
      %add3A_357 = arith.addi %mul3A_355, %add3A_356 : i32
      %mul3A_358 = arith.constant 16 : i32
      %mul3A_359 = arith.muli %add3A_357, %mul3A_358 : i32
      %get3A_360 = arith.constant 5 : i32
      %get3A_361 = arith.index_cast %get3A_360 : i32 to index
      %get3A_362 = arith.index_cast %mul3A_359 : i32 to index
      %get3A_363 = tpu.vector_load %arg4[%get3A_361, %get3A_362] {strides = array<i32>} : memref<8x768xf32, #tpu.memory_space<vmem>>, vector<16xf32>,
      %add3A_364 = arith.constant 768 : i32
      %add3A_365 = vector.broadcast %add3A_364 : i32 to vector<16xi32>
      %add3A_366 = arith.addi %scan3A_315, %add3A_365 : vector<16xi32>
      tpu.vector_store_idx %arg6[%add3A_366], %get3A_363 : memref<12288xf32, #tpu.memory_space<vmem>>[vector<16xi32>], vector<16xf32>,
      %add3A_367 = arith.constant 1024 : i32
      %add3A_368 = vector.broadcast %add3A_367 : i32 to vector<16xi32>
      %add3A_369 = arith.addi %scan3A_315, %add3A_368 : vector<16xi32>
      scf.yield %add3A_369 : vector<16xi32>
    }
    %scan3A_84 = arith.constant 12 : i32
    %add3A_85 = arith.constant 6 : i32
    %add3A_86 = vector.broadcast %add3A_85 : i32 to vector<16xi32>
    %add3A_87 = arith.addi %mul3A_25, %add3A_86 : vector<16xi32>
    %scan3A_88 = arith.constant 0 : i32
    %scan3A_89 = arith.constant 12 : i32
    %scan3A_90 = arith.addi %scan3A_88, %scan3A_89 : i32
    %scan3A_91 = arith.constant 1 : i32
    %scan3A_92 = scf.for %scan3A_314 = %scan3A_88 to %scan3A_90 step %scan3A_91 iter_args(%scan3A_315 = %add3A_87) -> (vector<16xi32>)  : i32 {
      %mul3A_316 = arith.constant 4 : i32
      %mul3A_317 = arith.muli %mul3A_316, %scan3A_314 : i32
      %add3A_318 = arith.constant 0 : i32
      %add3A_319 = arith.addi %mul3A_317, %add3A_318 : i32
      %mul3A_320 = arith.constant 16 : i32
      %mul3A_321 = arith.muli %add3A_319, %mul3A_320 : i32
      %get3A = arith.constant 6 : i32
      %get3A_322 = arith.index_cast %get3A : i32 to index
      %get3A_323 = arith.index_cast %mul3A_321 : i32 to index
      %get3A_324 = tpu.vector_load %arg4[%get3A_322, %get3A_323] {strides = array<i32>} : memref<8x768xf32, #tpu.memory_space<vmem>>, vector<16xf32>,
      %add3A_325 = arith.constant 0 : i32
      %add3A_326 = vector.broadcast %add3A_325 : i32 to vector<16xi32>
      %add3A_327 = arith.addi %scan3A_315, %add3A_326 : vector<16xi32>
      tpu.vector_store_idx %arg6[%add3A_327], %get3A_324 : memref<12288xf32, #tpu.memory_space<vmem>>[vector<16xi32>], vector<16xf32>,
      %mul3A_328 = arith.constant 4 : i32
      %mul3A_329 = arith.muli %mul3A_328, %scan3A_314 : i32
      %add3A_330 = arith.constant 1 : i32
      %add3A_331 = arith.addi %mul3A_329, %add3A_330 : i32
      %mul3A_332 = arith.constant 16 : i32
      %mul3A_333 = arith.muli %add3A_331, %mul3A_332 : i32
      %get3A_334 = arith.constant 6 : i32
      %get3A_335 = arith.index_cast %get3A_334 : i32 to index
      %get3A_336 = arith.index_cast %mul3A_333 : i32 to index
      %get3A_337 = tpu.vector_load %arg4[%get3A_335, %get3A_336] {strides = array<i32>} : memref<8x768xf32, #tpu.memory_space<vmem>>, vector<16xf32>,
      %add3A_338 = arith.constant 256 : i32
      %add3A_339 = vector.broadcast %add3A_338 : i32 to vector<16xi32>
      %add3A_340 = arith.addi %scan3A_315, %add3A_339 : vector<16xi32>
      tpu.vector_store_idx %arg6[%add3A_340], %get3A_337 : memref<12288xf32, #tpu.memory_space<vmem>>[vector<16xi32>], vector<16xf32>,
      %mul3A_341 = arith.constant 4 : i32
      %mul3A_342 = arith.muli %mul3A_341, %scan3A_314 : i32
      %add3A_343 = arith.constant 2 : i32
      %add3A_344 = arith.addi %mul3A_342, %add3A_343 : i32
      %mul3A_345 = arith.constant 16 : i32
      %mul3A_346 = arith.muli %add3A_344, %mul3A_345 : i32
      %get3A_347 = arith.constant 6 : i32
      %get3A_348 = arith.index_cast %get3A_347 : i32 to index
      %get3A_349 = arith.index_cast %mul3A_346 : i32 to index
      %get3A_350 = tpu.vector_load %arg4[%get3A_348, %get3A_349] {strides = array<i32>} : memref<8x768xf32, #tpu.memory_space<vmem>>, vector<16xf32>,
      %add3A_351 = arith.constant 512 : i32
      %add3A_352 = vector.broadcast %add3A_351 : i32 to vector<16xi32>
      %add3A_353 = arith.addi %scan3A_315, %add3A_352 : vector<16xi32>
      tpu.vector_store_idx %arg6[%add3A_353], %get3A_350 : memref<12288xf32, #tpu.memory_space<vmem>>[vector<16xi32>], vector<16xf32>,
      %mul3A_354 = arith.constant 4 : i32
      %mul3A_355 = arith.muli %mul3A_354, %scan3A_314 : i32
      %add3A_356 = arith.constant 3 : i32
      %add3A_357 = arith.addi %mul3A_355, %add3A_356 : i32
      %mul3A_358 = arith.constant 16 : i32
      %mul3A_359 = arith.muli %add3A_357, %mul3A_358 : i32
      %get3A_360 = arith.constant 6 : i32
      %get3A_361 = arith.index_cast %get3A_360 : i32 to index
      %get3A_362 = arith.index_cast %mul3A_359 : i32 to index
      %get3A_363 = tpu.vector_load %arg4[%get3A_361, %get3A_362] {strides = array<i32>} : memref<8x768xf32, #tpu.memory_space<vmem>>, vector<16xf32>,
      %add3A_364 = arith.constant 768 : i32
      %add3A_365 = vector.broadcast %add3A_364 : i32 to vector<16xi32>
      %add3A_366 = arith.addi %scan3A_315, %add3A_365 : vector<16xi32>
      tpu.vector_store_idx %arg6[%add3A_366], %get3A_363 : memref<12288xf32, #tpu.memory_space<vmem>>[vector<16xi32>], vector<16xf32>,
      %add3A_367 = arith.constant 1024 : i32
      %add3A_368 = vector.broadcast %add3A_367 : i32 to vector<16xi32>
      %add3A_369 = arith.addi %scan3A_315, %add3A_368 : vector<16xi32>
      scf.yield %add3A_369 : vector<16xi32>
    }
    %scan3A_93 = arith.constant 12 : i32
    %add3A_94 = arith.constant 7 : i32
    %add3A_95 = vector.broadcast %add3A_94 : i32 to vector<16xi32>
    %add3A_96 = arith.addi %mul3A_25, %add3A_95 : vector<16xi32>
    %scan3A_97 = arith.constant 0 : i32
    %scan3A_98 = arith.constant 12 : i32
    %scan3A_99 = arith.addi %scan3A_97, %scan3A_98 : i32
    %scan3A_100 = arith.constant 1 : i32
    %scan3A_101 = scf.for %scan3A_314 = %scan3A_97 to %scan3A_99 step %scan3A_100 iter_args(%scan3A_315 = %add3A_96) -> (vector<16xi32>)  : i32 {
      %mul3A_316 = arith.constant 4 : i32
      %mul3A_317 = arith.muli %mul3A_316, %scan3A_314 : i32
      %add3A_318 = arith.constant 0 : i32
      %add3A_319 = arith.addi %mul3A_317, %add3A_318 : i32
      %mul3A_320 = arith.constant 16 : i32
      %mul3A_321 = arith.muli %add3A_319, %mul3A_320 : i32
      %get3A = arith.constant 7 : i32
      %get3A_322 = arith.index_cast %get3A : i32 to index
      %get3A_323 = arith.index_cast %mul3A_321 : i32 to index
      %get3A_324 = tpu.vector_load %arg4[%get3A_322, %get3A_323] {strides = array<i32>} : memref<8x768xf32, #tpu.memory_space<vmem>>, vector<16xf32>,
      %add3A_325 = arith.constant 0 : i32
      %add3A_326 = vector.broadcast %add3A_325 : i32 to vector<16xi32>
      %add3A_327 = arith.addi %scan3A_315, %add3A_326 : vector<16xi32>
      tpu.vector_store_idx %arg6[%add3A_327], %get3A_324 : memref<12288xf32, #tpu.memory_space<vmem>>[vector<16xi32>], vector<16xf32>,
      %mul3A_328 = arith.constant 4 : i32
      %mul3A_329 = arith.muli %mul3A_328, %scan3A_314 : i32
      %add3A_330 = arith.constant 1 : i32
      %add3A_331 = arith.addi %mul3A_329, %add3A_330 : i32
      %mul3A_332 = arith.constant 16 : i32
      %mul3A_333 = arith.muli %add3A_331, %mul3A_332 : i32
      %get3A_334 = arith.constant 7 : i32
      %get3A_335 = arith.index_cast %get3A_334 : i32 to index
      %get3A_336 = arith.index_cast %mul3A_333 : i32 to index
      %get3A_337 = tpu.vector_load %arg4[%get3A_335, %get3A_336] {strides = array<i32>} : memref<8x768xf32, #tpu.memory_space<vmem>>, vector<16xf32>,
      %add3A_338 = arith.constant 256 : i32
      %add3A_339 = vector.broadcast %add3A_338 : i32 to vector<16xi32>
      %add3A_340 = arith.addi %scan3A_315, %add3A_339 : vector<16xi32>
      tpu.vector_store_idx %arg6[%add3A_340], %get3A_337 : memref<12288xf32, #tpu.memory_space<vmem>>[vector<16xi32>], vector<16xf32>,
      %mul3A_341 = arith.constant 4 : i32
      %mul3A_342 = arith.muli %mul3A_341, %scan3A_314 : i32
      %add3A_343 = arith.constant 2 : i32
      %add3A_344 = arith.addi %mul3A_342, %add3A_343 : i32
      %mul3A_345 = arith.constant 16 : i32
      %mul3A_346 = arith.muli %add3A_344, %mul3A_345 : i32
      %get3A_347 = arith.constant 7 : i32
      %get3A_348 = arith.index_cast %get3A_347 : i32 to index
      %get3A_349 = arith.index_cast %mul3A_346 : i32 to index
      %get3A_350 = tpu.vector_load %arg4[%get3A_348, %get3A_349] {strides = array<i32>} : memref<8x768xf32, #tpu.memory_space<vmem>>, vector<16xf32>,
      %add3A_351 = arith.constant 512 : i32
      %add3A_352 = vector.broadcast %add3A_351 : i32 to vector<16xi32>
      %add3A_353 = arith.addi %scan3A_315, %add3A_352 : vector<16xi32>
      tpu.vector_store_idx %arg6[%add3A_353], %get3A_350 : memref<12288xf32, #tpu.memory_space<vmem>>[vector<16xi32>], vector<16xf32>,
      %mul3A_354 = arith.constant 4 : i32
      %mul3A_355 = arith.muli %mul3A_354, %scan3A_314 : i32
      %add3A_356 = arith.constant 3 : i32
      %add3A_357 = arith.addi %mul3A_355, %add3A_356 : i32
      %mul3A_358 = arith.constant 16 : i32
      %mul3A_359 = arith.muli %add3A_357, %mul3A_358 : i32
      %get3A_360 = arith.constant 7 : i32
      %get3A_361 = arith.index_cast %get3A_360 : i32 to index
      %get3A_362 = arith.index_cast %mul3A_359 : i32 to index
      %get3A_363 = tpu.vector_load %arg4[%get3A_361, %get3A_362] {strides = array<i32>} : memref<8x768xf32, #tpu.memory_space<vmem>>, vector<16xf32>,
      %add3A_364 = arith.constant 768 : i32
      %add3A_365 = vector.broadcast %add3A_364 : i32 to vector<16xi32>
      %add3A_366 = arith.addi %scan3A_315, %add3A_365 : vector<16xi32>
      tpu.vector_store_idx %arg6[%add3A_366], %get3A_363 : memref<12288xf32, #tpu.memory_space<vmem>>[vector<16xi32>], vector<16xf32>,
      %add3A_367 = arith.constant 1024 : i32
      %add3A_368 = vector.broadcast %add3A_367 : i32 to vector<16xi32>
      %add3A_369 = arith.addi %scan3A_315, %add3A_368 : vector<16xi32>
      scf.yield %add3A_369 : vector<16xi32>
    }
    %scan3A_102 = arith.constant 12 : i32
    %add3A_103 = arith.constant 0 : i32
    %add3A_104 = arith.addi %mul3A_4, %add3A_103 : i32
    %mul3A_105 = arith.constant 16 : i32
    %mul3A_106 = arith.muli %add3A_104, %mul3A_105 : i32
    %dma_start3A_107 = tpu.memref_slice %arg3[%mul3A_106] : memref<16121856xf32, #tpu.memory_space<hbm>> -> memref<12288xf32, #tpu.memory_space<hbm>>
    %dma_start3A_108 = tpu.memref_slice %arg3[%mul3A_106] : memref<16121856xf32, #tpu.memory_space<hbm>> -> memref<12288xf32, #tpu.memory_space<hbm>>
    tpu.enqueue_dma source(%arg6 : memref<12288xf32, #tpu.memory_space<vmem>>) target(%dma_start3A_108 : memref<12288xf32, #tpu.memory_space<hbm>>) target_semaphore(%arg10 : memref<!tpu.dma_semaphore, #tpu.memory_space<semaphore_mem>>)
    %add3A_109 = arith.constant 1536 : i32
    %add3A_110 = arith.addi %mul3A_4, %add3A_109 : i32
    %dma_start3A_111 = arith.constant 0 : i32
    %dma_start3A_112 = tpu.memref_slice %arg2[%dma_start3A_111, %add3A_110] : memref<8x1007616xf32, #tpu.memory_space<hbm>> -> memref<8x768xf32, #tpu.memory_space<hbm>>
    %dma_start3A_113 = arith.constant 0 : i32
    %dma_start3A_114 = tpu.memref_slice %arg2[%dma_start3A_113, %add3A_110] : memref<8x1007616xf32, #tpu.memory_space<hbm>> -> memref<8x768xf32, #tpu.memory_space<hbm>>
    tpu.enqueue_dma source(%dma_start3A_114 : memref<8x768xf32, #tpu.memory_space<hbm>>) target(%arg4 : memref<8x768xf32, #tpu.memory_space<vmem>>) target_semaphore(%arg8 : memref<!tpu.dma_semaphore, #tpu.memory_space<semaphore_mem>>)
    %dma_wait3A_115 = arith.constant 0 : i32
    %dma_wait3A_116 = arith.constant 0 : i32
    %dma_wait3A_117 = tpu.memref_slice %arg2[%dma_wait3A_115, %dma_wait3A_116] : memref<8x1007616xf32, #tpu.memory_space<hbm>> -> memref<8x768xf32, #tpu.memory_space<hbm>>
    %dma_wait3A_118 = arith.constant 0 : i32
    %dma_wait3A_119 = arith.constant 0 : i32
    %dma_wait3A_120 = tpu.memref_slice %arg2[%dma_wait3A_118, %dma_wait3A_119] : memref<8x1007616xf32, #tpu.memory_space<hbm>> -> memref<8x768xf32, #tpu.memory_space<hbm>>
    tpu.wait_dma2 semaphore(%arg9 : memref<!tpu.dma_semaphore, #tpu.memory_space<semaphore_mem>>) src(%dma_wait3A_120 : memref<8x768xf32, #tpu.memory_space<hbm>>) dst(%arg5 : memref<8x768xf32, #tpu.memory_space<vmem>>)
    %add3A_121 = arith.constant 0 : i32
    %add3A_122 = vector.broadcast %add3A_121 : i32 to vector<16xi32>
    %add3A_123 = arith.addi %mul3A_25, %add3A_122 : vector<16xi32>
    %scan3A_124 = arith.constant 0 : i32
    %scan3A_125 = arith.constant 12 : i32
    %scan3A_126 = arith.addi %scan3A_124, %scan3A_125 : i32
    %scan3A_127 = arith.constant 1 : i32
    %scan3A_128 = scf.for %scan3A_314 = %scan3A_124 to %scan3A_126 step %scan3A_127 iter_args(%scan3A_315 = %add3A_123) -> (vector<16xi32>)  : i32 {
      %mul3A_316 = arith.constant 4 : i32
      %mul3A_317 = arith.muli %mul3A_316, %scan3A_314 : i32
      %add3A_318 = arith.constant 0 : i32
      %add3A_319 = arith.addi %mul3A_317, %add3A_318 : i32
      %mul3A_320 = arith.constant 16 : i32
      %mul3A_321 = arith.muli %add3A_319, %mul3A_320 : i32
      %get3A = arith.constant 0 : i32
      %get3A_322 = arith.index_cast %get3A : i32 to index
      %get3A_323 = arith.index_cast %mul3A_321 : i32 to index
      %get3A_324 = tpu.vector_load %arg5[%get3A_322, %get3A_323] {strides = array<i32>} : memref<8x768xf32, #tpu.memory_space<vmem>>, vector<16xf32>,
      %add3A_325 = arith.constant 0 : i32
      %add3A_326 = vector.broadcast %add3A_325 : i32 to vector<16xi32>
      %add3A_327 = arith.addi %scan3A_315, %add3A_326 : vector<16xi32>
      tpu.vector_store_idx %arg7[%add3A_327], %get3A_324 : memref<12288xf32, #tpu.memory_space<vmem>>[vector<16xi32>], vector<16xf32>,
      %mul3A_328 = arith.constant 4 : i32
      %mul3A_329 = arith.muli %mul3A_328, %scan3A_314 : i32
      %add3A_330 = arith.constant 1 : i32
      %add3A_331 = arith.addi %mul3A_329, %add3A_330 : i32
      %mul3A_332 = arith.constant 16 : i32
      %mul3A_333 = arith.muli %add3A_331, %mul3A_332 : i32
      %get3A_334 = arith.constant 0 : i32
      %get3A_335 = arith.index_cast %get3A_334 : i32 to index
      %get3A_336 = arith.index_cast %mul3A_333 : i32 to index
      %get3A_337 = tpu.vector_load %arg5[%get3A_335, %get3A_336] {strides = array<i32>} : memref<8x768xf32, #tpu.memory_space<vmem>>, vector<16xf32>,
      %add3A_338 = arith.constant 256 : i32
      %add3A_339 = vector.broadcast %add3A_338 : i32 to vector<16xi32>
      %add3A_340 = arith.addi %scan3A_315, %add3A_339 : vector<16xi32>
      tpu.vector_store_idx %arg7[%add3A_340], %get3A_337 : memref<12288xf32, #tpu.memory_space<vmem>>[vector<16xi32>], vector<16xf32>,
      %mul3A_341 = arith.constant 4 : i32
      %mul3A_342 = arith.muli %mul3A_341, %scan3A_314 : i32
      %add3A_343 = arith.constant 2 : i32
      %add3A_344 = arith.addi %mul3A_342, %add3A_343 : i32
      %mul3A_345 = arith.constant 16 : i32
      %mul3A_346 = arith.muli %add3A_344, %mul3A_345 : i32
      %get3A_347 = arith.constant 0 : i32
      %get3A_348 = arith.index_cast %get3A_347 : i32 to index
      %get3A_349 = arith.index_cast %mul3A_346 : i32 to index
      %get3A_350 = tpu.vector_load %arg5[%get3A_348, %get3A_349] {strides = array<i32>} : memref<8x768xf32, #tpu.memory_space<vmem>>, vector<16xf32>,
      %add3A_351 = arith.constant 512 : i32
      %add3A_352 = vector.broadcast %add3A_351 : i32 to vector<16xi32>
      %add3A_353 = arith.addi %scan3A_315, %add3A_352 : vector<16xi32>
      tpu.vector_store_idx %arg7[%add3A_353], %get3A_350 : memref<12288xf32, #tpu.memory_space<vmem>>[vector<16xi32>], vector<16xf32>,
      %mul3A_354 = arith.constant 4 : i32
      %mul3A_355 = arith.muli %mul3A_354, %scan3A_314 : i32
      %add3A_356 = arith.constant 3 : i32
      %add3A_357 = arith.addi %mul3A_355, %add3A_356 : i32
      %mul3A_358 = arith.constant 16 : i32
      %mul3A_359 = arith.muli %add3A_357, %mul3A_358 : i32
      %get3A_360 = arith.constant 0 : i32
      %get3A_361 = arith.index_cast %get3A_360 : i32 to index
      %get3A_362 = arith.index_cast %mul3A_359 : i32 to index
      %get3A_363 = tpu.vector_load %arg5[%get3A_361, %get3A_362] {strides = array<i32>} : memref<8x768xf32, #tpu.memory_space<vmem>>, vector<16xf32>,
      %add3A_364 = arith.constant 768 : i32
      %add3A_365 = vector.broadcast %add3A_364 : i32 to vector<16xi32>
      %add3A_366 = arith.addi %scan3A_315, %add3A_365 : vector<16xi32>
      tpu.vector_store_idx %arg7[%add3A_366], %get3A_363 : memref<12288xf32, #tpu.memory_space<vmem>>[vector<16xi32>], vector<16xf32>,
      %add3A_367 = arith.constant 1024 : i32
      %add3A_368 = vector.broadcast %add3A_367 : i32 to vector<16xi32>
      %add3A_369 = arith.addi %scan3A_315, %add3A_368 : vector<16xi32>
      scf.yield %add3A_369 : vector<16xi32>
    }
    %scan3A_129 = arith.constant 12 : i32
    %add3A_130 = arith.constant 1 : i32
    %add3A_131 = vector.broadcast %add3A_130 : i32 to vector<16xi32>
    %add3A_132 = arith.addi %mul3A_25, %add3A_131 : vector<16xi32>
    %scan3A_133 = arith.constant 0 : i32
    %scan3A_134 = arith.constant 12 : i32
    %scan3A_135 = arith.addi %scan3A_133, %scan3A_134 : i32
    %scan3A_136 = arith.constant 1 : i32
    %scan3A_137 = scf.for %scan3A_314 = %scan3A_133 to %scan3A_135 step %scan3A_136 iter_args(%scan3A_315 = %add3A_132) -> (vector<16xi32>)  : i32 {
      %mul3A_316 = arith.constant 4 : i32
      %mul3A_317 = arith.muli %mul3A_316, %scan3A_314 : i32
      %add3A_318 = arith.constant 0 : i32
      %add3A_319 = arith.addi %mul3A_317, %add3A_318 : i32
      %mul3A_320 = arith.constant 16 : i32
      %mul3A_321 = arith.muli %add3A_319, %mul3A_320 : i32
      %get3A = arith.constant 1 : i32
      %get3A_322 = arith.index_cast %get3A : i32 to index
      %get3A_323 = arith.index_cast %mul3A_321 : i32 to index
      %get3A_324 = tpu.vector_load %arg5[%get3A_322, %get3A_323] {strides = array<i32>} : memref<8x768xf32, #tpu.memory_space<vmem>>, vector<16xf32>,
      %add3A_325 = arith.constant 0 : i32
      %add3A_326 = vector.broadcast %add3A_325 : i32 to vector<16xi32>
      %add3A_327 = arith.addi %scan3A_315, %add3A_326 : vector<16xi32>
      tpu.vector_store_idx %arg7[%add3A_327], %get3A_324 : memref<12288xf32, #tpu.memory_space<vmem>>[vector<16xi32>], vector<16xf32>,
      %mul3A_328 = arith.constant 4 : i32
      %mul3A_329 = arith.muli %mul3A_328, %scan3A_314 : i32
      %add3A_330 = arith.constant 1 : i32
      %add3A_331 = arith.addi %mul3A_329, %add3A_330 : i32
      %mul3A_332 = arith.constant 16 : i32
      %mul3A_333 = arith.muli %add3A_331, %mul3A_332 : i32
      %get3A_334 = arith.constant 1 : i32
      %get3A_335 = arith.index_cast %get3A_334 : i32 to index
      %get3A_336 = arith.index_cast %mul3A_333 : i32 to index
      %get3A_337 = tpu.vector_load %arg5[%get3A_335, %get3A_336] {strides = array<i32>} : memref<8x768xf32, #tpu.memory_space<vmem>>, vector<16xf32>,
      %add3A_338 = arith.constant 256 : i32
      %add3A_339 = vector.broadcast %add3A_338 : i32 to vector<16xi32>
      %add3A_340 = arith.addi %scan3A_315, %add3A_339 : vector<16xi32>
      tpu.vector_store_idx %arg7[%add3A_340], %get3A_337 : memref<12288xf32, #tpu.memory_space<vmem>>[vector<16xi32>], vector<16xf32>,
      %mul3A_341 = arith.constant 4 : i32
      %mul3A_342 = arith.muli %mul3A_341, %scan3A_314 : i32
      %add3A_343 = arith.constant 2 : i32
      %add3A_344 = arith.addi %mul3A_342, %add3A_343 : i32
      %mul3A_345 = arith.constant 16 : i32
      %mul3A_346 = arith.muli %add3A_344, %mul3A_345 : i32
      %get3A_347 = arith.constant 1 : i32
      %get3A_348 = arith.index_cast %get3A_347 : i32 to index
      %get3A_349 = arith.index_cast %mul3A_346 : i32 to index
      %get3A_350 = tpu.vector_load %arg5[%get3A_348, %get3A_349] {strides = array<i32>} : memref<8x768xf32, #tpu.memory_space<vmem>>, vector<16xf32>,
      %add3A_351 = arith.constant 512 : i32
      %add3A_352 = vector.broadcast %add3A_351 : i32 to vector<16xi32>
      %add3A_353 = arith.addi %scan3A_315, %add3A_352 : vector<16xi32>
      tpu.vector_store_idx %arg7[%add3A_353], %get3A_350 : memref<12288xf32, #tpu.memory_space<vmem>>[vector<16xi32>], vector<16xf32>,
      %mul3A_354 = arith.constant 4 : i32
      %mul3A_355 = arith.muli %mul3A_354, %scan3A_314 : i32
      %add3A_356 = arith.constant 3 : i32
      %add3A_357 = arith.addi %mul3A_355, %add3A_356 : i32
      %mul3A_358 = arith.constant 16 : i32
      %mul3A_359 = arith.muli %add3A_357, %mul3A_358 : i32
      %get3A_360 = arith.constant 1 : i32
      %get3A_361 = arith.index_cast %get3A_360 : i32 to index
      %get3A_362 = arith.index_cast %mul3A_359 : i32 to index
      %get3A_363 = tpu.vector_load %arg5[%get3A_361, %get3A_362] {strides = array<i32>} : memref<8x768xf32, #tpu.memory_space<vmem>>, vector<16xf32>,
      %add3A_364 = arith.constant 768 : i32
      %add3A_365 = vector.broadcast %add3A_364 : i32 to vector<16xi32>
      %add3A_366 = arith.addi %scan3A_315, %add3A_365 : vector<16xi32>
      tpu.vector_store_idx %arg7[%add3A_366], %get3A_363 : memref<12288xf32, #tpu.memory_space<vmem>>[vector<16xi32>], vector<16xf32>,
      %add3A_367 = arith.constant 1024 : i32
      %add3A_368 = vector.broadcast %add3A_367 : i32 to vector<16xi32>
      %add3A_369 = arith.addi %scan3A_315, %add3A_368 : vector<16xi32>
      scf.yield %add3A_369 : vector<16xi32>
    }
    %scan3A_138 = arith.constant 12 : i32
    %add3A_139 = arith.constant 2 : i32
    %add3A_140 = vector.broadcast %add3A_139 : i32 to vector<16xi32>
    %add3A_141 = arith.addi %mul3A_25, %add3A_140 : vector<16xi32>
    %scan3A_142 = arith.constant 0 : i32
    %scan3A_143 = arith.constant 12 : i32
    %scan3A_144 = arith.addi %scan3A_142, %scan3A_143 : i32
    %scan3A_145 = arith.constant 1 : i32
    %scan3A_146 = scf.for %scan3A_314 = %scan3A_142 to %scan3A_144 step %scan3A_145 iter_args(%scan3A_315 = %add3A_141) -> (vector<16xi32>)  : i32 {
      %mul3A_316 = arith.constant 4 : i32
      %mul3A_317 = arith.muli %mul3A_316, %scan3A_314 : i32
      %add3A_318 = arith.constant 0 : i32
      %add3A_319 = arith.addi %mul3A_317, %add3A_318 : i32
      %mul3A_320 = arith.constant 16 : i32
      %mul3A_321 = arith.muli %add3A_319, %mul3A_320 : i32
      %get3A = arith.constant 2 : i32
      %get3A_322 = arith.index_cast %get3A : i32 to index
      %get3A_323 = arith.index_cast %mul3A_321 : i32 to index
      %get3A_324 = tpu.vector_load %arg5[%get3A_322, %get3A_323] {strides = array<i32>} : memref<8x768xf32, #tpu.memory_space<vmem>>, vector<16xf32>,
      %add3A_325 = arith.constant 0 : i32
      %add3A_326 = vector.broadcast %add3A_325 : i32 to vector<16xi32>
      %add3A_327 = arith.addi %scan3A_315, %add3A_326 : vector<16xi32>
      tpu.vector_store_idx %arg7[%add3A_327], %get3A_324 : memref<12288xf32, #tpu.memory_space<vmem>>[vector<16xi32>], vector<16xf32>,
      %mul3A_328 = arith.constant 4 : i32
      %mul3A_329 = arith.muli %mul3A_328, %scan3A_314 : i32
      %add3A_330 = arith.constant 1 : i32
      %add3A_331 = arith.addi %mul3A_329, %add3A_330 : i32
      %mul3A_332 = arith.constant 16 : i32
      %mul3A_333 = arith.muli %add3A_331, %mul3A_332 : i32
      %get3A_334 = arith.constant 2 : i32
      %get3A_335 = arith.index_cast %get3A_334 : i32 to index
      %get3A_336 = arith.index_cast %mul3A_333 : i32 to index
      %get3A_337 = tpu.vector_load %arg5[%get3A_335, %get3A_336] {strides = array<i32>} : memref<8x768xf32, #tpu.memory_space<vmem>>, vector<16xf32>,
      %add3A_338 = arith.constant 256 : i32
      %add3A_339 = vector.broadcast %add3A_338 : i32 to vector<16xi32>
      %add3A_340 = arith.addi %scan3A_315, %add3A_339 : vector<16xi32>
      tpu.vector_store_idx %arg7[%add3A_340], %get3A_337 : memref<12288xf32, #tpu.memory_space<vmem>>[vector<16xi32>], vector<16xf32>,
      %mul3A_341 = arith.constant 4 : i32
      %mul3A_342 = arith.muli %mul3A_341, %scan3A_314 : i32
      %add3A_343 = arith.constant 2 : i32
      %add3A_344 = arith.addi %mul3A_342, %add3A_343 : i32
      %mul3A_345 = arith.constant 16 : i32
      %mul3A_346 = arith.muli %add3A_344, %mul3A_345 : i32
      %get3A_347 = arith.constant 2 : i32
      %get3A_348 = arith.index_cast %get3A_347 : i32 to index
      %get3A_349 = arith.index_cast %mul3A_346 : i32 to index
      %get3A_350 = tpu.vector_load %arg5[%get3A_348, %get3A_349] {strides = array<i32>} : memref<8x768xf32, #tpu.memory_space<vmem>>, vector<16xf32>,
      %add3A_351 = arith.constant 512 : i32
      %add3A_352 = vector.broadcast %add3A_351 : i32 to vector<16xi32>
      %add3A_353 = arith.addi %scan3A_315, %add3A_352 : vector<16xi32>
      tpu.vector_store_idx %arg7[%add3A_353], %get3A_350 : memref<12288xf32, #tpu.memory_space<vmem>>[vector<16xi32>], vector<16xf32>,
      %mul3A_354 = arith.constant 4 : i32
      %mul3A_355 = arith.muli %mul3A_354, %scan3A_314 : i32
      %add3A_356 = arith.constant 3 : i32
      %add3A_357 = arith.addi %mul3A_355, %add3A_356 : i32
      %mul3A_358 = arith.constant 16 : i32
      %mul3A_359 = arith.muli %add3A_357, %mul3A_358 : i32
      %get3A_360 = arith.constant 2 : i32
      %get3A_361 = arith.index_cast %get3A_360 : i32 to index
      %get3A_362 = arith.index_cast %mul3A_359 : i32 to index
      %get3A_363 = tpu.vector_load %arg5[%get3A_361, %get3A_362] {strides = array<i32>} : memref<8x768xf32, #tpu.memory_space<vmem>>, vector<16xf32>,
      %add3A_364 = arith.constant 768 : i32
      %add3A_365 = vector.broadcast %add3A_364 : i32 to vector<16xi32>
      %add3A_366 = arith.addi %scan3A_315, %add3A_365 : vector<16xi32>
      tpu.vector_store_idx %arg7[%add3A_366], %get3A_363 : memref<12288xf32, #tpu.memory_space<vmem>>[vector<16xi32>], vector<16xf32>,
      %add3A_367 = arith.constant 1024 : i32
      %add3A_368 = vector.broadcast %add3A_367 : i32 to vector<16xi32>
      %add3A_369 = arith.addi %scan3A_315, %add3A_368 : vector<16xi32>
      scf.yield %add3A_369 : vector<16xi32>
    }
    %scan3A_147 = arith.constant 12 : i32
    %add3A_148 = arith.constant 3 : i32
    %add3A_149 = vector.broadcast %add3A_148 : i32 to vector<16xi32>
    %add3A_150 = arith.addi %mul3A_25, %add3A_149 : vector<16xi32>
    %scan3A_151 = arith.constant 0 : i32
    %scan3A_152 = arith.constant 12 : i32
    %scan3A_153 = arith.addi %scan3A_151, %scan3A_152 : i32
    %scan3A_154 = arith.constant 1 : i32
    %scan3A_155 = scf.for %scan3A_314 = %scan3A_151 to %scan3A_153 step %scan3A_154 iter_args(%scan3A_315 = %add3A_150) -> (vector<16xi32>)  : i32 {
      %mul3A_316 = arith.constant 4 : i32
      %mul3A_317 = arith.muli %mul3A_316, %scan3A_314 : i32
      %add3A_318 = arith.constant 0 : i32
      %add3A_319 = arith.addi %mul3A_317, %add3A_318 : i32
      %mul3A_320 = arith.constant 16 : i32
      %mul3A_321 = arith.muli %add3A_319, %mul3A_320 : i32
      %get3A = arith.constant 3 : i32
      %get3A_322 = arith.index_cast %get3A : i32 to index
      %get3A_323 = arith.index_cast %mul3A_321 : i32 to index
      %get3A_324 = tpu.vector_load %arg5[%get3A_322, %get3A_323] {strides = array<i32>} : memref<8x768xf32, #tpu.memory_space<vmem>>, vector<16xf32>,
      %add3A_325 = arith.constant 0 : i32
      %add3A_326 = vector.broadcast %add3A_325 : i32 to vector<16xi32>
      %add3A_327 = arith.addi %scan3A_315, %add3A_326 : vector<16xi32>
      tpu.vector_store_idx %arg7[%add3A_327], %get3A_324 : memref<12288xf32, #tpu.memory_space<vmem>>[vector<16xi32>], vector<16xf32>,
      %mul3A_328 = arith.constant 4 : i32
      %mul3A_329 = arith.muli %mul3A_328, %scan3A_314 : i32
      %add3A_330 = arith.constant 1 : i32
      %add3A_331 = arith.addi %mul3A_329, %add3A_330 : i32
      %mul3A_332 = arith.constant 16 : i32
      %mul3A_333 = arith.muli %add3A_331, %mul3A_332 : i32
      %get3A_334 = arith.constant 3 : i32
      %get3A_335 = arith.index_cast %get3A_334 : i32 to index
      %get3A_336 = arith.index_cast %mul3A_333 : i32 to index
      %get3A_337 = tpu.vector_load %arg5[%get3A_335, %get3A_336] {strides = array<i32>} : memref<8x768xf32, #tpu.memory_space<vmem>>, vector<16xf32>,
      %add3A_338 = arith.constant 256 : i32
      %add3A_339 = vector.broadcast %add3A_338 : i32 to vector<16xi32>
      %add3A_340 = arith.addi %scan3A_315, %add3A_339 : vector<16xi32>
      tpu.vector_store_idx %arg7[%add3A_340], %get3A_337 : memref<12288xf32, #tpu.memory_space<vmem>>[vector<16xi32>], vector<16xf32>,
      %mul3A_341 = arith.constant 4 : i32
      %mul3A_342 = arith.muli %mul3A_341, %scan3A_314 : i32
      %add3A_343 = arith.constant 2 : i32
      %add3A_344 = arith.addi %mul3A_342, %add3A_343 : i32
      %mul3A_345 = arith.constant 16 : i32
      %mul3A_346 = arith.muli %add3A_344, %mul3A_345 : i32
      %get3A_347 = arith.constant 3 : i32
      %get3A_348 = arith.index_cast %get3A_347 : i32 to index
      %get3A_349 = arith.index_cast %mul3A_346 : i32 to index
      %get3A_350 = tpu.vector_load %arg5[%get3A_348, %get3A_349] {strides = array<i32>} : memref<8x768xf32, #tpu.memory_space<vmem>>, vector<16xf32>,
      %add3A_351 = arith.constant 512 : i32
      %add3A_352 = vector.broadcast %add3A_351 : i32 to vector<16xi32>
      %add3A_353 = arith.addi %scan3A_315, %add3A_352 : vector<16xi32>
      tpu.vector_store_idx %arg7[%add3A_353], %get3A_350 : memref<12288xf32, #tpu.memory_space<vmem>>[vector<16xi32>], vector<16xf32>,
      %mul3A_354 = arith.constant 4 : i32
      %mul3A_355 = arith.muli %mul3A_354, %scan3A_314 : i32
      %add3A_356 = arith.constant 3 : i32
      %add3A_357 = arith.addi %mul3A_355, %add3A_356 : i32
      %mul3A_358 = arith.constant 16 : i32
      %mul3A_359 = arith.muli %add3A_357, %mul3A_358 : i32
      %get3A_360 = arith.constant 3 : i32
      %get3A_361 = arith.index_cast %get3A_360 : i32 to index
      %get3A_362 = arith.index_cast %mul3A_359 : i32 to index
      %get3A_363 = tpu.vector_load %arg5[%get3A_361, %get3A_362] {strides = array<i32>} : memref<8x768xf32, #tpu.memory_space<vmem>>, vector<16xf32>,
      %add3A_364 = arith.constant 768 : i32
      %add3A_365 = vector.broadcast %add3A_364 : i32 to vector<16xi32>
      %add3A_366 = arith.addi %scan3A_315, %add3A_365 : vector<16xi32>
      tpu.vector_store_idx %arg7[%add3A_366], %get3A_363 : memref<12288xf32, #tpu.memory_space<vmem>>[vector<16xi32>], vector<16xf32>,
      %add3A_367 = arith.constant 1024 : i32
      %add3A_368 = vector.broadcast %add3A_367 : i32 to vector<16xi32>
      %add3A_369 = arith.addi %scan3A_315, %add3A_368 : vector<16xi32>
      scf.yield %add3A_369 : vector<16xi32>
    }
    %scan3A_156 = arith.constant 12 : i32
    %add3A_157 = arith.constant 4 : i32
    %add3A_158 = vector.broadcast %add3A_157 : i32 to vector<16xi32>
    %add3A_159 = arith.addi %mul3A_25, %add3A_158 : vector<16xi32>
    %scan3A_160 = arith.constant 0 : i32
    %scan3A_161 = arith.constant 12 : i32
    %scan3A_162 = arith.addi %scan3A_160, %scan3A_161 : i32
    %scan3A_163 = arith.constant 1 : i32
    %scan3A_164 = scf.for %scan3A_314 = %scan3A_160 to %scan3A_162 step %scan3A_163 iter_args(%scan3A_315 = %add3A_159) -> (vector<16xi32>)  : i32 {
      %mul3A_316 = arith.constant 4 : i32
      %mul3A_317 = arith.muli %mul3A_316, %scan3A_314 : i32
      %add3A_318 = arith.constant 0 : i32
      %add3A_319 = arith.addi %mul3A_317, %add3A_318 : i32
      %mul3A_320 = arith.constant 16 : i32
      %mul3A_321 = arith.muli %add3A_319, %mul3A_320 : i32
      %get3A = arith.constant 4 : i32
      %get3A_322 = arith.index_cast %get3A : i32 to index
      %get3A_323 = arith.index_cast %mul3A_321 : i32 to index
      %get3A_324 = tpu.vector_load %arg5[%get3A_322, %get3A_323] {strides = array<i32>} : memref<8x768xf32, #tpu.memory_space<vmem>>, vector<16xf32>,
      %add3A_325 = arith.constant 0 : i32
      %add3A_326 = vector.broadcast %add3A_325 : i32 to vector<16xi32>
      %add3A_327 = arith.addi %scan3A_315, %add3A_326 : vector<16xi32>
      tpu.vector_store_idx %arg7[%add3A_327], %get3A_324 : memref<12288xf32, #tpu.memory_space<vmem>>[vector<16xi32>], vector<16xf32>,
      %mul3A_328 = arith.constant 4 : i32
      %mul3A_329 = arith.muli %mul3A_328, %scan3A_314 : i32
      %add3A_330 = arith.constant 1 : i32
      %add3A_331 = arith.addi %mul3A_329, %add3A_330 : i32
      %mul3A_332 = arith.constant 16 : i32
      %mul3A_333 = arith.muli %add3A_331, %mul3A_332 : i32
      %get3A_334 = arith.constant 4 : i32
      %get3A_335 = arith.index_cast %get3A_334 : i32 to index
      %get3A_336 = arith.index_cast %mul3A_333 : i32 to index
      %get3A_337 = tpu.vector_load %arg5[%get3A_335, %get3A_336] {strides = array<i32>} : memref<8x768xf32, #tpu.memory_space<vmem>>, vector<16xf32>,
      %add3A_338 = arith.constant 256 : i32
      %add3A_339 = vector.broadcast %add3A_338 : i32 to vector<16xi32>
      %add3A_340 = arith.addi %scan3A_315, %add3A_339 : vector<16xi32>
      tpu.vector_store_idx %arg7[%add3A_340], %get3A_337 : memref<12288xf32, #tpu.memory_space<vmem>>[vector<16xi32>], vector<16xf32>,
      %mul3A_341 = arith.constant 4 : i32
      %mul3A_342 = arith.muli %mul3A_341, %scan3A_314 : i32
      %add3A_343 = arith.constant 2 : i32
      %add3A_344 = arith.addi %mul3A_342, %add3A_343 : i32
      %mul3A_345 = arith.constant 16 : i32
      %mul3A_346 = arith.muli %add3A_344, %mul3A_345 : i32
      %get3A_347 = arith.constant 4 : i32
      %get3A_348 = arith.index_cast %get3A_347 : i32 to index
      %get3A_349 = arith.index_cast %mul3A_346 : i32 to index
      %get3A_350 = tpu.vector_load %arg5[%get3A_348, %get3A_349] {strides = array<i32>} : memref<8x768xf32, #tpu.memory_space<vmem>>, vector<16xf32>,
      %add3A_351 = arith.constant 512 : i32
      %add3A_352 = vector.broadcast %add3A_351 : i32 to vector<16xi32>
      %add3A_353 = arith.addi %scan3A_315, %add3A_352 : vector<16xi32>
      tpu.vector_store_idx %arg7[%add3A_353], %get3A_350 : memref<12288xf32, #tpu.memory_space<vmem>>[vector<16xi32>], vector<16xf32>,
      %mul3A_354 = arith.constant 4 : i32
      %mul3A_355 = arith.muli %mul3A_354, %scan3A_314 : i32
      %add3A_356 = arith.constant 3 : i32
      %add3A_357 = arith.addi %mul3A_355, %add3A_356 : i32
      %mul3A_358 = arith.constant 16 : i32
      %mul3A_359 = arith.muli %add3A_357, %mul3A_358 : i32
      %get3A_360 = arith.constant 4 : i32
      %get3A_361 = arith.index_cast %get3A_360 : i32 to index
      %get3A_362 = arith.index_cast %mul3A_359 : i32 to index
      %get3A_363 = tpu.vector_load %arg5[%get3A_361, %get3A_362] {strides = array<i32>} : memref<8x768xf32, #tpu.memory_space<vmem>>, vector<16xf32>,
      %add3A_364 = arith.constant 768 : i32
      %add3A_365 = vector.broadcast %add3A_364 : i32 to vector<16xi32>
      %add3A_366 = arith.addi %scan3A_315, %add3A_365 : vector<16xi32>
      tpu.vector_store_idx %arg7[%add3A_366], %get3A_363 : memref<12288xf32, #tpu.memory_space<vmem>>[vector<16xi32>], vector<16xf32>,
      %add3A_367 = arith.constant 1024 : i32
      %add3A_368 = vector.broadcast %add3A_367 : i32 to vector<16xi32>
      %add3A_369 = arith.addi %scan3A_315, %add3A_368 : vector<16xi32>
      scf.yield %add3A_369 : vector<16xi32>
    }
    %scan3A_165 = arith.constant 12 : i32
    %add3A_166 = arith.constant 5 : i32
    %add3A_167 = vector.broadcast %add3A_166 : i32 to vector<16xi32>
    %add3A_168 = arith.addi %mul3A_25, %add3A_167 : vector<16xi32>
    %scan3A_169 = arith.constant 0 : i32
    %scan3A_170 = arith.constant 12 : i32
    %scan3A_171 = arith.addi %scan3A_169, %scan3A_170 : i32
    %scan3A_172 = arith.constant 1 : i32
    %scan3A_173 = scf.for %scan3A_314 = %scan3A_169 to %scan3A_171 step %scan3A_172 iter_args(%scan3A_315 = %add3A_168) -> (vector<16xi32>)  : i32 {
      %mul3A_316 = arith.constant 4 : i32
      %mul3A_317 = arith.muli %mul3A_316, %scan3A_314 : i32
      %add3A_318 = arith.constant 0 : i32
      %add3A_319 = arith.addi %mul3A_317, %add3A_318 : i32
      %mul3A_320 = arith.constant 16 : i32
      %mul3A_321 = arith.muli %add3A_319, %mul3A_320 : i32
      %get3A = arith.constant 5 : i32
      %get3A_322 = arith.index_cast %get3A : i32 to index
      %get3A_323 = arith.index_cast %mul3A_321 : i32 to index
      %get3A_324 = tpu.vector_load %arg5[%get3A_322, %get3A_323] {strides = array<i32>} : memref<8x768xf32, #tpu.memory_space<vmem>>, vector<16xf32>,
      %add3A_325 = arith.constant 0 : i32
      %add3A_326 = vector.broadcast %add3A_325 : i32 to vector<16xi32>
      %add3A_327 = arith.addi %scan3A_315, %add3A_326 : vector<16xi32>
      tpu.vector_store_idx %arg7[%add3A_327], %get3A_324 : memref<12288xf32, #tpu.memory_space<vmem>>[vector<16xi32>], vector<16xf32>,
      %mul3A_328 = arith.constant 4 : i32
      %mul3A_329 = arith.muli %mul3A_328, %scan3A_314 : i32
      %add3A_330 = arith.constant 1 : i32
      %add3A_331 = arith.addi %mul3A_329, %add3A_330 : i32
      %mul3A_332 = arith.constant 16 : i32
      %mul3A_333 = arith.muli %add3A_331, %mul3A_332 : i32
      %get3A_334 = arith.constant 5 : i32
      %get3A_335 = arith.index_cast %get3A_334 : i32 to index
      %get3A_336 = arith.index_cast %mul3A_333 : i32 to index
      %get3A_337 = tpu.vector_load %arg5[%get3A_335, %get3A_336] {strides = array<i32>} : memref<8x768xf32, #tpu.memory_space<vmem>>, vector<16xf32>,
      %add3A_338 = arith.constant 256 : i32
      %add3A_339 = vector.broadcast %add3A_338 : i32 to vector<16xi32>
      %add3A_340 = arith.addi %scan3A_315, %add3A_339 : vector<16xi32>
      tpu.vector_store_idx %arg7[%add3A_340], %get3A_337 : memref<12288xf32, #tpu.memory_space<vmem>>[vector<16xi32>], vector<16xf32>,
      %mul3A_341 = arith.constant 4 : i32
      %mul3A_342 = arith.muli %mul3A_341, %scan3A_314 : i32
      %add3A_343 = arith.constant 2 : i32
      %add3A_344 = arith.addi %mul3A_342, %add3A_343 : i32
      %mul3A_345 = arith.constant 16 : i32
      %mul3A_346 = arith.muli %add3A_344, %mul3A_345 : i32
      %get3A_347 = arith.constant 5 : i32
      %get3A_348 = arith.index_cast %get3A_347 : i32 to index
      %get3A_349 = arith.index_cast %mul3A_346 : i32 to index
      %get3A_350 = tpu.vector_load %arg5[%get3A_348, %get3A_349] {strides = array<i32>} : memref<8x768xf32, #tpu.memory_space<vmem>>, vector<16xf32>,
      %add3A_351 = arith.constant 512 : i32
      %add3A_352 = vector.broadcast %add3A_351 : i32 to vector<16xi32>
      %add3A_353 = arith.addi %scan3A_315, %add3A_352 : vector<16xi32>
      tpu.vector_store_idx %arg7[%add3A_353], %get3A_350 : memref<12288xf32, #tpu.memory_space<vmem>>[vector<16xi32>], vector<16xf32>,
      %mul3A_354 = arith.constant 4 : i32
      %mul3A_355 = arith.muli %mul3A_354, %scan3A_314 : i32
      %add3A_356 = arith.constant 3 : i32
      %add3A_357 = arith.addi %mul3A_355, %add3A_356 : i32
      %mul3A_358 = arith.constant 16 : i32
      %mul3A_359 = arith.muli %add3A_357, %mul3A_358 : i32
      %get3A_360 = arith.constant 5 : i32
      %get3A_361 = arith.index_cast %get3A_360 : i32 to index
      %get3A_362 = arith.index_cast %mul3A_359 : i32 to index
      %get3A_363 = tpu.vector_load %arg5[%get3A_361, %get3A_362] {strides = array<i32>} : memref<8x768xf32, #tpu.memory_space<vmem>>, vector<16xf32>,
      %add3A_364 = arith.constant 768 : i32
      %add3A_365 = vector.broadcast %add3A_364 : i32 to vector<16xi32>
      %add3A_366 = arith.addi %scan3A_315, %add3A_365 : vector<16xi32>
      tpu.vector_store_idx %arg7[%add3A_366], %get3A_363 : memref<12288xf32, #tpu.memory_space<vmem>>[vector<16xi32>], vector<16xf32>,
      %add3A_367 = arith.constant 1024 : i32
      %add3A_368 = vector.broadcast %add3A_367 : i32 to vector<16xi32>
      %add3A_369 = arith.addi %scan3A_315, %add3A_368 : vector<16xi32>
      scf.yield %add3A_369 : vector<16xi32>
    }
    %scan3A_174 = arith.constant 12 : i32
    %add3A_175 = arith.constant 6 : i32
    %add3A_176 = vector.broadcast %add3A_175 : i32 to vector<16xi32>
    %add3A_177 = arith.addi %mul3A_25, %add3A_176 : vector<16xi32>
    %scan3A_178 = arith.constant 0 : i32
    %scan3A_179 = arith.constant 12 : i32
    %scan3A_180 = arith.addi %scan3A_178, %scan3A_179 : i32
    %scan3A_181 = arith.constant 1 : i32
    %scan3A_182 = scf.for %scan3A_314 = %scan3A_178 to %scan3A_180 step %scan3A_181 iter_args(%scan3A_315 = %add3A_177) -> (vector<16xi32>)  : i32 {
      %mul3A_316 = arith.constant 4 : i32
      %mul3A_317 = arith.muli %mul3A_316, %scan3A_314 : i32
      %add3A_318 = arith.constant 0 : i32
      %add3A_319 = arith.addi %mul3A_317, %add3A_318 : i32
      %mul3A_320 = arith.constant 16 : i32
      %mul3A_321 = arith.muli %add3A_319, %mul3A_320 : i32
      %get3A = arith.constant 6 : i32
      %get3A_322 = arith.index_cast %get3A : i32 to index
      %get3A_323 = arith.index_cast %mul3A_321 : i32 to index
      %get3A_324 = tpu.vector_load %arg5[%get3A_322, %get3A_323] {strides = array<i32>} : memref<8x768xf32, #tpu.memory_space<vmem>>, vector<16xf32>,
      %add3A_325 = arith.constant 0 : i32
      %add3A_326 = vector.broadcast %add3A_325 : i32 to vector<16xi32>
      %add3A_327 = arith.addi %scan3A_315, %add3A_326 : vector<16xi32>
      tpu.vector_store_idx %arg7[%add3A_327], %get3A_324 : memref<12288xf32, #tpu.memory_space<vmem>>[vector<16xi32>], vector<16xf32>,
      %mul3A_328 = arith.constant 4 : i32
      %mul3A_329 = arith.muli %mul3A_328, %scan3A_314 : i32
      %add3A_330 = arith.constant 1 : i32
      %add3A_331 = arith.addi %mul3A_329, %add3A_330 : i32
      %mul3A_332 = arith.constant 16 : i32
      %mul3A_333 = arith.muli %add3A_331, %mul3A_332 : i32
      %get3A_334 = arith.constant 6 : i32
      %get3A_335 = arith.index_cast %get3A_334 : i32 to index
      %get3A_336 = arith.index_cast %mul3A_333 : i32 to index
      %get3A_337 = tpu.vector_load %arg5[%get3A_335, %get3A_336] {strides = array<i32>} : memref<8x768xf32, #tpu.memory_space<vmem>>, vector<16xf32>,
      %add3A_338 = arith.constant 256 : i32
      %add3A_339 = vector.broadcast %add3A_338 : i32 to vector<16xi32>
      %add3A_340 = arith.addi %scan3A_315, %add3A_339 : vector<16xi32>
      tpu.vector_store_idx %arg7[%add3A_340], %get3A_337 : memref<12288xf32, #tpu.memory_space<vmem>>[vector<16xi32>], vector<16xf32>,
      %mul3A_341 = arith.constant 4 : i32
      %mul3A_342 = arith.muli %mul3A_341, %scan3A_314 : i32
      %add3A_343 = arith.constant 2 : i32
      %add3A_344 = arith.addi %mul3A_342, %add3A_343 : i32
      %mul3A_345 = arith.constant 16 : i32
      %mul3A_346 = arith.muli %add3A_344, %mul3A_345 : i32
      %get3A_347 = arith.constant 6 : i32
      %get3A_348 = arith.index_cast %get3A_347 : i32 to index
      %get3A_349 = arith.index_cast %mul3A_346 : i32 to index
      %get3A_350 = tpu.vector_load %arg5[%get3A_348, %get3A_349] {strides = array<i32>} : memref<8x768xf32, #tpu.memory_space<vmem>>, vector<16xf32>,
      %add3A_351 = arith.constant 512 : i32
      %add3A_352 = vector.broadcast %add3A_351 : i32 to vector<16xi32>
      %add3A_353 = arith.addi %scan3A_315, %add3A_352 : vector<16xi32>
      tpu.vector_store_idx %arg7[%add3A_353], %get3A_350 : memref<12288xf32, #tpu.memory_space<vmem>>[vector<16xi32>], vector<16xf32>,
      %mul3A_354 = arith.constant 4 : i32
      %mul3A_355 = arith.muli %mul3A_354, %scan3A_314 : i32
      %add3A_356 = arith.constant 3 : i32
      %add3A_357 = arith.addi %mul3A_355, %add3A_356 : i32
      %mul3A_358 = arith.constant 16 : i32
      %mul3A_359 = arith.muli %add3A_357, %mul3A_358 : i32
      %get3A_360 = arith.constant 6 : i32
      %get3A_361 = arith.index_cast %get3A_360 : i32 to index
      %get3A_362 = arith.index_cast %mul3A_359 : i32 to index
      %get3A_363 = tpu.vector_load %arg5[%get3A_361, %get3A_362] {strides = array<i32>} : memref<8x768xf32, #tpu.memory_space<vmem>>, vector<16xf32>,
      %add3A_364 = arith.constant 768 : i32
      %add3A_365 = vector.broadcast %add3A_364 : i32 to vector<16xi32>
      %add3A_366 = arith.addi %scan3A_315, %add3A_365 : vector<16xi32>
      tpu.vector_store_idx %arg7[%add3A_366], %get3A_363 : memref<12288xf32, #tpu.memory_space<vmem>>[vector<16xi32>], vector<16xf32>,
      %add3A_367 = arith.constant 1024 : i32
      %add3A_368 = vector.broadcast %add3A_367 : i32 to vector<16xi32>
      %add3A_369 = arith.addi %scan3A_315, %add3A_368 : vector<16xi32>
      scf.yield %add3A_369 : vector<16xi32>
    }
    %scan3A_183 = arith.constant 12 : i32
    %add3A_184 = arith.constant 7 : i32
    %add3A_185 = vector.broadcast %add3A_184 : i32 to vector<16xi32>
    %add3A_186 = arith.addi %mul3A_25, %add3A_185 : vector<16xi32>
    %scan3A_187 = arith.constant 0 : i32
    %scan3A_188 = arith.constant 12 : i32
    %scan3A_189 = arith.addi %scan3A_187, %scan3A_188 : i32
    %scan3A_190 = arith.constant 1 : i32
    %scan3A_191 = scf.for %scan3A_314 = %scan3A_187 to %scan3A_189 step %scan3A_190 iter_args(%scan3A_315 = %add3A_186) -> (vector<16xi32>)  : i32 {
      %mul3A_316 = arith.constant 4 : i32
      %mul3A_317 = arith.muli %mul3A_316, %scan3A_314 : i32
      %add3A_318 = arith.constant 0 : i32
      %add3A_319 = arith.addi %mul3A_317, %add3A_318 : i32
      %mul3A_320 = arith.constant 16 : i32
      %mul3A_321 = arith.muli %add3A_319, %mul3A_320 : i32
      %get3A = arith.constant 7 : i32
      %get3A_322 = arith.index_cast %get3A : i32 to index
      %get3A_323 = arith.index_cast %mul3A_321 : i32 to index
      %get3A_324 = tpu.vector_load %arg5[%get3A_322, %get3A_323] {strides = array<i32>} : memref<8x768xf32, #tpu.memory_space<vmem>>, vector<16xf32>,
      %add3A_325 = arith.constant 0 : i32
      %add3A_326 = vector.broadcast %add3A_325 : i32 to vector<16xi32>
      %add3A_327 = arith.addi %scan3A_315, %add3A_326 : vector<16xi32>
      tpu.vector_store_idx %arg7[%add3A_327], %get3A_324 : memref<12288xf32, #tpu.memory_space<vmem>>[vector<16xi32>], vector<16xf32>,
      %mul3A_328 = arith.constant 4 : i32
      %mul3A_329 = arith.muli %mul3A_328, %scan3A_314 : i32
      %add3A_330 = arith.constant 1 : i32
      %add3A_331 = arith.addi %mul3A_329, %add3A_330 : i32
      %mul3A_332 = arith.constant 16 : i32
      %mul3A_333 = arith.muli %add3A_331, %mul3A_332 : i32
      %get3A_334 = arith.constant 7 : i32
      %get3A_335 = arith.index_cast %get3A_334 : i32 to index
      %get3A_336 = arith.index_cast %mul3A_333 : i32 to index
      %get3A_337 = tpu.vector_load %arg5[%get3A_335, %get3A_336] {strides = array<i32>} : memref<8x768xf32, #tpu.memory_space<vmem>>, vector<16xf32>,
      %add3A_338 = arith.constant 256 : i32
      %add3A_339 = vector.broadcast %add3A_338 : i32 to vector<16xi32>
      %add3A_340 = arith.addi %scan3A_315, %add3A_339 : vector<16xi32>
      tpu.vector_store_idx %arg7[%add3A_340], %get3A_337 : memref<12288xf32, #tpu.memory_space<vmem>>[vector<16xi32>], vector<16xf32>,
      %mul3A_341 = arith.constant 4 : i32
      %mul3A_342 = arith.muli %mul3A_341, %scan3A_314 : i32
      %add3A_343 = arith.constant 2 : i32
      %add3A_344 = arith.addi %mul3A_342, %add3A_343 : i32
      %mul3A_345 = arith.constant 16 : i32
      %mul3A_346 = arith.muli %add3A_344, %mul3A_345 : i32
      %get3A_347 = arith.constant 7 : i32
      %get3A_348 = arith.index_cast %get3A_347 : i32 to index
      %get3A_349 = arith.index_cast %mul3A_346 : i32 to index
      %get3A_350 = tpu.vector_load %arg5[%get3A_348, %get3A_349] {strides = array<i32>} : memref<8x768xf32, #tpu.memory_space<vmem>>, vector<16xf32>,
      %add3A_351 = arith.constant 512 : i32
      %add3A_352 = vector.broadcast %add3A_351 : i32 to vector<16xi32>
      %add3A_353 = arith.addi %scan3A_315, %add3A_352 : vector<16xi32>
      tpu.vector_store_idx %arg7[%add3A_353], %get3A_350 : memref<12288xf32, #tpu.memory_space<vmem>>[vector<16xi32>], vector<16xf32>,
      %mul3A_354 = arith.constant 4 : i32
      %mul3A_355 = arith.muli %mul3A_354, %scan3A_314 : i32
      %add3A_356 = arith.constant 3 : i32
      %add3A_357 = arith.addi %mul3A_355, %add3A_356 : i32
      %mul3A_358 = arith.constant 16 : i32
      %mul3A_359 = arith.muli %add3A_357, %mul3A_358 : i32
      %get3A_360 = arith.constant 7 : i32
      %get3A_361 = arith.index_cast %get3A_360 : i32 to index
      %get3A_362 = arith.index_cast %mul3A_359 : i32 to index
      %get3A_363 = tpu.vector_load %arg5[%get3A_361, %get3A_362] {strides = array<i32>} : memref<8x768xf32, #tpu.memory_space<vmem>>, vector<16xf32>,
      %add3A_364 = arith.constant 768 : i32
      %add3A_365 = vector.broadcast %add3A_364 : i32 to vector<16xi32>
      %add3A_366 = arith.addi %scan3A_315, %add3A_365 : vector<16xi32>
      tpu.vector_store_idx %arg7[%add3A_366], %get3A_363 : memref<12288xf32, #tpu.memory_space<vmem>>[vector<16xi32>], vector<16xf32>,
      %add3A_367 = arith.constant 1024 : i32
      %add3A_368 = vector.broadcast %add3A_367 : i32 to vector<16xi32>
      %add3A_369 = arith.addi %scan3A_315, %add3A_368 : vector<16xi32>
      scf.yield %add3A_369 : vector<16xi32>
    }
    %scan3A_192 = arith.constant 12 : i32
    %add3A_193 = arith.constant 768 : i32
    %add3A_194 = arith.addi %mul3A_4, %add3A_193 : i32
    %mul3A_195 = arith.constant 16 : i32
    %mul3A_196 = arith.muli %add3A_194, %mul3A_195 : i32
    %dma_start3A_197 = tpu.memref_slice %arg3[%mul3A_196] : memref<16121856xf32, #tpu.memory_space<hbm>> -> memref<12288xf32, #tpu.memory_space<hbm>>
    %dma_start3A_198 = tpu.memref_slice %arg3[%mul3A_196] : memref<16121856xf32, #tpu.memory_space<hbm>> -> memref<12288xf32, #tpu.memory_space<hbm>>
    tpu.enqueue_dma source(%arg7 : memref<12288xf32, #tpu.memory_space<vmem>>) target(%dma_start3A_198 : memref<12288xf32, #tpu.memory_space<hbm>>) target_semaphore(%arg11 : memref<!tpu.dma_semaphore, #tpu.memory_space<semaphore_mem>>)
    %add3A_199 = arith.constant 2304 : i32
    %add3A_200 = arith.addi %mul3A_4, %add3A_199 : i32
    %dma_start3A_201 = arith.constant 0 : i32
    %dma_start3A_202 = tpu.memref_slice %arg2[%dma_start3A_201, %add3A_200] : memref<8x1007616xf32, #tpu.memory_space<hbm>> -> memref<8x768xf32, #tpu.memory_space<hbm>>
    %dma_start3A_203 = arith.constant 0 : i32
    %dma_start3A_204 = tpu.memref_slice %arg2[%dma_start3A_203, %add3A_200] : memref<8x1007616xf32, #tpu.memory_space<hbm>> -> memref<8x768xf32, #tpu.memory_space<hbm>>
    tpu.enqueue_dma source(%dma_start3A_204 : memref<8x768xf32, #tpu.memory_space<hbm>>) target(%arg5 : memref<8x768xf32, #tpu.memory_space<vmem>>) target_semaphore(%arg9 : memref<!tpu.dma_semaphore, #tpu.memory_space<semaphore_mem>>)
    %scan3A_205 = arith.constant 0 : i32
    %scan3A_206 = arith.constant 1 : i32
    %scan3A_207 = arith.constant 19 : i32
    %scan3A_208 = arith.addi %scan3A_206, %scan3A_207 : i32
    %scan3A_209 = arith.constant 1 : i32
    %scan3A_210 = scf.for %scan3A_314 = %scan3A_206 to %scan3A_208 step %scan3A_209 iter_args(%scan3A_315 = %scan3A_205) -> (i32)  : i32 {
      %mul3A_316 = arith.constant 2 : i32
      %mul3A_317 = arith.muli %mul3A_316, %scan3A_314 : i32
      %add3A_318 = arith.constant 1 : i32
      %add3A_319 = arith.addi %mul3A_317, %add3A_318 : i32
      %dma_wait3A_320 = arith.constant 0 : i32
      %dma_wait3A_321 = arith.constant 0 : i32
      %dma_wait3A_322 = tpu.memref_slice %arg2[%dma_wait3A_320, %dma_wait3A_321] : memref<8x1007616xf32, #tpu.memory_space<hbm>> -> memref<8x768xf32, #tpu.memory_space<hbm>>
      %dma_wait3A_323 = arith.constant 0 : i32
      %dma_wait3A_324 = arith.constant 0 : i32
      %dma_wait3A_325 = tpu.memref_slice %arg2[%dma_wait3A_323, %dma_wait3A_324] : memref<8x1007616xf32, #tpu.memory_space<hbm>> -> memref<8x768xf32, #tpu.memory_space<hbm>>
      tpu.wait_dma2 semaphore(%arg8 : memref<!tpu.dma_semaphore, #tpu.memory_space<semaphore_mem>>) src(%dma_wait3A_325 : memref<8x768xf32, #tpu.memory_space<hbm>>) dst(%arg4 : memref<8x768xf32, #tpu.memory_space<vmem>>)
      %dma_wait3A_326 = arith.constant 0 : i32
      %dma_wait3A_327 = tpu.memref_slice %arg3[%dma_wait3A_326] : memref<16121856xf32, #tpu.memory_space<hbm>> -> memref<12288xf32, #tpu.memory_space<hbm>>
      %dma_wait3A_328 = arith.constant 0 : i32
      %dma_wait3A_329 = tpu.memref_slice %arg3[%dma_wait3A_328] : memref<16121856xf32, #tpu.memory_space<hbm>> -> memref<12288xf32, #tpu.memory_space<hbm>>
      tpu.wait_dma2 semaphore(%arg10 : memref<!tpu.dma_semaphore, #tpu.memory_space<semaphore_mem>>) src(%dma_wait3A_329 : memref<12288xf32, #tpu.memory_space<hbm>>) dst(%arg6 : memref<12288xf32, #tpu.memory_space<vmem>>)
      %add3A_330 = arith.constant 0 : i32
      %add3A_331 = vector.broadcast %add3A_330 : i32 to vector<16xi32>
      %add3A_332 = arith.addi %mul3A_25, %add3A_331 : vector<16xi32>
      %scan3A_333 = arith.constant 0 : i32
      %scan3A_334 = arith.constant 12 : i32
      %scan3A_335 = arith.addi %scan3A_333, %scan3A_334 : i32
      %scan3A_336 = arith.constant 1 : i32
      %scan3A_337 = scf.for %scan3A_542 = %scan3A_333 to %scan3A_335 step %scan3A_336 iter_args(%scan3A_543 = %add3A_332) -> (vector<16xi32>)  : i32 {
        %mul3A_544 = arith.constant 4 : i32
        %mul3A_545 = arith.muli %mul3A_544, %scan3A_542 : i32
        %add3A_546 = arith.constant 0 : i32
        %add3A_547 = arith.addi %mul3A_545, %add3A_546 : i32
        %mul3A_548 = arith.constant 16 : i32
        %mul3A_549 = arith.muli %add3A_547, %mul3A_548 : i32
        %get3A = arith.constant 0 : i32
        %get3A_550 = arith.index_cast %get3A : i32 to index
        %get3A_551 = arith.index_cast %mul3A_549 : i32 to index
        %get3A_552 = tpu.vector_load %arg4[%get3A_550, %get3A_551] {strides = array<i32>} : memref<8x768xf32, #tpu.memory_space<vmem>>, vector<16xf32>,
        %add3A_553 = arith.constant 0 : i32
        %add3A_554 = vector.broadcast %add3A_553 : i32 to vector<16xi32>
        %add3A_555 = arith.addi %scan3A_543, %add3A_554 : vector<16xi32>
        tpu.vector_store_idx %arg6[%add3A_555], %get3A_552 : memref<12288xf32, #tpu.memory_space<vmem>>[vector<16xi32>], vector<16xf32>,
        %mul3A_556 = arith.constant 4 : i32
        %mul3A_557 = arith.muli %mul3A_556, %scan3A_542 : i32
        %add3A_558 = arith.constant 1 : i32
        %add3A_559 = arith.addi %mul3A_557, %add3A_558 : i32
        %mul3A_560 = arith.constant 16 : i32
        %mul3A_561 = arith.muli %add3A_559, %mul3A_560 : i32
        %get3A_562 = arith.constant 0 : i32
        %get3A_563 = arith.index_cast %get3A_562 : i32 to index
        %get3A_564 = arith.index_cast %mul3A_561 : i32 to index
        %get3A_565 = tpu.vector_load %arg4[%get3A_563, %get3A_564] {strides = array<i32>} : memref<8x768xf32, #tpu.memory_space<vmem>>, vector<16xf32>,
        %add3A_566 = arith.constant 256 : i32
        %add3A_567 = vector.broadcast %add3A_566 : i32 to vector<16xi32>
        %add3A_568 = arith.addi %scan3A_543, %add3A_567 : vector<16xi32>
        tpu.vector_store_idx %arg6[%add3A_568], %get3A_565 : memref<12288xf32, #tpu.memory_space<vmem>>[vector<16xi32>], vector<16xf32>,
        %mul3A_569 = arith.constant 4 : i32
        %mul3A_570 = arith.muli %mul3A_569, %scan3A_542 : i32
        %add3A_571 = arith.constant 2 : i32
        %add3A_572 = arith.addi %mul3A_570, %add3A_571 : i32
        %mul3A_573 = arith.constant 16 : i32
        %mul3A_574 = arith.muli %add3A_572, %mul3A_573 : i32
        %get3A_575 = arith.constant 0 : i32
        %get3A_576 = arith.index_cast %get3A_575 : i32 to index
        %get3A_577 = arith.index_cast %mul3A_574 : i32 to index
        %get3A_578 = tpu.vector_load %arg4[%get3A_576, %get3A_577] {strides = array<i32>} : memref<8x768xf32, #tpu.memory_space<vmem>>, vector<16xf32>,
        %add3A_579 = arith.constant 512 : i32
        %add3A_580 = vector.broadcast %add3A_579 : i32 to vector<16xi32>
        %add3A_581 = arith.addi %scan3A_543, %add3A_580 : vector<16xi32>
        tpu.vector_store_idx %arg6[%add3A_581], %get3A_578 : memref<12288xf32, #tpu.memory_space<vmem>>[vector<16xi32>], vector<16xf32>,
        %mul3A_582 = arith.constant 4 : i32
        %mul3A_583 = arith.muli %mul3A_582, %scan3A_542 : i32
        %add3A_584 = arith.constant 3 : i32
        %add3A_585 = arith.addi %mul3A_583, %add3A_584 : i32
        %mul3A_586 = arith.constant 16 : i32
        %mul3A_587 = arith.muli %add3A_585, %mul3A_586 : i32
        %get3A_588 = arith.constant 0 : i32
        %get3A_589 = arith.index_cast %get3A_588 : i32 to index
        %get3A_590 = arith.index_cast %mul3A_587 : i32 to index
        %get3A_591 = tpu.vector_load %arg4[%get3A_589, %get3A_590] {strides = array<i32>} : memref<8x768xf32, #tpu.memory_space<vmem>>, vector<16xf32>,
        %add3A_592 = arith.constant 768 : i32
        %add3A_593 = vector.broadcast %add3A_592 : i32 to vector<16xi32>
        %add3A_594 = arith.addi %scan3A_543, %add3A_593 : vector<16xi32>
        tpu.vector_store_idx %arg6[%add3A_594], %get3A_591 : memref<12288xf32, #tpu.memory_space<vmem>>[vector<16xi32>], vector<16xf32>,
        %add3A_595 = arith.constant 1024 : i32
        %add3A_596 = vector.broadcast %add3A_595 : i32 to vector<16xi32>
        %add3A_597 = arith.addi %scan3A_543, %add3A_596 : vector<16xi32>
        scf.yield %add3A_597 : vector<16xi32>
      }
      %scan3A_338 = arith.constant 12 : i32
      %add3A_339 = arith.constant 1 : i32
      %add3A_340 = vector.broadcast %add3A_339 : i32 to vector<16xi32>
      %add3A_341 = arith.addi %mul3A_25, %add3A_340 : vector<16xi32>
      %scan3A_342 = arith.constant 0 : i32
      %scan3A_343 = arith.constant 12 : i32
      %scan3A_344 = arith.addi %scan3A_342, %scan3A_343 : i32
      %scan3A_345 = arith.constant 1 : i32
      %scan3A_346 = scf.for %scan3A_542 = %scan3A_342 to %scan3A_344 step %scan3A_345 iter_args(%scan3A_543 = %add3A_341) -> (vector<16xi32>)  : i32 {
        %mul3A_544 = arith.constant 4 : i32
        %mul3A_545 = arith.muli %mul3A_544, %scan3A_542 : i32
        %add3A_546 = arith.constant 0 : i32
        %add3A_547 = arith.addi %mul3A_545, %add3A_546 : i32
        %mul3A_548 = arith.constant 16 : i32
        %mul3A_549 = arith.muli %add3A_547, %mul3A_548 : i32
        %get3A = arith.constant 1 : i32
        %get3A_550 = arith.index_cast %get3A : i32 to index
        %get3A_551 = arith.index_cast %mul3A_549 : i32 to index
        %get3A_552 = tpu.vector_load %arg4[%get3A_550, %get3A_551] {strides = array<i32>} : memref<8x768xf32, #tpu.memory_space<vmem>>, vector<16xf32>,
        %add3A_553 = arith.constant 0 : i32
        %add3A_554 = vector.broadcast %add3A_553 : i32 to vector<16xi32>
        %add3A_555 = arith.addi %scan3A_543, %add3A_554 : vector<16xi32>
        tpu.vector_store_idx %arg6[%add3A_555], %get3A_552 : memref<12288xf32, #tpu.memory_space<vmem>>[vector<16xi32>], vector<16xf32>,
        %mul3A_556 = arith.constant 4 : i32
        %mul3A_557 = arith.muli %mul3A_556, %scan3A_542 : i32
        %add3A_558 = arith.constant 1 : i32
        %add3A_559 = arith.addi %mul3A_557, %add3A_558 : i32
        %mul3A_560 = arith.constant 16 : i32
        %mul3A_561 = arith.muli %add3A_559, %mul3A_560 : i32
        %get3A_562 = arith.constant 1 : i32
        %get3A_563 = arith.index_cast %get3A_562 : i32 to index
        %get3A_564 = arith.index_cast %mul3A_561 : i32 to index
        %get3A_565 = tpu.vector_load %arg4[%get3A_563, %get3A_564] {strides = array<i32>} : memref<8x768xf32, #tpu.memory_space<vmem>>, vector<16xf32>,
        %add3A_566 = arith.constant 256 : i32
        %add3A_567 = vector.broadcast %add3A_566 : i32 to vector<16xi32>
        %add3A_568 = arith.addi %scan3A_543, %add3A_567 : vector<16xi32>
        tpu.vector_store_idx %arg6[%add3A_568], %get3A_565 : memref<12288xf32, #tpu.memory_space<vmem>>[vector<16xi32>], vector<16xf32>,
        %mul3A_569 = arith.constant 4 : i32
        %mul3A_570 = arith.muli %mul3A_569, %scan3A_542 : i32
        %add3A_571 = arith.constant 2 : i32
        %add3A_572 = arith.addi %mul3A_570, %add3A_571 : i32
        %mul3A_573 = arith.constant 16 : i32
        %mul3A_574 = arith.muli %add3A_572, %mul3A_573 : i32
        %get3A_575 = arith.constant 1 : i32
        %get3A_576 = arith.index_cast %get3A_575 : i32 to index
        %get3A_577 = arith.index_cast %mul3A_574 : i32 to index
        %get3A_578 = tpu.vector_load %arg4[%get3A_576, %get3A_577] {strides = array<i32>} : memref<8x768xf32, #tpu.memory_space<vmem>>, vector<16xf32>,
        %add3A_579 = arith.constant 512 : i32
        %add3A_580 = vector.broadcast %add3A_579 : i32 to vector<16xi32>
        %add3A_581 = arith.addi %scan3A_543, %add3A_580 : vector<16xi32>
        tpu.vector_store_idx %arg6[%add3A_581], %get3A_578 : memref<12288xf32, #tpu.memory_space<vmem>>[vector<16xi32>], vector<16xf32>,
        %mul3A_582 = arith.constant 4 : i32
        %mul3A_583 = arith.muli %mul3A_582, %scan3A_542 : i32
        %add3A_584 = arith.constant 3 : i32
        %add3A_585 = arith.addi %mul3A_583, %add3A_584 : i32
        %mul3A_586 = arith.constant 16 : i32
        %mul3A_587 = arith.muli %add3A_585, %mul3A_586 : i32
        %get3A_588 = arith.constant 1 : i32
        %get3A_589 = arith.index_cast %get3A_588 : i32 to index
        %get3A_590 = arith.index_cast %mul3A_587 : i32 to index
        %get3A_591 = tpu.vector_load %arg4[%get3A_589, %get3A_590] {strides = array<i32>} : memref<8x768xf32, #tpu.memory_space<vmem>>, vector<16xf32>,
        %add3A_592 = arith.constant 768 : i32
        %add3A_593 = vector.broadcast %add3A_592 : i32 to vector<16xi32>
        %add3A_594 = arith.addi %scan3A_543, %add3A_593 : vector<16xi32>
        tpu.vector_store_idx %arg6[%add3A_594], %get3A_591 : memref<12288xf32, #tpu.memory_space<vmem>>[vector<16xi32>], vector<16xf32>,
        %add3A_595 = arith.constant 1024 : i32
        %add3A_596 = vector.broadcast %add3A_595 : i32 to vector<16xi32>
        %add3A_597 = arith.addi %scan3A_543, %add3A_596 : vector<16xi32>
        scf.yield %add3A_597 : vector<16xi32>
      }
      %scan3A_347 = arith.constant 12 : i32
      %add3A_348 = arith.constant 2 : i32
      %add3A_349 = vector.broadcast %add3A_348 : i32 to vector<16xi32>
      %add3A_350 = arith.addi %mul3A_25, %add3A_349 : vector<16xi32>
      %scan3A_351 = arith.constant 0 : i32
      %scan3A_352 = arith.constant 12 : i32
      %scan3A_353 = arith.addi %scan3A_351, %scan3A_352 : i32
      %scan3A_354 = arith.constant 1 : i32
      %scan3A_355 = scf.for %scan3A_542 = %scan3A_351 to %scan3A_353 step %scan3A_354 iter_args(%scan3A_543 = %add3A_350) -> (vector<16xi32>)  : i32 {
        %mul3A_544 = arith.constant 4 : i32
        %mul3A_545 = arith.muli %mul3A_544, %scan3A_542 : i32
        %add3A_546 = arith.constant 0 : i32
        %add3A_547 = arith.addi %mul3A_545, %add3A_546 : i32
        %mul3A_548 = arith.constant 16 : i32
        %mul3A_549 = arith.muli %add3A_547, %mul3A_548 : i32
        %get3A = arith.constant 2 : i32
        %get3A_550 = arith.index_cast %get3A : i32 to index
        %get3A_551 = arith.index_cast %mul3A_549 : i32 to index
        %get3A_552 = tpu.vector_load %arg4[%get3A_550, %get3A_551] {strides = array<i32>} : memref<8x768xf32, #tpu.memory_space<vmem>>, vector<16xf32>,
        %add3A_553 = arith.constant 0 : i32
        %add3A_554 = vector.broadcast %add3A_553 : i32 to vector<16xi32>
        %add3A_555 = arith.addi %scan3A_543, %add3A_554 : vector<16xi32>
        tpu.vector_store_idx %arg6[%add3A_555], %get3A_552 : memref<12288xf32, #tpu.memory_space<vmem>>[vector<16xi32>], vector<16xf32>,
        %mul3A_556 = arith.constant 4 : i32
        %mul3A_557 = arith.muli %mul3A_556, %scan3A_542 : i32
        %add3A_558 = arith.constant 1 : i32
        %add3A_559 = arith.addi %mul3A_557, %add3A_558 : i32
        %mul3A_560 = arith.constant 16 : i32
        %mul3A_561 = arith.muli %add3A_559, %mul3A_560 : i32
        %get3A_562 = arith.constant 2 : i32
        %get3A_563 = arith.index_cast %get3A_562 : i32 to index
        %get3A_564 = arith.index_cast %mul3A_561 : i32 to index
        %get3A_565 = tpu.vector_load %arg4[%get3A_563, %get3A_564] {strides = array<i32>} : memref<8x768xf32, #tpu.memory_space<vmem>>, vector<16xf32>,
        %add3A_566 = arith.constant 256 : i32
        %add3A_567 = vector.broadcast %add3A_566 : i32 to vector<16xi32>
        %add3A_568 = arith.addi %scan3A_543, %add3A_567 : vector<16xi32>
        tpu.vector_store_idx %arg6[%add3A_568], %get3A_565 : memref<12288xf32, #tpu.memory_space<vmem>>[vector<16xi32>], vector<16xf32>,
        %mul3A_569 = arith.constant 4 : i32
        %mul3A_570 = arith.muli %mul3A_569, %scan3A_542 : i32
        %add3A_571 = arith.constant 2 : i32
        %add3A_572 = arith.addi %mul3A_570, %add3A_571 : i32
        %mul3A_573 = arith.constant 16 : i32
        %mul3A_574 = arith.muli %add3A_572, %mul3A_573 : i32
        %get3A_575 = arith.constant 2 : i32
        %get3A_576 = arith.index_cast %get3A_575 : i32 to index
        %get3A_577 = arith.index_cast %mul3A_574 : i32 to index
        %get3A_578 = tpu.vector_load %arg4[%get3A_576, %get3A_577] {strides = array<i32>} : memref<8x768xf32, #tpu.memory_space<vmem>>, vector<16xf32>,
        %add3A_579 = arith.constant 512 : i32
        %add3A_580 = vector.broadcast %add3A_579 : i32 to vector<16xi32>
        %add3A_581 = arith.addi %scan3A_543, %add3A_580 : vector<16xi32>
        tpu.vector_store_idx %arg6[%add3A_581], %get3A_578 : memref<12288xf32, #tpu.memory_space<vmem>>[vector<16xi32>], vector<16xf32>,
        %mul3A_582 = arith.constant 4 : i32
        %mul3A_583 = arith.muli %mul3A_582, %scan3A_542 : i32
        %add3A_584 = arith.constant 3 : i32
        %add3A_585 = arith.addi %mul3A_583, %add3A_584 : i32
        %mul3A_586 = arith.constant 16 : i32
        %mul3A_587 = arith.muli %add3A_585, %mul3A_586 : i32
        %get3A_588 = arith.constant 2 : i32
        %get3A_589 = arith.index_cast %get3A_588 : i32 to index
        %get3A_590 = arith.index_cast %mul3A_587 : i32 to index
        %get3A_591 = tpu.vector_load %arg4[%get3A_589, %get3A_590] {strides = array<i32>} : memref<8x768xf32, #tpu.memory_space<vmem>>, vector<16xf32>,
        %add3A_592 = arith.constant 768 : i32
        %add3A_593 = vector.broadcast %add3A_592 : i32 to vector<16xi32>
        %add3A_594 = arith.addi %scan3A_543, %add3A_593 : vector<16xi32>
        tpu.vector_store_idx %arg6[%add3A_594], %get3A_591 : memref<12288xf32, #tpu.memory_space<vmem>>[vector<16xi32>], vector<16xf32>,
        %add3A_595 = arith.constant 1024 : i32
        %add3A_596 = vector.broadcast %add3A_595 : i32 to vector<16xi32>
        %add3A_597 = arith.addi %scan3A_543, %add3A_596 : vector<16xi32>
        scf.yield %add3A_597 : vector<16xi32>
      }
      %scan3A_356 = arith.constant 12 : i32
      %add3A_357 = arith.constant 3 : i32
      %add3A_358 = vector.broadcast %add3A_357 : i32 to vector<16xi32>
      %add3A_359 = arith.addi %mul3A_25, %add3A_358 : vector<16xi32>
      %scan3A_360 = arith.constant 0 : i32
      %scan3A_361 = arith.constant 12 : i32
      %scan3A_362 = arith.addi %scan3A_360, %scan3A_361 : i32
      %scan3A_363 = arith.constant 1 : i32
      %scan3A_364 = scf.for %scan3A_542 = %scan3A_360 to %scan3A_362 step %scan3A_363 iter_args(%scan3A_543 = %add3A_359) -> (vector<16xi32>)  : i32 {
        %mul3A_544 = arith.constant 4 : i32
        %mul3A_545 = arith.muli %mul3A_544, %scan3A_542 : i32
        %add3A_546 = arith.constant 0 : i32
        %add3A_547 = arith.addi %mul3A_545, %add3A_546 : i32
        %mul3A_548 = arith.constant 16 : i32
        %mul3A_549 = arith.muli %add3A_547, %mul3A_548 : i32
        %get3A = arith.constant 3 : i32
        %get3A_550 = arith.index_cast %get3A : i32 to index
        %get3A_551 = arith.index_cast %mul3A_549 : i32 to index
        %get3A_552 = tpu.vector_load %arg4[%get3A_550, %get3A_551] {strides = array<i32>} : memref<8x768xf32, #tpu.memory_space<vmem>>, vector<16xf32>,
        %add3A_553 = arith.constant 0 : i32
        %add3A_554 = vector.broadcast %add3A_553 : i32 to vector<16xi32>
        %add3A_555 = arith.addi %scan3A_543, %add3A_554 : vector<16xi32>
        tpu.vector_store_idx %arg6[%add3A_555], %get3A_552 : memref<12288xf32, #tpu.memory_space<vmem>>[vector<16xi32>], vector<16xf32>,
        %mul3A_556 = arith.constant 4 : i32
        %mul3A_557 = arith.muli %mul3A_556, %scan3A_542 : i32
        %add3A_558 = arith.constant 1 : i32
        %add3A_559 = arith.addi %mul3A_557, %add3A_558 : i32
        %mul3A_560 = arith.constant 16 : i32
        %mul3A_561 = arith.muli %add3A_559, %mul3A_560 : i32
        %get3A_562 = arith.constant 3 : i32
        %get3A_563 = arith.index_cast %get3A_562 : i32 to index
        %get3A_564 = arith.index_cast %mul3A_561 : i32 to index
        %get3A_565 = tpu.vector_load %arg4[%get3A_563, %get3A_564] {strides = array<i32>} : memref<8x768xf32, #tpu.memory_space<vmem>>, vector<16xf32>,
        %add3A_566 = arith.constant 256 : i32
        %add3A_567 = vector.broadcast %add3A_566 : i32 to vector<16xi32>
        %add3A_568 = arith.addi %scan3A_543, %add3A_567 : vector<16xi32>
        tpu.vector_store_idx %arg6[%add3A_568], %get3A_565 : memref<12288xf32, #tpu.memory_space<vmem>>[vector<16xi32>], vector<16xf32>,
        %mul3A_569 = arith.constant 4 : i32
        %mul3A_570 = arith.muli %mul3A_569, %scan3A_542 : i32
        %add3A_571 = arith.constant 2 : i32
        %add3A_572 = arith.addi %mul3A_570, %add3A_571 : i32
        %mul3A_573 = arith.constant 16 : i32
        %mul3A_574 = arith.muli %add3A_572, %mul3A_573 : i32
        %get3A_575 = arith.constant 3 : i32
        %get3A_576 = arith.index_cast %get3A_575 : i32 to index
        %get3A_577 = arith.index_cast %mul3A_574 : i32 to index
        %get3A_578 = tpu.vector_load %arg4[%get3A_576, %get3A_577] {strides = array<i32>} : memref<8x768xf32, #tpu.memory_space<vmem>>, vector<16xf32>,
        %add3A_579 = arith.constant 512 : i32
        %add3A_580 = vector.broadcast %add3A_579 : i32 to vector<16xi32>
        %add3A_581 = arith.addi %scan3A_543, %add3A_580 : vector<16xi32>
        tpu.vector_store_idx %arg6[%add3A_581], %get3A_578 : memref<12288xf32, #tpu.memory_space<vmem>>[vector<16xi32>], vector<16xf32>,
        %mul3A_582 = arith.constant 4 : i32
        %mul3A_583 = arith.muli %mul3A_582, %scan3A_542 : i32
        %add3A_584 = arith.constant 3 : i32
        %add3A_585 = arith.addi %mul3A_583, %add3A_584 : i32
        %mul3A_586 = arith.constant 16 : i32
        %mul3A_587 = arith.muli %add3A_585, %mul3A_586 : i32
        %get3A_588 = arith.constant 3 : i32
        %get3A_589 = arith.index_cast %get3A_588 : i32 to index
        %get3A_590 = arith.index_cast %mul3A_587 : i32 to index
        %get3A_591 = tpu.vector_load %arg4[%get3A_589, %get3A_590] {strides = array<i32>} : memref<8x768xf32, #tpu.memory_space<vmem>>, vector<16xf32>,
        %add3A_592 = arith.constant 768 : i32
        %add3A_593 = vector.broadcast %add3A_592 : i32 to vector<16xi32>
        %add3A_594 = arith.addi %scan3A_543, %add3A_593 : vector<16xi32>
        tpu.vector_store_idx %arg6[%add3A_594], %get3A_591 : memref<12288xf32, #tpu.memory_space<vmem>>[vector<16xi32>], vector<16xf32>,
        %add3A_595 = arith.constant 1024 : i32
        %add3A_596 = vector.broadcast %add3A_595 : i32 to vector<16xi32>
        %add3A_597 = arith.addi %scan3A_543, %add3A_596 : vector<16xi32>
        scf.yield %add3A_597 : vector<16xi32>
      }
      %scan3A_365 = arith.constant 12 : i32
      %add3A_366 = arith.constant 4 : i32
      %add3A_367 = vector.broadcast %add3A_366 : i32 to vector<16xi32>
      %add3A_368 = arith.addi %mul3A_25, %add3A_367 : vector<16xi32>
      %scan3A_369 = arith.constant 0 : i32
      %scan3A_370 = arith.constant 12 : i32
      %scan3A_371 = arith.addi %scan3A_369, %scan3A_370 : i32
      %scan3A_372 = arith.constant 1 : i32
      %scan3A_373 = scf.for %scan3A_542 = %scan3A_369 to %scan3A_371 step %scan3A_372 iter_args(%scan3A_543 = %add3A_368) -> (vector<16xi32>)  : i32 {
        %mul3A_544 = arith.constant 4 : i32
        %mul3A_545 = arith.muli %mul3A_544, %scan3A_542 : i32
        %add3A_546 = arith.constant 0 : i32
        %add3A_547 = arith.addi %mul3A_545, %add3A_546 : i32
        %mul3A_548 = arith.constant 16 : i32
        %mul3A_549 = arith.muli %add3A_547, %mul3A_548 : i32
        %get3A = arith.constant 4 : i32
        %get3A_550 = arith.index_cast %get3A : i32 to index
        %get3A_551 = arith.index_cast %mul3A_549 : i32 to index
        %get3A_552 = tpu.vector_load %arg4[%get3A_550, %get3A_551] {strides = array<i32>} : memref<8x768xf32, #tpu.memory_space<vmem>>, vector<16xf32>,
        %add3A_553 = arith.constant 0 : i32
        %add3A_554 = vector.broadcast %add3A_553 : i32 to vector<16xi32>
        %add3A_555 = arith.addi %scan3A_543, %add3A_554 : vector<16xi32>
        tpu.vector_store_idx %arg6[%add3A_555], %get3A_552 : memref<12288xf32, #tpu.memory_space<vmem>>[vector<16xi32>], vector<16xf32>,
        %mul3A_556 = arith.constant 4 : i32
        %mul3A_557 = arith.muli %mul3A_556, %scan3A_542 : i32
        %add3A_558 = arith.constant 1 : i32
        %add3A_559 = arith.addi %mul3A_557, %add3A_558 : i32
        %mul3A_560 = arith.constant 16 : i32
        %mul3A_561 = arith.muli %add3A_559, %mul3A_560 : i32
        %get3A_562 = arith.constant 4 : i32
        %get3A_563 = arith.index_cast %get3A_562 : i32 to index
        %get3A_564 = arith.index_cast %mul3A_561 : i32 to index
        %get3A_565 = tpu.vector_load %arg4[%get3A_563, %get3A_564] {strides = array<i32>} : memref<8x768xf32, #tpu.memory_space<vmem>>, vector<16xf32>,
        %add3A_566 = arith.constant 256 : i32
        %add3A_567 = vector.broadcast %add3A_566 : i32 to vector<16xi32>
        %add3A_568 = arith.addi %scan3A_543, %add3A_567 : vector<16xi32>
        tpu.vector_store_idx %arg6[%add3A_568], %get3A_565 : memref<12288xf32, #tpu.memory_space<vmem>>[vector<16xi32>], vector<16xf32>,
        %mul3A_569 = arith.constant 4 : i32
        %mul3A_570 = arith.muli %mul3A_569, %scan3A_542 : i32
        %add3A_571 = arith.constant 2 : i32
        %add3A_572 = arith.addi %mul3A_570, %add3A_571 : i32
        %mul3A_573 = arith.constant 16 : i32
        %mul3A_574 = arith.muli %add3A_572, %mul3A_573 : i32
        %get3A_575 = arith.constant 4 : i32
        %get3A_576 = arith.index_cast %get3A_575 : i32 to index
        %get3A_577 = arith.index_cast %mul3A_574 : i32 to index
        %get3A_578 = tpu.vector_load %arg4[%get3A_576, %get3A_577] {strides = array<i32>} : memref<8x768xf32, #tpu.memory_space<vmem>>, vector<16xf32>,
        %add3A_579 = arith.constant 512 : i32
        %add3A_580 = vector.broadcast %add3A_579 : i32 to vector<16xi32>
        %add3A_581 = arith.addi %scan3A_543, %add3A_580 : vector<16xi32>
        tpu.vector_store_idx %arg6[%add3A_581], %get3A_578 : memref<12288xf32, #tpu.memory_space<vmem>>[vector<16xi32>], vector<16xf32>,
        %mul3A_582 = arith.constant 4 : i32
        %mul3A_583 = arith.muli %mul3A_582, %scan3A_542 : i32
        %add3A_584 = arith.constant 3 : i32
        %add3A_585 = arith.addi %mul3A_583, %add3A_584 : i32
        %mul3A_586 = arith.constant 16 : i32
        %mul3A_587 = arith.muli %add3A_585, %mul3A_586 : i32
        %get3A_588 = arith.constant 4 : i32
        %get3A_589 = arith.index_cast %get3A_588 : i32 to index
        %get3A_590 = arith.index_cast %mul3A_587 : i32 to index
        %get3A_591 = tpu.vector_load %arg4[%get3A_589, %get3A_590] {strides = array<i32>} : memref<8x768xf32, #tpu.memory_space<vmem>>, vector<16xf32>,
        %add3A_592 = arith.constant 768 : i32
        %add3A_593 = vector.broadcast %add3A_592 : i32 to vector<16xi32>
        %add3A_594 = arith.addi %scan3A_543, %add3A_593 : vector<16xi32>
        tpu.vector_store_idx %arg6[%add3A_594], %get3A_591 : memref<12288xf32, #tpu.memory_space<vmem>>[vector<16xi32>], vector<16xf32>,
        %add3A_595 = arith.constant 1024 : i32
        %add3A_596 = vector.broadcast %add3A_595 : i32 to vector<16xi32>
        %add3A_597 = arith.addi %scan3A_543, %add3A_596 : vector<16xi32>
        scf.yield %add3A_597 : vector<16xi32>
      }
      %scan3A_374 = arith.constant 12 : i32
      %add3A_375 = arith.constant 5 : i32
      %add3A_376 = vector.broadcast %add3A_375 : i32 to vector<16xi32>
      %add3A_377 = arith.addi %mul3A_25, %add3A_376 : vector<16xi32>
      %scan3A_378 = arith.constant 0 : i32
      %scan3A_379 = arith.constant 12 : i32
      %scan3A_380 = arith.addi %scan3A_378, %scan3A_379 : i32
      %scan3A_381 = arith.constant 1 : i32
      %scan3A_382 = scf.for %scan3A_542 = %scan3A_378 to %scan3A_380 step %scan3A_381 iter_args(%scan3A_543 = %add3A_377) -> (vector<16xi32>)  : i32 {
        %mul3A_544 = arith.constant 4 : i32
        %mul3A_545 = arith.muli %mul3A_544, %scan3A_542 : i32
        %add3A_546 = arith.constant 0 : i32
        %add3A_547 = arith.addi %mul3A_545, %add3A_546 : i32
        %mul3A_548 = arith.constant 16 : i32
        %mul3A_549 = arith.muli %add3A_547, %mul3A_548 : i32
        %get3A = arith.constant 5 : i32
        %get3A_550 = arith.index_cast %get3A : i32 to index
        %get3A_551 = arith.index_cast %mul3A_549 : i32 to index
        %get3A_552 = tpu.vector_load %arg4[%get3A_550, %get3A_551] {strides = array<i32>} : memref<8x768xf32, #tpu.memory_space<vmem>>, vector<16xf32>,
        %add3A_553 = arith.constant 0 : i32
        %add3A_554 = vector.broadcast %add3A_553 : i32 to vector<16xi32>
        %add3A_555 = arith.addi %scan3A_543, %add3A_554 : vector<16xi32>
        tpu.vector_store_idx %arg6[%add3A_555], %get3A_552 : memref<12288xf32, #tpu.memory_space<vmem>>[vector<16xi32>], vector<16xf32>,
        %mul3A_556 = arith.constant 4 : i32
        %mul3A_557 = arith.muli %mul3A_556, %scan3A_542 : i32
        %add3A_558 = arith.constant 1 : i32
        %add3A_559 = arith.addi %mul3A_557, %add3A_558 : i32
        %mul3A_560 = arith.constant 16 : i32
        %mul3A_561 = arith.muli %add3A_559, %mul3A_560 : i32
        %get3A_562 = arith.constant 5 : i32
        %get3A_563 = arith.index_cast %get3A_562 : i32 to index
        %get3A_564 = arith.index_cast %mul3A_561 : i32 to index
        %get3A_565 = tpu.vector_load %arg4[%get3A_563, %get3A_564] {strides = array<i32>} : memref<8x768xf32, #tpu.memory_space<vmem>>, vector<16xf32>,
        %add3A_566 = arith.constant 256 : i32
        %add3A_567 = vector.broadcast %add3A_566 : i32 to vector<16xi32>
        %add3A_568 = arith.addi %scan3A_543, %add3A_567 : vector<16xi32>
        tpu.vector_store_idx %arg6[%add3A_568], %get3A_565 : memref<12288xf32, #tpu.memory_space<vmem>>[vector<16xi32>], vector<16xf32>,
        %mul3A_569 = arith.constant 4 : i32
        %mul3A_570 = arith.muli %mul3A_569, %scan3A_542 : i32
        %add3A_571 = arith.constant 2 : i32
        %add3A_572 = arith.addi %mul3A_570, %add3A_571 : i32
        %mul3A_573 = arith.constant 16 : i32
        %mul3A_574 = arith.muli %add3A_572, %mul3A_573 : i32
        %get3A_575 = arith.constant 5 : i32
        %get3A_576 = arith.index_cast %get3A_575 : i32 to index
        %get3A_577 = arith.index_cast %mul3A_574 : i32 to index
        %get3A_578 = tpu.vector_load %arg4[%get3A_576, %get3A_577] {strides = array<i32>} : memref<8x768xf32, #tpu.memory_space<vmem>>, vector<16xf32>,
        %add3A_579 = arith.constant 512 : i32
        %add3A_580 = vector.broadcast %add3A_579 : i32 to vector<16xi32>
        %add3A_581 = arith.addi %scan3A_543, %add3A_580 : vector<16xi32>
        tpu.vector_store_idx %arg6[%add3A_581], %get3A_578 : memref<12288xf32, #tpu.memory_space<vmem>>[vector<16xi32>], vector<16xf32>,
        %mul3A_582 = arith.constant 4 : i32
        %mul3A_583 = arith.muli %mul3A_582, %scan3A_542 : i32
        %add3A_584 = arith.constant 3 : i32
        %add3A_585 = arith.addi %mul3A_583, %add3A_584 : i32
        %mul3A_586 = arith.constant 16 : i32
        %mul3A_587 = arith.muli %add3A_585, %mul3A_586 : i32
        %get3A_588 = arith.constant 5 : i32
        %get3A_589 = arith.index_cast %get3A_588 : i32 to index
        %get3A_590 = arith.index_cast %mul3A_587 : i32 to index
        %get3A_591 = tpu.vector_load %arg4[%get3A_589, %get3A_590] {strides = array<i32>} : memref<8x768xf32, #tpu.memory_space<vmem>>, vector<16xf32>,
        %add3A_592 = arith.constant 768 : i32
        %add3A_593 = vector.broadcast %add3A_592 : i32 to vector<16xi32>
        %add3A_594 = arith.addi %scan3A_543, %add3A_593 : vector<16xi32>
        tpu.vector_store_idx %arg6[%add3A_594], %get3A_591 : memref<12288xf32, #tpu.memory_space<vmem>>[vector<16xi32>], vector<16xf32>,
        %add3A_595 = arith.constant 1024 : i32
        %add3A_596 = vector.broadcast %add3A_595 : i32 to vector<16xi32>
        %add3A_597 = arith.addi %scan3A_543, %add3A_596 : vector<16xi32>
        scf.yield %add3A_597 : vector<16xi32>
      }
      %scan3A_383 = arith.constant 12 : i32
      %add3A_384 = arith.constant 6 : i32
      %add3A_385 = vector.broadcast %add3A_384 : i32 to vector<16xi32>
      %add3A_386 = arith.addi %mul3A_25, %add3A_385 : vector<16xi32>
      %scan3A_387 = arith.constant 0 : i32
      %scan3A_388 = arith.constant 12 : i32
      %scan3A_389 = arith.addi %scan3A_387, %scan3A_388 : i32
      %scan3A_390 = arith.constant 1 : i32
      %scan3A_391 = scf.for %scan3A_542 = %scan3A_387 to %scan3A_389 step %scan3A_390 iter_args(%scan3A_543 = %add3A_386) -> (vector<16xi32>)  : i32 {
        %mul3A_544 = arith.constant 4 : i32
        %mul3A_545 = arith.muli %mul3A_544, %scan3A_542 : i32
        %add3A_546 = arith.constant 0 : i32
        %add3A_547 = arith.addi %mul3A_545, %add3A_546 : i32
        %mul3A_548 = arith.constant 16 : i32
        %mul3A_549 = arith.muli %add3A_547, %mul3A_548 : i32
        %get3A = arith.constant 6 : i32
        %get3A_550 = arith.index_cast %get3A : i32 to index
        %get3A_551 = arith.index_cast %mul3A_549 : i32 to index
        %get3A_552 = tpu.vector_load %arg4[%get3A_550, %get3A_551] {strides = array<i32>} : memref<8x768xf32, #tpu.memory_space<vmem>>, vector<16xf32>,
        %add3A_553 = arith.constant 0 : i32
        %add3A_554 = vector.broadcast %add3A_553 : i32 to vector<16xi32>
        %add3A_555 = arith.addi %scan3A_543, %add3A_554 : vector<16xi32>
        tpu.vector_store_idx %arg6[%add3A_555], %get3A_552 : memref<12288xf32, #tpu.memory_space<vmem>>[vector<16xi32>], vector<16xf32>,
        %mul3A_556 = arith.constant 4 : i32
        %mul3A_557 = arith.muli %mul3A_556, %scan3A_542 : i32
        %add3A_558 = arith.constant 1 : i32
        %add3A_559 = arith.addi %mul3A_557, %add3A_558 : i32
        %mul3A_560 = arith.constant 16 : i32
        %mul3A_561 = arith.muli %add3A_559, %mul3A_560 : i32
        %get3A_562 = arith.constant 6 : i32
        %get3A_563 = arith.index_cast %get3A_562 : i32 to index
        %get3A_564 = arith.index_cast %mul3A_561 : i32 to index
        %get3A_565 = tpu.vector_load %arg4[%get3A_563, %get3A_564] {strides = array<i32>} : memref<8x768xf32, #tpu.memory_space<vmem>>, vector<16xf32>,
        %add3A_566 = arith.constant 256 : i32
        %add3A_567 = vector.broadcast %add3A_566 : i32 to vector<16xi32>
        %add3A_568 = arith.addi %scan3A_543, %add3A_567 : vector<16xi32>
        tpu.vector_store_idx %arg6[%add3A_568], %get3A_565 : memref<12288xf32, #tpu.memory_space<vmem>>[vector<16xi32>], vector<16xf32>,
        %mul3A_569 = arith.constant 4 : i32
        %mul3A_570 = arith.muli %mul3A_569, %scan3A_542 : i32
        %add3A_571 = arith.constant 2 : i32
        %add3A_572 = arith.addi %mul3A_570, %add3A_571 : i32
        %mul3A_573 = arith.constant 16 : i32
        %mul3A_574 = arith.muli %add3A_572, %mul3A_573 : i32
        %get3A_575 = arith.constant 6 : i32
        %get3A_576 = arith.index_cast %get3A_575 : i32 to index
        %get3A_577 = arith.index_cast %mul3A_574 : i32 to index
        %get3A_578 = tpu.vector_load %arg4[%get3A_576, %get3A_577] {strides = array<i32>} : memref<8x768xf32, #tpu.memory_space<vmem>>, vector<16xf32>,
        %add3A_579 = arith.constant 512 : i32
        %add3A_580 = vector.broadcast %add3A_579 : i32 to vector<16xi32>
        %add3A_581 = arith.addi %scan3A_543, %add3A_580 : vector<16xi32>
        tpu.vector_store_idx %arg6[%add3A_581], %get3A_578 : memref<12288xf32, #tpu.memory_space<vmem>>[vector<16xi32>], vector<16xf32>,
        %mul3A_582 = arith.constant 4 : i32
        %mul3A_583 = arith.muli %mul3A_582, %scan3A_542 : i32
        %add3A_584 = arith.constant 3 : i32
        %add3A_585 = arith.addi %mul3A_583, %add3A_584 : i32
        %mul3A_586 = arith.constant 16 : i32
        %mul3A_587 = arith.muli %add3A_585, %mul3A_586 : i32
        %get3A_588 = arith.constant 6 : i32
        %get3A_589 = arith.index_cast %get3A_588 : i32 to index
        %get3A_590 = arith.index_cast %mul3A_587 : i32 to index
        %get3A_591 = tpu.vector_load %arg4[%get3A_589, %get3A_590] {strides = array<i32>} : memref<8x768xf32, #tpu.memory_space<vmem>>, vector<16xf32>,
        %add3A_592 = arith.constant 768 : i32
        %add3A_593 = vector.broadcast %add3A_592 : i32 to vector<16xi32>
        %add3A_594 = arith.addi %scan3A_543, %add3A_593 : vector<16xi32>
        tpu.vector_store_idx %arg6[%add3A_594], %get3A_591 : memref<12288xf32, #tpu.memory_space<vmem>>[vector<16xi32>], vector<16xf32>,
        %add3A_595 = arith.constant 1024 : i32
        %add3A_596 = vector.broadcast %add3A_595 : i32 to vector<16xi32>
        %add3A_597 = arith.addi %scan3A_543, %add3A_596 : vector<16xi32>
        scf.yield %add3A_597 : vector<16xi32>
      }
      %scan3A_392 = arith.constant 12 : i32
      %add3A_393 = arith.constant 7 : i32
      %add3A_394 = vector.broadcast %add3A_393 : i32 to vector<16xi32>
      %add3A_395 = arith.addi %mul3A_25, %add3A_394 : vector<16xi32>
      %scan3A_396 = arith.constant 0 : i32
      %scan3A_397 = arith.constant 12 : i32
      %scan3A_398 = arith.addi %scan3A_396, %scan3A_397 : i32
      %scan3A_399 = arith.constant 1 : i32
      %scan3A_400 = scf.for %scan3A_542 = %scan3A_396 to %scan3A_398 step %scan3A_399 iter_args(%scan3A_543 = %add3A_395) -> (vector<16xi32>)  : i32 {
        %mul3A_544 = arith.constant 4 : i32
        %mul3A_545 = arith.muli %mul3A_544, %scan3A_542 : i32
        %add3A_546 = arith.constant 0 : i32
        %add3A_547 = arith.addi %mul3A_545, %add3A_546 : i32
        %mul3A_548 = arith.constant 16 : i32
        %mul3A_549 = arith.muli %add3A_547, %mul3A_548 : i32
        %get3A = arith.constant 7 : i32
        %get3A_550 = arith.index_cast %get3A : i32 to index
        %get3A_551 = arith.index_cast %mul3A_549 : i32 to index
        %get3A_552 = tpu.vector_load %arg4[%get3A_550, %get3A_551] {strides = array<i32>} : memref<8x768xf32, #tpu.memory_space<vmem>>, vector<16xf32>,
        %add3A_553 = arith.constant 0 : i32
        %add3A_554 = vector.broadcast %add3A_553 : i32 to vector<16xi32>
        %add3A_555 = arith.addi %scan3A_543, %add3A_554 : vector<16xi32>
        tpu.vector_store_idx %arg6[%add3A_555], %get3A_552 : memref<12288xf32, #tpu.memory_space<vmem>>[vector<16xi32>], vector<16xf32>,
        %mul3A_556 = arith.constant 4 : i32
        %mul3A_557 = arith.muli %mul3A_556, %scan3A_542 : i32
        %add3A_558 = arith.constant 1 : i32
        %add3A_559 = arith.addi %mul3A_557, %add3A_558 : i32
        %mul3A_560 = arith.constant 16 : i32
        %mul3A_561 = arith.muli %add3A_559, %mul3A_560 : i32
        %get3A_562 = arith.constant 7 : i32
        %get3A_563 = arith.index_cast %get3A_562 : i32 to index
        %get3A_564 = arith.index_cast %mul3A_561 : i32 to index
        %get3A_565 = tpu.vector_load %arg4[%get3A_563, %get3A_564] {strides = array<i32>} : memref<8x768xf32, #tpu.memory_space<vmem>>, vector<16xf32>,
        %add3A_566 = arith.constant 256 : i32
        %add3A_567 = vector.broadcast %add3A_566 : i32 to vector<16xi32>
        %add3A_568 = arith.addi %scan3A_543, %add3A_567 : vector<16xi32>
        tpu.vector_store_idx %arg6[%add3A_568], %get3A_565 : memref<12288xf32, #tpu.memory_space<vmem>>[vector<16xi32>], vector<16xf32>,
        %mul3A_569 = arith.constant 4 : i32
        %mul3A_570 = arith.muli %mul3A_569, %scan3A_542 : i32
        %add3A_571 = arith.constant 2 : i32
        %add3A_572 = arith.addi %mul3A_570, %add3A_571 : i32
        %mul3A_573 = arith.constant 16 : i32
        %mul3A_574 = arith.muli %add3A_572, %mul3A_573 : i32
        %get3A_575 = arith.constant 7 : i32
        %get3A_576 = arith.index_cast %get3A_575 : i32 to index
        %get3A_577 = arith.index_cast %mul3A_574 : i32 to index
        %get3A_578 = tpu.vector_load %arg4[%get3A_576, %get3A_577] {strides = array<i32>} : memref<8x768xf32, #tpu.memory_space<vmem>>, vector<16xf32>,
        %add3A_579 = arith.constant 512 : i32
        %add3A_580 = vector.broadcast %add3A_579 : i32 to vector<16xi32>
        %add3A_581 = arith.addi %scan3A_543, %add3A_580 : vector<16xi32>
        tpu.vector_store_idx %arg6[%add3A_581], %get3A_578 : memref<12288xf32, #tpu.memory_space<vmem>>[vector<16xi32>], vector<16xf32>,
        %mul3A_582 = arith.constant 4 : i32
        %mul3A_583 = arith.muli %mul3A_582, %scan3A_542 : i32
        %add3A_584 = arith.constant 3 : i32
        %add3A_585 = arith.addi %mul3A_583, %add3A_584 : i32
        %mul3A_586 = arith.constant 16 : i32
        %mul3A_587 = arith.muli %add3A_585, %mul3A_586 : i32
        %get3A_588 = arith.constant 7 : i32
        %get3A_589 = arith.index_cast %get3A_588 : i32 to index
        %get3A_590 = arith.index_cast %mul3A_587 : i32 to index
        %get3A_591 = tpu.vector_load %arg4[%get3A_589, %get3A_590] {strides = array<i32>} : memref<8x768xf32, #tpu.memory_space<vmem>>, vector<16xf32>,
        %add3A_592 = arith.constant 768 : i32
        %add3A_593 = vector.broadcast %add3A_592 : i32 to vector<16xi32>
        %add3A_594 = arith.addi %scan3A_543, %add3A_593 : vector<16xi32>
        tpu.vector_store_idx %arg6[%add3A_594], %get3A_591 : memref<12288xf32, #tpu.memory_space<vmem>>[vector<16xi32>], vector<16xf32>,
        %add3A_595 = arith.constant 1024 : i32
        %add3A_596 = vector.broadcast %add3A_595 : i32 to vector<16xi32>
        %add3A_597 = arith.addi %scan3A_543, %add3A_596 : vector<16xi32>
        scf.yield %add3A_597 : vector<16xi32>
      }
      %scan3A_401 = arith.constant 12 : i32
      %mul3A_402 = arith.constant 768 : i32
      %mul3A_403 = arith.muli %mul3A_317, %mul3A_402 : i32
      %add3A_404 = arith.addi %mul3A_4, %mul3A_403 : i32
      %mul3A_405 = arith.constant 16 : i32
      %mul3A_406 = arith.muli %add3A_404, %mul3A_405 : i32
      %dma_start3A_407 = tpu.memref_slice %arg3[%mul3A_406] : memref<16121856xf32, #tpu.memory_space<hbm>> -> memref<12288xf32, #tpu.memory_space<hbm>>
      %dma_start3A_408 = tpu.memref_slice %arg3[%mul3A_406] : memref<16121856xf32, #tpu.memory_space<hbm>> -> memref<12288xf32, #tpu.memory_space<hbm>>
      tpu.enqueue_dma source(%arg6 : memref<12288xf32, #tpu.memory_space<vmem>>) target(%dma_start3A_408 : memref<12288xf32, #tpu.memory_space<hbm>>) target_semaphore(%arg10 : memref<!tpu.dma_semaphore, #tpu.memory_space<semaphore_mem>>)
      %add3A_409 = arith.constant 2 : i32
      %add3A_410 = arith.addi %mul3A_317, %add3A_409 : i32
      %jit3A = arith.constant 41 : i32
      %eq3A = arith.constant 0 : i32
      %eq3A_411 = arith.cmpi eq, %jit3A, %eq3A : i32
      %jit3A_412 = arith.constant 1 : i32
      %select_n3A = arith.select %eq3A_411, %jit3A_412, %jit3A : i32
      %rem3A = arith.remsi %add3A_410, %select_n3A : i32
      %ne3A = arith.constant 0 : i32
      %ne3A_413 = arith.cmpi ne, %rem3A, %ne3A : i32
      %lt3A = arith.constant 0 : i32
      %lt3A_414 = arith.cmpi slt, %rem3A, %lt3A : i32
      %lt3A_415 = arith.constant 0 : i32
      %lt3A_416 = arith.cmpi slt, %select_n3A, %lt3A_415 : i32
      %ne3A_417 = arith.xori %lt3A_414, %lt3A_416 : i1
      %and3A = arith.andi %ne3A_417, %ne3A_413 : i1
      %add3A_418 = arith.addi %rem3A, %select_n3A : i32
      %select_n3A_419 = arith.select %and3A, %add3A_418, %rem3A : i32
      %mul3A_420 = arith.constant 768 : i32
      %mul3A_421 = arith.muli %select_n3A_419, %mul3A_420 : i32
      %add3A_422 = arith.addi %mul3A_4, %mul3A_421 : i32
      %dma_start3A_423 = arith.constant 0 : i32
      %dma_start3A_424 = tpu.memref_slice %arg2[%dma_start3A_423, %add3A_422] : memref<8x1007616xf32, #tpu.memory_space<hbm>> -> memref<8x768xf32, #tpu.memory_space<hbm>>
      %dma_start3A_425 = arith.constant 0 : i32
      %dma_start3A_426 = tpu.memref_slice %arg2[%dma_start3A_425, %add3A_422] : memref<8x1007616xf32, #tpu.memory_space<hbm>> -> memref<8x768xf32, #tpu.memory_space<hbm>>
      tpu.enqueue_dma source(%dma_start3A_426 : memref<8x768xf32, #tpu.memory_space<hbm>>) target(%arg4 : memref<8x768xf32, #tpu.memory_space<vmem>>) target_semaphore(%arg8 : memref<!tpu.dma_semaphore, #tpu.memory_space<semaphore_mem>>)
      %dma_wait3A_427 = arith.constant 0 : i32
      %dma_wait3A_428 = arith.constant 0 : i32
      %dma_wait3A_429 = tpu.memref_slice %arg2[%dma_wait3A_427, %dma_wait3A_428] : memref<8x1007616xf32, #tpu.memory_space<hbm>> -> memref<8x768xf32, #tpu.memory_space<hbm>>
      %dma_wait3A_430 = arith.constant 0 : i32
      %dma_wait3A_431 = arith.constant 0 : i32
      %dma_wait3A_432 = tpu.memref_slice %arg2[%dma_wait3A_430, %dma_wait3A_431] : memref<8x1007616xf32, #tpu.memory_space<hbm>> -> memref<8x768xf32, #tpu.memory_space<hbm>>
      tpu.wait_dma2 semaphore(%arg9 : memref<!tpu.dma_semaphore, #tpu.memory_space<semaphore_mem>>) src(%dma_wait3A_432 : memref<8x768xf32, #tpu.memory_space<hbm>>) dst(%arg5 : memref<8x768xf32, #tpu.memory_space<vmem>>)
      %dma_wait3A_433 = arith.constant 0 : i32
      %dma_wait3A_434 = tpu.memref_slice %arg3[%dma_wait3A_433] : memref<16121856xf32, #tpu.memory_space<hbm>> -> memref<12288xf32, #tpu.memory_space<hbm>>
      %dma_wait3A_435 = arith.constant 0 : i32
      %dma_wait3A_436 = tpu.memref_slice %arg3[%dma_wait3A_435] : memref<16121856xf32, #tpu.memory_space<hbm>> -> memref<12288xf32, #tpu.memory_space<hbm>>
      tpu.wait_dma2 semaphore(%arg11 : memref<!tpu.dma_semaphore, #tpu.memory_space<semaphore_mem>>) src(%dma_wait3A_436 : memref<12288xf32, #tpu.memory_space<hbm>>) dst(%arg7 : memref<12288xf32, #tpu.memory_space<vmem>>)
      %add3A_437 = arith.constant 0 : i32
      %add3A_438 = vector.broadcast %add3A_437 : i32 to vector<16xi32>
      %add3A_439 = arith.addi %mul3A_25, %add3A_438 : vector<16xi32>
      %scan3A_440 = arith.constant 0 : i32
      %scan3A_441 = arith.constant 12 : i32
      %scan3A_442 = arith.addi %scan3A_440, %scan3A_441 : i32
      %scan3A_443 = arith.constant 1 : i32
      %scan3A_444 = scf.for %scan3A_542 = %scan3A_440 to %scan3A_442 step %scan3A_443 iter_args(%scan3A_543 = %add3A_439) -> (vector<16xi32>)  : i32 {
        %mul3A_544 = arith.constant 4 : i32
        %mul3A_545 = arith.muli %mul3A_544, %scan3A_542 : i32
        %add3A_546 = arith.constant 0 : i32
        %add3A_547 = arith.addi %mul3A_545, %add3A_546 : i32
        %mul3A_548 = arith.constant 16 : i32
        %mul3A_549 = arith.muli %add3A_547, %mul3A_548 : i32
        %get3A = arith.constant 0 : i32
        %get3A_550 = arith.index_cast %get3A : i32 to index
        %get3A_551 = arith.index_cast %mul3A_549 : i32 to index
        %get3A_552 = tpu.vector_load %arg5[%get3A_550, %get3A_551] {strides = array<i32>} : memref<8x768xf32, #tpu.memory_space<vmem>>, vector<16xf32>,
        %add3A_553 = arith.constant 0 : i32
        %add3A_554 = vector.broadcast %add3A_553 : i32 to vector<16xi32>
        %add3A_555 = arith.addi %scan3A_543, %add3A_554 : vector<16xi32>
        tpu.vector_store_idx %arg7[%add3A_555], %get3A_552 : memref<12288xf32, #tpu.memory_space<vmem>>[vector<16xi32>], vector<16xf32>,
        %mul3A_556 = arith.constant 4 : i32
        %mul3A_557 = arith.muli %mul3A_556, %scan3A_542 : i32
        %add3A_558 = arith.constant 1 : i32
        %add3A_559 = arith.addi %mul3A_557, %add3A_558 : i32
        %mul3A_560 = arith.constant 16 : i32
        %mul3A_561 = arith.muli %add3A_559, %mul3A_560 : i32
        %get3A_562 = arith.constant 0 : i32
        %get3A_563 = arith.index_cast %get3A_562 : i32 to index
        %get3A_564 = arith.index_cast %mul3A_561 : i32 to index
        %get3A_565 = tpu.vector_load %arg5[%get3A_563, %get3A_564] {strides = array<i32>} : memref<8x768xf32, #tpu.memory_space<vmem>>, vector<16xf32>,
        %add3A_566 = arith.constant 256 : i32
        %add3A_567 = vector.broadcast %add3A_566 : i32 to vector<16xi32>
        %add3A_568 = arith.addi %scan3A_543, %add3A_567 : vector<16xi32>
        tpu.vector_store_idx %arg7[%add3A_568], %get3A_565 : memref<12288xf32, #tpu.memory_space<vmem>>[vector<16xi32>], vector<16xf32>,
        %mul3A_569 = arith.constant 4 : i32
        %mul3A_570 = arith.muli %mul3A_569, %scan3A_542 : i32
        %add3A_571 = arith.constant 2 : i32
        %add3A_572 = arith.addi %mul3A_570, %add3A_571 : i32
        %mul3A_573 = arith.constant 16 : i32
        %mul3A_574 = arith.muli %add3A_572, %mul3A_573 : i32
        %get3A_575 = arith.constant 0 : i32
        %get3A_576 = arith.index_cast %get3A_575 : i32 to index
        %get3A_577 = arith.index_cast %mul3A_574 : i32 to index
        %get3A_578 = tpu.vector_load %arg5[%get3A_576, %get3A_577] {strides = array<i32>} : memref<8x768xf32, #tpu.memory_space<vmem>>, vector<16xf32>,
        %add3A_579 = arith.constant 512 : i32
        %add3A_580 = vector.broadcast %add3A_579 : i32 to vector<16xi32>
        %add3A_581 = arith.addi %scan3A_543, %add3A_580 : vector<16xi32>
        tpu.vector_store_idx %arg7[%add3A_581], %get3A_578 : memref<12288xf32, #tpu.memory_space<vmem>>[vector<16xi32>], vector<16xf32>,
        %mul3A_582 = arith.constant 4 : i32
        %mul3A_583 = arith.muli %mul3A_582, %scan3A_542 : i32
        %add3A_584 = arith.constant 3 : i32
        %add3A_585 = arith.addi %mul3A_583, %add3A_584 : i32
        %mul3A_586 = arith.constant 16 : i32
        %mul3A_587 = arith.muli %add3A_585, %mul3A_586 : i32
        %get3A_588 = arith.constant 0 : i32
        %get3A_589 = arith.index_cast %get3A_588 : i32 to index
        %get3A_590 = arith.index_cast %mul3A_587 : i32 to index
        %get3A_591 = tpu.vector_load %arg5[%get3A_589, %get3A_590] {strides = array<i32>} : memref<8x768xf32, #tpu.memory_space<vmem>>, vector<16xf32>,
        %add3A_592 = arith.constant 768 : i32
        %add3A_593 = vector.broadcast %add3A_592 : i32 to vector<16xi32>
        %add3A_594 = arith.addi %scan3A_543, %add3A_593 : vector<16xi32>
        tpu.vector_store_idx %arg7[%add3A_594], %get3A_591 : memref<12288xf32, #tpu.memory_space<vmem>>[vector<16xi32>], vector<16xf32>,
        %add3A_595 = arith.constant 1024 : i32
        %add3A_596 = vector.broadcast %add3A_595 : i32 to vector<16xi32>
        %add3A_597 = arith.addi %scan3A_543, %add3A_596 : vector<16xi32>
        scf.yield %add3A_597 : vector<16xi32>
      }
      %scan3A_445 = arith.constant 12 : i32
      %add3A_446 = arith.constant 1 : i32
      %add3A_447 = vector.broadcast %add3A_446 : i32 to vector<16xi32>
      %add3A_448 = arith.addi %mul3A_25, %add3A_447 : vector<16xi32>
      %scan3A_449 = arith.constant 0 : i32
      %scan3A_450 = arith.constant 12 : i32
      %scan3A_451 = arith.addi %scan3A_449, %scan3A_450 : i32
      %scan3A_452 = arith.constant 1 : i32
      %scan3A_453 = scf.for %scan3A_542 = %scan3A_449 to %scan3A_451 step %scan3A_452 iter_args(%scan3A_543 = %add3A_448) -> (vector<16xi32>)  : i32 {
        %mul3A_544 = arith.constant 4 : i32
        %mul3A_545 = arith.muli %mul3A_544, %scan3A_542 : i32
        %add3A_546 = arith.constant 0 : i32
        %add3A_547 = arith.addi %mul3A_545, %add3A_546 : i32
        %mul3A_548 = arith.constant 16 : i32
        %mul3A_549 = arith.muli %add3A_547, %mul3A_548 : i32
        %get3A = arith.constant 1 : i32
        %get3A_550 = arith.index_cast %get3A : i32 to index
        %get3A_551 = arith.index_cast %mul3A_549 : i32 to index
        %get3A_552 = tpu.vector_load %arg5[%get3A_550, %get3A_551] {strides = array<i32>} : memref<8x768xf32, #tpu.memory_space<vmem>>, vector<16xf32>,
        %add3A_553 = arith.constant 0 : i32
        %add3A_554 = vector.broadcast %add3A_553 : i32 to vector<16xi32>
        %add3A_555 = arith.addi %scan3A_543, %add3A_554 : vector<16xi32>
        tpu.vector_store_idx %arg7[%add3A_555], %get3A_552 : memref<12288xf32, #tpu.memory_space<vmem>>[vector<16xi32>], vector<16xf32>,
        %mul3A_556 = arith.constant 4 : i32
        %mul3A_557 = arith.muli %mul3A_556, %scan3A_542 : i32
        %add3A_558 = arith.constant 1 : i32
        %add3A_559 = arith.addi %mul3A_557, %add3A_558 : i32
        %mul3A_560 = arith.constant 16 : i32
        %mul3A_561 = arith.muli %add3A_559, %mul3A_560 : i32
        %get3A_562 = arith.constant 1 : i32
        %get3A_563 = arith.index_cast %get3A_562 : i32 to index
        %get3A_564 = arith.index_cast %mul3A_561 : i32 to index
        %get3A_565 = tpu.vector_load %arg5[%get3A_563, %get3A_564] {strides = array<i32>} : memref<8x768xf32, #tpu.memory_space<vmem>>, vector<16xf32>,
        %add3A_566 = arith.constant 256 : i32
        %add3A_567 = vector.broadcast %add3A_566 : i32 to vector<16xi32>
        %add3A_568 = arith.addi %scan3A_543, %add3A_567 : vector<16xi32>
        tpu.vector_store_idx %arg7[%add3A_568], %get3A_565 : memref<12288xf32, #tpu.memory_space<vmem>>[vector<16xi32>], vector<16xf32>,
        %mul3A_569 = arith.constant 4 : i32
        %mul3A_570 = arith.muli %mul3A_569, %scan3A_542 : i32
        %add3A_571 = arith.constant 2 : i32
        %add3A_572 = arith.addi %mul3A_570, %add3A_571 : i32
        %mul3A_573 = arith.constant 16 : i32
        %mul3A_574 = arith.muli %add3A_572, %mul3A_573 : i32
        %get3A_575 = arith.constant 1 : i32
        %get3A_576 = arith.index_cast %get3A_575 : i32 to index
        %get3A_577 = arith.index_cast %mul3A_574 : i32 to index
        %get3A_578 = tpu.vector_load %arg5[%get3A_576, %get3A_577] {strides = array<i32>} : memref<8x768xf32, #tpu.memory_space<vmem>>, vector<16xf32>,
        %add3A_579 = arith.constant 512 : i32
        %add3A_580 = vector.broadcast %add3A_579 : i32 to vector<16xi32>
        %add3A_581 = arith.addi %scan3A_543, %add3A_580 : vector<16xi32>
        tpu.vector_store_idx %arg7[%add3A_581], %get3A_578 : memref<12288xf32, #tpu.memory_space<vmem>>[vector<16xi32>], vector<16xf32>,
        %mul3A_582 = arith.constant 4 : i32
        %mul3A_583 = arith.muli %mul3A_582, %scan3A_542 : i32
        %add3A_584 = arith.constant 3 : i32
        %add3A_585 = arith.addi %mul3A_583, %add3A_584 : i32
        %mul3A_586 = arith.constant 16 : i32
        %mul3A_587 = arith.muli %add3A_585, %mul3A_586 : i32
        %get3A_588 = arith.constant 1 : i32
        %get3A_589 = arith.index_cast %get3A_588 : i32 to index
        %get3A_590 = arith.index_cast %mul3A_587 : i32 to index
        %get3A_591 = tpu.vector_load %arg5[%get3A_589, %get3A_590] {strides = array<i32>} : memref<8x768xf32, #tpu.memory_space<vmem>>, vector<16xf32>,
        %add3A_592 = arith.constant 768 : i32
        %add3A_593 = vector.broadcast %add3A_592 : i32 to vector<16xi32>
        %add3A_594 = arith.addi %scan3A_543, %add3A_593 : vector<16xi32>
        tpu.vector_store_idx %arg7[%add3A_594], %get3A_591 : memref<12288xf32, #tpu.memory_space<vmem>>[vector<16xi32>], vector<16xf32>,
        %add3A_595 = arith.constant 1024 : i32
        %add3A_596 = vector.broadcast %add3A_595 : i32 to vector<16xi32>
        %add3A_597 = arith.addi %scan3A_543, %add3A_596 : vector<16xi32>
        scf.yield %add3A_597 : vector<16xi32>
      }
      %scan3A_454 = arith.constant 12 : i32
      %add3A_455 = arith.constant 2 : i32
      %add3A_456 = vector.broadcast %add3A_455 : i32 to vector<16xi32>
      %add3A_457 = arith.addi %mul3A_25, %add3A_456 : vector<16xi32>
      %scan3A_458 = arith.constant 0 : i32
      %scan3A_459 = arith.constant 12 : i32
      %scan3A_460 = arith.addi %scan3A_458, %scan3A_459 : i32
      %scan3A_461 = arith.constant 1 : i32
      %scan3A_462 = scf.for %scan3A_542 = %scan3A_458 to %scan3A_460 step %scan3A_461 iter_args(%scan3A_543 = %add3A_457) -> (vector<16xi32>)  : i32 {
        %mul3A_544 = arith.constant 4 : i32
        %mul3A_545 = arith.muli %mul3A_544, %scan3A_542 : i32
        %add3A_546 = arith.constant 0 : i32
        %add3A_547 = arith.addi %mul3A_545, %add3A_546 : i32
        %mul3A_548 = arith.constant 16 : i32
        %mul3A_549 = arith.muli %add3A_547, %mul3A_548 : i32
        %get3A = arith.constant 2 : i32
        %get3A_550 = arith.index_cast %get3A : i32 to index
        %get3A_551 = arith.index_cast %mul3A_549 : i32 to index
        %get3A_552 = tpu.vector_load %arg5[%get3A_550, %get3A_551] {strides = array<i32>} : memref<8x768xf32, #tpu.memory_space<vmem>>, vector<16xf32>,
        %add3A_553 = arith.constant 0 : i32
        %add3A_554 = vector.broadcast %add3A_553 : i32 to vector<16xi32>
        %add3A_555 = arith.addi %scan3A_543, %add3A_554 : vector<16xi32>
        tpu.vector_store_idx %arg7[%add3A_555], %get3A_552 : memref<12288xf32, #tpu.memory_space<vmem>>[vector<16xi32>], vector<16xf32>,
        %mul3A_556 = arith.constant 4 : i32
        %mul3A_557 = arith.muli %mul3A_556, %scan3A_542 : i32
        %add3A_558 = arith.constant 1 : i32
        %add3A_559 = arith.addi %mul3A_557, %add3A_558 : i32
        %mul3A_560 = arith.constant 16 : i32
        %mul3A_561 = arith.muli %add3A_559, %mul3A_560 : i32
        %get3A_562 = arith.constant 2 : i32
        %get3A_563 = arith.index_cast %get3A_562 : i32 to index
        %get3A_564 = arith.index_cast %mul3A_561 : i32 to index
        %get3A_565 = tpu.vector_load %arg5[%get3A_563, %get3A_564] {strides = array<i32>} : memref<8x768xf32, #tpu.memory_space<vmem>>, vector<16xf32>,
        %add3A_566 = arith.constant 256 : i32
        %add3A_567 = vector.broadcast %add3A_566 : i32 to vector<16xi32>
        %add3A_568 = arith.addi %scan3A_543, %add3A_567 : vector<16xi32>
        tpu.vector_store_idx %arg7[%add3A_568], %get3A_565 : memref<12288xf32, #tpu.memory_space<vmem>>[vector<16xi32>], vector<16xf32>,
        %mul3A_569 = arith.constant 4 : i32
        %mul3A_570 = arith.muli %mul3A_569, %scan3A_542 : i32
        %add3A_571 = arith.constant 2 : i32
        %add3A_572 = arith.addi %mul3A_570, %add3A_571 : i32
        %mul3A_573 = arith.constant 16 : i32
        %mul3A_574 = arith.muli %add3A_572, %mul3A_573 : i32
        %get3A_575 = arith.constant 2 : i32
        %get3A_576 = arith.index_cast %get3A_575 : i32 to index
        %get3A_577 = arith.index_cast %mul3A_574 : i32 to index
        %get3A_578 = tpu.vector_load %arg5[%get3A_576, %get3A_577] {strides = array<i32>} : memref<8x768xf32, #tpu.memory_space<vmem>>, vector<16xf32>,
        %add3A_579 = arith.constant 512 : i32
        %add3A_580 = vector.broadcast %add3A_579 : i32 to vector<16xi32>
        %add3A_581 = arith.addi %scan3A_543, %add3A_580 : vector<16xi32>
        tpu.vector_store_idx %arg7[%add3A_581], %get3A_578 : memref<12288xf32, #tpu.memory_space<vmem>>[vector<16xi32>], vector<16xf32>,
        %mul3A_582 = arith.constant 4 : i32
        %mul3A_583 = arith.muli %mul3A_582, %scan3A_542 : i32
        %add3A_584 = arith.constant 3 : i32
        %add3A_585 = arith.addi %mul3A_583, %add3A_584 : i32
        %mul3A_586 = arith.constant 16 : i32
        %mul3A_587 = arith.muli %add3A_585, %mul3A_586 : i32
        %get3A_588 = arith.constant 2 : i32
        %get3A_589 = arith.index_cast %get3A_588 : i32 to index
        %get3A_590 = arith.index_cast %mul3A_587 : i32 to index
        %get3A_591 = tpu.vector_load %arg5[%get3A_589, %get3A_590] {strides = array<i32>} : memref<8x768xf32, #tpu.memory_space<vmem>>, vector<16xf32>,
        %add3A_592 = arith.constant 768 : i32
        %add3A_593 = vector.broadcast %add3A_592 : i32 to vector<16xi32>
        %add3A_594 = arith.addi %scan3A_543, %add3A_593 : vector<16xi32>
        tpu.vector_store_idx %arg7[%add3A_594], %get3A_591 : memref<12288xf32, #tpu.memory_space<vmem>>[vector<16xi32>], vector<16xf32>,
        %add3A_595 = arith.constant 1024 : i32
        %add3A_596 = vector.broadcast %add3A_595 : i32 to vector<16xi32>
        %add3A_597 = arith.addi %scan3A_543, %add3A_596 : vector<16xi32>
        scf.yield %add3A_597 : vector<16xi32>
      }
      %scan3A_463 = arith.constant 12 : i32
      %add3A_464 = arith.constant 3 : i32
      %add3A_465 = vector.broadcast %add3A_464 : i32 to vector<16xi32>
      %add3A_466 = arith.addi %mul3A_25, %add3A_465 : vector<16xi32>
      %scan3A_467 = arith.constant 0 : i32
      %scan3A_468 = arith.constant 12 : i32
      %scan3A_469 = arith.addi %scan3A_467, %scan3A_468 : i32
      %scan3A_470 = arith.constant 1 : i32
      %scan3A_471 = scf.for %scan3A_542 = %scan3A_467 to %scan3A_469 step %scan3A_470 iter_args(%scan3A_543 = %add3A_466) -> (vector<16xi32>)  : i32 {
        %mul3A_544 = arith.constant 4 : i32
        %mul3A_545 = arith.muli %mul3A_544, %scan3A_542 : i32
        %add3A_546 = arith.constant 0 : i32
        %add3A_547 = arith.addi %mul3A_545, %add3A_546 : i32
        %mul3A_548 = arith.constant 16 : i32
        %mul3A_549 = arith.muli %add3A_547, %mul3A_548 : i32
        %get3A = arith.constant 3 : i32
        %get3A_550 = arith.index_cast %get3A : i32 to index
        %get3A_551 = arith.index_cast %mul3A_549 : i32 to index
        %get3A_552 = tpu.vector_load %arg5[%get3A_550, %get3A_551] {strides = array<i32>} : memref<8x768xf32, #tpu.memory_space<vmem>>, vector<16xf32>,
        %add3A_553 = arith.constant 0 : i32
        %add3A_554 = vector.broadcast %add3A_553 : i32 to vector<16xi32>
        %add3A_555 = arith.addi %scan3A_543, %add3A_554 : vector<16xi32>
        tpu.vector_store_idx %arg7[%add3A_555], %get3A_552 : memref<12288xf32, #tpu.memory_space<vmem>>[vector<16xi32>], vector<16xf32>,
        %mul3A_556 = arith.constant 4 : i32
        %mul3A_557 = arith.muli %mul3A_556, %scan3A_542 : i32
        %add3A_558 = arith.constant 1 : i32
        %add3A_559 = arith.addi %mul3A_557, %add3A_558 : i32
        %mul3A_560 = arith.constant 16 : i32
        %mul3A_561 = arith.muli %add3A_559, %mul3A_560 : i32
        %get3A_562 = arith.constant 3 : i32
        %get3A_563 = arith.index_cast %get3A_562 : i32 to index
        %get3A_564 = arith.index_cast %mul3A_561 : i32 to index
        %get3A_565 = tpu.vector_load %arg5[%get3A_563, %get3A_564] {strides = array<i32>} : memref<8x768xf32, #tpu.memory_space<vmem>>, vector<16xf32>,
        %add3A_566 = arith.constant 256 : i32
        %add3A_567 = vector.broadcast %add3A_566 : i32 to vector<16xi32>
        %add3A_568 = arith.addi %scan3A_543, %add3A_567 : vector<16xi32>
        tpu.vector_store_idx %arg7[%add3A_568], %get3A_565 : memref<12288xf32, #tpu.memory_space<vmem>>[vector<16xi32>], vector<16xf32>,
        %mul3A_569 = arith.constant 4 : i32
        %mul3A_570 = arith.muli %mul3A_569, %scan3A_542 : i32
        %add3A_571 = arith.constant 2 : i32
        %add3A_572 = arith.addi %mul3A_570, %add3A_571 : i32
        %mul3A_573 = arith.constant 16 : i32
        %mul3A_574 = arith.muli %add3A_572, %mul3A_573 : i32
        %get3A_575 = arith.constant 3 : i32
        %get3A_576 = arith.index_cast %get3A_575 : i32 to index
        %get3A_577 = arith.index_cast %mul3A_574 : i32 to index
        %get3A_578 = tpu.vector_load %arg5[%get3A_576, %get3A_577] {strides = array<i32>} : memref<8x768xf32, #tpu.memory_space<vmem>>, vector<16xf32>,
        %add3A_579 = arith.constant 512 : i32
        %add3A_580 = vector.broadcast %add3A_579 : i32 to vector<16xi32>
        %add3A_581 = arith.addi %scan3A_543, %add3A_580 : vector<16xi32>
        tpu.vector_store_idx %arg7[%add3A_581], %get3A_578 : memref<12288xf32, #tpu.memory_space<vmem>>[vector<16xi32>], vector<16xf32>,
        %mul3A_582 = arith.constant 4 : i32
        %mul3A_583 = arith.muli %mul3A_582, %scan3A_542 : i32
        %add3A_584 = arith.constant 3 : i32
        %add3A_585 = arith.addi %mul3A_583, %add3A_584 : i32
        %mul3A_586 = arith.constant 16 : i32
        %mul3A_587 = arith.muli %add3A_585, %mul3A_586 : i32
        %get3A_588 = arith.constant 3 : i32
        %get3A_589 = arith.index_cast %get3A_588 : i32 to index
        %get3A_590 = arith.index_cast %mul3A_587 : i32 to index
        %get3A_591 = tpu.vector_load %arg5[%get3A_589, %get3A_590] {strides = array<i32>} : memref<8x768xf32, #tpu.memory_space<vmem>>, vector<16xf32>,
        %add3A_592 = arith.constant 768 : i32
        %add3A_593 = vector.broadcast %add3A_592 : i32 to vector<16xi32>
        %add3A_594 = arith.addi %scan3A_543, %add3A_593 : vector<16xi32>
        tpu.vector_store_idx %arg7[%add3A_594], %get3A_591 : memref<12288xf32, #tpu.memory_space<vmem>>[vector<16xi32>], vector<16xf32>,
        %add3A_595 = arith.constant 1024 : i32
        %add3A_596 = vector.broadcast %add3A_595 : i32 to vector<16xi32>
        %add3A_597 = arith.addi %scan3A_543, %add3A_596 : vector<16xi32>
        scf.yield %add3A_597 : vector<16xi32>
      }
      %scan3A_472 = arith.constant 12 : i32
      %add3A_473 = arith.constant 4 : i32
      %add3A_474 = vector.broadcast %add3A_473 : i32 to vector<16xi32>
      %add3A_475 = arith.addi %mul3A_25, %add3A_474 : vector<16xi32>
      %scan3A_476 = arith.constant 0 : i32
      %scan3A_477 = arith.constant 12 : i32
      %scan3A_478 = arith.addi %scan3A_476, %scan3A_477 : i32
      %scan3A_479 = arith.constant 1 : i32
      %scan3A_480 = scf.for %scan3A_542 = %scan3A_476 to %scan3A_478 step %scan3A_479 iter_args(%scan3A_543 = %add3A_475) -> (vector<16xi32>)  : i32 {
        %mul3A_544 = arith.constant 4 : i32
        %mul3A_545 = arith.muli %mul3A_544, %scan3A_542 : i32
        %add3A_546 = arith.constant 0 : i32
        %add3A_547 = arith.addi %mul3A_545, %add3A_546 : i32
        %mul3A_548 = arith.constant 16 : i32
        %mul3A_549 = arith.muli %add3A_547, %mul3A_548 : i32
        %get3A = arith.constant 4 : i32
        %get3A_550 = arith.index_cast %get3A : i32 to index
        %get3A_551 = arith.index_cast %mul3A_549 : i32 to index
        %get3A_552 = tpu.vector_load %arg5[%get3A_550, %get3A_551] {strides = array<i32>} : memref<8x768xf32, #tpu.memory_space<vmem>>, vector<16xf32>,
        %add3A_553 = arith.constant 0 : i32
        %add3A_554 = vector.broadcast %add3A_553 : i32 to vector<16xi32>
        %add3A_555 = arith.addi %scan3A_543, %add3A_554 : vector<16xi32>
        tpu.vector_store_idx %arg7[%add3A_555], %get3A_552 : memref<12288xf32, #tpu.memory_space<vmem>>[vector<16xi32>], vector<16xf32>,
        %mul3A_556 = arith.constant 4 : i32
        %mul3A_557 = arith.muli %mul3A_556, %scan3A_542 : i32
        %add3A_558 = arith.constant 1 : i32
        %add3A_559 = arith.addi %mul3A_557, %add3A_558 : i32
        %mul3A_560 = arith.constant 16 : i32
        %mul3A_561 = arith.muli %add3A_559, %mul3A_560 : i32
        %get3A_562 = arith.constant 4 : i32
        %get3A_563 = arith.index_cast %get3A_562 : i32 to index
        %get3A_564 = arith.index_cast %mul3A_561 : i32 to index
        %get3A_565 = tpu.vector_load %arg5[%get3A_563, %get3A_564] {strides = array<i32>} : memref<8x768xf32, #tpu.memory_space<vmem>>, vector<16xf32>,
        %add3A_566 = arith.constant 256 : i32
        %add3A_567 = vector.broadcast %add3A_566 : i32 to vector<16xi32>
        %add3A_568 = arith.addi %scan3A_543, %add3A_567 : vector<16xi32>
        tpu.vector_store_idx %arg7[%add3A_568], %get3A_565 : memref<12288xf32, #tpu.memory_space<vmem>>[vector<16xi32>], vector<16xf32>,
        %mul3A_569 = arith.constant 4 : i32
        %mul3A_570 = arith.muli %mul3A_569, %scan3A_542 : i32
        %add3A_571 = arith.constant 2 : i32
        %add3A_572 = arith.addi %mul3A_570, %add3A_571 : i32
        %mul3A_573 = arith.constant 16 : i32
        %mul3A_574 = arith.muli %add3A_572, %mul3A_573 : i32
        %get3A_575 = arith.constant 4 : i32
        %get3A_576 = arith.index_cast %get3A_575 : i32 to index
        %get3A_577 = arith.index_cast %mul3A_574 : i32 to index
        %get3A_578 = tpu.vector_load %arg5[%get3A_576, %get3A_577] {strides = array<i32>} : memref<8x768xf32, #tpu.memory_space<vmem>>, vector<16xf32>,
        %add3A_579 = arith.constant 512 : i32
        %add3A_580 = vector.broadcast %add3A_579 : i32 to vector<16xi32>
        %add3A_581 = arith.addi %scan3A_543, %add3A_580 : vector<16xi32>
        tpu.vector_store_idx %arg7[%add3A_581], %get3A_578 : memref<12288xf32, #tpu.memory_space<vmem>>[vector<16xi32>], vector<16xf32>,
        %mul3A_582 = arith.constant 4 : i32
        %mul3A_583 = arith.muli %mul3A_582, %scan3A_542 : i32
        %add3A_584 = arith.constant 3 : i32
        %add3A_585 = arith.addi %mul3A_583, %add3A_584 : i32
        %mul3A_586 = arith.constant 16 : i32
        %mul3A_587 = arith.muli %add3A_585, %mul3A_586 : i32
        %get3A_588 = arith.constant 4 : i32
        %get3A_589 = arith.index_cast %get3A_588 : i32 to index
        %get3A_590 = arith.index_cast %mul3A_587 : i32 to index
        %get3A_591 = tpu.vector_load %arg5[%get3A_589, %get3A_590] {strides = array<i32>} : memref<8x768xf32, #tpu.memory_space<vmem>>, vector<16xf32>,
        %add3A_592 = arith.constant 768 : i32
        %add3A_593 = vector.broadcast %add3A_592 : i32 to vector<16xi32>
        %add3A_594 = arith.addi %scan3A_543, %add3A_593 : vector<16xi32>
        tpu.vector_store_idx %arg7[%add3A_594], %get3A_591 : memref<12288xf32, #tpu.memory_space<vmem>>[vector<16xi32>], vector<16xf32>,
        %add3A_595 = arith.constant 1024 : i32
        %add3A_596 = vector.broadcast %add3A_595 : i32 to vector<16xi32>
        %add3A_597 = arith.addi %scan3A_543, %add3A_596 : vector<16xi32>
        scf.yield %add3A_597 : vector<16xi32>
      }
      %scan3A_481 = arith.constant 12 : i32
      %add3A_482 = arith.constant 5 : i32
      %add3A_483 = vector.broadcast %add3A_482 : i32 to vector<16xi32>
      %add3A_484 = arith.addi %mul3A_25, %add3A_483 : vector<16xi32>
      %scan3A_485 = arith.constant 0 : i32
      %scan3A_486 = arith.constant 12 : i32
      %scan3A_487 = arith.addi %scan3A_485, %scan3A_486 : i32
      %scan3A_488 = arith.constant 1 : i32
      %scan3A_489 = scf.for %scan3A_542 = %scan3A_485 to %scan3A_487 step %scan3A_488 iter_args(%scan3A_543 = %add3A_484) -> (vector<16xi32>)  : i32 {
        %mul3A_544 = arith.constant 4 : i32
        %mul3A_545 = arith.muli %mul3A_544, %scan3A_542 : i32
        %add3A_546 = arith.constant 0 : i32
        %add3A_547 = arith.addi %mul3A_545, %add3A_546 : i32
        %mul3A_548 = arith.constant 16 : i32
        %mul3A_549 = arith.muli %add3A_547, %mul3A_548 : i32
        %get3A = arith.constant 5 : i32
        %get3A_550 = arith.index_cast %get3A : i32 to index
        %get3A_551 = arith.index_cast %mul3A_549 : i32 to index
        %get3A_552 = tpu.vector_load %arg5[%get3A_550, %get3A_551] {strides = array<i32>} : memref<8x768xf32, #tpu.memory_space<vmem>>, vector<16xf32>,
        %add3A_553 = arith.constant 0 : i32
        %add3A_554 = vector.broadcast %add3A_553 : i32 to vector<16xi32>
        %add3A_555 = arith.addi %scan3A_543, %add3A_554 : vector<16xi32>
        tpu.vector_store_idx %arg7[%add3A_555], %get3A_552 : memref<12288xf32, #tpu.memory_space<vmem>>[vector<16xi32>], vector<16xf32>,
        %mul3A_556 = arith.constant 4 : i32
        %mul3A_557 = arith.muli %mul3A_556, %scan3A_542 : i32
        %add3A_558 = arith.constant 1 : i32
        %add3A_559 = arith.addi %mul3A_557, %add3A_558 : i32
        %mul3A_560 = arith.constant 16 : i32
        %mul3A_561 = arith.muli %add3A_559, %mul3A_560 : i32
        %get3A_562 = arith.constant 5 : i32
        %get3A_563 = arith.index_cast %get3A_562 : i32 to index
        %get3A_564 = arith.index_cast %mul3A_561 : i32 to index
        %get3A_565 = tpu.vector_load %arg5[%get3A_563, %get3A_564] {strides = array<i32>} : memref<8x768xf32, #tpu.memory_space<vmem>>, vector<16xf32>,
        %add3A_566 = arith.constant 256 : i32
        %add3A_567 = vector.broadcast %add3A_566 : i32 to vector<16xi32>
        %add3A_568 = arith.addi %scan3A_543, %add3A_567 : vector<16xi32>
        tpu.vector_store_idx %arg7[%add3A_568], %get3A_565 : memref<12288xf32, #tpu.memory_space<vmem>>[vector<16xi32>], vector<16xf32>,
        %mul3A_569 = arith.constant 4 : i32
        %mul3A_570 = arith.muli %mul3A_569, %scan3A_542 : i32
        %add3A_571 = arith.constant 2 : i32
        %add3A_572 = arith.addi %mul3A_570, %add3A_571 : i32
        %mul3A_573 = arith.constant 16 : i32
        %mul3A_574 = arith.muli %add3A_572, %mul3A_573 : i32
        %get3A_575 = arith.constant 5 : i32
        %get3A_576 = arith.index_cast %get3A_575 : i32 to index
        %get3A_577 = arith.index_cast %mul3A_574 : i32 to index
        %get3A_578 = tpu.vector_load %arg5[%get3A_576, %get3A_577] {strides = array<i32>} : memref<8x768xf32, #tpu.memory_space<vmem>>, vector<16xf32>,
        %add3A_579 = arith.constant 512 : i32
        %add3A_580 = vector.broadcast %add3A_579 : i32 to vector<16xi32>
        %add3A_581 = arith.addi %scan3A_543, %add3A_580 : vector<16xi32>
        tpu.vector_store_idx %arg7[%add3A_581], %get3A_578 : memref<12288xf32, #tpu.memory_space<vmem>>[vector<16xi32>], vector<16xf32>,
        %mul3A_582 = arith.constant 4 : i32
        %mul3A_583 = arith.muli %mul3A_582, %scan3A_542 : i32
        %add3A_584 = arith.constant 3 : i32
        %add3A_585 = arith.addi %mul3A_583, %add3A_584 : i32
        %mul3A_586 = arith.constant 16 : i32
        %mul3A_587 = arith.muli %add3A_585, %mul3A_586 : i32
        %get3A_588 = arith.constant 5 : i32
        %get3A_589 = arith.index_cast %get3A_588 : i32 to index
        %get3A_590 = arith.index_cast %mul3A_587 : i32 to index
        %get3A_591 = tpu.vector_load %arg5[%get3A_589, %get3A_590] {strides = array<i32>} : memref<8x768xf32, #tpu.memory_space<vmem>>, vector<16xf32>,
        %add3A_592 = arith.constant 768 : i32
        %add3A_593 = vector.broadcast %add3A_592 : i32 to vector<16xi32>
        %add3A_594 = arith.addi %scan3A_543, %add3A_593 : vector<16xi32>
        tpu.vector_store_idx %arg7[%add3A_594], %get3A_591 : memref<12288xf32, #tpu.memory_space<vmem>>[vector<16xi32>], vector<16xf32>,
        %add3A_595 = arith.constant 1024 : i32
        %add3A_596 = vector.broadcast %add3A_595 : i32 to vector<16xi32>
        %add3A_597 = arith.addi %scan3A_543, %add3A_596 : vector<16xi32>
        scf.yield %add3A_597 : vector<16xi32>
      }
      %scan3A_490 = arith.constant 12 : i32
      %add3A_491 = arith.constant 6 : i32
      %add3A_492 = vector.broadcast %add3A_491 : i32 to vector<16xi32>
      %add3A_493 = arith.addi %mul3A_25, %add3A_492 : vector<16xi32>
      %scan3A_494 = arith.constant 0 : i32
      %scan3A_495 = arith.constant 12 : i32
      %scan3A_496 = arith.addi %scan3A_494, %scan3A_495 : i32
      %scan3A_497 = arith.constant 1 : i32
      %scan3A_498 = scf.for %scan3A_542 = %scan3A_494 to %scan3A_496 step %scan3A_497 iter_args(%scan3A_543 = %add3A_493) -> (vector<16xi32>)  : i32 {
        %mul3A_544 = arith.constant 4 : i32
        %mul3A_545 = arith.muli %mul3A_544, %scan3A_542 : i32
        %add3A_546 = arith.constant 0 : i32
        %add3A_547 = arith.addi %mul3A_545, %add3A_546 : i32
        %mul3A_548 = arith.constant 16 : i32
        %mul3A_549 = arith.muli %add3A_547, %mul3A_548 : i32
        %get3A = arith.constant 6 : i32
        %get3A_550 = arith.index_cast %get3A : i32 to index
        %get3A_551 = arith.index_cast %mul3A_549 : i32 to index
        %get3A_552 = tpu.vector_load %arg5[%get3A_550, %get3A_551] {strides = array<i32>} : memref<8x768xf32, #tpu.memory_space<vmem>>, vector<16xf32>,
        %add3A_553 = arith.constant 0 : i32
        %add3A_554 = vector.broadcast %add3A_553 : i32 to vector<16xi32>
        %add3A_555 = arith.addi %scan3A_543, %add3A_554 : vector<16xi32>
        tpu.vector_store_idx %arg7[%add3A_555], %get3A_552 : memref<12288xf32, #tpu.memory_space<vmem>>[vector<16xi32>], vector<16xf32>,
        %mul3A_556 = arith.constant 4 : i32
        %mul3A_557 = arith.muli %mul3A_556, %scan3A_542 : i32
        %add3A_558 = arith.constant 1 : i32
        %add3A_559 = arith.addi %mul3A_557, %add3A_558 : i32
        %mul3A_560 = arith.constant 16 : i32
        %mul3A_561 = arith.muli %add3A_559, %mul3A_560 : i32
        %get3A_562 = arith.constant 6 : i32
        %get3A_563 = arith.index_cast %get3A_562 : i32 to index
        %get3A_564 = arith.index_cast %mul3A_561 : i32 to index
        %get3A_565 = tpu.vector_load %arg5[%get3A_563, %get3A_564] {strides = array<i32>} : memref<8x768xf32, #tpu.memory_space<vmem>>, vector<16xf32>,
        %add3A_566 = arith.constant 256 : i32
        %add3A_567 = vector.broadcast %add3A_566 : i32 to vector<16xi32>
        %add3A_568 = arith.addi %scan3A_543, %add3A_567 : vector<16xi32>
        tpu.vector_store_idx %arg7[%add3A_568], %get3A_565 : memref<12288xf32, #tpu.memory_space<vmem>>[vector<16xi32>], vector<16xf32>,
        %mul3A_569 = arith.constant 4 : i32
        %mul3A_570 = arith.muli %mul3A_569, %scan3A_542 : i32
        %add3A_571 = arith.constant 2 : i32
        %add3A_572 = arith.addi %mul3A_570, %add3A_571 : i32
        %mul3A_573 = arith.constant 16 : i32
        %mul3A_574 = arith.muli %add3A_572, %mul3A_573 : i32
        %get3A_575 = arith.constant 6 : i32
        %get3A_576 = arith.index_cast %get3A_575 : i32 to index
        %get3A_577 = arith.index_cast %mul3A_574 : i32 to index
        %get3A_578 = tpu.vector_load %arg5[%get3A_576, %get3A_577] {strides = array<i32>} : memref<8x768xf32, #tpu.memory_space<vmem>>, vector<16xf32>,
        %add3A_579 = arith.constant 512 : i32
        %add3A_580 = vector.broadcast %add3A_579 : i32 to vector<16xi32>
        %add3A_581 = arith.addi %scan3A_543, %add3A_580 : vector<16xi32>
        tpu.vector_store_idx %arg7[%add3A_581], %get3A_578 : memref<12288xf32, #tpu.memory_space<vmem>>[vector<16xi32>], vector<16xf32>,
        %mul3A_582 = arith.constant 4 : i32
        %mul3A_583 = arith.muli %mul3A_582, %scan3A_542 : i32
        %add3A_584 = arith.constant 3 : i32
        %add3A_585 = arith.addi %mul3A_583, %add3A_584 : i32
        %mul3A_586 = arith.constant 16 : i32
        %mul3A_587 = arith.muli %add3A_585, %mul3A_586 : i32
        %get3A_588 = arith.constant 6 : i32
        %get3A_589 = arith.index_cast %get3A_588 : i32 to index
        %get3A_590 = arith.index_cast %mul3A_587 : i32 to index
        %get3A_591 = tpu.vector_load %arg5[%get3A_589, %get3A_590] {strides = array<i32>} : memref<8x768xf32, #tpu.memory_space<vmem>>, vector<16xf32>,
        %add3A_592 = arith.constant 768 : i32
        %add3A_593 = vector.broadcast %add3A_592 : i32 to vector<16xi32>
        %add3A_594 = arith.addi %scan3A_543, %add3A_593 : vector<16xi32>
        tpu.vector_store_idx %arg7[%add3A_594], %get3A_591 : memref<12288xf32, #tpu.memory_space<vmem>>[vector<16xi32>], vector<16xf32>,
        %add3A_595 = arith.constant 1024 : i32
        %add3A_596 = vector.broadcast %add3A_595 : i32 to vector<16xi32>
        %add3A_597 = arith.addi %scan3A_543, %add3A_596 : vector<16xi32>
        scf.yield %add3A_597 : vector<16xi32>
      }
      %scan3A_499 = arith.constant 12 : i32
      %add3A_500 = arith.constant 7 : i32
      %add3A_501 = vector.broadcast %add3A_500 : i32 to vector<16xi32>
      %add3A_502 = arith.addi %mul3A_25, %add3A_501 : vector<16xi32>
      %scan3A_503 = arith.constant 0 : i32
      %scan3A_504 = arith.constant 12 : i32
      %scan3A_505 = arith.addi %scan3A_503, %scan3A_504 : i32
      %scan3A_506 = arith.constant 1 : i32
      %scan3A_507 = scf.for %scan3A_542 = %scan3A_503 to %scan3A_505 step %scan3A_506 iter_args(%scan3A_543 = %add3A_502) -> (vector<16xi32>)  : i32 {
        %mul3A_544 = arith.constant 4 : i32
        %mul3A_545 = arith.muli %mul3A_544, %scan3A_542 : i32
        %add3A_546 = arith.constant 0 : i32
        %add3A_547 = arith.addi %mul3A_545, %add3A_546 : i32
        %mul3A_548 = arith.constant 16 : i32
        %mul3A_549 = arith.muli %add3A_547, %mul3A_548 : i32
        %get3A = arith.constant 7 : i32
        %get3A_550 = arith.index_cast %get3A : i32 to index
        %get3A_551 = arith.index_cast %mul3A_549 : i32 to index
        %get3A_552 = tpu.vector_load %arg5[%get3A_550, %get3A_551] {strides = array<i32>} : memref<8x768xf32, #tpu.memory_space<vmem>>, vector<16xf32>,
        %add3A_553 = arith.constant 0 : i32
        %add3A_554 = vector.broadcast %add3A_553 : i32 to vector<16xi32>
        %add3A_555 = arith.addi %scan3A_543, %add3A_554 : vector<16xi32>
        tpu.vector_store_idx %arg7[%add3A_555], %get3A_552 : memref<12288xf32, #tpu.memory_space<vmem>>[vector<16xi32>], vector<16xf32>,
        %mul3A_556 = arith.constant 4 : i32
        %mul3A_557 = arith.muli %mul3A_556, %scan3A_542 : i32
        %add3A_558 = arith.constant 1 : i32
        %add3A_559 = arith.addi %mul3A_557, %add3A_558 : i32
        %mul3A_560 = arith.constant 16 : i32
        %mul3A_561 = arith.muli %add3A_559, %mul3A_560 : i32
        %get3A_562 = arith.constant 7 : i32
        %get3A_563 = arith.index_cast %get3A_562 : i32 to index
        %get3A_564 = arith.index_cast %mul3A_561 : i32 to index
        %get3A_565 = tpu.vector_load %arg5[%get3A_563, %get3A_564] {strides = array<i32>} : memref<8x768xf32, #tpu.memory_space<vmem>>, vector<16xf32>,
        %add3A_566 = arith.constant 256 : i32
        %add3A_567 = vector.broadcast %add3A_566 : i32 to vector<16xi32>
        %add3A_568 = arith.addi %scan3A_543, %add3A_567 : vector<16xi32>
        tpu.vector_store_idx %arg7[%add3A_568], %get3A_565 : memref<12288xf32, #tpu.memory_space<vmem>>[vector<16xi32>], vector<16xf32>,
        %mul3A_569 = arith.constant 4 : i32
        %mul3A_570 = arith.muli %mul3A_569, %scan3A_542 : i32
        %add3A_571 = arith.constant 2 : i32
        %add3A_572 = arith.addi %mul3A_570, %add3A_571 : i32
        %mul3A_573 = arith.constant 16 : i32
        %mul3A_574 = arith.muli %add3A_572, %mul3A_573 : i32
        %get3A_575 = arith.constant 7 : i32
        %get3A_576 = arith.index_cast %get3A_575 : i32 to index
        %get3A_577 = arith.index_cast %mul3A_574 : i32 to index
        %get3A_578 = tpu.vector_load %arg5[%get3A_576, %get3A_577] {strides = array<i32>} : memref<8x768xf32, #tpu.memory_space<vmem>>, vector<16xf32>,
        %add3A_579 = arith.constant 512 : i32
        %add3A_580 = vector.broadcast %add3A_579 : i32 to vector<16xi32>
        %add3A_581 = arith.addi %scan3A_543, %add3A_580 : vector<16xi32>
        tpu.vector_store_idx %arg7[%add3A_581], %get3A_578 : memref<12288xf32, #tpu.memory_space<vmem>>[vector<16xi32>], vector<16xf32>,
        %mul3A_582 = arith.constant 4 : i32
        %mul3A_583 = arith.muli %mul3A_582, %scan3A_542 : i32
        %add3A_584 = arith.constant 3 : i32
        %add3A_585 = arith.addi %mul3A_583, %add3A_584 : i32
        %mul3A_586 = arith.constant 16 : i32
        %mul3A_587 = arith.muli %add3A_585, %mul3A_586 : i32
        %get3A_588 = arith.constant 7 : i32
        %get3A_589 = arith.index_cast %get3A_588 : i32 to index
        %get3A_590 = arith.index_cast %mul3A_587 : i32 to index
        %get3A_591 = tpu.vector_load %arg5[%get3A_589, %get3A_590] {strides = array<i32>} : memref<8x768xf32, #tpu.memory_space<vmem>>, vector<16xf32>,
        %add3A_592 = arith.constant 768 : i32
        %add3A_593 = vector.broadcast %add3A_592 : i32 to vector<16xi32>
        %add3A_594 = arith.addi %scan3A_543, %add3A_593 : vector<16xi32>
        tpu.vector_store_idx %arg7[%add3A_594], %get3A_591 : memref<12288xf32, #tpu.memory_space<vmem>>[vector<16xi32>], vector<16xf32>,
        %add3A_595 = arith.constant 1024 : i32
        %add3A_596 = vector.broadcast %add3A_595 : i32 to vector<16xi32>
        %add3A_597 = arith.addi %scan3A_543, %add3A_596 : vector<16xi32>
        scf.yield %add3A_597 : vector<16xi32>
      }
      %scan3A_508 = arith.constant 12 : i32
      %mul3A_509 = arith.constant 768 : i32
      %mul3A_510 = arith.muli %add3A_319, %mul3A_509 : i32
      %add3A_511 = arith.addi %mul3A_4, %mul3A_510 : i32
      %mul3A_512 = arith.constant 16 : i32
      %mul3A_513 = arith.muli %add3A_511, %mul3A_512 : i32
      %dma_start3A_514 = tpu.memref_slice %arg3[%mul3A_513] : memref<16121856xf32, #tpu.memory_space<hbm>> -> memref<12288xf32, #tpu.memory_space<hbm>>
      %dma_start3A_515 = tpu.memref_slice %arg3[%mul3A_513] : memref<16121856xf32, #tpu.memory_space<hbm>> -> memref<12288xf32, #tpu.memory_space<hbm>>
      tpu.enqueue_dma source(%arg7 : memref<12288xf32, #tpu.memory_space<vmem>>) target(%dma_start3A_515 : memref<12288xf32, #tpu.memory_space<hbm>>) target_semaphore(%arg11 : memref<!tpu.dma_semaphore, #tpu.memory_space<semaphore_mem>>)
      %add3A_516 = arith.constant 2 : i32
      %add3A_517 = arith.addi %add3A_319, %add3A_516 : i32
      %jit3A_518 = arith.constant 41 : i32
      %eq3A_519 = arith.constant 0 : i32
      %eq3A_520 = arith.cmpi eq, %jit3A_518, %eq3A_519 : i32
      %jit3A_521 = arith.constant 1 : i32
      %select_n3A_522 = arith.select %eq3A_520, %jit3A_521, %jit3A_518 : i32
      %rem3A_523 = arith.remsi %add3A_517, %select_n3A_522 : i32
      %ne3A_524 = arith.constant 0 : i32
      %ne3A_525 = arith.cmpi ne, %rem3A_523, %ne3A_524 : i32
      %lt3A_526 = arith.constant 0 : i32
      %lt3A_527 = arith.cmpi slt, %rem3A_523, %lt3A_526 : i32
      %lt3A_528 = arith.constant 0 : i32
      %lt3A_529 = arith.cmpi slt, %select_n3A_522, %lt3A_528 : i32
      %ne3A_530 = arith.xori %lt3A_527, %lt3A_529 : i1
      %and3A_531 = arith.andi %ne3A_530, %ne3A_525 : i1
      %add3A_532 = arith.addi %rem3A_523, %select_n3A_522 : i32
      %select_n3A_533 = arith.select %and3A_531, %add3A_532, %rem3A_523 : i32
      %mul3A_534 = arith.constant 768 : i32
      %mul3A_535 = arith.muli %select_n3A_533, %mul3A_534 : i32
      %add3A_536 = arith.addi %mul3A_4, %mul3A_535 : i32
      %dma_start3A_537 = arith.constant 0 : i32
      %dma_start3A_538 = tpu.memref_slice %arg2[%dma_start3A_537, %add3A_536] : memref<8x1007616xf32, #tpu.memory_space<hbm>> -> memref<8x768xf32, #tpu.memory_space<hbm>>
      %dma_start3A_539 = arith.constant 0 : i32
      %dma_start3A_540 = tpu.memref_slice %arg2[%dma_start3A_539, %add3A_536] : memref<8x1007616xf32, #tpu.memory_space<hbm>> -> memref<8x768xf32, #tpu.memory_space<hbm>>
      tpu.enqueue_dma source(%dma_start3A_540 : memref<8x768xf32, #tpu.memory_space<hbm>>) target(%arg5 : memref<8x768xf32, #tpu.memory_space<vmem>>) target_semaphore(%arg9 : memref<!tpu.dma_semaphore, #tpu.memory_space<semaphore_mem>>)
      %scan3A_541 = arith.constant 0 : i32
      scf.yield %scan3A_541 : i32
    }
    %scan3A_211 = arith.constant 19 : i32
    %dma_wait3A_212 = arith.constant 0 : i32
    %dma_wait3A_213 = arith.constant 0 : i32
    %dma_wait3A_214 = tpu.memref_slice %arg2[%dma_wait3A_212, %dma_wait3A_213] : memref<8x1007616xf32, #tpu.memory_space<hbm>> -> memref<8x768xf32, #tpu.memory_space<hbm>>
    %dma_wait3A_215 = arith.constant 0 : i32
    %dma_wait3A_216 = arith.constant 0 : i32
    %dma_wait3A_217 = tpu.memref_slice %arg2[%dma_wait3A_215, %dma_wait3A_216] : memref<8x1007616xf32, #tpu.memory_space<hbm>> -> memref<8x768xf32, #tpu.memory_space<hbm>>
    tpu.wait_dma2 semaphore(%arg8 : memref<!tpu.dma_semaphore, #tpu.memory_space<semaphore_mem>>) src(%dma_wait3A_217 : memref<8x768xf32, #tpu.memory_space<hbm>>) dst(%arg4 : memref<8x768xf32, #tpu.memory_space<vmem>>)
    %dma_wait3A_218 = arith.constant 0 : i32
    %dma_wait3A_219 = tpu.memref_slice %arg3[%dma_wait3A_218] : memref<16121856xf32, #tpu.memory_space<hbm>> -> memref<12288xf32, #tpu.memory_space<hbm>>
    %dma_wait3A_220 = arith.constant 0 : i32
    %dma_wait3A_221 = tpu.memref_slice %arg3[%dma_wait3A_220] : memref<16121856xf32, #tpu.memory_space<hbm>> -> memref<12288xf32, #tpu.memory_space<hbm>>
    tpu.wait_dma2 semaphore(%arg10 : memref<!tpu.dma_semaphore, #tpu.memory_space<semaphore_mem>>) src(%dma_wait3A_221 : memref<12288xf32, #tpu.memory_space<hbm>>) dst(%arg6 : memref<12288xf32, #tpu.memory_space<vmem>>)
    %add3A_222 = arith.constant 0 : i32
    %add3A_223 = vector.broadcast %add3A_222 : i32 to vector<16xi32>
    %add3A_224 = arith.addi %mul3A_25, %add3A_223 : vector<16xi32>
    %scan3A_225 = arith.constant 0 : i32
    %scan3A_226 = arith.constant 12 : i32
    %scan3A_227 = arith.addi %scan3A_225, %scan3A_226 : i32
    %scan3A_228 = arith.constant 1 : i32
    %scan3A_229 = scf.for %scan3A_314 = %scan3A_225 to %scan3A_227 step %scan3A_228 iter_args(%scan3A_315 = %add3A_224) -> (vector<16xi32>)  : i32 {
      %mul3A_316 = arith.constant 4 : i32
      %mul3A_317 = arith.muli %mul3A_316, %scan3A_314 : i32
      %add3A_318 = arith.constant 0 : i32
      %add3A_319 = arith.addi %mul3A_317, %add3A_318 : i32
      %mul3A_320 = arith.constant 16 : i32
      %mul3A_321 = arith.muli %add3A_319, %mul3A_320 : i32
      %get3A = arith.constant 0 : i32
      %get3A_322 = arith.index_cast %get3A : i32 to index
      %get3A_323 = arith.index_cast %mul3A_321 : i32 to index
      %get3A_324 = tpu.vector_load %arg4[%get3A_322, %get3A_323] {strides = array<i32>} : memref<8x768xf32, #tpu.memory_space<vmem>>, vector<16xf32>,
      %add3A_325 = arith.constant 0 : i32
      %add3A_326 = vector.broadcast %add3A_325 : i32 to vector<16xi32>
      %add3A_327 = arith.addi %scan3A_315, %add3A_326 : vector<16xi32>
      tpu.vector_store_idx %arg6[%add3A_327], %get3A_324 : memref<12288xf32, #tpu.memory_space<vmem>>[vector<16xi32>], vector<16xf32>,
      %mul3A_328 = arith.constant 4 : i32
      %mul3A_329 = arith.muli %mul3A_328, %scan3A_314 : i32
      %add3A_330 = arith.constant 1 : i32
      %add3A_331 = arith.addi %mul3A_329, %add3A_330 : i32
      %mul3A_332 = arith.constant 16 : i32
      %mul3A_333 = arith.muli %add3A_331, %mul3A_332 : i32
      %get3A_334 = arith.constant 0 : i32
      %get3A_335 = arith.index_cast %get3A_334 : i32 to index
      %get3A_336 = arith.index_cast %mul3A_333 : i32 to index
      %get3A_337 = tpu.vector_load %arg4[%get3A_335, %get3A_336] {strides = array<i32>} : memref<8x768xf32, #tpu.memory_space<vmem>>, vector<16xf32>,
      %add3A_338 = arith.constant 256 : i32
      %add3A_339 = vector.broadcast %add3A_338 : i32 to vector<16xi32>
      %add3A_340 = arith.addi %scan3A_315, %add3A_339 : vector<16xi32>
      tpu.vector_store_idx %arg6[%add3A_340], %get3A_337 : memref<12288xf32, #tpu.memory_space<vmem>>[vector<16xi32>], vector<16xf32>,
      %mul3A_341 = arith.constant 4 : i32
      %mul3A_342 = arith.muli %mul3A_341, %scan3A_314 : i32
      %add3A_343 = arith.constant 2 : i32
      %add3A_344 = arith.addi %mul3A_342, %add3A_343 : i32
      %mul3A_345 = arith.constant 16 : i32
      %mul3A_346 = arith.muli %add3A_344, %mul3A_345 : i32
      %get3A_347 = arith.constant 0 : i32
      %get3A_348 = arith.index_cast %get3A_347 : i32 to index
      %get3A_349 = arith.index_cast %mul3A_346 : i32 to index
      %get3A_350 = tpu.vector_load %arg4[%get3A_348, %get3A_349] {strides = array<i32>} : memref<8x768xf32, #tpu.memory_space<vmem>>, vector<16xf32>,
      %add3A_351 = arith.constant 512 : i32
      %add3A_352 = vector.broadcast %add3A_351 : i32 to vector<16xi32>
      %add3A_353 = arith.addi %scan3A_315, %add3A_352 : vector<16xi32>
      tpu.vector_store_idx %arg6[%add3A_353], %get3A_350 : memref<12288xf32, #tpu.memory_space<vmem>>[vector<16xi32>], vector<16xf32>,
      %mul3A_354 = arith.constant 4 : i32
      %mul3A_355 = arith.muli %mul3A_354, %scan3A_314 : i32
      %add3A_356 = arith.constant 3 : i32
      %add3A_357 = arith.addi %mul3A_355, %add3A_356 : i32
      %mul3A_358 = arith.constant 16 : i32
      %mul3A_359 = arith.muli %add3A_357, %mul3A_358 : i32
      %get3A_360 = arith.constant 0 : i32
      %get3A_361 = arith.index_cast %get3A_360 : i32 to index
      %get3A_362 = arith.index_cast %mul3A_359 : i32 to index
      %get3A_363 = tpu.vector_load %arg4[%get3A_361, %get3A_362] {strides = array<i32>} : memref<8x768xf32, #tpu.memory_space<vmem>>, vector<16xf32>,
      %add3A_364 = arith.constant 768 : i32
      %add3A_365 = vector.broadcast %add3A_364 : i32 to vector<16xi32>
      %add3A_366 = arith.addi %scan3A_315, %add3A_365 : vector<16xi32>
      tpu.vector_store_idx %arg6[%add3A_366], %get3A_363 : memref<12288xf32, #tpu.memory_space<vmem>>[vector<16xi32>], vector<16xf32>,
      %add3A_367 = arith.constant 1024 : i32
      %add3A_368 = vector.broadcast %add3A_367 : i32 to vector<16xi32>
      %add3A_369 = arith.addi %scan3A_315, %add3A_368 : vector<16xi32>
      scf.yield %add3A_369 : vector<16xi32>
    }
    %scan3A_230 = arith.constant 12 : i32
    %add3A_231 = arith.constant 1 : i32
    %add3A_232 = vector.broadcast %add3A_231 : i32 to vector<16xi32>
    %add3A_233 = arith.addi %mul3A_25, %add3A_232 : vector<16xi32>
    %scan3A_234 = arith.constant 0 : i32
    %scan3A_235 = arith.constant 12 : i32
    %scan3A_236 = arith.addi %scan3A_234, %scan3A_235 : i32
    %scan3A_237 = arith.constant 1 : i32
    %scan3A_238 = scf.for %scan3A_314 = %scan3A_234 to %scan3A_236 step %scan3A_237 iter_args(%scan3A_315 = %add3A_233) -> (vector<16xi32>)  : i32 {
      %mul3A_316 = arith.constant 4 : i32
      %mul3A_317 = arith.muli %mul3A_316, %scan3A_314 : i32
      %add3A_318 = arith.constant 0 : i32
      %add3A_319 = arith.addi %mul3A_317, %add3A_318 : i32
      %mul3A_320 = arith.constant 16 : i32
      %mul3A_321 = arith.muli %add3A_319, %mul3A_320 : i32
      %get3A = arith.constant 1 : i32
      %get3A_322 = arith.index_cast %get3A : i32 to index
      %get3A_323 = arith.index_cast %mul3A_321 : i32 to index
      %get3A_324 = tpu.vector_load %arg4[%get3A_322, %get3A_323] {strides = array<i32>} : memref<8x768xf32, #tpu.memory_space<vmem>>, vector<16xf32>,
      %add3A_325 = arith.constant 0 : i32
      %add3A_326 = vector.broadcast %add3A_325 : i32 to vector<16xi32>
      %add3A_327 = arith.addi %scan3A_315, %add3A_326 : vector<16xi32>
      tpu.vector_store_idx %arg6[%add3A_327], %get3A_324 : memref<12288xf32, #tpu.memory_space<vmem>>[vector<16xi32>], vector<16xf32>,
      %mul3A_328 = arith.constant 4 : i32
      %mul3A_329 = arith.muli %mul3A_328, %scan3A_314 : i32
      %add3A_330 = arith.constant 1 : i32
      %add3A_331 = arith.addi %mul3A_329, %add3A_330 : i32
      %mul3A_332 = arith.constant 16 : i32
      %mul3A_333 = arith.muli %add3A_331, %mul3A_332 : i32
      %get3A_334 = arith.constant 1 : i32
      %get3A_335 = arith.index_cast %get3A_334 : i32 to index
      %get3A_336 = arith.index_cast %mul3A_333 : i32 to index
      %get3A_337 = tpu.vector_load %arg4[%get3A_335, %get3A_336] {strides = array<i32>} : memref<8x768xf32, #tpu.memory_space<vmem>>, vector<16xf32>,
      %add3A_338 = arith.constant 256 : i32
      %add3A_339 = vector.broadcast %add3A_338 : i32 to vector<16xi32>
      %add3A_340 = arith.addi %scan3A_315, %add3A_339 : vector<16xi32>
      tpu.vector_store_idx %arg6[%add3A_340], %get3A_337 : memref<12288xf32, #tpu.memory_space<vmem>>[vector<16xi32>], vector<16xf32>,
      %mul3A_341 = arith.constant 4 : i32
      %mul3A_342 = arith.muli %mul3A_341, %scan3A_314 : i32
      %add3A_343 = arith.constant 2 : i32
      %add3A_344 = arith.addi %mul3A_342, %add3A_343 : i32
      %mul3A_345 = arith.constant 16 : i32
      %mul3A_346 = arith.muli %add3A_344, %mul3A_345 : i32
      %get3A_347 = arith.constant 1 : i32
      %get3A_348 = arith.index_cast %get3A_347 : i32 to index
      %get3A_349 = arith.index_cast %mul3A_346 : i32 to index
      %get3A_350 = tpu.vector_load %arg4[%get3A_348, %get3A_349] {strides = array<i32>} : memref<8x768xf32, #tpu.memory_space<vmem>>, vector<16xf32>,
      %add3A_351 = arith.constant 512 : i32
      %add3A_352 = vector.broadcast %add3A_351 : i32 to vector<16xi32>
      %add3A_353 = arith.addi %scan3A_315, %add3A_352 : vector<16xi32>
      tpu.vector_store_idx %arg6[%add3A_353], %get3A_350 : memref<12288xf32, #tpu.memory_space<vmem>>[vector<16xi32>], vector<16xf32>,
      %mul3A_354 = arith.constant 4 : i32
      %mul3A_355 = arith.muli %mul3A_354, %scan3A_314 : i32
      %add3A_356 = arith.constant 3 : i32
      %add3A_357 = arith.addi %mul3A_355, %add3A_356 : i32
      %mul3A_358 = arith.constant 16 : i32
      %mul3A_359 = arith.muli %add3A_357, %mul3A_358 : i32
      %get3A_360 = arith.constant 1 : i32
      %get3A_361 = arith.index_cast %get3A_360 : i32 to index
      %get3A_362 = arith.index_cast %mul3A_359 : i32 to index
      %get3A_363 = tpu.vector_load %arg4[%get3A_361, %get3A_362] {strides = array<i32>} : memref<8x768xf32, #tpu.memory_space<vmem>>, vector<16xf32>,
      %add3A_364 = arith.constant 768 : i32
      %add3A_365 = vector.broadcast %add3A_364 : i32 to vector<16xi32>
      %add3A_366 = arith.addi %scan3A_315, %add3A_365 : vector<16xi32>
      tpu.vector_store_idx %arg6[%add3A_366], %get3A_363 : memref<12288xf32, #tpu.memory_space<vmem>>[vector<16xi32>], vector<16xf32>,
      %add3A_367 = arith.constant 1024 : i32
      %add3A_368 = vector.broadcast %add3A_367 : i32 to vector<16xi32>
      %add3A_369 = arith.addi %scan3A_315, %add3A_368 : vector<16xi32>
      scf.yield %add3A_369 : vector<16xi32>
    }
    %scan3A_239 = arith.constant 12 : i32
    %add3A_240 = arith.constant 2 : i32
    %add3A_241 = vector.broadcast %add3A_240 : i32 to vector<16xi32>
    %add3A_242 = arith.addi %mul3A_25, %add3A_241 : vector<16xi32>
    %scan3A_243 = arith.constant 0 : i32
    %scan3A_244 = arith.constant 12 : i32
    %scan3A_245 = arith.addi %scan3A_243, %scan3A_244 : i32
    %scan3A_246 = arith.constant 1 : i32
    %scan3A_247 = scf.for %scan3A_314 = %scan3A_243 to %scan3A_245 step %scan3A_246 iter_args(%scan3A_315 = %add3A_242) -> (vector<16xi32>)  : i32 {
      %mul3A_316 = arith.constant 4 : i32
      %mul3A_317 = arith.muli %mul3A_316, %scan3A_314 : i32
      %add3A_318 = arith.constant 0 : i32
      %add3A_319 = arith.addi %mul3A_317, %add3A_318 : i32
      %mul3A_320 = arith.constant 16 : i32
      %mul3A_321 = arith.muli %add3A_319, %mul3A_320 : i32
      %get3A = arith.constant 2 : i32
      %get3A_322 = arith.index_cast %get3A : i32 to index
      %get3A_323 = arith.index_cast %mul3A_321 : i32 to index
      %get3A_324 = tpu.vector_load %arg4[%get3A_322, %get3A_323] {strides = array<i32>} : memref<8x768xf32, #tpu.memory_space<vmem>>, vector<16xf32>,
      %add3A_325 = arith.constant 0 : i32
      %add3A_326 = vector.broadcast %add3A_325 : i32 to vector<16xi32>
      %add3A_327 = arith.addi %scan3A_315, %add3A_326 : vector<16xi32>
      tpu.vector_store_idx %arg6[%add3A_327], %get3A_324 : memref<12288xf32, #tpu.memory_space<vmem>>[vector<16xi32>], vector<16xf32>,
      %mul3A_328 = arith.constant 4 : i32
      %mul3A_329 = arith.muli %mul3A_328, %scan3A_314 : i32
      %add3A_330 = arith.constant 1 : i32
      %add3A_331 = arith.addi %mul3A_329, %add3A_330 : i32
      %mul3A_332 = arith.constant 16 : i32
      %mul3A_333 = arith.muli %add3A_331, %mul3A_332 : i32
      %get3A_334 = arith.constant 2 : i32
      %get3A_335 = arith.index_cast %get3A_334 : i32 to index
      %get3A_336 = arith.index_cast %mul3A_333 : i32 to index
      %get3A_337 = tpu.vector_load %arg4[%get3A_335, %get3A_336] {strides = array<i32>} : memref<8x768xf32, #tpu.memory_space<vmem>>, vector<16xf32>,
      %add3A_338 = arith.constant 256 : i32
      %add3A_339 = vector.broadcast %add3A_338 : i32 to vector<16xi32>
      %add3A_340 = arith.addi %scan3A_315, %add3A_339 : vector<16xi32>
      tpu.vector_store_idx %arg6[%add3A_340], %get3A_337 : memref<12288xf32, #tpu.memory_space<vmem>>[vector<16xi32>], vector<16xf32>,
      %mul3A_341 = arith.constant 4 : i32
      %mul3A_342 = arith.muli %mul3A_341, %scan3A_314 : i32
      %add3A_343 = arith.constant 2 : i32
      %add3A_344 = arith.addi %mul3A_342, %add3A_343 : i32
      %mul3A_345 = arith.constant 16 : i32
      %mul3A_346 = arith.muli %add3A_344, %mul3A_345 : i32
      %get3A_347 = arith.constant 2 : i32
      %get3A_348 = arith.index_cast %get3A_347 : i32 to index
      %get3A_349 = arith.index_cast %mul3A_346 : i32 to index
      %get3A_350 = tpu.vector_load %arg4[%get3A_348, %get3A_349] {strides = array<i32>} : memref<8x768xf32, #tpu.memory_space<vmem>>, vector<16xf32>,
      %add3A_351 = arith.constant 512 : i32
      %add3A_352 = vector.broadcast %add3A_351 : i32 to vector<16xi32>
      %add3A_353 = arith.addi %scan3A_315, %add3A_352 : vector<16xi32>
      tpu.vector_store_idx %arg6[%add3A_353], %get3A_350 : memref<12288xf32, #tpu.memory_space<vmem>>[vector<16xi32>], vector<16xf32>,
      %mul3A_354 = arith.constant 4 : i32
      %mul3A_355 = arith.muli %mul3A_354, %scan3A_314 : i32
      %add3A_356 = arith.constant 3 : i32
      %add3A_357 = arith.addi %mul3A_355, %add3A_356 : i32
      %mul3A_358 = arith.constant 16 : i32
      %mul3A_359 = arith.muli %add3A_357, %mul3A_358 : i32
      %get3A_360 = arith.constant 2 : i32
      %get3A_361 = arith.index_cast %get3A_360 : i32 to index
      %get3A_362 = arith.index_cast %mul3A_359 : i32 to index
      %get3A_363 = tpu.vector_load %arg4[%get3A_361, %get3A_362] {strides = array<i32>} : memref<8x768xf32, #tpu.memory_space<vmem>>, vector<16xf32>,
      %add3A_364 = arith.constant 768 : i32
      %add3A_365 = vector.broadcast %add3A_364 : i32 to vector<16xi32>
      %add3A_366 = arith.addi %scan3A_315, %add3A_365 : vector<16xi32>
      tpu.vector_store_idx %arg6[%add3A_366], %get3A_363 : memref<12288xf32, #tpu.memory_space<vmem>>[vector<16xi32>], vector<16xf32>,
      %add3A_367 = arith.constant 1024 : i32
      %add3A_368 = vector.broadcast %add3A_367 : i32 to vector<16xi32>
      %add3A_369 = arith.addi %scan3A_315, %add3A_368 : vector<16xi32>
      scf.yield %add3A_369 : vector<16xi32>
    }
    %scan3A_248 = arith.constant 12 : i32
    %add3A_249 = arith.constant 3 : i32
    %add3A_250 = vector.broadcast %add3A_249 : i32 to vector<16xi32>
    %add3A_251 = arith.addi %mul3A_25, %add3A_250 : vector<16xi32>
    %scan3A_252 = arith.constant 0 : i32
    %scan3A_253 = arith.constant 12 : i32
    %scan3A_254 = arith.addi %scan3A_252, %scan3A_253 : i32
    %scan3A_255 = arith.constant 1 : i32
    %scan3A_256 = scf.for %scan3A_314 = %scan3A_252 to %scan3A_254 step %scan3A_255 iter_args(%scan3A_315 = %add3A_251) -> (vector<16xi32>)  : i32 {
      %mul3A_316 = arith.constant 4 : i32
      %mul3A_317 = arith.muli %mul3A_316, %scan3A_314 : i32
      %add3A_318 = arith.constant 0 : i32
      %add3A_319 = arith.addi %mul3A_317, %add3A_318 : i32
      %mul3A_320 = arith.constant 16 : i32
      %mul3A_321 = arith.muli %add3A_319, %mul3A_320 : i32
      %get3A = arith.constant 3 : i32
      %get3A_322 = arith.index_cast %get3A : i32 to index
      %get3A_323 = arith.index_cast %mul3A_321 : i32 to index
      %get3A_324 = tpu.vector_load %arg4[%get3A_322, %get3A_323] {strides = array<i32>} : memref<8x768xf32, #tpu.memory_space<vmem>>, vector<16xf32>,
      %add3A_325 = arith.constant 0 : i32
      %add3A_326 = vector.broadcast %add3A_325 : i32 to vector<16xi32>
      %add3A_327 = arith.addi %scan3A_315, %add3A_326 : vector<16xi32>
      tpu.vector_store_idx %arg6[%add3A_327], %get3A_324 : memref<12288xf32, #tpu.memory_space<vmem>>[vector<16xi32>], vector<16xf32>,
      %mul3A_328 = arith.constant 4 : i32
      %mul3A_329 = arith.muli %mul3A_328, %scan3A_314 : i32
      %add3A_330 = arith.constant 1 : i32
      %add3A_331 = arith.addi %mul3A_329, %add3A_330 : i32
      %mul3A_332 = arith.constant 16 : i32
      %mul3A_333 = arith.muli %add3A_331, %mul3A_332 : i32
      %get3A_334 = arith.constant 3 : i32
      %get3A_335 = arith.index_cast %get3A_334 : i32 to index
      %get3A_336 = arith.index_cast %mul3A_333 : i32 to index
      %get3A_337 = tpu.vector_load %arg4[%get3A_335, %get3A_336] {strides = array<i32>} : memref<8x768xf32, #tpu.memory_space<vmem>>, vector<16xf32>,
      %add3A_338 = arith.constant 256 : i32
      %add3A_339 = vector.broadcast %add3A_338 : i32 to vector<16xi32>
      %add3A_340 = arith.addi %scan3A_315, %add3A_339 : vector<16xi32>
      tpu.vector_store_idx %arg6[%add3A_340], %get3A_337 : memref<12288xf32, #tpu.memory_space<vmem>>[vector<16xi32>], vector<16xf32>,
      %mul3A_341 = arith.constant 4 : i32
      %mul3A_342 = arith.muli %mul3A_341, %scan3A_314 : i32
      %add3A_343 = arith.constant 2 : i32
      %add3A_344 = arith.addi %mul3A_342, %add3A_343 : i32
      %mul3A_345 = arith.constant 16 : i32
      %mul3A_346 = arith.muli %add3A_344, %mul3A_345 : i32
      %get3A_347 = arith.constant 3 : i32
      %get3A_348 = arith.index_cast %get3A_347 : i32 to index
      %get3A_349 = arith.index_cast %mul3A_346 : i32 to index
      %get3A_350 = tpu.vector_load %arg4[%get3A_348, %get3A_349] {strides = array<i32>} : memref<8x768xf32, #tpu.memory_space<vmem>>, vector<16xf32>,
      %add3A_351 = arith.constant 512 : i32
      %add3A_352 = vector.broadcast %add3A_351 : i32 to vector<16xi32>
      %add3A_353 = arith.addi %scan3A_315, %add3A_352 : vector<16xi32>
      tpu.vector_store_idx %arg6[%add3A_353], %get3A_350 : memref<12288xf32, #tpu.memory_space<vmem>>[vector<16xi32>], vector<16xf32>,
      %mul3A_354 = arith.constant 4 : i32
      %mul3A_355 = arith.muli %mul3A_354, %scan3A_314 : i32
      %add3A_356 = arith.constant 3 : i32
      %add3A_357 = arith.addi %mul3A_355, %add3A_356 : i32
      %mul3A_358 = arith.constant 16 : i32
      %mul3A_359 = arith.muli %add3A_357, %mul3A_358 : i32
      %get3A_360 = arith.constant 3 : i32
      %get3A_361 = arith.index_cast %get3A_360 : i32 to index
      %get3A_362 = arith.index_cast %mul3A_359 : i32 to index
      %get3A_363 = tpu.vector_load %arg4[%get3A_361, %get3A_362] {strides = array<i32>} : memref<8x768xf32, #tpu.memory_space<vmem>>, vector<16xf32>,
      %add3A_364 = arith.constant 768 : i32
      %add3A_365 = vector.broadcast %add3A_364 : i32 to vector<16xi32>
      %add3A_366 = arith.addi %scan3A_315, %add3A_365 : vector<16xi32>
      tpu.vector_store_idx %arg6[%add3A_366], %get3A_363 : memref<12288xf32, #tpu.memory_space<vmem>>[vector<16xi32>], vector<16xf32>,
      %add3A_367 = arith.constant 1024 : i32
      %add3A_368 = vector.broadcast %add3A_367 : i32 to vector<16xi32>
      %add3A_369 = arith.addi %scan3A_315, %add3A_368 : vector<16xi32>
      scf.yield %add3A_369 : vector<16xi32>
    }
    %scan3A_257 = arith.constant 12 : i32
    %add3A_258 = arith.constant 4 : i32
    %add3A_259 = vector.broadcast %add3A_258 : i32 to vector<16xi32>
    %add3A_260 = arith.addi %mul3A_25, %add3A_259 : vector<16xi32>
    %scan3A_261 = arith.constant 0 : i32
    %scan3A_262 = arith.constant 12 : i32
    %scan3A_263 = arith.addi %scan3A_261, %scan3A_262 : i32
    %scan3A_264 = arith.constant 1 : i32
    %scan3A_265 = scf.for %scan3A_314 = %scan3A_261 to %scan3A_263 step %scan3A_264 iter_args(%scan3A_315 = %add3A_260) -> (vector<16xi32>)  : i32 {
      %mul3A_316 = arith.constant 4 : i32
      %mul3A_317 = arith.muli %mul3A_316, %scan3A_314 : i32
      %add3A_318 = arith.constant 0 : i32
      %add3A_319 = arith.addi %mul3A_317, %add3A_318 : i32
      %mul3A_320 = arith.constant 16 : i32
      %mul3A_321 = arith.muli %add3A_319, %mul3A_320 : i32
      %get3A = arith.constant 4 : i32
      %get3A_322 = arith.index_cast %get3A : i32 to index
      %get3A_323 = arith.index_cast %mul3A_321 : i32 to index
      %get3A_324 = tpu.vector_load %arg4[%get3A_322, %get3A_323] {strides = array<i32>} : memref<8x768xf32, #tpu.memory_space<vmem>>, vector<16xf32>,
      %add3A_325 = arith.constant 0 : i32
      %add3A_326 = vector.broadcast %add3A_325 : i32 to vector<16xi32>
      %add3A_327 = arith.addi %scan3A_315, %add3A_326 : vector<16xi32>
      tpu.vector_store_idx %arg6[%add3A_327], %get3A_324 : memref<12288xf32, #tpu.memory_space<vmem>>[vector<16xi32>], vector<16xf32>,
      %mul3A_328 = arith.constant 4 : i32
      %mul3A_329 = arith.muli %mul3A_328, %scan3A_314 : i32
      %add3A_330 = arith.constant 1 : i32
      %add3A_331 = arith.addi %mul3A_329, %add3A_330 : i32
      %mul3A_332 = arith.constant 16 : i32
      %mul3A_333 = arith.muli %add3A_331, %mul3A_332 : i32
      %get3A_334 = arith.constant 4 : i32
      %get3A_335 = arith.index_cast %get3A_334 : i32 to index
      %get3A_336 = arith.index_cast %mul3A_333 : i32 to index
      %get3A_337 = tpu.vector_load %arg4[%get3A_335, %get3A_336] {strides = array<i32>} : memref<8x768xf32, #tpu.memory_space<vmem>>, vector<16xf32>,
      %add3A_338 = arith.constant 256 : i32
      %add3A_339 = vector.broadcast %add3A_338 : i32 to vector<16xi32>
      %add3A_340 = arith.addi %scan3A_315, %add3A_339 : vector<16xi32>
      tpu.vector_store_idx %arg6[%add3A_340], %get3A_337 : memref<12288xf32, #tpu.memory_space<vmem>>[vector<16xi32>], vector<16xf32>,
      %mul3A_341 = arith.constant 4 : i32
      %mul3A_342 = arith.muli %mul3A_341, %scan3A_314 : i32
      %add3A_343 = arith.constant 2 : i32
      %add3A_344 = arith.addi %mul3A_342, %add3A_343 : i32
      %mul3A_345 = arith.constant 16 : i32
      %mul3A_346 = arith.muli %add3A_344, %mul3A_345 : i32
      %get3A_347 = arith.constant 4 : i32
      %get3A_348 = arith.index_cast %get3A_347 : i32 to index
      %get3A_349 = arith.index_cast %mul3A_346 : i32 to index
      %get3A_350 = tpu.vector_load %arg4[%get3A_348, %get3A_349] {strides = array<i32>} : memref<8x768xf32, #tpu.memory_space<vmem>>, vector<16xf32>,
      %add3A_351 = arith.constant 512 : i32
      %add3A_352 = vector.broadcast %add3A_351 : i32 to vector<16xi32>
      %add3A_353 = arith.addi %scan3A_315, %add3A_352 : vector<16xi32>
      tpu.vector_store_idx %arg6[%add3A_353], %get3A_350 : memref<12288xf32, #tpu.memory_space<vmem>>[vector<16xi32>], vector<16xf32>,
      %mul3A_354 = arith.constant 4 : i32
      %mul3A_355 = arith.muli %mul3A_354, %scan3A_314 : i32
      %add3A_356 = arith.constant 3 : i32
      %add3A_357 = arith.addi %mul3A_355, %add3A_356 : i32
      %mul3A_358 = arith.constant 16 : i32
      %mul3A_359 = arith.muli %add3A_357, %mul3A_358 : i32
      %get3A_360 = arith.constant 4 : i32
      %get3A_361 = arith.index_cast %get3A_360 : i32 to index
      %get3A_362 = arith.index_cast %mul3A_359 : i32 to index
      %get3A_363 = tpu.vector_load %arg4[%get3A_361, %get3A_362] {strides = array<i32>} : memref<8x768xf32, #tpu.memory_space<vmem>>, vector<16xf32>,
      %add3A_364 = arith.constant 768 : i32
      %add3A_365 = vector.broadcast %add3A_364 : i32 to vector<16xi32>
      %add3A_366 = arith.addi %scan3A_315, %add3A_365 : vector<16xi32>
      tpu.vector_store_idx %arg6[%add3A_366], %get3A_363 : memref<12288xf32, #tpu.memory_space<vmem>>[vector<16xi32>], vector<16xf32>,
      %add3A_367 = arith.constant 1024 : i32
      %add3A_368 = vector.broadcast %add3A_367 : i32 to vector<16xi32>
      %add3A_369 = arith.addi %scan3A_315, %add3A_368 : vector<16xi32>
      scf.yield %add3A_369 : vector<16xi32>
    }
    %scan3A_266 = arith.constant 12 : i32
    %add3A_267 = arith.constant 5 : i32
    %add3A_268 = vector.broadcast %add3A_267 : i32 to vector<16xi32>
    %add3A_269 = arith.addi %mul3A_25, %add3A_268 : vector<16xi32>
    %scan3A_270 = arith.constant 0 : i32
    %scan3A_271 = arith.constant 12 : i32
    %scan3A_272 = arith.addi %scan3A_270, %scan3A_271 : i32
    %scan3A_273 = arith.constant 1 : i32
    %scan3A_274 = scf.for %scan3A_314 = %scan3A_270 to %scan3A_272 step %scan3A_273 iter_args(%scan3A_315 = %add3A_269) -> (vector<16xi32>)  : i32 {
      %mul3A_316 = arith.constant 4 : i32
      %mul3A_317 = arith.muli %mul3A_316, %scan3A_314 : i32
      %add3A_318 = arith.constant 0 : i32
      %add3A_319 = arith.addi %mul3A_317, %add3A_318 : i32
      %mul3A_320 = arith.constant 16 : i32
      %mul3A_321 = arith.muli %add3A_319, %mul3A_320 : i32
      %get3A = arith.constant 5 : i32
      %get3A_322 = arith.index_cast %get3A : i32 to index
      %get3A_323 = arith.index_cast %mul3A_321 : i32 to index
      %get3A_324 = tpu.vector_load %arg4[%get3A_322, %get3A_323] {strides = array<i32>} : memref<8x768xf32, #tpu.memory_space<vmem>>, vector<16xf32>,
      %add3A_325 = arith.constant 0 : i32
      %add3A_326 = vector.broadcast %add3A_325 : i32 to vector<16xi32>
      %add3A_327 = arith.addi %scan3A_315, %add3A_326 : vector<16xi32>
      tpu.vector_store_idx %arg6[%add3A_327], %get3A_324 : memref<12288xf32, #tpu.memory_space<vmem>>[vector<16xi32>], vector<16xf32>,
      %mul3A_328 = arith.constant 4 : i32
      %mul3A_329 = arith.muli %mul3A_328, %scan3A_314 : i32
      %add3A_330 = arith.constant 1 : i32
      %add3A_331 = arith.addi %mul3A_329, %add3A_330 : i32
      %mul3A_332 = arith.constant 16 : i32
      %mul3A_333 = arith.muli %add3A_331, %mul3A_332 : i32
      %get3A_334 = arith.constant 5 : i32
      %get3A_335 = arith.index_cast %get3A_334 : i32 to index
      %get3A_336 = arith.index_cast %mul3A_333 : i32 to index
      %get3A_337 = tpu.vector_load %arg4[%get3A_335, %get3A_336] {strides = array<i32>} : memref<8x768xf32, #tpu.memory_space<vmem>>, vector<16xf32>,
      %add3A_338 = arith.constant 256 : i32
      %add3A_339 = vector.broadcast %add3A_338 : i32 to vector<16xi32>
      %add3A_340 = arith.addi %scan3A_315, %add3A_339 : vector<16xi32>
      tpu.vector_store_idx %arg6[%add3A_340], %get3A_337 : memref<12288xf32, #tpu.memory_space<vmem>>[vector<16xi32>], vector<16xf32>,
      %mul3A_341 = arith.constant 4 : i32
      %mul3A_342 = arith.muli %mul3A_341, %scan3A_314 : i32
      %add3A_343 = arith.constant 2 : i32
      %add3A_344 = arith.addi %mul3A_342, %add3A_343 : i32
      %mul3A_345 = arith.constant 16 : i32
      %mul3A_346 = arith.muli %add3A_344, %mul3A_345 : i32
      %get3A_347 = arith.constant 5 : i32
      %get3A_348 = arith.index_cast %get3A_347 : i32 to index
      %get3A_349 = arith.index_cast %mul3A_346 : i32 to index
      %get3A_350 = tpu.vector_load %arg4[%get3A_348, %get3A_349] {strides = array<i32>} : memref<8x768xf32, #tpu.memory_space<vmem>>, vector<16xf32>,
      %add3A_351 = arith.constant 512 : i32
      %add3A_352 = vector.broadcast %add3A_351 : i32 to vector<16xi32>
      %add3A_353 = arith.addi %scan3A_315, %add3A_352 : vector<16xi32>
      tpu.vector_store_idx %arg6[%add3A_353], %get3A_350 : memref<12288xf32, #tpu.memory_space<vmem>>[vector<16xi32>], vector<16xf32>,
      %mul3A_354 = arith.constant 4 : i32
      %mul3A_355 = arith.muli %mul3A_354, %scan3A_314 : i32
      %add3A_356 = arith.constant 3 : i32
      %add3A_357 = arith.addi %mul3A_355, %add3A_356 : i32
      %mul3A_358 = arith.constant 16 : i32
      %mul3A_359 = arith.muli %add3A_357, %mul3A_358 : i32
      %get3A_360 = arith.constant 5 : i32
      %get3A_361 = arith.index_cast %get3A_360 : i32 to index
      %get3A_362 = arith.index_cast %mul3A_359 : i32 to index
      %get3A_363 = tpu.vector_load %arg4[%get3A_361, %get3A_362] {strides = array<i32>} : memref<8x768xf32, #tpu.memory_space<vmem>>, vector<16xf32>,
      %add3A_364 = arith.constant 768 : i32
      %add3A_365 = vector.broadcast %add3A_364 : i32 to vector<16xi32>
      %add3A_366 = arith.addi %scan3A_315, %add3A_365 : vector<16xi32>
      tpu.vector_store_idx %arg6[%add3A_366], %get3A_363 : memref<12288xf32, #tpu.memory_space<vmem>>[vector<16xi32>], vector<16xf32>,
      %add3A_367 = arith.constant 1024 : i32
      %add3A_368 = vector.broadcast %add3A_367 : i32 to vector<16xi32>
      %add3A_369 = arith.addi %scan3A_315, %add3A_368 : vector<16xi32>
      scf.yield %add3A_369 : vector<16xi32>
    }
    %scan3A_275 = arith.constant 12 : i32
    %add3A_276 = arith.constant 6 : i32
    %add3A_277 = vector.broadcast %add3A_276 : i32 to vector<16xi32>
    %add3A_278 = arith.addi %mul3A_25, %add3A_277 : vector<16xi32>
    %scan3A_279 = arith.constant 0 : i32
    %scan3A_280 = arith.constant 12 : i32
    %scan3A_281 = arith.addi %scan3A_279, %scan3A_280 : i32
    %scan3A_282 = arith.constant 1 : i32
    %scan3A_283 = scf.for %scan3A_314 = %scan3A_279 to %scan3A_281 step %scan3A_282 iter_args(%scan3A_315 = %add3A_278) -> (vector<16xi32>)  : i32 {
      %mul3A_316 = arith.constant 4 : i32
      %mul3A_317 = arith.muli %mul3A_316, %scan3A_314 : i32
      %add3A_318 = arith.constant 0 : i32
      %add3A_319 = arith.addi %mul3A_317, %add3A_318 : i32
      %mul3A_320 = arith.constant 16 : i32
      %mul3A_321 = arith.muli %add3A_319, %mul3A_320 : i32
      %get3A = arith.constant 6 : i32
      %get3A_322 = arith.index_cast %get3A : i32 to index
      %get3A_323 = arith.index_cast %mul3A_321 : i32 to index
      %get3A_324 = tpu.vector_load %arg4[%get3A_322, %get3A_323] {strides = array<i32>} : memref<8x768xf32, #tpu.memory_space<vmem>>, vector<16xf32>,
      %add3A_325 = arith.constant 0 : i32
      %add3A_326 = vector.broadcast %add3A_325 : i32 to vector<16xi32>
      %add3A_327 = arith.addi %scan3A_315, %add3A_326 : vector<16xi32>
      tpu.vector_store_idx %arg6[%add3A_327], %get3A_324 : memref<12288xf32, #tpu.memory_space<vmem>>[vector<16xi32>], vector<16xf32>,
      %mul3A_328 = arith.constant 4 : i32
      %mul3A_329 = arith.muli %mul3A_328, %scan3A_314 : i32
      %add3A_330 = arith.constant 1 : i32
      %add3A_331 = arith.addi %mul3A_329, %add3A_330 : i32
      %mul3A_332 = arith.constant 16 : i32
      %mul3A_333 = arith.muli %add3A_331, %mul3A_332 : i32
      %get3A_334 = arith.constant 6 : i32
      %get3A_335 = arith.index_cast %get3A_334 : i32 to index
      %get3A_336 = arith.index_cast %mul3A_333 : i32 to index
      %get3A_337 = tpu.vector_load %arg4[%get3A_335, %get3A_336] {strides = array<i32>} : memref<8x768xf32, #tpu.memory_space<vmem>>, vector<16xf32>,
      %add3A_338 = arith.constant 256 : i32
      %add3A_339 = vector.broadcast %add3A_338 : i32 to vector<16xi32>
      %add3A_340 = arith.addi %scan3A_315, %add3A_339 : vector<16xi32>
      tpu.vector_store_idx %arg6[%add3A_340], %get3A_337 : memref<12288xf32, #tpu.memory_space<vmem>>[vector<16xi32>], vector<16xf32>,
      %mul3A_341 = arith.constant 4 : i32
      %mul3A_342 = arith.muli %mul3A_341, %scan3A_314 : i32
      %add3A_343 = arith.constant 2 : i32
      %add3A_344 = arith.addi %mul3A_342, %add3A_343 : i32
      %mul3A_345 = arith.constant 16 : i32
      %mul3A_346 = arith.muli %add3A_344, %mul3A_345 : i32
      %get3A_347 = arith.constant 6 : i32
      %get3A_348 = arith.index_cast %get3A_347 : i32 to index
      %get3A_349 = arith.index_cast %mul3A_346 : i32 to index
      %get3A_350 = tpu.vector_load %arg4[%get3A_348, %get3A_349] {strides = array<i32>} : memref<8x768xf32, #tpu.memory_space<vmem>>, vector<16xf32>,
      %add3A_351 = arith.constant 512 : i32
      %add3A_352 = vector.broadcast %add3A_351 : i32 to vector<16xi32>
      %add3A_353 = arith.addi %scan3A_315, %add3A_352 : vector<16xi32>
      tpu.vector_store_idx %arg6[%add3A_353], %get3A_350 : memref<12288xf32, #tpu.memory_space<vmem>>[vector<16xi32>], vector<16xf32>,
      %mul3A_354 = arith.constant 4 : i32
      %mul3A_355 = arith.muli %mul3A_354, %scan3A_314 : i32
      %add3A_356 = arith.constant 3 : i32
      %add3A_357 = arith.addi %mul3A_355, %add3A_356 : i32
      %mul3A_358 = arith.constant 16 : i32
      %mul3A_359 = arith.muli %add3A_357, %mul3A_358 : i32
      %get3A_360 = arith.constant 6 : i32
      %get3A_361 = arith.index_cast %get3A_360 : i32 to index
      %get3A_362 = arith.index_cast %mul3A_359 : i32 to index
      %get3A_363 = tpu.vector_load %arg4[%get3A_361, %get3A_362] {strides = array<i32>} : memref<8x768xf32, #tpu.memory_space<vmem>>, vector<16xf32>,
      %add3A_364 = arith.constant 768 : i32
      %add3A_365 = vector.broadcast %add3A_364 : i32 to vector<16xi32>
      %add3A_366 = arith.addi %scan3A_315, %add3A_365 : vector<16xi32>
      tpu.vector_store_idx %arg6[%add3A_366], %get3A_363 : memref<12288xf32, #tpu.memory_space<vmem>>[vector<16xi32>], vector<16xf32>,
      %add3A_367 = arith.constant 1024 : i32
      %add3A_368 = vector.broadcast %add3A_367 : i32 to vector<16xi32>
      %add3A_369 = arith.addi %scan3A_315, %add3A_368 : vector<16xi32>
      scf.yield %add3A_369 : vector<16xi32>
    }
    %scan3A_284 = arith.constant 12 : i32
    %add3A_285 = arith.constant 7 : i32
    %add3A_286 = vector.broadcast %add3A_285 : i32 to vector<16xi32>
    %add3A_287 = arith.addi %mul3A_25, %add3A_286 : vector<16xi32>
    %scan3A_288 = arith.constant 0 : i32
    %scan3A_289 = arith.constant 12 : i32
    %scan3A_290 = arith.addi %scan3A_288, %scan3A_289 : i32
    %scan3A_291 = arith.constant 1 : i32
    %scan3A_292 = scf.for %scan3A_314 = %scan3A_288 to %scan3A_290 step %scan3A_291 iter_args(%scan3A_315 = %add3A_287) -> (vector<16xi32>)  : i32 {
      %mul3A_316 = arith.constant 4 : i32
      %mul3A_317 = arith.muli %mul3A_316, %scan3A_314 : i32
      %add3A_318 = arith.constant 0 : i32
      %add3A_319 = arith.addi %mul3A_317, %add3A_318 : i32
      %mul3A_320 = arith.constant 16 : i32
      %mul3A_321 = arith.muli %add3A_319, %mul3A_320 : i32
      %get3A = arith.constant 7 : i32
      %get3A_322 = arith.index_cast %get3A : i32 to index
      %get3A_323 = arith.index_cast %mul3A_321 : i32 to index
      %get3A_324 = tpu.vector_load %arg4[%get3A_322, %get3A_323] {strides = array<i32>} : memref<8x768xf32, #tpu.memory_space<vmem>>, vector<16xf32>,
      %add3A_325 = arith.constant 0 : i32
      %add3A_326 = vector.broadcast %add3A_325 : i32 to vector<16xi32>
      %add3A_327 = arith.addi %scan3A_315, %add3A_326 : vector<16xi32>
      tpu.vector_store_idx %arg6[%add3A_327], %get3A_324 : memref<12288xf32, #tpu.memory_space<vmem>>[vector<16xi32>], vector<16xf32>,
      %mul3A_328 = arith.constant 4 : i32
      %mul3A_329 = arith.muli %mul3A_328, %scan3A_314 : i32
      %add3A_330 = arith.constant 1 : i32
      %add3A_331 = arith.addi %mul3A_329, %add3A_330 : i32
      %mul3A_332 = arith.constant 16 : i32
      %mul3A_333 = arith.muli %add3A_331, %mul3A_332 : i32
      %get3A_334 = arith.constant 7 : i32
      %get3A_335 = arith.index_cast %get3A_334 : i32 to index
      %get3A_336 = arith.index_cast %mul3A_333 : i32 to index
      %get3A_337 = tpu.vector_load %arg4[%get3A_335, %get3A_336] {strides = array<i32>} : memref<8x768xf32, #tpu.memory_space<vmem>>, vector<16xf32>,
      %add3A_338 = arith.constant 256 : i32
      %add3A_339 = vector.broadcast %add3A_338 : i32 to vector<16xi32>
      %add3A_340 = arith.addi %scan3A_315, %add3A_339 : vector<16xi32>
      tpu.vector_store_idx %arg6[%add3A_340], %get3A_337 : memref<12288xf32, #tpu.memory_space<vmem>>[vector<16xi32>], vector<16xf32>,
      %mul3A_341 = arith.constant 4 : i32
      %mul3A_342 = arith.muli %mul3A_341, %scan3A_314 : i32
      %add3A_343 = arith.constant 2 : i32
      %add3A_344 = arith.addi %mul3A_342, %add3A_343 : i32
      %mul3A_345 = arith.constant 16 : i32
      %mul3A_346 = arith.muli %add3A_344, %mul3A_345 : i32
      %get3A_347 = arith.constant 7 : i32
      %get3A_348 = arith.index_cast %get3A_347 : i32 to index
      %get3A_349 = arith.index_cast %mul3A_346 : i32 to index
      %get3A_350 = tpu.vector_load %arg4[%get3A_348, %get3A_349] {strides = array<i32>} : memref<8x768xf32, #tpu.memory_space<vmem>>, vector<16xf32>,
      %add3A_351 = arith.constant 512 : i32
      %add3A_352 = vector.broadcast %add3A_351 : i32 to vector<16xi32>
      %add3A_353 = arith.addi %scan3A_315, %add3A_352 : vector<16xi32>
      tpu.vector_store_idx %arg6[%add3A_353], %get3A_350 : memref<12288xf32, #tpu.memory_space<vmem>>[vector<16xi32>], vector<16xf32>,
      %mul3A_354 = arith.constant 4 : i32
      %mul3A_355 = arith.muli %mul3A_354, %scan3A_314 : i32
      %add3A_356 = arith.constant 3 : i32
      %add3A_357 = arith.addi %mul3A_355, %add3A_356 : i32
      %mul3A_358 = arith.constant 16 : i32
      %mul3A_359 = arith.muli %add3A_357, %mul3A_358 : i32
      %get3A_360 = arith.constant 7 : i32
      %get3A_361 = arith.index_cast %get3A_360 : i32 to index
      %get3A_362 = arith.index_cast %mul3A_359 : i32 to index
      %get3A_363 = tpu.vector_load %arg4[%get3A_361, %get3A_362] {strides = array<i32>} : memref<8x768xf32, #tpu.memory_space<vmem>>, vector<16xf32>,
      %add3A_364 = arith.constant 768 : i32
      %add3A_365 = vector.broadcast %add3A_364 : i32 to vector<16xi32>
      %add3A_366 = arith.addi %scan3A_315, %add3A_365 : vector<16xi32>
      tpu.vector_store_idx %arg6[%add3A_366], %get3A_363 : memref<12288xf32, #tpu.memory_space<vmem>>[vector<16xi32>], vector<16xf32>,
      %add3A_367 = arith.constant 1024 : i32
      %add3A_368 = vector.broadcast %add3A_367 : i32 to vector<16xi32>
      %add3A_369 = arith.addi %scan3A_315, %add3A_368 : vector<16xi32>
      scf.yield %add3A_369 : vector<16xi32>
    }
    %scan3A_293 = arith.constant 12 : i32
    %add3A_294 = arith.constant 30720 : i32
    %add3A_295 = arith.addi %mul3A_4, %add3A_294 : i32
    %mul3A_296 = arith.constant 16 : i32
    %mul3A_297 = arith.muli %add3A_295, %mul3A_296 : i32
    %dma_start3A_298 = tpu.memref_slice %arg3[%mul3A_297] : memref<16121856xf32, #tpu.memory_space<hbm>> -> memref<12288xf32, #tpu.memory_space<hbm>>
    %dma_start3A_299 = tpu.memref_slice %arg3[%mul3A_297] : memref<16121856xf32, #tpu.memory_space<hbm>> -> memref<12288xf32, #tpu.memory_space<hbm>>
    tpu.enqueue_dma source(%arg6 : memref<12288xf32, #tpu.memory_space<vmem>>) target(%dma_start3A_299 : memref<12288xf32, #tpu.memory_space<hbm>>) target_semaphore(%arg10 : memref<!tpu.dma_semaphore, #tpu.memory_space<semaphore_mem>>)
    %dma_wait3A_300 = arith.constant 0 : i32
    %dma_wait3A_301 = arith.constant 0 : i32
    %dma_wait3A_302 = tpu.memref_slice %arg2[%dma_wait3A_300, %dma_wait3A_301] : memref<8x1007616xf32, #tpu.memory_space<hbm>> -> memref<8x768xf32, #tpu.memory_space<hbm>>
    %dma_wait3A_303 = arith.constant 0 : i32
    %dma_wait3A_304 = arith.constant 0 : i32
    %dma_wait3A_305 = tpu.memref_slice %arg2[%dma_wait3A_303, %dma_wait3A_304] : memref<8x1007616xf32, #tpu.memory_space<hbm>> -> memref<8x768xf32, #tpu.memory_space<hbm>>
    tpu.wait_dma2 semaphore(%arg9 : memref<!tpu.dma_semaphore, #tpu.memory_space<semaphore_mem>>) src(%dma_wait3A_305 : memref<8x768xf32, #tpu.memory_space<hbm>>) dst(%arg5 : memref<8x768xf32, #tpu.memory_space<vmem>>)
    %dma_wait3A_306 = arith.constant 0 : i32
    %dma_wait3A_307 = tpu.memref_slice %arg3[%dma_wait3A_306] : memref<16121856xf32, #tpu.memory_space<hbm>> -> memref<12288xf32, #tpu.memory_space<hbm>>
    %dma_wait3A_308 = arith.constant 0 : i32
    %dma_wait3A_309 = tpu.memref_slice %arg3[%dma_wait3A_308] : memref<16121856xf32, #tpu.memory_space<hbm>> -> memref<12288xf32, #tpu.memory_space<hbm>>
    tpu.wait_dma2 semaphore(%arg10 : memref<!tpu.dma_semaphore, #tpu.memory_space<semaphore_mem>>) src(%dma_wait3A_309 : memref<12288xf32, #tpu.memory_space<hbm>>) dst(%arg6 : memref<12288xf32, #tpu.memory_space<vmem>>)
    %dma_wait3A_310 = arith.constant 0 : i32
    %dma_wait3A_311 = tpu.memref_slice %arg3[%dma_wait3A_310] : memref<16121856xf32, #tpu.memory_space<hbm>> -> memref<12288xf32, #tpu.memory_space<hbm>>
    %dma_wait3A_312 = arith.constant 0 : i32
    %dma_wait3A_313 = tpu.memref_slice %arg3[%dma_wait3A_312] : memref<16121856xf32, #tpu.memory_space<hbm>> -> memref<12288xf32, #tpu.memory_space<hbm>>
    tpu.wait_dma2 semaphore(%arg11 : memref<!tpu.dma_semaphore, #tpu.memory_space<semaphore_mem>>) src(%dma_wait3A_313 : memref<12288xf32, #tpu.memory_space<hbm>>) dst(%arg7 : memref<12288xf32, #tpu.memory_space<vmem>>)
    return
  }
}

module attributes {stable_mosaic.version = 14 : i64} {
  func.func @_fold_body(%arg0: i32, %arg1: memref<8x64xf32, #tpu.memory_space<vmem>>, %arg2: memref<64x8192xf32, #tpu.memory_space<vmem>>, %arg3: memref<8x8192xf32, #tpu.memory_space<vmem>>) attributes {dimension_semantics = [#tpu.dimension_semantics<arbitrary>], iteration_bounds = array<i64: 123>, scalar_prefetch = 0 : i64, scratch_operands = 0 : i64, tpu.core_type = #tpu.core_type<tc>, window_params = [{pipeline_mode = #tpu.pipeline_mode<synchronous>, transform_indices = @transform_0, window_bounds = array<i64: 8, 64>}, {transform_indices = @transform_1, window_bounds = array<i64: 64, 8192>}, {transform_indices = @transform_2, window_bounds = array<i64: 8, 8192>}]} {
    %get3A = arith.constant 0 : index
    %get3A_0 = arith.constant 0 : index
    %get3A_1 = vector.load %arg1[%get3A, %get3A_0] : memref<8x64xf32, #tpu.memory_space<vmem>>, vector<8x64xf32>
    %get3A_2 = arith.constant 0 : index
    %get3A_3 = arith.constant 0 : index
    %get3A_4 = vector.load %arg2[%get3A_2, %get3A_3] : memref<64x8192xf32, #tpu.memory_space<vmem>>, vector<64x8192xf32>
    %dot_general3A = arith.constant dense<0.000000e+00> : vector<8x8192xf32>
    %dot_general3A_5 = tpu.matmul %get3A_1, %get3A_4, %dot_general3A {dimension_numbers = #tpu.dot_dimension_numbers<[1], [0], [0], [1], [0, 0, 1, 1], [], []>, transpose_lhs_hint = false} : vector<8x64xf32>, vector<64x8192xf32>, vector<8x8192xf32> -> vector<8x8192xf32>
    %swap3A = arith.constant 0 : index
    %swap3A_6 = arith.constant 0 : index
    %swap3A_7 = vector.load %arg3[%swap3A, %swap3A_6] : memref<8x8192xf32, #tpu.memory_space<vmem>>, vector<8x8192xf32>
    tpu.vector_store %arg3[%swap3A, %swap3A_6], %dot_general3A_5 {strides = array<i32>} : memref<8x8192xf32, #tpu.memory_space<vmem>>, vector<8x8192xf32>,
    return
  }
  func.func @transform_0(%arg0: i32) -> (i32, i32) {
    %c0_i32 = arith.constant 0 : i32
    %c0_i32_0 = arith.constant 0 : i32
    %c0_i32_1 = arith.constant 0 : i32
    return %c0_i32, %c0_i32_0 : i32, i32
  }
  func.func @transform_1(%arg0: i32) -> (i32, i32) {
    %c0_i32 = arith.constant 0 : i32
    %c0_i32_0 = arith.constant 0 : i32
    return %c0_i32, %arg0 : i32, i32
  }
  func.func @transform_2(%arg0: i32) -> (i32, i32) {
    %c0_i32 = arith.constant 0 : i32
    %c0_i32_0 = arith.constant 0 : i32
    return %c0_i32, %arg0 : i32, i32
  }
}

</mosaic_0001>

<sc_bundles>
// kernel: kernel.5.cloned.1.call-start
scs
__scs_entry_jumppad:
0x0: {  	(pc) =	sbr.rel $0x88, $3  }
0x1: {  	(tag) =	ssettag $0x0;
	lr =	simm.s32 $0x1  }
0x2: {  	[smem:$0x3F9D] =	sst lr;
	_ =	strace $0xD0000000  }
0x3: {  	_ = 	snop  }
0x4: {  	_ = 	snop  }
0x5: {  	_ = 	snop  }
0x6: {  	_ = 	snop  }
0x7: {  	_ = 	snop  }
__scs_overlays_trampoline_lowered:
0x8: {  	[smem:$0x3FAC] =	sst s0  }
0x9: {  	[smem:$0x3FAD] =	sst s1  }
0xa: {  	[smem:$0x3FAE] =	sst s2  }
0xb: {  	[smem:$0x3FAF] =	sst s3  }
0xc: {  	[smem:$0x3FB0] =	sst s4  }
0xd: {  	[smem:$0x3FB1] =	sst s5  }
0xe: {  	[smem:$0x3FB2] =	sst s6  }
0xf: {  	[smem:$0x3FB3] =	sst s7  }
0x10: {  	[smem:$0x3FB4] =	sst s8  }
0x11: {  	[smem:$0x3FB5] =	sst s9;
	s0 =	simm.s32 @!p0 $0x0  }
0x12: {  	s1 =	sld [smem:$0x3F9B];
	s0 =	simm.s32 @p0 $0x1  }
0x13: {  	[smem:$0x3FB6] =	sst s0;
	s0 =	simm.s32 @!p1 $0x0  }
0x14: {  	s2 =	sld [smem:$0x3F9A];
	s0 =	simm.s32 @p1 $0x1  }
0x15: {  	[smem:$0x3FB7] =	sst s0;
	s0 =	simm.s32 @!p2 $0x0  }
0x16: {  	s3 =	sld [smem:$0x3FDB];
	s0 =	simm.s32 @p2 $0x1  }
0x17: {  	s4 =	simm.s32 $0x1BF5;
	[smem:$0x3FB9] =	sst s0  }
0x18: {  	s0 =	sld [smem:$0x3F9C];
	_ =	swait.ge [sflag:s4], $0x0  }
0x19: {  	s7 =	sld [smem:$0x3F9D]  }
0x1a: {  	s8 =	sadd.s32 $0xFFFFE003, lr  }
0x1b: {  	s9 =	sadd.s32 $0xFFFFFEF7, lr;
	s5 =	simm.s32 $0xFFFFFFFF;
	p2 =	slt.u32 s8, $0xFFFFF086  }
0x1c: {  	p1 =	slt.u32 s9, $0xF7A;
	s5 =	simm.s32 @!p2 $0x0  }
0x1d: {  	s5 =	simm.s32 @p1 $0x1;
	p0 =	seq.s32 s7, s2  }
0x1e: {  	s7 =	smul.u32 @!p0 $0xF7A, s2;
	p2 =	seq.s32 @!p0 s5, $0x0  }
0x1f: {  	s9 =	smul.u32 $0xF7A, s1;
	s8 =	simm.s32 @!p0 $0x1BF5;
	p2 =	por !p2, p0  }
0x20: {  	[sflag:s8] =	ssyncset.s32 @!p0 $0xFFFFF086;
	s6 =	sadd.s32 @!p0 s3, s7;
	s7 =	simm.s32 @!p0 $0x108  }
0x21: {  	s3 =	sadd.s32 s3, s9;
	s6 =	sadd.s32 @!p0 $0x88, s6;
	s7 =	simm.s32 @p2 $0x1082  }
0x22: {  	[simem:s7], [sflag:s8] =	dma.local @!p0 [hbm:s6], $0xF7A  }
0x23: {  	s9 =	sor.u32 $0xD0000000, s2;
	s6 =	simm.s32 $0x108;
	_ =	swait.ge @!p0 [sflag:s8], $0x0  }
0x24: {  	s3 =	sadd.s32 $0x88, s3;
	s6 =	simm.s32 @!p1 $0x1082;
	[sflag:s4] =	ssyncset.s32 $0xFFFFF086  }
0x25: {  	[simem:s6], [sflag:s4] =	dma.local [hbm:s3], $0xF7A  }
0x26: {  	[smem:$0x3F9D] =	sst s1;
	(tag) =	ssettag s2;
	_ =	strace s9  }
0x27: {  	s1 =	sld [smem:$0x3FAD]  }
0x28: {  	s2 =	sld [smem:$0x3FAE]  }
0x29: {  	s4 =	sld [smem:$0x3FB0]  }
0x2a: {  	p0 =	seq.s32 s5, $0x0;
	s5 =	sld [smem:$0x3FB1]  }
0x2b: {  	s6 =	sld [smem:$0x3FB2]  }
0x2c: {  	s7 =	sld [smem:$0x3FB3]  }
0x2d: {  	s3 =	simm.s32 $0x108;
	s8 =	sld [smem:$0x3FB4]  }
0x2e: {  	s3 =	simm.s32 @!p0 $0x1082;
	s9 =	sld [smem:$0x3FB5]  }
0x2f: {  	lr =	sadd.s32 s0, s3;
	s0 =	sld [smem:$0x3FAC]  }
0x30: {  	s3 =	sld [smem:$0x3FAF]  }
0x31: {  	[smem:$0x3FB8] =	sst s10  }
0x32: {  	s10 =	sld [smem:$0x3FB6];
	_ =	sdelay $0x3  }
0x33: {  	p0 =	seq.s32 s10, $0x1;
	s10 =	sld [smem:$0x3FB8];
	_ =	sdelay $0x3  }
0x34: {  	[smem:$0x3FB8] =	sst s10  }
0x35: {  	s10 =	sld [smem:$0x3FB7];
	_ =	sdelay $0x3  }
0x36: {  	p1 =	seq.s32 s10, $0x1;
	s10 =	sld [smem:$0x3FB8];
	_ =	sdelay $0x3  }
0x37: {  	[smem:$0x3FB8] =	sst s10  }
0x38: {  	s10 =	sld [smem:$0x3FB9]  }
0x39: {  	_ = 	snop;
	(pc) =	sbr.ind lr, $3  }
0x3a: {  	_ = 	snop  }
0x3b: {  	_ = 	snop  }
0x3c: {  	p2 =	seq.s32 s10, $0x1;
	s10 =	sld [smem:$0x3FB8]  }
0x3d: {  	_ =	shalt  }
0x3e: {  	_ =	shalt  }
0x3f: {  	_ =	shalt  }
0x40: {  	_ =	shalt  }
0x41: {  	_ =	shalt  }
0x42: {  	_ =	shalt  }
0x43: {  	_ =	shalt  }
0x44: {  	_ =	shalt  }
0x45: {  	_ =	shalt  }
0x46: {  	_ =	shalt  }
0x47: {  	_ =	shalt  }
0x48: {  	_ =	shalt  }
0x49: {  	_ =	shalt  }
0x4a: {  	_ =	shalt  }
0x4b: {  	_ =	shalt  }
0x4c: {  	_ =	shalt  }
0x4d: {  	_ =	shalt  }
0x4e: {  	_ =	shalt  }
0x4f: {  	_ =	shalt  }
0x50: {  	_ =	shalt  }
0x51: {  	_ =	shalt  }
0x52: {  	_ =	shalt  }
0x53: {  	_ =	shalt  }
0x54: {  	_ =	shalt  }
0x55: {  	_ =	shalt  }
0x56: {  	_ =	shalt  }
0x57: {  	_ =	shalt  }
0x58: {  	_ =	shalt  }
0x59: {  	_ =	shalt  }
0x5a: {  	_ =	shalt  }
0x5b: {  	_ =	shalt  }
0x5c: {  	_ =	shalt  }
0x5d: {  	_ =	shalt  }
0x5e: {  	_ =	shalt  }
0x5f: {  	_ =	shalt  }
0x60: {  	_ =	shalt  }
0x61: {  	_ =	shalt  }
0x62: {  	_ =	shalt  }
0x63: {  	_ =	shalt  }
0x64: {  	_ =	shalt  }
0x65: {  	_ =	shalt  }
0x66: {  	_ =	shalt  }
0x67: {  	_ =	shalt  }
0x68: {  	_ =	shalt  }
0x69: {  	_ =	shalt  }
0x6a: {  	_ =	shalt  }
0x6b: {  	_ =	shalt  }
0x6c: {  	_ =	shalt  }
0x6d: {  	_ =	shalt  }
0x6e: {  	_ =	shalt  }
0x6f: {  	_ =	shalt  }
0x70: {  	_ =	shalt  }
0x71: {  	_ =	shalt  }
0x72: {  	_ =	shalt  }
0x73: {  	_ =	shalt  }
0x74: {  	_ =	shalt  }
0x75: {  	_ =	shalt  }
0x76: {  	_ =	shalt  }
0x77: {  	_ =	shalt  }
0x78: {  	_ =	shalt  }
0x79: {  	_ =	shalt  }
0x7a: {  	_ =	shalt  }
0x7b: {  	_ =	shalt  }
0x7c: {  	_ =	shalt  }
0x7d: {  	_ =	shalt  }
0x7e: {  	_ =	shalt  }
0x7f: {  	_ =	shalt  }
0x80: {  	_ =	shalt  }
0x81: {  	_ =	shalt  }
0x82: {  	_ =	shalt  }
0x83: {  	_ =	shalt  }
0x84: {  	_ =	shalt  }
0x85: {  	_ =	shalt  }
0x86: {  	_ =	shalt  }
0x87: {  	_ =	shalt  }
.Lfunc_end0:
.L_simem_size_0:
called_computation_lowered:
.L_overlay_start_0:
0x88: {  	s2 =	sld [smem:$0x3FD9]  }
0x89: {  	s3 =	sld [smem:$0x3FFE];
	_ =	sdelay $0x1  }
0x8a: {  	s1 =	srdreg.scid  }
0x8b: {  	s0 =	sand.u32 $0x1, s1  }
0x8c: {  	s16 =	sshll.u32 s0, $0xA;
	s2 =	sadd.s32 s3, s2  }
0x8d: {  	s2 =	sadd.s32 s2, s16  }
0x8e: {  	[smem:$0x3FC4] =	sst s2  }
0x8f: {  	_ = 	snop  }
0x90: {  	(tm) =	ssettm $0x1  }
0x91: {  	s17 =	sld [smem:$0x3FFB];
	_ =	sdelay $0x3  }
0x92: {  	_ =	strace s17  }
0x93: {  	s2 =	sld [smem:$0x3FFC];
	_ =	sdelay $0x3  }
0x94: {  	_ =	strace s2  }
0x95: {  	s2 =	sld [smem:$0x3FFD];
	_ =	sdelay $0x3  }
0x96: {  	_ =	strace s2  }
0x97: {  	_ =	strace $0x8FFFFFFF  }
0x98: {  	s18 =	sld [smem:$0x3FDB];
	_ =	sdelay $0x1  }
0x99: {  	s19 =	simm.s32 $_scs_section_size  }
0x9a: {  	s4 =	simm.s32 $_size__tile_overlayer_lowered;
	s5 =	simm.s32 $_tile_overlayer_lowered  }
0x9b: {  	s22 =	simm.s32 $0x1BFF;
	s21 =	sshll.u32 s5, $0x1;
	s2 =	sadd.s32 s19, s18  }
0x9c: {  	s6 =	simm.s32 $0x0;
	s20 =	sshll.u32 s4, $0x1;
	s4 =	sadd.s32 s21, s2  }
0x9d: {  	[timem:s6], [sflag:s22] =	dma.local [hbm:s4], s20  }
0x9e: {  	_ =	swait.ge [sflag:s22], s20  }
0x9f: {  	s3 =	ssub.s32 $0x0, s20;
	[sflag:s22] =	ssyncset.done $0x0  }
0xa0: {  	[sflag:s22] =	ssyncadd.s32 s3;
	_ =	sdelay $0x1  }
0xa1: {  	s23 =	simm.s32 $0x1B8B  }
0xa2: {  	_ =	swait.ge [sflag:s23], $0x1  }
0xa3: {  	[sflag:s23] =	ssyncset.done $0x0  }
0xa4: {  	s25 =	simm.s32 $0x1B8E;
	s24 =	sld [smem:$0x3FFE];
	[sflag:s23] =	ssyncadd.s32 $0xFFFFFFFF  }
0xa5: {  	s26 =	simm.s32 $execute0_lowered;
	[smem:$0x3FD2] =	sst s25  }
0xa6: {  	s4 =	sshll.u32 s26, $0x1;
	_ =	strace $0x80000046;
	[dreg:$0x1] =	wrdreg $0xFFFFFFFF  }
0xa7: {  	s28 =	simm.s32 $_size_execute0_lowered;
	s2 =	sadd.s32 s2, s4;
	[dreg:$0x0] =	wrdreg $0x0  }
0xa8: {  	s4 =	sshll.u32 s28, $0x1;
	[dreg:$0x2] =	wrdreg s2  }
0xa9: {  	[dreg:$0x3] =	wrdreg s4  }
0xaa: {  	[dreg:$0x4] =	wrdreg $0xC0  }
0xab: {  	_ =	task [dreg:s6], $0x5FFFF  }
0xac: {  	[dreg:$0x1] =	wrdreg $0xFFFFFFFF  }
0xad: {  	[dreg:$0x0] =	wrdreg $0x60  }
0xae: {  	[dreg:$0x2] =	wrdreg s24  }
0xaf: {  	[dreg:$0x3] =	wrdreg $0x9  }
0xb0: {  	_ =	task.clear_ibuf [dreg:s6], $0x4FFFF;
	_ =	strace $0x90000046  }
0xb1: {  	s29 =	simm.s32 $0x9;
	_ =	strace $0x80000048  }
0xb2: {  	_ =	swait.ge [sflag:s29], $0x1  }
0xb3: {  	[sflag:s29] =	ssyncadd.s32 $0xFFFFFFFF  }
0xb4: {  	_ =	strace $0x90000048  }
0xb5: {  	_ =	sfence  }
0xb6: {  	s30 =	sld [smem:$0x0];
	_ =	sdelay $0x2  }
0xb7: {  	s31 =	sshll.u32 s1, $0xD;
	s1 =	sshrl.u32 s1, $0x2  }
0xb8: {  	s3 =	sand.u32 $0x4000, s31;
	s1 =	sadd.s32 s1, s30  }
0xb9: {  	s0 =	sor.u32 s3, s0;
	s1 =	sshll.u32 s1, $0x11  }
0xba: {  	s0 =	sor.u32 s1, s0  }
0xbb: {  	s0 =	sadd.s32 $0x8F2B, s0  }
0xbc: {  	[sflag:s0] =	ssyncadd.remote.s32 $0x1  }
0xbd: {  	_ =	sfence.sel $0xFFFF  }
0xbe: {  	[dreg:$0x0] =	wrdreg $0xFFFFFFFF;
	(pc) =	sbr.abs _section_cstart, $3  }
0xbf: {  	[dreg:$0x1] =	wrdreg $0xFFFFFFFF  }
0xc0: {  	_ =	task.clear_ibuf [dreg:s6], $0x2FFFF;
	_ =	strace $0x9FFFFFFF  }
0xc1: {  	(tm) =	ssettm $0x7FFFFFFF  }
tec
execute0_lowered:
.L_overlay_start_1:
0x0: {  	(tag) =	ssettag $0x1  }
0x1: {  	s0 =	rddreg [dreg:$0x0];
	s3 =	srdreg.scid  }
0x2: {  	s1 =	stileid.u32;
	s2 =	simm.s32 $0x0;
	s15 =	simm.s32 $0x1800  }
0x3: {  	s16 =	simm.s32 $0x1;
	s17 =	simm.s32 $0x3000;
	s18 =	simm.s32 $0x2  }
0x4: {  	s19 =	simm.s32 $0x6000;
	s3 =	sand.u32 $0x1, s3;
	s4 =	sshll.u32 s1, $0x1  }
0x5: {  	s20 =	simm.s32 $0x3;
	s21 =	simm.s32 $0x4;
	s7 =	sor.u32 s3, s4  }
0x6: {  	s22 =	simm.s32 $0x0;
	s5 =	ssub.s32 $0x2, s3;
	s3 =	smul.u32 $0x7B00, s7  }
0x7: {  	[smem:$0x7FF] =	sst s2;
	s9 =	sadd.s32 $0xC00, s0;
	s8 =	smul.u32 $0xF600, s7  }
0x8: {  	_ =	strace $0x80000047;
	s6 =	sshrl.u32 s5, $0x1;
	s10 =	smul.u32 $0x3D800, s7  }
0x9: {  	v0 =	vlaneseq.u32;
	s4 =	sadd.s32 $0xF6C00, s0;
	s11 =	smul.u32 $0x7B000, s7;
	s30 =	ssub.s32 s5, s6  }
0xa: {  	v1 =	vmul.u32 $0x10, v0;
	s5 =	sadd.s32 s9, s3;
	s6 =	sadd.s32 $0x300, s3;
	s8 =	sadd.s32 s4, s8  }
0xb: {  	s10 =	sshrl.u32 s10, $0x3;
	s11 =	sshrl.u32 s11, $0x3;
	s7 =	sadd.s32 s9, s6  }
0xc: {  	v2 =	vimm.f32 $0.0e+00;
	v3 =	vor.u32 $0x1, v1;
	s12 =	sadd.s32 s9, s10;
	s31 =	sshll.u32 s6, $0x1;
	s13 =	sadd.s32 s4, s11  }
0xd: {  	v4 =	vor.u32 $0x2, v1;
	v5 =	vor.u32 $0x3, v1;
	v6 =	vor.u32 $0x4, v1;
	s14 =	sadd.s32 $0x600, s5;
	s9 =	sadd.s32 $0x600, s12;
	s10 =	sadd.s32 s4, s31  }
0xe: {  	v7 =	vor.u32 $0x5, v1;
	v8 =	vor.u32 $0x6, v1;
	v9 =	vor.u32 $0x7, v1;
	s11 =	sadd.s32 $0x900, s12;
	s12 =	sadd.s32 $0xF000, s13;
	s13 =	smax.u32 s30, $0x1  }
.LBB2_1:
0xf: {  	[tilespmem:s2], [sflag:$0x1] =	stream.linear.gather [hbm4b:s5+s2], $0x1800, $0x38;
	[tilespmem:$0x9000] =	vst v63  }
0x10: {  	s23 =	simm.s32 $0x40;
	s24 =	simm.s32 $0x0  }
0x11: {  	[tilespmem:s15], [sflag:$0x2] =	stream.linear.gather [hbm4b:s7+s2], $0x1800, $0x38;
	[tilespmem:$0x9000] =	vst v63  }
.LBB2_2:
0x12: {  	p0 =	sne.s32 s23, $0xBFC0;
	[tilespmem:s24+$0x3000] =	vst v2;
	s0 =	smov.u32 s23;
	s23 =	sadd.s32 $0x40, s23  }
.Ltmp0:
0x13: {  	[tilespmem:s24+$0x6000] =	vst v2;
	(pc) =	sbr.rel @p0 .LBB2_2-.Ltmp0, $2  }
0x14: {  	_ =	sdelay $0x2  }
0x15: {  	s24 =	sshra.s32 s0, $0x2  }
0x16: {  	[tilespmem:s24+$0x3000] =	vst v2  }
0x17: {  	[tilespmem:s24+$0x6000] =	vst v2  }
0x18: {  	s0 =	simm.s32 $0x0;
	_ =	swait.ge [sflag:s16], $0x1800  }
0x19: {  	s23 =	sand.u32 $0x40, s0;
	s0 =	sand.u32 $0x1C00, s0;
	[sflag:s16] =	ssyncset.done $0x0  }
0x1a: {  	s23 =	sor.u32 s23, s0;
	[sflag:s16] =	ssyncadd.s32 $0xFFFFE800  }
0x1b: {  	v10 =	vld [tilespmem:s23+$0x0];
	_ =	sdelay $0x4  }
0x1c: {  	[tilespmem:v1+s17+$0x0] =	vst.idx.msk $0xffff, v10;
	v10 =	vand.u32 $0xFFFFFFF0, v1  }
0x1d: {  	v12 =	vld [tilespmem:s23+$0x10];
	v11 =	vadd.s32 $0x100, v10;
	_ =	sdelay $0x4  }
0x1e: {  	[tilespmem:v11+s17+$0x0] =	vst.idx.msk $0xffff, v12  }
0x1f: {  	v12 =	vadd.s32 $0x200, v10;
	v13 =	vld [tilespmem:s23+$0x20];
	_ =	sdelay $0x4  }
0x20: {  	[tilespmem:v12+s17+$0x0] =	vst.idx.msk $0xffff, v13  }
0x21: {  	v15 =	vadd.s32 $0x300, v10;
	v14 =	vld [tilespmem:s23+$0x30];
	_ =	sdelay $0x2  }
0x22: {  	s24 =	simm.s32 $0x40;
	s25 =	simm.s32 $0x200  }
0x23: {  	s26 =	simm.s32 $0x80;
	s28 =	sand.u32 $0x40, s24;
	s29 =	sand.u32 $0x1C00, s25;
	v13 =	vmov v1  }
.LBB2_4:
0x24: {  	p0 =	sne.s32 s26, $0x2C0;
	s0 =	sor.u32 s28, s29;
	[tilespmem:v15+s17+$0x0] =	vst.idx.msk $0xffff, v14  }
0x25: {  	v13 =	vadd.s32 $0x400, v13;
	v14 =	vld [tilespmem:s0+$0x0];
	_ =	sdelay $0x4  }
0x26: {  	v15 =	vand.u32 $0xFFFFFFF0, v13;
	[tilespmem:v13+s17+$0x0] =	vst.idx.msk $0xffff, v14  }
0x27: {  	v16 =	vadd.s32 $0x100, v15;
	v14 =	vld [tilespmem:s0+$0x10];
	_ =	sdelay $0x4  }
0x28: {  	[tilespmem:v16+s17+$0x0] =	vst.idx.msk $0xffff, v14  }
0x29: {  	v16 =	vadd.s32 $0x200, v15;
	v14 =	vld [tilespmem:s0+$0x20];
	_ =	sdelay $0x4  }
0x2a: {  	[tilespmem:v16+s17+$0x0] =	vst.idx.msk $0xffff, v14  }
.Ltmp1:
0x2b: {  	v15 =	vadd.s32 $0x300, v15;
	v14 =	vld [tilespmem:s0+$0x30];
	(pc) =	sbr.rel @p0 .LBB2_4-.Ltmp1, $3  }
0x2c: {  	_ =	sdelay $0x1  }
0x2d: {  	s25 =	sadd.s32 $0x200, s25  }
0x2e: {  	s28 =	sand.u32 $0x40, s26;
	s26 =	sadd.s32 $0x40, s26;
	s29 =	sand.u32 $0x1C00, s25  }
0x2f: {  	_ =	sdelay $0x3  }
0x30: {  	s0 =	sor.u32 s28, s29;
	[tilespmem:v15+s17+$0x0] =	vst.idx.msk $0xffff, v14  }
0x31: {  	v13 =	vadd.s32 $0x400, v13;
	v14 =	vld [tilespmem:s0+$0x0];
	_ =	sdelay $0x4  }
0x32: {  	[tilespmem:v13+s17+$0x0] =	vst.idx.msk $0xffff, v14;
	v13 =	vand.u32 $0xFFFFFFF0, v13  }
0x33: {  	v14 =	vld [tilespmem:s0+$0x10];
	v15 =	vadd.s32 $0x100, v13;
	_ =	sdelay $0x4  }
0x34: {  	[tilespmem:v15+s17+$0x0] =	vst.idx.msk $0xffff, v14  }
0x35: {  	v15 =	vadd.s32 $0x200, v13;
	v14 =	vld [tilespmem:s0+$0x20];
	_ =	sdelay $0x4  }
0x36: {  	[tilespmem:v15+s17+$0x0] =	vst.idx.msk $0xffff, v14  }
0x37: {  	v13 =	vadd.s32 $0x300, v13;
	v14 =	vld [tilespmem:s0+$0x30];
	_ =	sdelay $0x4  }
0x38: {  	[tilespmem:v13+s17+$0x0] =	vst.idx.msk $0xffff, v14  }
0x39: {  	v13 =	vld [tilespmem:s23+$0x80];
	_ =	sdelay $0x4  }
0x3a: {  	[tilespmem:v3+s17+$0x0] =	vst.idx.msk $0xffff, v13  }
0x3b: {  	v13 =	vadd.s32 $0x100, v3;
	v14 =	vld [tilespmem:s23+$0x90];
	_ =	sdelay $0x4  }
0x3c: {  	[tilespmem:v13+s17+$0x0] =	vst.idx.msk $0xffff, v14  }
0x3d: {  	v14 =	vadd.s32 $0x200, v3;
	v15 =	vld [tilespmem:s23+$0xA0];
	_ =	sdelay $0x4  }
0x3e: {  	[tilespmem:v14+s17+$0x0] =	vst.idx.msk $0xffff, v15  }
0x3f: {  	v17 =	vadd.s32 $0x300, v3;
	v16 =	vld [tilespmem:s23+$0xB0];
	_ =	sdelay $0x2  }
0x40: {  	s25 =	simm.s32 $0x200  }
0x41: {  	s24 =	sand.u32 $0x40, s24;
	s26 =	sand.u32 $0x1C00, s25;
	v15 =	vmov v3;
	s23 =	simm.s32 $0x80  }
.LBB2_6:
0x42: {  	p0 =	sne.s32 s23, $0x2C0;
	s0 =	sor.u32 s24, s26;
	[tilespmem:v17+s17+$0x0] =	vst.idx.msk $0xffff, v16  }
0x43: {  	v15 =	vadd.s32 $0x400, v15;
	v16 =	vld [tilespmem:s0+$0x80];
	_ =	sdelay $0x4  }
0x44: {  	[tilespmem:v15+s17+$0x0] =	vst.idx.msk $0xffff, v16  }
0x45: {  	v17 =	vadd.s32 $0x100, v15;
	v16 =	vld [tilespmem:s0+$0x90];
	_ =	sdelay $0x4  }
0x46: {  	[tilespmem:v17+s17+$0x0] =	vst.idx.msk $0xffff, v16  }
0x47: {  	v17 =	vadd.s32 $0x200, v15;
	v16 =	vld [tilespmem:s0+$0xA0];
	_ =	sdelay $0x4  }
0x48: {  	[tilespmem:v17+s17+$0x0] =	vst.idx.msk $0xffff, v16  }
.Ltmp2:
0x49: {  	v17 =	vadd.s32 $0x300, v15;
	v16 =	vld [tilespmem:s0+$0xB0];
	(pc) =	sbr.rel @p0 .LBB2_6-.Ltmp2, $3  }
0x4a: {  	_ =	sdelay $0x1  }
0x4b: {  	s25 =	sadd.s32 $0x200, s25  }
0x4c: {  	s24 =	sand.u32 $0x40, s23;
	s23 =	sadd.s32 $0x40, s23;
	s26 =	sand.u32 $0x1C00, s25  }
0x4d: {  	_ =	sdelay $0x3  }
0x4e: {  	s0 =	sor.u32 s24, s26;
	[tilespmem:v17+s17+$0x0] =	vst.idx.msk $0xffff, v16  }
0x4f: {  	v15 =	vadd.s32 $0x400, v15;
	v16 =	vld [tilespmem:s0+$0x80];
	_ =	sdelay $0x4  }
0x50: {  	[tilespmem:v15+s17+$0x0] =	vst.idx.msk $0xffff, v16  }
0x51: {  	v17 =	vadd.s32 $0x100, v15;
	v16 =	vld [tilespmem:s0+$0x90];
	_ =	sdelay $0x4  }
0x52: {  	[tilespmem:v17+s17+$0x0] =	vst.idx.msk $0xffff, v16  }
0x53: {  	v17 =	vadd.s32 $0x200, v15;
	v16 =	vld [tilespmem:s0+$0xA0];
	_ =	sdelay $0x4  }
0x54: {  	[tilespmem:v17+s17+$0x0] =	vst.idx.msk $0xffff, v16  }
0x55: {  	v15 =	vadd.s32 $0x300, v15;
	v16 =	vld [tilespmem:s0+$0xB0];
	_ =	sdelay $0x2  }
0x56: {  	s31 =	simm.s32 $0x0  }
0x57: {  	s23 =	sand.u32 $0x40, s31;
	s0 =	sand.u32 $0x1C00, s31  }
0x58: {  	s23 =	sor.u32 s23, s0;
	[tilespmem:v15+s17+$0x0] =	vst.idx.msk $0xffff, v16  }
0x59: {  	v15 =	vld [tilespmem:s23+$0x100];
	_ =	sdelay $0x4  }
0x5a: {  	[tilespmem:v4+s17+$0x0] =	vst.idx.msk $0xffff, v15;
	v15 =	vand.u32 $0xFFFFFFFE, v4  }
0x5b: {  	v17 =	vld [tilespmem:s23+$0x110];
	v16 =	vadd.s32 $0x100, v15;
	_ =	sdelay $0x4  }
0x5c: {  	[tilespmem:v16+s17+$0x0] =	vst.idx.msk $0xffff, v17  }
0x5d: {  	v17 =	vadd.s32 $0x200, v15;
	v18 =	vld [tilespmem:s23+$0x120];
	_ =	sdelay $0x4  }
0x5e: {  	[tilespmem:v17+s17+$0x0] =	vst.idx.msk $0xffff, v18  }
0x5f: {  	v20 =	vadd.s32 $0x300, v15;
	v19 =	vld [tilespmem:s23+$0x130];
	_ =	sdelay $0x2  }
0x60: {  	s24 =	simm.s32 $0x40;
	s25 =	simm.s32 $0x200  }
0x61: {  	s26 =	simm.s32 $0x80;
	s28 =	sand.u32 $0x40, s24;
	s29 =	sand.u32 $0x1C00, s25;
	v18 =	vmov v4  }
.LBB2_8:
0x62: {  	p0 =	sne.s32 s26, $0x2C0;
	s0 =	sor.u32 s28, s29;
	[tilespmem:v20+s17+$0x0] =	vst.idx.msk $0xffff, v19  }
0x63: {  	v18 =	vadd.s32 $0x400, v18;
	v19 =	vld [tilespmem:s0+$0x100];
	_ =	sdelay $0x4  }
0x64: {  	v20 =	vand.u32 $0xFFFFFFFE, v18;
	[tilespmem:v18+s17+$0x0] =	vst.idx.msk $0xffff, v19  }
0x65: {  	v21 =	vadd.s32 $0x100, v20;
	v19 =	vld [tilespmem:s0+$0x110];
	_ =	sdelay $0x4  }
0x66: {  	[tilespmem:v21+s17+$0x0] =	vst.idx.msk $0xffff, v19  }
0x67: {  	v21 =	vadd.s32 $0x200, v20;
	v19 =	vld [tilespmem:s0+$0x120];
	_ =	sdelay $0x4  }
0x68: {  	[tilespmem:v21+s17+$0x0] =	vst.idx.msk $0xffff, v19  }
.Ltmp3:
0x69: {  	v20 =	vadd.s32 $0x300, v20;
	v19 =	vld [tilespmem:s0+$0x130];
	(pc) =	sbr.rel @p0 .LBB2_8-.Ltmp3, $3  }
0x6a: {  	_ =	sdelay $0x1  }
0x6b: {  	s25 =	sadd.s32 $0x200, s25  }
0x6c: {  	s28 =	sand.u32 $0x40, s26;
	s26 =	sadd.s32 $0x40, s26;
	s29 =	sand.u32 $0x1C00, s25  }
0x6d: {  	_ =	sdelay $0x3  }
0x6e: {  	s0 =	sor.u32 s28, s29;
	[tilespmem:v20+s17+$0x0] =	vst.idx.msk $0xffff, v19  }
0x6f: {  	v18 =	vadd.s32 $0x400, v18;
	v19 =	vld [tilespmem:s0+$0x100];
	_ =	sdelay $0x4  }
0x70: {  	[tilespmem:v18+s17+$0x0] =	vst.idx.msk $0xffff, v19;
	v18 =	vand.u32 $0xFFFFFFFE, v18  }
0x71: {  	v19 =	vld [tilespmem:s0+$0x110];
	v20 =	vadd.s32 $0x100, v18;
	_ =	sdelay $0x4  }
0x72: {  	[tilespmem:v20+s17+$0x0] =	vst.idx.msk $0xffff, v19  }
0x73: {  	v20 =	vadd.s32 $0x200, v18;
	v19 =	vld [tilespmem:s0+$0x120];
	_ =	sdelay $0x4  }
0x74: {  	[tilespmem:v20+s17+$0x0] =	vst.idx.msk $0xffff, v19  }
0x75: {  	v18 =	vadd.s32 $0x300, v18;
	v19 =	vld [tilespmem:s0+$0x130];
	_ =	sdelay $0x4  }
0x76: {  	[tilespmem:v18+s17+$0x0] =	vst.idx.msk $0xffff, v19  }
0x77: {  	v18 =	vld [tilespmem:s23+$0x180];
	_ =	sdelay $0x4  }
0x78: {  	[tilespmem:v5+s17+$0x0] =	vst.idx.msk $0xffff, v18  }
0x79: {  	v18 =	vadd.s32 $0x100, v5;
	v19 =	vld [tilespmem:s23+$0x190];
	_ =	sdelay $0x4  }
0x7a: {  	[tilespmem:v18+s17+$0x0] =	vst.idx.msk $0xffff, v19  }
0x7b: {  	v19 =	vadd.s32 $0x200, v5;
	v20 =	vld [tilespmem:s23+$0x1A0];
	_ =	sdelay $0x4  }
0x7c: {  	[tilespmem:v19+s17+$0x0] =	vst.idx.msk $0xffff, v20  }
0x7d: {  	v22 =	vadd.s32 $0x300, v5;
	v21 =	vld [tilespmem:s23+$0x1B0];
	_ =	sdelay $0x2  }
0x7e: {  	s25 =	simm.s32 $0x200  }
0x7f: {  	s24 =	sand.u32 $0x40, s24;
	s26 =	sand.u32 $0x1C00, s25;
	v20 =	vmov v5;
	s23 =	simm.s32 $0x80  }
.LBB2_10:
0x80: {  	p0 =	sne.s32 s23, $0x2C0;
	s0 =	sor.u32 s24, s26;
	[tilespmem:v22+s17+$0x0] =	vst.idx.msk $0xffff, v21  }
0x81: {  	v20 =	vadd.s32 $0x400, v20;
	v21 =	vld [tilespmem:s0+$0x180];
	_ =	sdelay $0x4  }
0x82: {  	[tilespmem:v20+s17+$0x0] =	vst.idx.msk $0xffff, v21  }
0x83: {  	v22 =	vadd.s32 $0x100, v20;
	v21 =	vld [tilespmem:s0+$0x190];
	_ =	sdelay $0x4  }
0x84: {  	[tilespmem:v22+s17+$0x0] =	vst.idx.msk $0xffff, v21  }
0x85: {  	v22 =	vadd.s32 $0x200, v20;
	v21 =	vld [tilespmem:s0+$0x1A0];
	_ =	sdelay $0x4  }
0x86: {  	[tilespmem:v22+s17+$0x0] =	vst.idx.msk $0xffff, v21  }
.Ltmp4:
0x87: {  	v22 =	vadd.s32 $0x300, v20;
	v21 =	vld [tilespmem:s0+$0x1B0];
	(pc) =	sbr.rel @p0 .LBB2_10-.Ltmp4, $3  }
0x88: {  	_ =	sdelay $0x1  }
0x89: {  	s25 =	sadd.s32 $0x200, s25  }
0x8a: {  	s24 =	sand.u32 $0x40, s23;
	s23 =	sadd.s32 $0x40, s23;
	s26 =	sand.u32 $0x1C00, s25  }
0x8b: {  	_ =	sdelay $0x3  }
0x8c: {  	s0 =	sor.u32 s24, s26;
	[tilespmem:v22+s17+$0x0] =	vst.idx.msk $0xffff, v21  }
0x8d: {  	v20 =	vadd.s32 $0x400, v20;
	v21 =	vld [tilespmem:s0+$0x180];
	_ =	sdelay $0x4  }
0x8e: {  	[tilespmem:v20+s17+$0x0] =	vst.idx.msk $0xffff, v21  }
0x8f: {  	v22 =	vadd.s32 $0x100, v20;
	v21 =	vld [tilespmem:s0+$0x190];
	_ =	sdelay $0x4  }
0x90: {  	[tilespmem:v22+s17+$0x0] =	vst.idx.msk $0xffff, v21  }
0x91: {  	v22 =	vadd.s32 $0x200, v20;
	v21 =	vld [tilespmem:s0+$0x1A0];
	_ =	sdelay $0x4  }
0x92: {  	[tilespmem:v22+s17+$0x0] =	vst.idx.msk $0xffff, v21  }
0x93: {  	v20 =	vadd.s32 $0x300, v20;
	v21 =	vld [tilespmem:s0+$0x1B0]  }
0x94: {  	p0 =	por $0x0, $0x0;
	s0 =	simm.s32 $0x1  }
0x95: {  	s0 =	simm.s32 @!p0 $0x0  }
0x96: {  	s0 =	sshll.u32 s0, $0x6  }
0x97: {  	s24 =	sadd.s32 $0x0, s0  }
0x98: {  	s0 =	sor.u32 $0x200, s24;
	[tilespmem:v20+s17+$0x0] =	vst.idx.msk $0xffff, v21  }
0x99: {  	v20 =	vld [tilespmem:s0+$0x0];
	_ =	sdelay $0x4  }
0x9a: {  	s29 =	sor.u32 $0x210, s24;
	[tilespmem:v6+s17+$0x0] =	vst.idx.msk $0xffff, v20;
	v20 =	vand.u32 $0xFFFFFFFC, v6  }
0x9b: {  	v22 =	vld [tilespmem:s29+$0x0];
	v21 =	vadd.s32 $0x100, v20;
	_ =	sdelay $0x4  }
0x9c: {  	s30 =	sor.u32 $0x220, s24;
	[tilespmem:v21+s17+$0x0] =	vst.idx.msk $0xffff, v22  }
0x9d: {  	v22 =	vadd.s32 $0x200, v20;
	v23 =	vld [tilespmem:s30+$0x0];
	_ =	sdelay $0x4  }
0x9e: {  	s31 =	sor.u32 $0x230, s24;
	[tilespmem:v22+s17+$0x0] =	vst.idx.msk $0xffff, v23  }
0x9f: {  	v25 =	vadd.s32 $0x300, v20;
	v24 =	vld [tilespmem:s31+$0x0]  }
0xa0: {  	s23 =	simm.s32 $0x0;
	s28 =	simm.s32 $0x1;
	p1 =	por !p0, !p0  }
0xa1: {  	s26 =	simm.s32 $0x80;
	s25 =	simm.s32 $0x0;
	s28 =	simm.s32 @!p1 $0x0;
	v23 =	vmov v6  }
.LBB2_12:
0xa2: {  	p2 =	sne.s32 s26, $0x2C0;
	s0 =	sshll.u32 s28, $0x6;
	s25 =	sadd.s32 $0x200, s25  }
0xa3: {  	s0 =	sadd.s32 s0, s25  }
0xa4: {  	s28 =	sor.u32 $0x200, s0;
	[tilespmem:v25+s17+$0x0] =	vst.idx.msk $0xffff, v24  }
0xa5: {  	v23 =	vadd.s32 $0x400, v23;
	v24 =	vld [tilespmem:s28+$0x0];
	_ =	sdelay $0x4  }
0xa6: {  	v25 =	vand.u32 $0xFFFFFFFC, v23;
	s28 =	sor.u32 $0x210, s0;
	[tilespmem:v23+s17+$0x0] =	vst.idx.msk $0xffff, v24  }
0xa7: {  	v26 =	vadd.s32 $0x100, v25;
	v24 =	vld [tilespmem:s28+$0x0];
	_ =	sdelay $0x4  }
0xa8: {  	s28 =	sor.u32 $0x220, s0;
	[tilespmem:v26+s17+$0x0] =	vst.idx.msk $0xffff, v24  }
0xa9: {  	v26 =	vadd.s32 $0x200, v25;
	v24 =	vld [tilespmem:s28+$0x0];
	_ =	sdelay $0x3  }
.Ltmp5:
0xaa: {  	(pc) =	sbr.rel @p2 .LBB2_12-.Ltmp5, $4  }
0xab: {  	s0 =	sor.u32 $0x230, s0;
	[tilespmem:v26+s17+$0x0] =	vst.idx.msk $0xffff, v24  }
0xac: {  	v25 =	vadd.s32 $0x300, v25;
	v24 =	vld [tilespmem:s0+$0x0]  }
0xad: {  	p1 =	por !p1, !p1;
	s28 =	simm.s32 $0x1  }
0xae: {  	s26 =	sadd.s32 $0x40, s26;
	s28 =	simm.s32 @!p1 $0x0  }
0xaf: {  	_ =	sdelay $0x1  }
0xb0: {  	s0 =	sshll.u32 s28, $0x6;
	s25 =	sadd.s32 $0x200, s25  }
0xb1: {  	s0 =	sadd.s32 s0, s25  }
0xb2: {  	s25 =	sor.u32 $0x200, s0;
	[tilespmem:v25+s17+$0x0] =	vst.idx.msk $0xffff, v24  }
0xb3: {  	v23 =	vadd.s32 $0x400, v23;
	v24 =	vld [tilespmem:s25+$0x0];
	_ =	sdelay $0x4  }
0xb4: {  	s31 =	sor.u32 $0x210, s0;
	[tilespmem:v23+s17+$0x0] =	vst.idx.msk $0xffff, v24;
	v23 =	vand.u32 $0xFFFFFFFC, v23  }
0xb5: {  	v24 =	vld [tilespmem:s31+$0x0];
	v25 =	vadd.s32 $0x100, v23;
	_ =	sdelay $0x4  }
0xb6: {  	s26 =	sor.u32 $0x220, s0;
	[tilespmem:v25+s17+$0x0] =	vst.idx.msk $0xffff, v24  }
0xb7: {  	v25 =	vadd.s32 $0x200, v23;
	v24 =	vld [tilespmem:s26+$0x0];
	_ =	sdelay $0x4  }
0xb8: {  	s0 =	sor.u32 $0x230, s0;
	[tilespmem:v25+s17+$0x0] =	vst.idx.msk $0xffff, v24  }
0xb9: {  	v23 =	vadd.s32 $0x300, v23;
	v24 =	vld [tilespmem:s0+$0x0];
	_ =	sdelay $0x4  }
0xba: {  	s28 =	sor.u32 $0x280, s24;
	[tilespmem:v23+s17+$0x0] =	vst.idx.msk $0xffff, v24  }
0xbb: {  	v23 =	vld [tilespmem:s28+$0x0];
	_ =	sdelay $0x4  }
0xbc: {  	s29 =	sor.u32 $0x290, s24;
	[tilespmem:v7+s17+$0x0] =	vst.idx.msk $0xffff, v23  }
0xbd: {  	v23 =	vadd.s32 $0x100, v7;
	v24 =	vld [tilespmem:s29+$0x0];
	_ =	sdelay $0x4  }
0xbe: {  	s30 =	sor.u32 $0x2A0, s24;
	[tilespmem:v23+s17+$0x0] =	vst.idx.msk $0xffff, v24  }
0xbf: {  	v24 =	vadd.s32 $0x200, v7;
	v25 =	vld [tilespmem:s30+$0x0];
	_ =	sdelay $0x4  }
0xc0: {  	s31 =	sor.u32 $0x2B0, s24;
	[tilespmem:v24+s17+$0x0] =	vst.idx.msk $0xffff, v25  }
0xc1: {  	v27 =	vadd.s32 $0x300, v7;
	v26 =	vld [tilespmem:s31+$0x0]  }
0xc2: {  	p0 =	por !p0, !p0;
	s25 =	simm.s32 $0x1  }
0xc3: {  	s25 =	simm.s32 @!p0 $0x0;
	s24 =	simm.s32 $0x80;
	v25 =	vmov v7  }
.LBB2_14:
0xc4: {  	p1 =	sne.s32 s24, $0x2C0;
	s0 =	sshll.u32 s25, $0x6;
	s23 =	sadd.s32 $0x200, s23  }
0xc5: {  	s0 =	sadd.s32 s0, s23  }
0xc6: {  	s25 =	sor.u32 $0x280, s0;
	[tilespmem:v27+s17+$0x0] =	vst.idx.msk $0xffff, v26  }
0xc7: {  	v25 =	vadd.s32 $0x400, v25;
	v26 =	vld [tilespmem:s25+$0x0];
	_ =	sdelay $0x4  }
0xc8: {  	s25 =	sor.u32 $0x290, s0;
	[tilespmem:v25+s17+$0x0] =	vst.idx.msk $0xffff, v26  }
0xc9: {  	v27 =	vadd.s32 $0x100, v25;
	v26 =	vld [tilespmem:s25+$0x0];
	_ =	sdelay $0x4  }
0xca: {  	s25 =	sor.u32 $0x2A0, s0;
	[tilespmem:v27+s17+$0x0] =	vst.idx.msk $0xffff, v26  }
0xcb: {  	v27 =	vadd.s32 $0x200, v25;
	v26 =	vld [tilespmem:s25+$0x0];
	_ =	sdelay $0x3  }
.Ltmp6:
0xcc: {  	(pc) =	sbr.rel @p1 .LBB2_14-.Ltmp6, $4  }
0xcd: {  	s0 =	sor.u32 $0x2B0, s0;
	[tilespmem:v27+s17+$0x0] =	vst.idx.msk $0xffff, v26  }
0xce: {  	v27 =	vadd.s32 $0x300, v25;
	v26 =	vld [tilespmem:s0+$0x0]  }
0xcf: {  	p0 =	por !p0, !p0;
	s25 =	simm.s32 $0x1  }
0xd0: {  	s24 =	sadd.s32 $0x40, s24;
	s25 =	simm.s32 @!p0 $0x0  }
0xd1: {  	_ =	sdelay $0x1  }
0xd2: {  	s0 =	sshll.u32 s25, $0x6;
	s23 =	sadd.s32 $0x200, s23  }
0xd3: {  	s0 =	sadd.s32 s0, s23  }
0xd4: {  	s23 =	sor.u32 $0x280, s0;
	[tilespmem:v27+s17+$0x0] =	vst.idx.msk $0xffff, v26  }
0xd5: {  	v25 =	vadd.s32 $0x400, v25;
	v26 =	vld [tilespmem:s23+$0x0];
	_ =	sdelay $0x4  }
0xd6: {  	s25 =	sor.u32 $0x290, s0;
	[tilespmem:v25+s17+$0x0] =	vst.idx.msk $0xffff, v26  }
0xd7: {  	v27 =	vadd.s32 $0x100, v25;
	v26 =	vld [tilespmem:s25+$0x0];
	_ =	sdelay $0x4  }
0xd8: {  	s26 =	sor.u32 $0x2A0, s0;
	[tilespmem:v27+s17+$0x0] =	vst.idx.msk $0xffff, v26  }
0xd9: {  	v27 =	vadd.s32 $0x200, v25;
	v26 =	vld [tilespmem:s26+$0x0];
	_ =	sdelay $0x4  }
0xda: {  	s0 =	sor.u32 $0x2B0, s0;
	[tilespmem:v27+s17+$0x0] =	vst.idx.msk $0xffff, v26  }
0xdb: {  	v25 =	vadd.s32 $0x300, v25;
	v26 =	vld [tilespmem:s0+$0x0]  }
0xdc: {  	p0 =	por $0x0, $0x0;
	s0 =	simm.s32 $0x1  }
0xdd: {  	s0 =	simm.s32 @!p0 $0x0  }
0xde: {  	s0 =	sshll.u32 s0, $0x6  }
0xdf: {  	s0 =	sadd.s32 $0x0, s0  }
0xe0: {  	s29 =	sor.u32 $0x300, s0;
	[tilespmem:v25+s17+$0x0] =	vst.idx.msk $0xffff, v26  }
0xe1: {  	v25 =	vld [tilespmem:s29+$0x0];
	_ =	sdelay $0x4  }
0xe2: {  	s30 =	sor.u32 $0x310, s0;
	[tilespmem:v8+s17+$0x0] =	vst.idx.msk $0xffff, v25;
	v25 =	vand.u32 $0xFFFFFFFE, v8  }
0xe3: {  	v27 =	vld [tilespmem:s30+$0x0];
	v26 =	vadd.s32 $0x100, v25;
	_ =	sdelay $0x4  }
0xe4: {  	s31 =	sor.u32 $0x320, s0;
	[tilespmem:v26+s17+$0x0] =	vst.idx.msk $0xffff, v27  }
0xe5: {  	v27 =	vadd.s32 $0x200, v25;
	v28 =	vld [tilespmem:s31+$0x0];
	_ =	sdelay $0x4  }
0xe6: {  	s0 =	sor.u32 $0x330, s0;
	[tilespmem:v27+s17+$0x0] =	vst.idx.msk $0xffff, v28  }
0xe7: {  	s24 =	simm.s32 $0x0;
	v30 =	vadd.s32 $0x300, v25;
	v29 =	vld [tilespmem:s0+$0x0]  }
0xe8: {  	s28 =	simm.s32 $0x1;
	s23 =	simm.s32 $0x40;
	p0 =	por !p0, !p0  }
0xe9: {  	s25 =	simm.s32 $0x0;
	s26 =	simm.s32 $0x80;
	s28 =	simm.s32 @!p0 $0x0;
	v28 =	vmov v8  }
.LBB2_16:
0xea: {  	p1 =	sne.s32 s26, $0x2C0;
	s0 =	sshll.u32 s28, $0x6;
	s25 =	sadd.s32 $0x200, s25  }
0xeb: {  	s0 =	sadd.s32 s0, s25  }
0xec: {  	s28 =	sor.u32 $0x300, s0;
	[tilespmem:v30+s17+$0x0] =	vst.idx.msk $0xffff, v29  }
0xed: {  	v28 =	vadd.s32 $0x400, v28;
	v29 =	vld [tilespmem:s28+$0x0];
	_ =	sdelay $0x4  }
0xee: {  	v30 =	vand.u32 $0xFFFFFFFE, v28;
	s28 =	sor.u32 $0x310, s0;
	[tilespmem:v28+s17+$0x0] =	vst.idx.msk $0xffff, v29  }
0xef: {  	v31 =	vadd.s32 $0x100, v30;
	v29 =	vld [tilespmem:s28+$0x0];
	_ =	sdelay $0x4  }
0xf0: {  	s28 =	sor.u32 $0x320, s0;
	[tilespmem:v31+s17+$0x0] =	vst.idx.msk $0xffff, v29  }
0xf1: {  	v31 =	vadd.s32 $0x200, v30;
	v29 =	vld [tilespmem:s28+$0x0];
	_ =	sdelay $0x3  }
.Ltmp7:
0xf2: {  	(pc) =	sbr.rel @p1 .LBB2_16-.Ltmp7, $4  }
0xf3: {  	s0 =	sor.u32 $0x330, s0;
	[tilespmem:v31+s17+$0x0] =	vst.idx.msk $0xffff, v29  }
0xf4: {  	v30 =	vadd.s32 $0x300, v30;
	v29 =	vld [tilespmem:s0+$0x0]  }
0xf5: {  	p0 =	por !p0, !p0;
	s28 =	simm.s32 $0x1  }
0xf6: {  	s26 =	sadd.s32 $0x40, s26;
	s28 =	simm.s32 @!p0 $0x0  }
0xf7: {  	_ =	sdelay $0x1  }
0xf8: {  	s0 =	sshll.u32 s28, $0x6;
	s25 =	sadd.s32 $0x200, s25  }
0xf9: {  	s0 =	sadd.s32 s0, s25  }
0xfa: {  	s25 =	sor.u32 $0x300, s0;
	[tilespmem:v30+s17+$0x0] =	vst.idx.msk $0xffff, v29  }
0xfb: {  	v28 =	vadd.s32 $0x400, v28;
	v29 =	vld [tilespmem:s25+$0x0];
	_ =	sdelay $0x4  }
0xfc: {  	s26 =	sor.u32 $0x310, s0;
	[tilespmem:v28+s17+$0x0] =	vst.idx.msk $0xffff, v29;
	v28 =	vand.u32 $0xFFFFFFFE, v28  }
0xfd: {  	v29 =	vld [tilespmem:s26+$0x0];
	v30 =	vadd.s32 $0x100, v28;
	_ =	sdelay $0x4  }
0xfe: {  	s28 =	sor.u32 $0x320, s0;
	[tilespmem:v30+s17+$0x0] =	vst.idx.msk $0xffff, v29  }
0xff: {  	v30 =	vadd.s32 $0x200, v28;
	v29 =	vld [tilespmem:s28+$0x0];
	_ =	sdelay $0x4  }
0x100: {  	s0 =	sor.u32 $0x330, s0;
	[tilespmem:v30+s17+$0x0] =	vst.idx.msk $0xffff, v29  }
0x101: {  	v28 =	vadd.s32 $0x300, v28;
	v29 =	vld [tilespmem:s0+$0x0];
	_ =	sdelay $0x3  }
0x102: {  	s29 =	sor.u32 s24, s24  }
0x103: {  	s24 =	sor.u32 $0x380, s29;
	[tilespmem:v28+s17+$0x0] =	vst.idx.msk $0xffff, v29  }
0x104: {  	v28 =	vld [tilespmem:s24+$0x0];
	_ =	sdelay $0x4  }
0x105: {  	s30 =	sor.u32 $0x390, s29;
	[tilespmem:v9+s17+$0x0] =	vst.idx.msk $0xffff, v28  }
0x106: {  	v28 =	vadd.s32 $0x100, v9;
	v29 =	vld [tilespmem:s30+$0x0];
	_ =	sdelay $0x4  }
0x107: {  	s31 =	sor.u32 $0x3A0, s29;
	[tilespmem:v28+s17+$0x0] =	vst.idx.msk $0xffff, v29  }
0x108: {  	v29 =	vadd.s32 $0x200, v9;
	v30 =	vld [tilespmem:s31+$0x0];
	_ =	sdelay $0x4  }
0x109: {  	s0 =	sor.u32 $0x3B0, s29;
	[tilespmem:v29+s17+$0x0] =	vst.idx.msk $0xffff, v30  }
0x10a: {  	v32 =	vadd.s32 $0x300, v9;
	v31 =	vld [tilespmem:s0+$0x0];
	_ =	sdelay $0x2  }
0x10b: {  	s24 =	simm.s32 $0x200  }
0x10c: {  	s25 =	simm.s32 $0x80;
	s23 =	sor.u32 s23, s24;
	v30 =	vmov v9  }
.LBB2_18:
0x10d: {  	p0 =	sne.s32 s25, $0x2C0;
	s0 =	sor.u32 $0x380, s23;
	[tilespmem:v32+s17+$0x0] =	vst.idx.msk $0xffff, v31  }
0x10e: {  	v30 =	vadd.s32 $0x400, v30;
	v31 =	vld [tilespmem:s0+$0x0];
	_ =	sdelay $0x4  }
0x10f: {  	s0 =	sor.u32 $0x390, s23;
	[tilespmem:v30+s17+$0x0] =	vst.idx.msk $0xffff, v31  }
0x110: {  	v32 =	vadd.s32 $0x100, v30;
	v31 =	vld [tilespmem:s0+$0x0];
	_ =	sdelay $0x4  }
0x111: {  	s0 =	sor.u32 $0x3A0, s23;
	[tilespmem:v32+s17+$0x0] =	vst.idx.msk $0xffff, v31  }
0x112: {  	v32 =	vadd.s32 $0x200, v30;
	v31 =	vld [tilespmem:s0+$0x0];
	_ =	sdelay $0x4  }
0x113: {  	s0 =	sor.u32 $0x3B0, s23;
	[tilespmem:v32+s17+$0x0] =	vst.idx.msk $0xffff, v31  }
.Ltmp8:
0x114: {  	v32 =	vadd.s32 $0x300, v30;
	v31 =	vld [tilespmem:s0+$0x0];
	(pc) =	sbr.rel @p0 .LBB2_18-.Ltmp8, $3  }
0x115: {  	_ =	sdelay $0x1  }
0x116: {  	s24 =	sadd.s32 $0x200, s24  }
0x117: {  	s23 =	sor.u32 s25, s24;
	s25 =	sadd.s32 $0x40, s25  }
0x118: {  	_ =	sdelay $0x3  }
0x119: {  	s0 =	sor.u32 $0x380, s23;
	[tilespmem:v32+s17+$0x0] =	vst.idx.msk $0xffff, v31  }
0x11a: {  	v30 =	vadd.s32 $0x400, v30;
	v31 =	vld [tilespmem:s0+$0x0];
	_ =	sdelay $0x4  }
0x11b: {  	s24 =	sor.u32 $0x390, s23;
	[tilespmem:v30+s17+$0x0] =	vst.idx.msk $0xffff, v31  }
0x11c: {  	v62 =	vadd.s32 $0x100, v30;
	v31 =	vld [tilespmem:s24+$0x0];
	_ =	sdelay $0x4  }
0x11d: {  	s25 =	sor.u32 $0x3A0, s23;
	[tilespmem:v62+s17+$0x0] =	vst.idx.msk $0xffff, v31  }
0x11e: {  	v63 =	vadd.s32 $0x200, v30;
	v31 =	vld [tilespmem:s25+$0x0];
	_ =	sdelay $0x4  }
0x11f: {  	s26 =	sor.u32 $0x3B0, s23;
	[tilespmem:v63+s17+$0x0] =	vst.idx.msk $0xffff, v31  }
0x120: {  	v30 =	vadd.s32 $0x300, v30;
	v31 =	vld [tilespmem:s26+$0x0];
	_ =	sdelay $0x4  }
0x121: {  	s30 =	simm.s32 $0x0;
	[tilespmem:v30+s17+$0x0] =	vst.idx.msk $0xffff, v31  }
0x122: {  	[hbm4b:s8+s30] =	stream.linear.scatter [tilespmem:s17], [sflag:$0x3], $0x3000, $0x38;
	[tilespmem:$0x9000] =	vst v63  }
0x123: {  	_ = 	snop  }
0x124: {  	[tilespmem:s30], [sflag:$0x1] =	stream.linear.gather [hbm4b:s9+s30], $0x1800, $0x38;
	[tilespmem:$0x9000] =	vst v63  }
0x125: {  	_ =	swait.ge [sflag:s18], $0x1800  }
0x126: {  	s31 =	sand.u32 $0x40, s30;
	s0 =	sand.u32 $0x1C00, s30;
	[sflag:s18] =	ssyncset.done $0x0  }
0x127: {  	s23 =	sor.u32 s31, s0;
	[sflag:s18] =	ssyncadd.s32 $0xFFFFE800  }
0x128: {  	v30 =	vld [tilespmem:s23+$0x1800];
	_ =	sdelay $0x4  }
0x129: {  	[tilespmem:v1+s19+$0x0] =	vst.idx.msk $0xffff, v30  }
0x12a: {  	v30 =	vld [tilespmem:s23+$0x1810];
	_ =	sdelay $0x4  }
0x12b: {  	[tilespmem:v11+s19+$0x0] =	vst.idx.msk $0xffff, v30  }
0x12c: {  	v30 =	vld [tilespmem:s23+$0x1820];
	_ =	sdelay $0x4  }
0x12d: {  	[tilespmem:v12+s19+$0x0] =	vst.idx.msk $0xffff, v30  }
0x12e: {  	v32 =	vadd.s32 $0x300, v10;
	v31 =	vld [tilespmem:s23+$0x1830];
	_ =	sdelay $0x2  }
0x12f: {  	s24 =	simm.s32 $0x40;
	s25 =	simm.s32 $0x200  }
0x130: {  	s28 =	sand.u32 $0x40, s24;
	s29 =	sand.u32 $0x1C00, s25;
	s26 =	simm.s32 $0x80;
	v30 =	vmov v1  }
.LBB2_20:
0x131: {  	p0 =	sne.s32 s26, $0x2C0;
	s0 =	sor.u32 s28, s29;
	[tilespmem:v32+s19+$0x0] =	vst.idx.msk $0xffff, v31  }
0x132: {  	v30 =	vadd.s32 $0x400, v30;
	v31 =	vld [tilespmem:s0+$0x1800];
	_ =	sdelay $0x4  }
0x133: {  	v32 =	vand.u32 $0xFFFFFFF0, v30;
	[tilespmem:v30+s19+$0x0] =	vst.idx.msk $0xffff, v31  }
0x134: {  	v33 =	vadd.s32 $0x100, v32;
	v31 =	vld [tilespmem:s0+$0x1810];
	_ =	sdelay $0x4  }
0x135: {  	[tilespmem:v33+s19+$0x0] =	vst.idx.msk $0xffff, v31  }
0x136: {  	v33 =	vadd.s32 $0x200, v32;
	v31 =	vld [tilespmem:s0+$0x1820];
	_ =	sdelay $0x4  }
0x137: {  	[tilespmem:v33+s19+$0x0] =	vst.idx.msk $0xffff, v31  }
.Ltmp9:
0x138: {  	v32 =	vadd.s32 $0x300, v32;
	v31 =	vld [tilespmem:s0+$0x1830];
	(pc) =	sbr.rel @p0 .LBB2_20-.Ltmp9, $3  }
0x139: {  	_ =	sdelay $0x1  }
0x13a: {  	s25 =	sadd.s32 $0x200, s25  }
0x13b: {  	s28 =	sand.u32 $0x40, s26;
	s26 =	sadd.s32 $0x40, s26;
	s29 =	sand.u32 $0x1C00, s25  }
0x13c: {  	_ =	sdelay $0x3  }
0x13d: {  	s0 =	sor.u32 s28, s29;
	[tilespmem:v32+s19+$0x0] =	vst.idx.msk $0xffff, v31  }
0x13e: {  	v30 =	vadd.s32 $0x400, v30;
	v31 =	vld [tilespmem:s0+$0x1800];
	_ =	sdelay $0x4  }
0x13f: {  	[tilespmem:v30+s19+$0x0] =	vst.idx.msk $0xffff, v31;
	v30 =	vand.u32 $0xFFFFFFF0, v30  }
0x140: {  	v31 =	vld [tilespmem:s0+$0x1810];
	v62 =	vadd.s32 $0x100, v30;
	_ =	sdelay $0x4  }
0x141: {  	[tilespmem:v62+s19+$0x0] =	vst.idx.msk $0xffff, v31  }
0x142: {  	v63 =	vadd.s32 $0x200, v30;
	v31 =	vld [tilespmem:s0+$0x1820];
	_ =	sdelay $0x4  }
0x143: {  	[tilespmem:v63+s19+$0x0] =	vst.idx.msk $0xffff, v31  }
0x144: {  	v30 =	vadd.s32 $0x300, v30;
	v31 =	vld [tilespmem:s0+$0x1830];
	_ =	sdelay $0x4  }
0x145: {  	[tilespmem:v30+s19+$0x0] =	vst.idx.msk $0xffff, v31  }
0x146: {  	v30 =	vld [tilespmem:s23+$0x1880];
	_ =	sdelay $0x4  }
0x147: {  	[tilespmem:v3+s19+$0x0] =	vst.idx.msk $0xffff, v30  }
0x148: {  	v30 =	vld [tilespmem:s23+$0x1890];
	_ =	sdelay $0x4  }
0x149: {  	[tilespmem:v13+s19+$0x0] =	vst.idx.msk $0xffff, v30  }
0x14a: {  	v30 =	vld [tilespmem:s23+$0x18A0];
	_ =	sdelay $0x4  }
0x14b: {  	[tilespmem:v14+s19+$0x0] =	vst.idx.msk $0xffff, v30  }
0x14c: {  	v32 =	vadd.s32 $0x300, v3;
	v31 =	vld [tilespmem:s23+$0x18B0];
	_ =	sdelay $0x2  }
0x14d: {  	s25 =	simm.s32 $0x200  }
0x14e: {  	s24 =	sand.u32 $0x40, s24;
	s26 =	sand.u32 $0x1C00, s25;
	v30 =	vmov v3;
	s23 =	simm.s32 $0x80  }
.LBB2_22:
0x14f: {  	p0 =	sne.s32 s23, $0x2C0;
	s0 =	sor.u32 s24, s26;
	[tilespmem:v32+s19+$0x0] =	vst.idx.msk $0xffff, v31  }
0x150: {  	v30 =	vadd.s32 $0x400, v30;
	v31 =	vld [tilespmem:s0+$0x1880];
	_ =	sdelay $0x4  }
0x151: {  	[tilespmem:v30+s19+$0x0] =	vst.idx.msk $0xffff, v31  }
0x152: {  	v32 =	vadd.s32 $0x100, v30;
	v31 =	vld [tilespmem:s0+$0x1890];
	_ =	sdelay $0x4  }
0x153: {  	[tilespmem:v32+s19+$0x0] =	vst.idx.msk $0xffff, v31  }
0x154: {  	v32 =	vadd.s32 $0x200, v30;
	v31 =	vld [tilespmem:s0+$0x18A0];
	_ =	sdelay $0x4  }
0x155: {  	[tilespmem:v32+s19+$0x0] =	vst.idx.msk $0xffff, v31  }
.Ltmp10:
0x156: {  	v32 =	vadd.s32 $0x300, v30;
	v31 =	vld [tilespmem:s0+$0x18B0];
	(pc) =	sbr.rel @p0 .LBB2_22-.Ltmp10, $3  }
0x157: {  	_ =	sdelay $0x1  }
0x158: {  	s25 =	sadd.s32 $0x200, s25  }
0x159: {  	s24 =	sand.u32 $0x40, s23;
	s23 =	sadd.s32 $0x40, s23;
	s26 =	sand.u32 $0x1C00, s25  }
0x15a: {  	_ =	sdelay $0x3  }
0x15b: {  	s0 =	sor.u32 s24, s26;
	[tilespmem:v32+s19+$0x0] =	vst.idx.msk $0xffff, v31  }
0x15c: {  	v30 =	vadd.s32 $0x400, v30;
	v31 =	vld [tilespmem:s0+$0x1880];
	_ =	sdelay $0x4  }
0x15d: {  	[tilespmem:v30+s19+$0x0] =	vst.idx.msk $0xffff, v31  }
0x15e: {  	v62 =	vadd.s32 $0x100, v30;
	v31 =	vld [tilespmem:s0+$0x1890];
	_ =	sdelay $0x4  }
0x15f: {  	[tilespmem:v62+s19+$0x0] =	vst.idx.msk $0xffff, v31  }
0x160: {  	v63 =	vadd.s32 $0x200, v30;
	v31 =	vld [tilespmem:s0+$0x18A0];
	_ =	sdelay $0x4  }
0x161: {  	[tilespmem:v63+s19+$0x0] =	vst.idx.msk $0xffff, v31  }
0x162: {  	v30 =	vadd.s32 $0x300, v30;
	v31 =	vld [tilespmem:s0+$0x18B0];
	_ =	sdelay $0x2  }
0x163: {  	s31 =	simm.s32 $0x0  }
0x164: {  	s23 =	sand.u32 $0x40, s31;
	s0 =	sand.u32 $0x1C00, s31  }
0x165: {  	s23 =	sor.u32 s23, s0;
	[tilespmem:v30+s19+$0x0] =	vst.idx.msk $0xffff, v31  }
0x166: {  	v30 =	vld [tilespmem:s23+$0x1900];
	_ =	sdelay $0x4  }
0x167: {  	[tilespmem:v4+s19+$0x0] =	vst.idx.msk $0xffff, v30  }
0x168: {  	v30 =	vld [tilespmem:s23+$0x1910];
	_ =	sdelay $0x4  }
0x169: {  	[tilespmem:v16+s19+$0x0] =	vst.idx.msk $0xffff, v30  }
0x16a: {  	v30 =	vld [tilespmem:s23+$0x1920];
	_ =	sdelay $0x4  }
0x16b: {  	[tilespmem:v17+s19+$0x0] =	vst.idx.msk $0xffff, v30  }
0x16c: {  	v32 =	vadd.s32 $0x300, v15;
	v31 =	vld [tilespmem:s23+$0x1930];
	_ =	sdelay $0x2  }
0x16d: {  	s24 =	simm.s32 $0x40;
	s25 =	simm.s32 $0x200  }
0x16e: {  	s26 =	simm.s32 $0x80;
	s28 =	sand.u32 $0x40, s24;
	s29 =	sand.u32 $0x1C00, s25;
	v30 =	vmov v4  }
.LBB2_24:
0x16f: {  	p0 =	sne.s32 s26, $0x2C0;
	s0 =	sor.u32 s28, s29;
	[tilespmem:v32+s19+$0x0] =	vst.idx.msk $0xffff, v31  }
0x170: {  	v30 =	vadd.s32 $0x400, v30;
	v31 =	vld [tilespmem:s0+$0x1900];
	_ =	sdelay $0x4  }
0x171: {  	v32 =	vand.u32 $0xFFFFFFFE, v30;
	[tilespmem:v30+s19+$0x0] =	vst.idx.msk $0xffff, v31  }
0x172: {  	v33 =	vadd.s32 $0x100, v32;
	v31 =	vld [tilespmem:s0+$0x1910];
	_ =	sdelay $0x4  }
0x173: {  	[tilespmem:v33+s19+$0x0] =	vst.idx.msk $0xffff, v31  }
0x174: {  	v33 =	vadd.s32 $0x200, v32;
	v31 =	vld [tilespmem:s0+$0x1920];
	_ =	sdelay $0x4  }
0x175: {  	[tilespmem:v33+s19+$0x0] =	vst.idx.msk $0xffff, v31  }
.Ltmp11:
0x176: {  	v32 =	vadd.s32 $0x300, v32;
	v31 =	vld [tilespmem:s0+$0x1930];
	(pc) =	sbr.rel @p0 .LBB2_24-.Ltmp11, $3  }
0x177: {  	_ =	sdelay $0x1  }
0x178: {  	s25 =	sadd.s32 $0x200, s25  }
0x179: {  	s28 =	sand.u32 $0x40, s26;
	s26 =	sadd.s32 $0x40, s26;
	s29 =	sand.u32 $0x1C00, s25  }
0x17a: {  	_ =	sdelay $0x3  }
0x17b: {  	s0 =	sor.u32 s28, s29;
	[tilespmem:v32+s19+$0x0] =	vst.idx.msk $0xffff, v31  }
0x17c: {  	v30 =	vadd.s32 $0x400, v30;
	v31 =	vld [tilespmem:s0+$0x1900];
	_ =	sdelay $0x4  }
0x17d: {  	[tilespmem:v30+s19+$0x0] =	vst.idx.msk $0xffff, v31;
	v30 =	vand.u32 $0xFFFFFFFE, v30  }
0x17e: {  	v31 =	vld [tilespmem:s0+$0x1910];
	v62 =	vadd.s32 $0x100, v30;
	_ =	sdelay $0x4  }
0x17f: {  	[tilespmem:v62+s19+$0x0] =	vst.idx.msk $0xffff, v31  }
0x180: {  	v63 =	vadd.s32 $0x200, v30;
	v31 =	vld [tilespmem:s0+$0x1920];
	_ =	sdelay $0x4  }
0x181: {  	[tilespmem:v63+s19+$0x0] =	vst.idx.msk $0xffff, v31  }
0x182: {  	v30 =	vadd.s32 $0x300, v30;
	v31 =	vld [tilespmem:s0+$0x1930];
	_ =	sdelay $0x4  }
0x183: {  	[tilespmem:v30+s19+$0x0] =	vst.idx.msk $0xffff, v31  }
0x184: {  	v30 =	vld [tilespmem:s23+$0x1980];
	_ =	sdelay $0x4  }
0x185: {  	[tilespmem:v5+s19+$0x0] =	vst.idx.msk $0xffff, v30  }
0x186: {  	v30 =	vld [tilespmem:s23+$0x1990];
	_ =	sdelay $0x4  }
0x187: {  	[tilespmem:v18+s19+$0x0] =	vst.idx.msk $0xffff, v30  }
0x188: {  	v30 =	vld [tilespmem:s23+$0x19A0];
	_ =	sdelay $0x4  }
0x189: {  	[tilespmem:v19+s19+$0x0] =	vst.idx.msk $0xffff, v30  }
0x18a: {  	v32 =	vadd.s32 $0x300, v5;
	v31 =	vld [tilespmem:s23+$0x19B0];
	_ =	sdelay $0x2  }
0x18b: {  	s25 =	simm.s32 $0x200  }
0x18c: {  	s24 =	sand.u32 $0x40, s24;
	s26 =	sand.u32 $0x1C00, s25;
	v30 =	vmov v5;
	s23 =	simm.s32 $0x80  }
.LBB2_26:
0x18d: {  	p0 =	sne.s32 s23, $0x2C0;
	s0 =	sor.u32 s24, s26;
	[tilespmem:v32+s19+$0x0] =	vst.idx.msk $0xffff, v31  }
0x18e: {  	v30 =	vadd.s32 $0x400, v30;
	v31 =	vld [tilespmem:s0+$0x1980];
	_ =	sdelay $0x4  }
0x18f: {  	[tilespmem:v30+s19+$0x0] =	vst.idx.msk $0xffff, v31  }
0x190: {  	v32 =	vadd.s32 $0x100, v30;
	v31 =	vld [tilespmem:s0+$0x1990];
	_ =	sdelay $0x4  }
0x191: {  	[tilespmem:v32+s19+$0x0] =	vst.idx.msk $0xffff, v31  }
0x192: {  	v32 =	vadd.s32 $0x200, v30;
	v31 =	vld [tilespmem:s0+$0x19A0];
	_ =	sdelay $0x4  }
0x193: {  	[tilespmem:v32+s19+$0x0] =	vst.idx.msk $0xffff, v31  }
.Ltmp12:
0x194: {  	v32 =	vadd.s32 $0x300, v30;
	v31 =	vld [tilespmem:s0+$0x19B0];
	(pc) =	sbr.rel @p0 .LBB2_26-.Ltmp12, $3  }
0x195: {  	_ =	sdelay $0x1  }
0x196: {  	s25 =	sadd.s32 $0x200, s25  }
0x197: {  	s24 =	sand.u32 $0x40, s23;
	s23 =	sadd.s32 $0x40, s23;
	s26 =	sand.u32 $0x1C00, s25  }
0x198: {  	_ =	sdelay $0x3  }
0x199: {  	s0 =	sor.u32 s24, s26;
	[tilespmem:v32+s19+$0x0] =	vst.idx.msk $0xffff, v31  }
0x19a: {  	v30 =	vadd.s32 $0x400, v30;
	v31 =	vld [tilespmem:s0+$0x1980];
	_ =	sdelay $0x4  }
0x19b: {  	[tilespmem:v30+s19+$0x0] =	vst.idx.msk $0xffff, v31  }
0x19c: {  	v62 =	vadd.s32 $0x100, v30;
	v31 =	vld [tilespmem:s0+$0x1990];
	_ =	sdelay $0x4  }
0x19d: {  	[tilespmem:v62+s19+$0x0] =	vst.idx.msk $0xffff, v31  }
0x19e: {  	v63 =	vadd.s32 $0x200, v30;
	v31 =	vld [tilespmem:s0+$0x19A0];
	_ =	sdelay $0x4  }
0x19f: {  	[tilespmem:v63+s19+$0x0] =	vst.idx.msk $0xffff, v31  }
0x1a0: {  	v30 =	vadd.s32 $0x300, v30;
	v31 =	vld [tilespmem:s0+$0x19B0]  }
0x1a1: {  	p0 =	por $0x0, $0x0;
	s0 =	simm.s32 $0x1  }
0x1a2: {  	s0 =	simm.s32 @!p0 $0x0  }
0x1a3: {  	s0 =	sshll.u32 s0, $0x6  }
0x1a4: {  	s24 =	sadd.s32 $0x0, s0  }
0x1a5: {  	s0 =	sor.u32 $0x200, s24;
	[tilespmem:v30+s19+$0x0] =	vst.idx.msk $0xffff, v31  }
0x1a6: {  	v30 =	vld [tilespmem:s0+$0x1800];
	_ =	sdelay $0x4  }
0x1a7: {  	s29 =	sor.u32 $0x210, s24;
	[tilespmem:v6+s19+$0x0] =	vst.idx.msk $0xffff, v30  }
0x1a8: {  	v30 =	vld [tilespmem:s29+$0x1800];
	_ =	sdelay $0x4  }
0x1a9: {  	s30 =	sor.u32 $0x220, s24;
	[tilespmem:v21+s19+$0x0] =	vst.idx.msk $0xffff, v30  }
0x1aa: {  	v30 =	vld [tilespmem:s30+$0x1800];
	_ =	sdelay $0x4  }
0x1ab: {  	s31 =	sor.u32 $0x230, s24;
	[tilespmem:v22+s19+$0x0] =	vst.idx.msk $0xffff, v30  }
0x1ac: {  	v32 =	vadd.s32 $0x300, v20;
	v31 =	vld [tilespmem:s31+$0x1800]  }
0x1ad: {  	s23 =	simm.s32 $0x0;
	s28 =	simm.s32 $0x1;
	p1 =	por !p0, !p0  }
0x1ae: {  	s26 =	simm.s32 $0x80;
	s25 =	simm.s32 $0x0;
	s28 =	simm.s32 @!p1 $0x0;
	v30 =	vmov v6  }
.LBB2_28:
0x1af: {  	p2 =	sne.s32 s26, $0x2C0;
	s0 =	sshll.u32 s28, $0x6;
	s25 =	sadd.s32 $0x200, s25  }
0x1b0: {  	s0 =	sadd.s32 s0, s25  }
0x1b1: {  	s28 =	sor.u32 $0x200, s0;
	[tilespmem:v32+s19+$0x0] =	vst.idx.msk $0xffff, v31  }
0x1b2: {  	v30 =	vadd.s32 $0x400, v30;
	v31 =	vld [tilespmem:s28+$0x1800];
	_ =	sdelay $0x4  }
0x1b3: {  	v32 =	vand.u32 $0xFFFFFFFC, v30;
	s28 =	sor.u32 $0x210, s0;
	[tilespmem:v30+s19+$0x0] =	vst.idx.msk $0xffff, v31  }
0x1b4: {  	v33 =	vadd.s32 $0x100, v32;
	v31 =	vld [tilespmem:s28+$0x1800];
	_ =	sdelay $0x4  }
0x1b5: {  	s28 =	sor.u32 $0x220, s0;
	[tilespmem:v33+s19+$0x0] =	vst.idx.msk $0xffff, v31  }
0x1b6: {  	v33 =	vadd.s32 $0x200, v32;
	v31 =	vld [tilespmem:s28+$0x1800];
	_ =	sdelay $0x3  }
.Ltmp13:
0x1b7: {  	(pc) =	sbr.rel @p2 .LBB2_28-.Ltmp13, $4  }
0x1b8: {  	s0 =	sor.u32 $0x230, s0;
	[tilespmem:v33+s19+$0x0] =	vst.idx.msk $0xffff, v31  }
0x1b9: {  	v32 =	vadd.s32 $0x300, v32;
	v31 =	vld [tilespmem:s0+$0x1800]  }
0x1ba: {  	p1 =	por !p1, !p1;
	s28 =	simm.s32 $0x1  }
0x1bb: {  	s26 =	sadd.s32 $0x40, s26;
	s28 =	simm.s32 @!p1 $0x0  }
0x1bc: {  	_ =	sdelay $0x1  }
0x1bd: {  	s0 =	sshll.u32 s28, $0x6;
	s25 =	sadd.s32 $0x200, s25  }
0x1be: {  	s0 =	sadd.s32 s0, s25  }
0x1bf: {  	s25 =	sor.u32 $0x200, s0;
	[tilespmem:v32+s19+$0x0] =	vst.idx.msk $0xffff, v31  }
0x1c0: {  	v30 =	vadd.s32 $0x400, v30;
	v31 =	vld [tilespmem:s25+$0x1800];
	_ =	sdelay $0x4  }
0x1c1: {  	s31 =	sor.u32 $0x210, s0;
	[tilespmem:v30+s19+$0x0] =	vst.idx.msk $0xffff, v31;
	v30 =	vand.u32 $0xFFFFFFFC, v30  }
0x1c2: {  	v31 =	vld [tilespmem:s31+$0x1800];
	v62 =	vadd.s32 $0x100, v30;
	_ =	sdelay $0x4  }
0x1c3: {  	s26 =	sor.u32 $0x220, s0;
	[tilespmem:v62+s19+$0x0] =	vst.idx.msk $0xffff, v31  }
0x1c4: {  	v63 =	vadd.s32 $0x200, v30;
	v31 =	vld [tilespmem:s26+$0x1800];
	_ =	sdelay $0x4  }
0x1c5: {  	s0 =	sor.u32 $0x230, s0;
	[tilespmem:v63+s19+$0x0] =	vst.idx.msk $0xffff, v31  }
0x1c6: {  	v30 =	vadd.s32 $0x300, v30;
	v31 =	vld [tilespmem:s0+$0x1800];
	_ =	sdelay $0x4  }
0x1c7: {  	s28 =	sor.u32 $0x280, s24;
	[tilespmem:v30+s19+$0x0] =	vst.idx.msk $0xffff, v31  }
0x1c8: {  	v30 =	vld [tilespmem:s28+$0x1800];
	_ =	sdelay $0x4  }
0x1c9: {  	s29 =	sor.u32 $0x290, s24;
	[tilespmem:v7+s19+$0x0] =	vst.idx.msk $0xffff, v30  }
0x1ca: {  	v30 =	vld [tilespmem:s29+$0x1800];
	_ =	sdelay $0x4  }
0x1cb: {  	s30 =	sor.u32 $0x2A0, s24;
	[tilespmem:v23+s19+$0x0] =	vst.idx.msk $0xffff, v30  }
0x1cc: {  	v30 =	vld [tilespmem:s30+$0x1800];
	_ =	sdelay $0x4  }
0x1cd: {  	s31 =	sor.u32 $0x2B0, s24;
	[tilespmem:v24+s19+$0x0] =	vst.idx.msk $0xffff, v30  }
0x1ce: {  	v32 =	vadd.s32 $0x300, v7;
	v31 =	vld [tilespmem:s31+$0x1800]  }
0x1cf: {  	p0 =	por !p0, !p0;
	s25 =	simm.s32 $0x1  }
0x1d0: {  	s25 =	simm.s32 @!p0 $0x0;
	s24 =	simm.s32 $0x80;
	v30 =	vmov v7  }
.LBB2_30:
0x1d1: {  	p1 =	sne.s32 s24, $0x2C0;
	s0 =	sshll.u32 s25, $0x6;
	s23 =	sadd.s32 $0x200, s23  }
0x1d2: {  	s0 =	sadd.s32 s0, s23  }
0x1d3: {  	s25 =	sor.u32 $0x280, s0;
	[tilespmem:v32+s19+$0x0] =	vst.idx.msk $0xffff, v31  }
0x1d4: {  	v30 =	vadd.s32 $0x400, v30;
	v31 =	vld [tilespmem:s25+$0x1800];
	_ =	sdelay $0x4  }
0x1d5: {  	s25 =	sor.u32 $0x290, s0;
	[tilespmem:v30+s19+$0x0] =	vst.idx.msk $0xffff, v31  }
0x1d6: {  	v32 =	vadd.s32 $0x100, v30;
	v31 =	vld [tilespmem:s25+$0x1800];
	_ =	sdelay $0x4  }
0x1d7: {  	s25 =	sor.u32 $0x2A0, s0;
	[tilespmem:v32+s19+$0x0] =	vst.idx.msk $0xffff, v31  }
0x1d8: {  	v32 =	vadd.s32 $0x200, v30;
	v31 =	vld [tilespmem:s25+$0x1800];
	_ =	sdelay $0x3  }
.Ltmp14:
0x1d9: {  	(pc) =	sbr.rel @p1 .LBB2_30-.Ltmp14, $4  }
0x1da: {  	s0 =	sor.u32 $0x2B0, s0;
	[tilespmem:v32+s19+$0x0] =	vst.idx.msk $0xffff, v31  }
0x1db: {  	v32 =	vadd.s32 $0x300, v30;
	v31 =	vld [tilespmem:s0+$0x1800]  }
0x1dc: {  	p0 =	por !p0, !p0;
	s25 =	simm.s32 $0x1  }
0x1dd: {  	s24 =	sadd.s32 $0x40, s24;
	s25 =	simm.s32 @!p0 $0x0  }
0x1de: {  	_ =	sdelay $0x1  }
0x1df: {  	s0 =	sshll.u32 s25, $0x6;
	s23 =	sadd.s32 $0x200, s23  }
0x1e0: {  	s0 =	sadd.s32 s0, s23  }
0x1e1: {  	s23 =	sor.u32 $0x280, s0;
	[tilespmem:v32+s19+$0x0] =	vst.idx.msk $0xffff, v31  }
0x1e2: {  	v30 =	vadd.s32 $0x400, v30;
	v31 =	vld [tilespmem:s23+$0x1800];
	_ =	sdelay $0x4  }
0x1e3: {  	s25 =	sor.u32 $0x290, s0;
	[tilespmem:v30+s19+$0x0] =	vst.idx.msk $0xffff, v31  }
0x1e4: {  	v62 =	vadd.s32 $0x100, v30;
	v31 =	vld [tilespmem:s25+$0x1800];
	_ =	sdelay $0x4  }
0x1e5: {  	s26 =	sor.u32 $0x2A0, s0;
	[tilespmem:v62+s19+$0x0] =	vst.idx.msk $0xffff, v31  }
0x1e6: {  	v63 =	vadd.s32 $0x200, v30;
	v31 =	vld [tilespmem:s26+$0x1800];
	_ =	sdelay $0x4  }
0x1e7: {  	s0 =	sor.u32 $0x2B0, s0;
	[tilespmem:v63+s19+$0x0] =	vst.idx.msk $0xffff, v31  }
0x1e8: {  	v30 =	vadd.s32 $0x300, v30;
	v31 =	vld [tilespmem:s0+$0x1800]  }
0x1e9: {  	p0 =	por $0x0, $0x0;
	s0 =	simm.s32 $0x1  }
0x1ea: {  	s0 =	simm.s32 @!p0 $0x0  }
0x1eb: {  	s0 =	sshll.u32 s0, $0x6  }
0x1ec: {  	s0 =	sadd.s32 $0x0, s0  }
0x1ed: {  	s29 =	sor.u32 $0x300, s0;
	[tilespmem:v30+s19+$0x0] =	vst.idx.msk $0xffff, v31  }
0x1ee: {  	v30 =	vld [tilespmem:s29+$0x1800];
	_ =	sdelay $0x4  }
0x1ef: {  	s30 =	sor.u32 $0x310, s0;
	[tilespmem:v8+s19+$0x0] =	vst.idx.msk $0xffff, v30  }
0x1f0: {  	v30 =	vld [tilespmem:s30+$0x1800];
	_ =	sdelay $0x4  }
0x1f1: {  	s31 =	sor.u32 $0x320, s0;
	[tilespmem:v26+s19+$0x0] =	vst.idx.msk $0xffff, v30  }
0x1f2: {  	v30 =	vld [tilespmem:s31+$0x1800];
	_ =	sdelay $0x4  }
0x1f3: {  	s0 =	sor.u32 $0x330, s0;
	[tilespmem:v27+s19+$0x0] =	vst.idx.msk $0xffff, v30  }
0x1f4: {  	s24 =	simm.s32 $0x0;
	v32 =	vadd.s32 $0x300, v25;
	v31 =	vld [tilespmem:s0+$0x1800]  }
0x1f5: {  	s28 =	simm.s32 $0x1;
	s23 =	simm.s32 $0x40;
	p0 =	por !p0, !p0  }
0x1f6: {  	s25 =	simm.s32 $0x0;
	s26 =	simm.s32 $0x80;
	s28 =	simm.s32 @!p0 $0x0;
	v30 =	vmov v8  }
.LBB2_32:
0x1f7: {  	p1 =	sne.s32 s26, $0x2C0;
	s0 =	sshll.u32 s28, $0x6;
	s25 =	sadd.s32 $0x200, s25  }
0x1f8: {  	s0 =	sadd.s32 s0, s25  }
0x1f9: {  	s28 =	sor.u32 $0x300, s0;
	[tilespmem:v32+s19+$0x0] =	vst.idx.msk $0xffff, v31  }
0x1fa: {  	v30 =	vadd.s32 $0x400, v30;
	v31 =	vld [tilespmem:s28+$0x1800];
	_ =	sdelay $0x4  }
0x1fb: {  	v32 =	vand.u32 $0xFFFFFFFE, v30;
	s28 =	sor.u32 $0x310, s0;
	[tilespmem:v30+s19+$0x0] =	vst.idx.msk $0xffff, v31  }
0x1fc: {  	v33 =	vadd.s32 $0x100, v32;
	v31 =	vld [tilespmem:s28+$0x1800];
	_ =	sdelay $0x4  }
0x1fd: {  	s28 =	sor.u32 $0x320, s0;
	[tilespmem:v33+s19+$0x0] =	vst.idx.msk $0xffff, v31  }
0x1fe: {  	v33 =	vadd.s32 $0x200, v32;
	v31 =	vld [tilespmem:s28+$0x1800];
	_ =	sdelay $0x3  }
.Ltmp15:
0x1ff: {  	(pc) =	sbr.rel @p1 .LBB2_32-.Ltmp15, $4  }
0x200: {  	s0 =	sor.u32 $0x330, s0;
	[tilespmem:v33+s19+$0x0] =	vst.idx.msk $0xffff, v31  }
0x201: {  	v32 =	vadd.s32 $0x300, v32;
	v31 =	vld [tilespmem:s0+$0x1800]  }
0x202: {  	p0 =	por !p0, !p0;
	s28 =	simm.s32 $0x1  }
0x203: {  	s26 =	sadd.s32 $0x40, s26;
	s28 =	simm.s32 @!p0 $0x0  }
0x204: {  	_ =	sdelay $0x1  }
0x205: {  	s0 =	sshll.u32 s28, $0x6;
	s25 =	sadd.s32 $0x200, s25  }
0x206: {  	s0 =	sadd.s32 s0, s25  }
0x207: {  	s25 =	sor.u32 $0x300, s0;
	[tilespmem:v32+s19+$0x0] =	vst.idx.msk $0xffff, v31  }
0x208: {  	v30 =	vadd.s32 $0x400, v30;
	v31 =	vld [tilespmem:s25+$0x1800];
	_ =	sdelay $0x4  }
0x209: {  	s26 =	sor.u32 $0x310, s0;
	[tilespmem:v30+s19+$0x0] =	vst.idx.msk $0xffff, v31;
	v30 =	vand.u32 $0xFFFFFFFE, v30  }
0x20a: {  	v31 =	vld [tilespmem:s26+$0x1800];
	v62 =	vadd.s32 $0x100, v30;
	_ =	sdelay $0x4  }
0x20b: {  	s28 =	sor.u32 $0x320, s0;
	[tilespmem:v62+s19+$0x0] =	vst.idx.msk $0xffff, v31  }
0x20c: {  	v63 =	vadd.s32 $0x200, v30;
	v31 =	vld [tilespmem:s28+$0x1800];
	_ =	sdelay $0x4  }
0x20d: {  	s0 =	sor.u32 $0x330, s0;
	[tilespmem:v63+s19+$0x0] =	vst.idx.msk $0xffff, v31  }
0x20e: {  	v30 =	vadd.s32 $0x300, v30;
	v31 =	vld [tilespmem:s0+$0x1800];
	_ =	sdelay $0x3  }
0x20f: {  	s29 =	sor.u32 s24, s24  }
0x210: {  	s24 =	sor.u32 $0x380, s29;
	[tilespmem:v30+s19+$0x0] =	vst.idx.msk $0xffff, v31  }
0x211: {  	v30 =	vld [tilespmem:s24+$0x1800];
	_ =	sdelay $0x4  }
0x212: {  	s30 =	sor.u32 $0x390, s29;
	[tilespmem:v9+s19+$0x0] =	vst.idx.msk $0xffff, v30  }
0x213: {  	v30 =	vld [tilespmem:s30+$0x1800];
	_ =	sdelay $0x4  }
0x214: {  	s31 =	sor.u32 $0x3A0, s29;
	[tilespmem:v28+s19+$0x0] =	vst.idx.msk $0xffff, v30  }
0x215: {  	v28 =	vld [tilespmem:s31+$0x1800];
	_ =	sdelay $0x4  }
0x216: {  	s0 =	sor.u32 $0x3B0, s29;
	[tilespmem:v29+s19+$0x0] =	vst.idx.msk $0xffff, v28  }
0x217: {  	v30 =	vadd.s32 $0x300, v9;
	v29 =	vld [tilespmem:s0+$0x1800];
	_ =	sdelay $0x2  }
0x218: {  	s24 =	simm.s32 $0x200  }
0x219: {  	s25 =	simm.s32 $0x80;
	s23 =	sor.u32 s23, s24;
	v28 =	vmov v9  }
.LBB2_34:
0x21a: {  	p0 =	sne.s32 s25, $0x2C0;
	s0 =	sor.u32 $0x380, s23;
	[tilespmem:v30+s19+$0x0] =	vst.idx.msk $0xffff, v29  }
0x21b: {  	v28 =	vadd.s32 $0x400, v28;
	v29 =	vld [tilespmem:s0+$0x1800];
	_ =	sdelay $0x4  }
0x21c: {  	s0 =	sor.u32 $0x390, s23;
	[tilespmem:v28+s19+$0x0] =	vst.idx.msk $0xffff, v29  }
0x21d: {  	v30 =	vadd.s32 $0x100, v28;
	v29 =	vld [tilespmem:s0+$0x1800];
	_ =	sdelay $0x4  }
0x21e: {  	s0 =	sor.u32 $0x3A0, s23;
	[tilespmem:v30+s19+$0x0] =	vst.idx.msk $0xffff, v29  }
0x21f: {  	v30 =	vadd.s32 $0x200, v28;
	v29 =	vld [tilespmem:s0+$0x1800];
	_ =	sdelay $0x4  }
0x220: {  	s0 =	sor.u32 $0x3B0, s23;
	[tilespmem:v30+s19+$0x0] =	vst.idx.msk $0xffff, v29  }
.Ltmp16:
0x221: {  	v30 =	vadd.s32 $0x300, v28;
	v29 =	vld [tilespmem:s0+$0x1800];
	(pc) =	sbr.rel @p0 .LBB2_34-.Ltmp16, $3  }
0x222: {  	_ =	sdelay $0x1  }
0x223: {  	s24 =	sadd.s32 $0x200, s24  }
0x224: {  	s23 =	sor.u32 s25, s24;
	s25 =	sadd.s32 $0x40, s25  }
0x225: {  	_ =	sdelay $0x3  }
0x226: {  	s0 =	sor.u32 $0x380, s23;
	[tilespmem:v30+s19+$0x0] =	vst.idx.msk $0xffff, v29  }
0x227: {  	v28 =	vadd.s32 $0x400, v28;
	v29 =	vld [tilespmem:s0+$0x1800];
	_ =	sdelay $0x4  }
0x228: {  	s29 =	sor.u32 $0x390, s23;
	[tilespmem:v28+s19+$0x0] =	vst.idx.msk $0xffff, v29  }
0x229: {  	v62 =	vadd.s32 $0x100, v28;
	v29 =	vld [tilespmem:s29+$0x1800];
	_ =	sdelay $0x4  }
0x22a: {  	s30 =	sor.u32 $0x3A0, s23;
	[tilespmem:v62+s19+$0x0] =	vst.idx.msk $0xffff, v29  }
0x22b: {  	v63 =	vadd.s32 $0x200, v28;
	v29 =	vld [tilespmem:s30+$0x1800];
	_ =	sdelay $0x4  }
0x22c: {  	s31 =	sor.u32 $0x3B0, s23;
	[tilespmem:v63+s19+$0x0] =	vst.idx.msk $0xffff, v29  }
0x22d: {  	v28 =	vadd.s32 $0x300, v28;
	v29 =	vld [tilespmem:s31+$0x1800];
	_ =	sdelay $0x4  }
0x22e: {  	[tilespmem:v28+s19+$0x0] =	vst.idx.msk $0xffff, v29  }
0x22f: {  	[hbm4b:s10+s2] =	stream.linear.scatter [tilespmem:s19], [sflag:$0x4], $0x3000, $0x38;
	[tilespmem:$0x9000] =	vst v63  }
0x230: {  	s23 =	simm.s32 $0x1  }
0x231: {  	[tilespmem:s15], [sflag:$0x2] =	stream.linear.gather [hbm4b:s11+s2], $0x1800, $0x38;
	[tilespmem:$0x9000] =	vst v63  }
.LBB2_36:
0x232: {  	_ =	swait.ge [sflag:s16], $0x1800  }
0x233: {  	[sflag:s16] =	ssyncset.done $0x0  }
0x234: {  	[sflag:s16] =	ssyncadd.s32 $0xFFFFE800  }
0x235: {  	s0 =	simm.s32 $0x0;
	_ =	swait.ge [sflag:s20], $0x3000  }
0x236: {  	s24 =	sand.u32 $0x40, s0;
	s0 =	sand.u32 $0x1C00, s0;
	[sflag:s20] =	ssyncset.done $0x0  }
0x237: {  	s24 =	sor.u32 s24, s0;
	[sflag:s20] =	ssyncadd.s32 $0xFFFFD000  }
0x238: {  	v28 =	vld [tilespmem:s24+$0x0];
	_ =	sdelay $0x4  }
0x239: {  	[tilespmem:v1+s17+$0x0] =	vst.idx.msk $0xffff, v28  }
0x23a: {  	v28 =	vld [tilespmem:s24+$0x10];
	_ =	sdelay $0x4  }
0x23b: {  	[tilespmem:v11+s17+$0x0] =	vst.idx.msk $0xffff, v28  }
0x23c: {  	v28 =	vld [tilespmem:s24+$0x20];
	_ =	sdelay $0x4  }
0x23d: {  	[tilespmem:v12+s17+$0x0] =	vst.idx.msk $0xffff, v28  }
0x23e: {  	v30 =	vadd.s32 $0x300, v10;
	v29 =	vld [tilespmem:s24+$0x30];
	_ =	sdelay $0x2  }
0x23f: {  	s25 =	simm.s32 $0x40;
	s26 =	simm.s32 $0x200  }
0x240: {  	s28 =	simm.s32 $0x80;
	s29 =	sand.u32 $0x40, s25;
	s30 =	sand.u32 $0x1C00, s26;
	v28 =	vmov v1  }
.LBB2_37:
0x241: {  	p0 =	sne.s32 s28, $0x2C0;
	s0 =	sor.u32 s29, s30;
	[tilespmem:v30+s17+$0x0] =	vst.idx.msk $0xffff, v29  }
0x242: {  	v28 =	vadd.s32 $0x400, v28;
	v29 =	vld [tilespmem:s0+$0x0];
	_ =	sdelay $0x4  }
0x243: {  	v30 =	vand.u32 $0xFFFFFFF0, v28;
	[tilespmem:v28+s17+$0x0] =	vst.idx.msk $0xffff, v29  }
0x244: {  	v31 =	vadd.s32 $0x100, v30;
	v29 =	vld [tilespmem:s0+$0x10];
	_ =	sdelay $0x4  }
0x245: {  	[tilespmem:v31+s17+$0x0] =	vst.idx.msk $0xffff, v29  }
0x246: {  	v31 =	vadd.s32 $0x200, v30;
	v29 =	vld [tilespmem:s0+$0x20];
	_ =	sdelay $0x4  }
0x247: {  	[tilespmem:v31+s17+$0x0] =	vst.idx.msk $0xffff, v29  }
.Ltmp17:
0x248: {  	v30 =	vadd.s32 $0x300, v30;
	v29 =	vld [tilespmem:s0+$0x30];
	(pc) =	sbr.rel @p0 .LBB2_37-.Ltmp17, $3  }
0x249: {  	_ =	sdelay $0x1  }
0x24a: {  	s26 =	sadd.s32 $0x200, s26  }
0x24b: {  	s29 =	sand.u32 $0x40, s28;
	s28 =	sadd.s32 $0x40, s28;
	s30 =	sand.u32 $0x1C00, s26  }
0x24c: {  	_ =	sdelay $0x3  }
0x24d: {  	s0 =	sor.u32 s29, s30;
	[tilespmem:v30+s17+$0x0] =	vst.idx.msk $0xffff, v29  }
0x24e: {  	v28 =	vadd.s32 $0x400, v28;
	v29 =	vld [tilespmem:s0+$0x0];
	_ =	sdelay $0x4  }
0x24f: {  	[tilespmem:v28+s17+$0x0] =	vst.idx.msk $0xffff, v29;
	v28 =	vand.u32 $0xFFFFFFF0, v28  }
0x250: {  	v29 =	vld [tilespmem:s0+$0x10];
	v30 =	vadd.s32 $0x100, v28;
	_ =	sdelay $0x4  }
0x251: {  	[tilespmem:v30+s17+$0x0] =	vst.idx.msk $0xffff, v29  }
0x252: {  	v30 =	vadd.s32 $0x200, v28;
	v29 =	vld [tilespmem:s0+$0x20];
	_ =	sdelay $0x4  }
0x253: {  	[tilespmem:v30+s17+$0x0] =	vst.idx.msk $0xffff, v29  }
0x254: {  	v28 =	vadd.s32 $0x300, v28;
	v29 =	vld [tilespmem:s0+$0x30];
	_ =	sdelay $0x4  }
0x255: {  	[tilespmem:v28+s17+$0x0] =	vst.idx.msk $0xffff, v29  }
0x256: {  	v28 =	vld [tilespmem:s24+$0x80];
	_ =	sdelay $0x4  }
0x257: {  	[tilespmem:v3+s17+$0x0] =	vst.idx.msk $0xffff, v28  }
0x258: {  	v28 =	vld [tilespmem:s24+$0x90];
	_ =	sdelay $0x4  }
0x259: {  	[tilespmem:v13+s17+$0x0] =	vst.idx.msk $0xffff, v28  }
0x25a: {  	v28 =	vld [tilespmem:s24+$0xA0];
	_ =	sdelay $0x4  }
0x25b: {  	[tilespmem:v14+s17+$0x0] =	vst.idx.msk $0xffff, v28  }
0x25c: {  	v30 =	vadd.s32 $0x300, v3;
	v29 =	vld [tilespmem:s24+$0xB0];
	_ =	sdelay $0x2  }
0x25d: {  	s26 =	simm.s32 $0x200  }
0x25e: {  	s25 =	sand.u32 $0x40, s25;
	s28 =	sand.u32 $0x1C00, s26;
	v28 =	vmov v3;
	s24 =	simm.s32 $0x80  }
.LBB2_39:
0x25f: {  	p0 =	sne.s32 s24, $0x2C0;
	s0 =	sor.u32 s25, s28;
	[tilespmem:v30+s17+$0x0] =	vst.idx.msk $0xffff, v29  }
0x260: {  	v28 =	vadd.s32 $0x400, v28;
	v29 =	vld [tilespmem:s0+$0x80];
	_ =	sdelay $0x4  }
0x261: {  	[tilespmem:v28+s17+$0x0] =	vst.idx.msk $0xffff, v29  }
0x262: {  	v30 =	vadd.s32 $0x100, v28;
	v29 =	vld [tilespmem:s0+$0x90];
	_ =	sdelay $0x4  }
0x263: {  	[tilespmem:v30+s17+$0x0] =	vst.idx.msk $0xffff, v29  }
0x264: {  	v30 =	vadd.s32 $0x200, v28;
	v29 =	vld [tilespmem:s0+$0xA0];
	_ =	sdelay $0x4  }
0x265: {  	[tilespmem:v30+s17+$0x0] =	vst.idx.msk $0xffff, v29  }
.Ltmp18:
0x266: {  	v30 =	vadd.s32 $0x300, v28;
	v29 =	vld [tilespmem:s0+$0xB0];
	(pc) =	sbr.rel @p0 .LBB2_39-.Ltmp18, $3  }
0x267: {  	_ =	sdelay $0x1  }
0x268: {  	s26 =	sadd.s32 $0x200, s26  }
0x269: {  	s25 =	sand.u32 $0x40, s24;
	s24 =	sadd.s32 $0x40, s24;
	s28 =	sand.u32 $0x1C00, s26  }
0x26a: {  	_ =	sdelay $0x3  }
0x26b: {  	s0 =	sor.u32 s25, s28;
	[tilespmem:v30+s17+$0x0] =	vst.idx.msk $0xffff, v29  }
0x26c: {  	v28 =	vadd.s32 $0x400, v28;
	v29 =	vld [tilespmem:s0+$0x80];
	_ =	sdelay $0x4  }
0x26d: {  	[tilespmem:v28+s17+$0x0] =	vst.idx.msk $0xffff, v29  }
0x26e: {  	v30 =	vadd.s32 $0x100, v28;
	v29 =	vld [tilespmem:s0+$0x90];
	_ =	sdelay $0x4  }
0x26f: {  	[tilespmem:v30+s17+$0x0] =	vst.idx.msk $0xffff, v29  }
0x270: {  	v30 =	vadd.s32 $0x200, v28;
	v29 =	vld [tilespmem:s0+$0xA0];
	_ =	sdelay $0x4  }
0x271: {  	[tilespmem:v30+s17+$0x0] =	vst.idx.msk $0xffff, v29  }
0x272: {  	v28 =	vadd.s32 $0x300, v28;
	v29 =	vld [tilespmem:s0+$0xB0];
	_ =	sdelay $0x2  }
0x273: {  	s31 =	simm.s32 $0x0  }
0x274: {  	s24 =	sand.u32 $0x40, s31;
	s0 =	sand.u32 $0x1C00, s31  }
0x275: {  	s24 =	sor.u32 s24, s0;
	[tilespmem:v28+s17+$0x0] =	vst.idx.msk $0xffff, v29  }
0x276: {  	v28 =	vld [tilespmem:s24+$0x100];
	_ =	sdelay $0x4  }
0x277: {  	[tilespmem:v4+s17+$0x0] =	vst.idx.msk $0xffff, v28  }
0x278: {  	v28 =	vld [tilespmem:s24+$0x110];
	_ =	sdelay $0x4  }
0x279: {  	[tilespmem:v16+s17+$0x0] =	vst.idx.msk $0xffff, v28  }
0x27a: {  	v28 =	vld [tilespmem:s24+$0x120];
	_ =	sdelay $0x4  }
0x27b: {  	[tilespmem:v17+s17+$0x0] =	vst.idx.msk $0xffff, v28  }
0x27c: {  	v30 =	vadd.s32 $0x300, v15;
	v29 =	vld [tilespmem:s24+$0x130];
	_ =	sdelay $0x2  }
0x27d: {  	s25 =	simm.s32 $0x40;
	s26 =	simm.s32 $0x200  }
0x27e: {  	s28 =	simm.s32 $0x80;
	s29 =	sand.u32 $0x40, s25;
	s30 =	sand.u32 $0x1C00, s26;
	v28 =	vmov v4  }
.LBB2_41:
0x27f: {  	p0 =	sne.s32 s28, $0x2C0;
	s0 =	sor.u32 s29, s30;
	[tilespmem:v30+s17+$0x0] =	vst.idx.msk $0xffff, v29  }
0x280: {  	v28 =	vadd.s32 $0x400, v28;
	v29 =	vld [tilespmem:s0+$0x100];
	_ =	sdelay $0x4  }
0x281: {  	v30 =	vand.u32 $0xFFFFFFFE, v28;
	[tilespmem:v28+s17+$0x0] =	vst.idx.msk $0xffff, v29  }
0x282: {  	v31 =	vadd.s32 $0x100, v30;
	v29 =	vld [tilespmem:s0+$0x110];
	_ =	sdelay $0x4  }
0x283: {  	[tilespmem:v31+s17+$0x0] =	vst.idx.msk $0xffff, v29  }
0x284: {  	v31 =	vadd.s32 $0x200, v30;
	v29 =	vld [tilespmem:s0+$0x120];
	_ =	sdelay $0x4  }
0x285: {  	[tilespmem:v31+s17+$0x0] =	vst.idx.msk $0xffff, v29  }
.Ltmp19:
0x286: {  	v30 =	vadd.s32 $0x300, v30;
	v29 =	vld [tilespmem:s0+$0x130];
	(pc) =	sbr.rel @p0 .LBB2_41-.Ltmp19, $3  }
0x287: {  	_ =	sdelay $0x1  }
0x288: {  	s26 =	sadd.s32 $0x200, s26  }
0x289: {  	s29 =	sand.u32 $0x40, s28;
	s28 =	sadd.s32 $0x40, s28;
	s30 =	sand.u32 $0x1C00, s26  }
0x28a: {  	_ =	sdelay $0x3  }
0x28b: {  	s0 =	sor.u32 s29, s30;
	[tilespmem:v30+s17+$0x0] =	vst.idx.msk $0xffff, v29  }
0x28c: {  	v28 =	vadd.s32 $0x400, v28;
	v29 =	vld [tilespmem:s0+$0x100];
	_ =	sdelay $0x4  }
0x28d: {  	[tilespmem:v28+s17+$0x0] =	vst.idx.msk $0xffff, v29;
	v28 =	vand.u32 $0xFFFFFFFE, v28  }
0x28e: {  	v29 =	vld [tilespmem:s0+$0x110];
	v30 =	vadd.s32 $0x100, v28;
	_ =	sdelay $0x4  }
0x28f: {  	[tilespmem:v30+s17+$0x0] =	vst.idx.msk $0xffff, v29  }
0x290: {  	v30 =	vadd.s32 $0x200, v28;
	v29 =	vld [tilespmem:s0+$0x120];
	_ =	sdelay $0x4  }
0x291: {  	[tilespmem:v30+s17+$0x0] =	vst.idx.msk $0xffff, v29  }
0x292: {  	v28 =	vadd.s32 $0x300, v28;
	v29 =	vld [tilespmem:s0+$0x130];
	_ =	sdelay $0x4  }
0x293: {  	[tilespmem:v28+s17+$0x0] =	vst.idx.msk $0xffff, v29  }
0x294: {  	v28 =	vld [tilespmem:s24+$0x180];
	_ =	sdelay $0x4  }
0x295: {  	[tilespmem:v5+s17+$0x0] =	vst.idx.msk $0xffff, v28  }
0x296: {  	v28 =	vld [tilespmem:s24+$0x190];
	_ =	sdelay $0x4  }
0x297: {  	[tilespmem:v18+s17+$0x0] =	vst.idx.msk $0xffff, v28  }
0x298: {  	v28 =	vld [tilespmem:s24+$0x1A0];
	_ =	sdelay $0x4  }
0x299: {  	[tilespmem:v19+s17+$0x0] =	vst.idx.msk $0xffff, v28  }
0x29a: {  	v30 =	vadd.s32 $0x300, v5;
	v29 =	vld [tilespmem:s24+$0x1B0];
	_ =	sdelay $0x2  }
0x29b: {  	s26 =	simm.s32 $0x200  }
0x29c: {  	s25 =	sand.u32 $0x40, s25;
	s28 =	sand.u32 $0x1C00, s26;
	v28 =	vmov v5;
	s24 =	simm.s32 $0x80  }
.LBB2_43:
0x29d: {  	p0 =	sne.s32 s24, $0x2C0;
	s0 =	sor.u32 s25, s28;
	[tilespmem:v30+s17+$0x0] =	vst.idx.msk $0xffff, v29  }
0x29e: {  	v28 =	vadd.s32 $0x400, v28;
	v29 =	vld [tilespmem:s0+$0x180];
	_ =	sdelay $0x4  }
0x29f: {  	[tilespmem:v28+s17+$0x0] =	vst.idx.msk $0xffff, v29  }
0x2a0: {  	v30 =	vadd.s32 $0x100, v28;
	v29 =	vld [tilespmem:s0+$0x190];
	_ =	sdelay $0x4  }
0x2a1: {  	[tilespmem:v30+s17+$0x0] =	vst.idx.msk $0xffff, v29  }
0x2a2: {  	v30 =	vadd.s32 $0x200, v28;
	v29 =	vld [tilespmem:s0+$0x1A0];
	_ =	sdelay $0x4  }
0x2a3: {  	[tilespmem:v30+s17+$0x0] =	vst.idx.msk $0xffff, v29  }
.Ltmp20:
0x2a4: {  	v30 =	vadd.s32 $0x300, v28;
	v29 =	vld [tilespmem:s0+$0x1B0];
	(pc) =	sbr.rel @p0 .LBB2_43-.Ltmp20, $3  }
0x2a5: {  	_ =	sdelay $0x1  }
0x2a6: {  	s26 =	sadd.s32 $0x200, s26  }
0x2a7: {  	s25 =	sand.u32 $0x40, s24;
	s24 =	sadd.s32 $0x40, s24;
	s28 =	sand.u32 $0x1C00, s26  }
0x2a8: {  	_ =	sdelay $0x3  }
0x2a9: {  	s0 =	sor.u32 s25, s28;
	[tilespmem:v30+s17+$0x0] =	vst.idx.msk $0xffff, v29  }
0x2aa: {  	v28 =	vadd.s32 $0x400, v28;
	v29 =	vld [tilespmem:s0+$0x180];
	_ =	sdelay $0x4  }
0x2ab: {  	[tilespmem:v28+s17+$0x0] =	vst.idx.msk $0xffff, v29  }
0x2ac: {  	v30 =	vadd.s32 $0x100, v28;
	v29 =	vld [tilespmem:s0+$0x190];
	_ =	sdelay $0x4  }
0x2ad: {  	[tilespmem:v30+s17+$0x0] =	vst.idx.msk $0xffff, v29  }
0x2ae: {  	v30 =	vadd.s32 $0x200, v28;
	v29 =	vld [tilespmem:s0+$0x1A0];
	_ =	sdelay $0x4  }
0x2af: {  	[tilespmem:v30+s17+$0x0] =	vst.idx.msk $0xffff, v29  }
0x2b0: {  	v28 =	vadd.s32 $0x300, v28;
	v29 =	vld [tilespmem:s0+$0x1B0]  }
0x2b1: {  	p0 =	por $0x0, $0x0;
	s0 =	simm.s32 $0x1  }
0x2b2: {  	s0 =	simm.s32 @!p0 $0x0  }
0x2b3: {  	s0 =	sshll.u32 s0, $0x6  }
0x2b4: {  	s25 =	sadd.s32 $0x0, s0  }
0x2b5: {  	s0 =	sor.u32 $0x200, s25;
	[tilespmem:v28+s17+$0x0] =	vst.idx.msk $0xffff, v29  }
0x2b6: {  	v28 =	vld [tilespmem:s0+$0x0];
	_ =	sdelay $0x4  }
0x2b7: {  	s26 =	sor.u32 $0x210, s25;
	[tilespmem:v6+s17+$0x0] =	vst.idx.msk $0xffff, v28  }
0x2b8: {  	v28 =	vld [tilespmem:s26+$0x0];
	_ =	sdelay $0x4  }
0x2b9: {  	s30 =	sor.u32 $0x220, s25;
	[tilespmem:v21+s17+$0x0] =	vst.idx.msk $0xffff, v28  }
0x2ba: {  	v28 =	vld [tilespmem:s30+$0x0];
	_ =	sdelay $0x4  }
0x2bb: {  	s31 =	sor.u32 $0x230, s25;
	[tilespmem:v22+s17+$0x0] =	vst.idx.msk $0xffff, v28  }
0x2bc: {  	v30 =	vadd.s32 $0x300, v20;
	v29 =	vld [tilespmem:s31+$0x0]  }
0x2bd: {  	s24 =	simm.s32 $0x0;
	s29 =	simm.s32 $0x1;
	p1 =	por !p0, !p0  }
0x2be: {  	s28 =	simm.s32 $0x80;
	s29 =	simm.s32 @!p1 $0x0;
	s26 =	simm.s32 $0x0;
	v28 =	vmov v6  }
.LBB2_45:
0x2bf: {  	p2 =	sne.s32 s28, $0x2C0;
	s0 =	sshll.u32 s29, $0x6;
	s26 =	sadd.s32 $0x200, s26  }
0x2c0: {  	s0 =	sadd.s32 s0, s26  }
0x2c1: {  	s29 =	sor.u32 $0x200, s0;
	[tilespmem:v30+s17+$0x0] =	vst.idx.msk $0xffff, v29  }
0x2c2: {  	v28 =	vadd.s32 $0x400, v28;
	v29 =	vld [tilespmem:s29+$0x0];
	_ =	sdelay $0x4  }
0x2c3: {  	v30 =	vand.u32 $0xFFFFFFFC, v28;
	s29 =	sor.u32 $0x210, s0;
	[tilespmem:v28+s17+$0x0] =	vst.idx.msk $0xffff, v29  }
0x2c4: {  	v31 =	vadd.s32 $0x100, v30;
	v29 =	vld [tilespmem:s29+$0x0];
	_ =	sdelay $0x4  }
0x2c5: {  	s29 =	sor.u32 $0x220, s0;
	[tilespmem:v31+s17+$0x0] =	vst.idx.msk $0xffff, v29  }
0x2c6: {  	v31 =	vadd.s32 $0x200, v30;
	v29 =	vld [tilespmem:s29+$0x0];
	_ =	sdelay $0x3  }
.Ltmp21:
0x2c7: {  	(pc) =	sbr.rel @p2 .LBB2_45-.Ltmp21, $4  }
0x2c8: {  	s0 =	sor.u32 $0x230, s0;
	[tilespmem:v31+s17+$0x0] =	vst.idx.msk $0xffff, v29  }
0x2c9: {  	v30 =	vadd.s32 $0x300, v30;
	v29 =	vld [tilespmem:s0+$0x0]  }
0x2ca: {  	p1 =	por !p1, !p1;
	s29 =	simm.s32 $0x1  }
0x2cb: {  	s28 =	sadd.s32 $0x40, s28;
	s29 =	simm.s32 @!p1 $0x0  }
0x2cc: {  	_ =	sdelay $0x1  }
0x2cd: {  	s0 =	sshll.u32 s29, $0x6;
	s26 =	sadd.s32 $0x200, s26  }
0x2ce: {  	s0 =	sadd.s32 s0, s26  }
0x2cf: {  	s26 =	sor.u32 $0x200, s0;
	[tilespmem:v30+s17+$0x0] =	vst.idx.msk $0xffff, v29  }
0x2d0: {  	v28 =	vadd.s32 $0x400, v28;
	v29 =	vld [tilespmem:s26+$0x0];
	_ =	sdelay $0x4  }
0x2d1: {  	s30 =	sor.u32 $0x210, s0;
	[tilespmem:v28+s17+$0x0] =	vst.idx.msk $0xffff, v29;
	v28 =	vand.u32 $0xFFFFFFFC, v28  }
0x2d2: {  	v29 =	vld [tilespmem:s30+$0x0];
	v30 =	vadd.s32 $0x100, v28;
	_ =	sdelay $0x4  }
0x2d3: {  	s31 =	sor.u32 $0x220, s0;
	[tilespmem:v30+s17+$0x0] =	vst.idx.msk $0xffff, v29  }
0x2d4: {  	v30 =	vadd.s32 $0x200, v28;
	v29 =	vld [tilespmem:s31+$0x0];
	_ =	sdelay $0x4  }
0x2d5: {  	s0 =	sor.u32 $0x230, s0;
	[tilespmem:v30+s17+$0x0] =	vst.idx.msk $0xffff, v29  }
0x2d6: {  	v28 =	vadd.s32 $0x300, v28;
	v29 =	vld [tilespmem:s0+$0x0];
	_ =	sdelay $0x4  }
0x2d7: {  	s28 =	sor.u32 $0x280, s25;
	[tilespmem:v28+s17+$0x0] =	vst.idx.msk $0xffff, v29  }
0x2d8: {  	v28 =	vld [tilespmem:s28+$0x0];
	_ =	sdelay $0x4  }
0x2d9: {  	s29 =	sor.u32 $0x290, s25;
	[tilespmem:v7+s17+$0x0] =	vst.idx.msk $0xffff, v28  }
0x2da: {  	v28 =	vld [tilespmem:s29+$0x0];
	_ =	sdelay $0x4  }
0x2db: {  	s30 =	sor.u32 $0x2A0, s25;
	[tilespmem:v23+s17+$0x0] =	vst.idx.msk $0xffff, v28  }
0x2dc: {  	v28 =	vld [tilespmem:s30+$0x0];
	_ =	sdelay $0x4  }
0x2dd: {  	s31 =	sor.u32 $0x2B0, s25;
	[tilespmem:v24+s17+$0x0] =	vst.idx.msk $0xffff, v28  }
0x2de: {  	v30 =	vadd.s32 $0x300, v7;
	v29 =	vld [tilespmem:s31+$0x0]  }
0x2df: {  	p0 =	por !p0, !p0;
	s26 =	simm.s32 $0x1  }
0x2e0: {  	s26 =	simm.s32 @!p0 $0x0;
	s25 =	simm.s32 $0x80;
	v28 =	vmov v7  }
.LBB2_47:
0x2e1: {  	p1 =	sne.s32 s25, $0x2C0;
	s0 =	sshll.u32 s26, $0x6;
	s24 =	sadd.s32 $0x200, s24  }
0x2e2: {  	s0 =	sadd.s32 s0, s24  }
0x2e3: {  	s26 =	sor.u32 $0x280, s0;
	[tilespmem:v30+s17+$0x0] =	vst.idx.msk $0xffff, v29  }
0x2e4: {  	v28 =	vadd.s32 $0x400, v28;
	v29 =	vld [tilespmem:s26+$0x0];
	_ =	sdelay $0x4  }
0x2e5: {  	s26 =	sor.u32 $0x290, s0;
	[tilespmem:v28+s17+$0x0] =	vst.idx.msk $0xffff, v29  }
0x2e6: {  	v30 =	vadd.s32 $0x100, v28;
	v29 =	vld [tilespmem:s26+$0x0];
	_ =	sdelay $0x4  }
0x2e7: {  	s26 =	sor.u32 $0x2A0, s0;
	[tilespmem:v30+s17+$0x0] =	vst.idx.msk $0xffff, v29  }
0x2e8: {  	v30 =	vadd.s32 $0x200, v28;
	v29 =	vld [tilespmem:s26+$0x0];
	_ =	sdelay $0x3  }
.Ltmp22:
0x2e9: {  	(pc) =	sbr.rel @p1 .LBB2_47-.Ltmp22, $4  }
0x2ea: {  	s0 =	sor.u32 $0x2B0, s0;
	[tilespmem:v30+s17+$0x0] =	vst.idx.msk $0xffff, v29  }
0x2eb: {  	v30 =	vadd.s32 $0x300, v28;
	v29 =	vld [tilespmem:s0+$0x0]  }
0x2ec: {  	p0 =	por !p0, !p0;
	s26 =	simm.s32 $0x1  }
0x2ed: {  	s25 =	sadd.s32 $0x40, s25;
	s26 =	simm.s32 @!p0 $0x0  }
0x2ee: {  	_ =	sdelay $0x1  }
0x2ef: {  	s0 =	sshll.u32 s26, $0x6;
	s24 =	sadd.s32 $0x200, s24  }
0x2f0: {  	s0 =	sadd.s32 s0, s24  }
0x2f1: {  	s24 =	sor.u32 $0x280, s0;
	[tilespmem:v30+s17+$0x0] =	vst.idx.msk $0xffff, v29  }
0x2f2: {  	v28 =	vadd.s32 $0x400, v28;
	v29 =	vld [tilespmem:s24+$0x0];
	_ =	sdelay $0x4  }
0x2f3: {  	s31 =	sor.u32 $0x290, s0;
	[tilespmem:v28+s17+$0x0] =	vst.idx.msk $0xffff, v29  }
0x2f4: {  	v30 =	vadd.s32 $0x100, v28;
	v29 =	vld [tilespmem:s31+$0x0];
	_ =	sdelay $0x4  }
0x2f5: {  	s25 =	sor.u32 $0x2A0, s0;
	[tilespmem:v30+s17+$0x0] =	vst.idx.msk $0xffff, v29  }
0x2f6: {  	v30 =	vadd.s32 $0x200, v28;
	v29 =	vld [tilespmem:s25+$0x0];
	_ =	sdelay $0x4  }
0x2f7: {  	s0 =	sor.u32 $0x2B0, s0;
	[tilespmem:v30+s17+$0x0] =	vst.idx.msk $0xffff, v29  }
0x2f8: {  	v28 =	vadd.s32 $0x300, v28;
	v29 =	vld [tilespmem:s0+$0x0]  }
0x2f9: {  	p0 =	por $0x0, $0x0;
	s0 =	simm.s32 $0x1  }
0x2fa: {  	s0 =	simm.s32 @!p0 $0x0  }
0x2fb: {  	s0 =	sshll.u32 s0, $0x6  }
0x2fc: {  	s0 =	sadd.s32 $0x0, s0  }
0x2fd: {  	s26 =	sor.u32 $0x300, s0;
	[tilespmem:v28+s17+$0x0] =	vst.idx.msk $0xffff, v29  }
0x2fe: {  	v28 =	vld [tilespmem:s26+$0x0];
	_ =	sdelay $0x4  }
0x2ff: {  	s30 =	sor.u32 $0x310, s0;
	[tilespmem:v8+s17+$0x0] =	vst.idx.msk $0xffff, v28  }
0x300: {  	v28 =	vld [tilespmem:s30+$0x0];
	_ =	sdelay $0x4  }
0x301: {  	s31 =	sor.u32 $0x320, s0;
	[tilespmem:v26+s17+$0x0] =	vst.idx.msk $0xffff, v28  }
0x302: {  	v28 =	vld [tilespmem:s31+$0x0];
	_ =	sdelay $0x4  }
0x303: {  	s0 =	sor.u32 $0x330, s0;
	[tilespmem:v27+s17+$0x0] =	vst.idx.msk $0xffff, v28  }
0x304: {  	s29 =	simm.s32 $0x1;
	v30 =	vadd.s32 $0x300, v25;
	v29 =	vld [tilespmem:s0+$0x0]  }
0x305: {  	s28 =	simm.s32 $0x80;
	s24 =	simm.s32 $0x40;
	p0 =	por !p0, !p0  }
0x306: {  	s25 =	simm.s32 $0x0;
	s29 =	simm.s32 @!p0 $0x0;
	s26 =	simm.s32 $0x0;
	v28 =	vmov v8  }
.LBB2_49:
0x307: {  	p1 =	sne.s32 s28, $0x2C0;
	s0 =	sshll.u32 s29, $0x6;
	s26 =	sadd.s32 $0x200, s26  }
0x308: {  	s0 =	sadd.s32 s0, s26  }
0x309: {  	s29 =	sor.u32 $0x300, s0;
	[tilespmem:v30+s17+$0x0] =	vst.idx.msk $0xffff, v29  }
0x30a: {  	v28 =	vadd.s32 $0x400, v28;
	v29 =	vld [tilespmem:s29+$0x0];
	_ =	sdelay $0x4  }
0x30b: {  	v30 =	vand.u32 $0xFFFFFFFE, v28;
	s29 =	sor.u32 $0x310, s0;
	[tilespmem:v28+s17+$0x0] =	vst.idx.msk $0xffff, v29  }
0x30c: {  	v31 =	vadd.s32 $0x100, v30;
	v29 =	vld [tilespmem:s29+$0x0];
	_ =	sdelay $0x4  }
0x30d: {  	s29 =	sor.u32 $0x320, s0;
	[tilespmem:v31+s17+$0x0] =	vst.idx.msk $0xffff, v29  }
0x30e: {  	v31 =	vadd.s32 $0x200, v30;
	v29 =	vld [tilespmem:s29+$0x0];
	_ =	sdelay $0x3  }
.Ltmp23:
0x30f: {  	(pc) =	sbr.rel @p1 .LBB2_49-.Ltmp23, $4  }
0x310: {  	s0 =	sor.u32 $0x330, s0;
	[tilespmem:v31+s17+$0x0] =	vst.idx.msk $0xffff, v29  }
0x311: {  	v30 =	vadd.s32 $0x300, v30;
	v29 =	vld [tilespmem:s0+$0x0]  }
0x312: {  	p0 =	por !p0, !p0;
	s29 =	simm.s32 $0x1  }
0x313: {  	s28 =	sadd.s32 $0x40, s28;
	s29 =	simm.s32 @!p0 $0x0  }
0x314: {  	_ =	sdelay $0x1  }
0x315: {  	s0 =	sshll.u32 s29, $0x6;
	s26 =	sadd.s32 $0x200, s26  }
0x316: {  	s0 =	sadd.s32 s0, s26  }
0x317: {  	s26 =	sor.u32 $0x300, s0;
	[tilespmem:v30+s17+$0x0] =	vst.idx.msk $0xffff, v29  }
0x318: {  	v28 =	vadd.s32 $0x400, v28;
	v29 =	vld [tilespmem:s26+$0x0];
	_ =	sdelay $0x4  }
0x319: {  	s31 =	sor.u32 $0x310, s0;
	[tilespmem:v28+s17+$0x0] =	vst.idx.msk $0xffff, v29;
	v28 =	vand.u32 $0xFFFFFFFE, v28  }
0x31a: {  	v29 =	vld [tilespmem:s31+$0x0];
	v30 =	vadd.s32 $0x100, v28;
	_ =	sdelay $0x4  }
0x31b: {  	s28 =	sor.u32 $0x320, s0;
	[tilespmem:v30+s17+$0x0] =	vst.idx.msk $0xffff, v29  }
0x31c: {  	v30 =	vadd.s32 $0x200, v28;
	v29 =	vld [tilespmem:s28+$0x0];
	_ =	sdelay $0x4  }
0x31d: {  	s0 =	sor.u32 $0x330, s0;
	[tilespmem:v30+s17+$0x0] =	vst.idx.msk $0xffff, v29  }
0x31e: {  	v30 =	vadd.s32 $0x300, v28;
	v29 =	vld [tilespmem:s0+$0x0];
	_ =	sdelay $0x3  }
0x31f: {  	s29 =	sor.u32 s25, s25;
	v28 =	vmul.u32 $0x10, v0  }
0x320: {  	s25 =	sor.u32 $0x380, s29;
	[tilespmem:v30+s17+$0x0] =	vst.idx.msk $0xffff, v29  }
0x321: {  	v29 =	vor.u32 $0x7, v28;
	v30 =	vld [tilespmem:s25+$0x0];
	_ =	sdelay $0x4  }
0x322: {  	s30 =	sor.u32 $0x390, s29;
	[tilespmem:v29+s17+$0x0] =	vst.idx.msk $0xffff, v30  }
0x323: {  	v31 =	vadd.s32 $0x100, v29;
	v30 =	vld [tilespmem:s30+$0x0];
	_ =	sdelay $0x4  }
0x324: {  	s31 =	sor.u32 $0x3A0, s29;
	[tilespmem:v31+s17+$0x0] =	vst.idx.msk $0xffff, v30  }
0x325: {  	v31 =	vadd.s32 $0x200, v29;
	v30 =	vld [tilespmem:s31+$0x0];
	_ =	sdelay $0x4  }
0x326: {  	s0 =	sor.u32 $0x3B0, s29;
	[tilespmem:v31+s17+$0x0] =	vst.idx.msk $0xffff, v30  }
0x327: {  	v31 =	vadd.s32 $0x300, v29;
	v30 =	vld [tilespmem:s0+$0x0];
	_ =	sdelay $0x2  }
0x328: {  	s25 =	simm.s32 $0x200  }
0x329: {  	s26 =	simm.s32 $0x80;
	s24 =	sor.u32 s24, s25  }
.LBB2_51:
0x32a: {  	p0 =	sne.s32 s26, $0x2C0;
	s0 =	sor.u32 $0x380, s24;
	[tilespmem:v31+s17+$0x0] =	vst.idx.msk $0xffff, v30  }
0x32b: {  	v29 =	vadd.s32 $0x400, v29;
	v30 =	vld [tilespmem:s0+$0x0];
	_ =	sdelay $0x4  }
0x32c: {  	s0 =	sor.u32 $0x390, s24;
	[tilespmem:v29+s17+$0x0] =	vst.idx.msk $0xffff, v30  }
0x32d: {  	v31 =	vadd.s32 $0x100, v29;
	v30 =	vld [tilespmem:s0+$0x0];
	_ =	sdelay $0x4  }
0x32e: {  	s0 =	sor.u32 $0x3A0, s24;
	[tilespmem:v31+s17+$0x0] =	vst.idx.msk $0xffff, v30  }
0x32f: {  	v31 =	vadd.s32 $0x200, v29;
	v30 =	vld [tilespmem:s0+$0x0];
	_ =	sdelay $0x4  }
0x330: {  	s0 =	sor.u32 $0x3B0, s24;
	[tilespmem:v31+s17+$0x0] =	vst.idx.msk $0xffff, v30  }
.Ltmp24:
0x331: {  	v31 =	vadd.s32 $0x300, v29;
	v30 =	vld [tilespmem:s0+$0x0];
	(pc) =	sbr.rel @p0 .LBB2_51-.Ltmp24, $3  }
0x332: {  	_ =	sdelay $0x1  }
0x333: {  	s25 =	sadd.s32 $0x200, s25  }
0x334: {  	s24 =	sor.u32 s26, s25;
	s26 =	sadd.s32 $0x40, s26  }
0x335: {  	_ =	sdelay $0x3  }
0x336: {  	s0 =	sor.u32 $0x380, s24;
	[tilespmem:v31+s17+$0x0] =	vst.idx.msk $0xffff, v30  }
0x337: {  	v29 =	vadd.s32 $0x400, v29;
	v30 =	vld [tilespmem:s0+$0x0];
	_ =	sdelay $0x4  }
0x338: {  	s25 =	sor.u32 $0x390, s24;
	[tilespmem:v29+s17+$0x0] =	vst.idx.msk $0xffff, v30  }
0x339: {  	v31 =	vadd.s32 $0x100, v29;
	v30 =	vld [tilespmem:s25+$0x0];
	_ =	sdelay $0x4  }
0x33a: {  	s26 =	sor.u32 $0x3A0, s24;
	[tilespmem:v31+s17+$0x0] =	vst.idx.msk $0xffff, v30  }
0x33b: {  	v31 =	vadd.s32 $0x200, v29;
	v30 =	vld [tilespmem:s26+$0x0];
	_ =	sdelay $0x4  }
0x33c: {  	s24 =	sor.u32 $0x3B0, s24;
	[tilespmem:v31+s17+$0x0] =	vst.idx.msk $0xffff, v30  }
0x33d: {  	v29 =	vadd.s32 $0x300, v29;
	v30 =	vld [tilespmem:s24+$0x0];
	s24 =	smul.u32 $0x600, s23;
	_ =	sdelay $0x1  }
0x33e: {  	s25 =	sadd.s32 s3, s24  }
0x33f: {  	s0 =	sshll.u32 s25, $0x1  }
0x340: {  	s0 =	sand.u32 $0x1FFFFE00, s0  }
0x341: {  	s25 =	simm.s32 $0x0;
	[tilespmem:v29+s17+$0x0] =	vst.idx.msk $0xffff, v30;
	s0 =	sadd.s32 s4, s0  }
0x342: {  	[hbm4b:s0+s25] =	stream.linear.scatter [tilespmem:s17], [sflag:$0x3], $0x3000, $0x38;
	[tilespmem:$0x9000] =	vst v63  }
0x343: {  	s26 =	sadd.s32 s14, s24  }
0x344: {  	[tilespmem:s25], [sflag:$0x1] =	stream.linear.gather [hbm4b:s26+s25], $0x1800, $0x38;
	[tilespmem:$0x9000] =	vst v63  }
0x345: {  	_ =	swait.ge [sflag:s18], $0x1800  }
0x346: {  	[sflag:s18] =	ssyncset.done $0x0  }
0x347: {  	[sflag:s18] =	ssyncadd.s32 $0xFFFFE800  }
0x348: {  	_ =	swait.ge [sflag:s21], $0x3000  }
0x349: {  	s26 =	sand.u32 $0x40, s25;
	s25 =	sand.u32 $0x1C00, s25;
	[sflag:s21] =	ssyncset.done $0x0  }
0x34a: {  	s26 =	sor.u32 s26, s25;
	[sflag:s21] =	ssyncadd.s32 $0xFFFFD000  }
0x34b: {  	v29 =	vld [tilespmem:s26+$0x1800];
	_ =	sdelay $0x4  }
0x34c: {  	[tilespmem:v28+s19+$0x0] =	vst.idx.msk $0xffff, v29;
	v29 =	vand.u32 $0xFFFFFFF0, v28  }
0x34d: {  	v30 =	vld [tilespmem:s26+$0x1810];
	v31 =	vadd.s32 $0x100, v29;
	_ =	sdelay $0x4  }
0x34e: {  	[tilespmem:v31+s19+$0x0] =	vst.idx.msk $0xffff, v30  }
0x34f: {  	v31 =	vadd.s32 $0x200, v29;
	v30 =	vld [tilespmem:s26+$0x1820];
	_ =	sdelay $0x4  }
0x350: {  	[tilespmem:v31+s19+$0x0] =	vst.idx.msk $0xffff, v30  }
0x351: {  	v31 =	vadd.s32 $0x300, v29;
	v30 =	vld [tilespmem:s26+$0x1830];
	_ =	sdelay $0x2  }
0x352: {  	s28 =	simm.s32 $0x40;
	s29 =	simm.s32 $0x200;
	s30 =	simm.s32 $0x80  }
0x353: {  	s31 =	sand.u32 $0x40, s28;
	s0 =	sand.u32 $0x1C00, s29;
	s25 =	sshll.u32 s23, $0x1;
	v29 =	vmov v28  }
.LBB2_53:
0x354: {  	p0 =	sne.s32 s30, $0x2C0;
	s0 =	sor.u32 s31, s0;
	[tilespmem:v31+s19+$0x0] =	vst.idx.msk $0xffff, v30  }
0x355: {  	v29 =	vadd.s32 $0x400, v29;
	v30 =	vld [tilespmem:s0+$0x1800];
	_ =	sdelay $0x4  }
0x356: {  	v31 =	vand.u32 $0xFFFFFFF0, v29;
	[tilespmem:v29+s19+$0x0] =	vst.idx.msk $0xffff, v30  }
0x357: {  	v32 =	vadd.s32 $0x100, v31;
	v30 =	vld [tilespmem:s0+$0x1810];
	_ =	sdelay $0x4  }
0x358: {  	[tilespmem:v32+s19+$0x0] =	vst.idx.msk $0xffff, v30  }
0x359: {  	v32 =	vadd.s32 $0x200, v31;
	v30 =	vld [tilespmem:s0+$0x1820];
	_ =	sdelay $0x4  }
0x35a: {  	[tilespmem:v32+s19+$0x0] =	vst.idx.msk $0xffff, v30  }
.Ltmp25:
0x35b: {  	v31 =	vadd.s32 $0x300, v31;
	v30 =	vld [tilespmem:s0+$0x1830];
	(pc) =	sbr.rel @p0 .LBB2_53-.Ltmp25, $3  }
0x35c: {  	_ =	sdelay $0x1  }
0x35d: {  	s29 =	sadd.s32 $0x200, s29  }
0x35e: {  	s31 =	sand.u32 $0x40, s30;
	s30 =	sadd.s32 $0x40, s30;
	s0 =	sand.u32 $0x1C00, s29  }
0x35f: {  	_ =	sdelay $0x3  }
0x360: {  	s0 =	sor.u32 s31, s0;
	[tilespmem:v31+s19+$0x0] =	vst.idx.msk $0xffff, v30  }
0x361: {  	v29 =	vadd.s32 $0x400, v29;
	v30 =	vld [tilespmem:s0+$0x1800];
	_ =	sdelay $0x4  }
0x362: {  	[tilespmem:v29+s19+$0x0] =	vst.idx.msk $0xffff, v30;
	v29 =	vand.u32 $0xFFFFFFF0, v29  }
0x363: {  	v30 =	vld [tilespmem:s0+$0x1810];
	v31 =	vadd.s32 $0x100, v29;
	_ =	sdelay $0x4  }
0x364: {  	[tilespmem:v31+s19+$0x0] =	vst.idx.msk $0xffff, v30  }
0x365: {  	v31 =	vadd.s32 $0x200, v29;
	v30 =	vld [tilespmem:s0+$0x1820];
	_ =	sdelay $0x4  }
0x366: {  	[tilespmem:v31+s19+$0x0] =	vst.idx.msk $0xffff, v30  }
0x367: {  	v29 =	vadd.s32 $0x300, v29;
	v30 =	vld [tilespmem:s0+$0x1830];
	_ =	sdelay $0x4  }
0x368: {  	[tilespmem:v29+s19+$0x0] =	vst.idx.msk $0xffff, v30  }
0x369: {  	v28 =	vor.u32 $0x1, v28;
	v29 =	vld [tilespmem:s26+$0x1880];
	_ =	sdelay $0x4  }
0x36a: {  	[tilespmem:v28+s19+$0x0] =	vst.idx.msk $0xffff, v29  }
0x36b: {  	v30 =	vadd.s32 $0x100, v28;
	v29 =	vld [tilespmem:s26+$0x1890];
	_ =	sdelay $0x4  }
0x36c: {  	[tilespmem:v30+s19+$0x0] =	vst.idx.msk $0xffff, v29  }
0x36d: {  	v30 =	vadd.s32 $0x200, v28;
	v29 =	vld [tilespmem:s26+$0x18A0];
	_ =	sdelay $0x4  }
0x36e: {  	[tilespmem:v30+s19+$0x0] =	vst.idx.msk $0xffff, v29  }
0x36f: {  	v30 =	vadd.s32 $0x300, v28;
	v29 =	vld [tilespmem:s26+$0x18B0];
	_ =	sdelay $0x2  }
0x370: {  	s29 =	simm.s32 $0x200  }
0x371: {  	s28 =	sand.u32 $0x40, s28;
	s0 =	sand.u32 $0x1C00, s29;
	s26 =	simm.s32 $0x80  }
.LBB2_55:
0x372: {  	p0 =	sne.s32 s26, $0x2C0;
	s0 =	sor.u32 s28, s0;
	[tilespmem:v30+s19+$0x0] =	vst.idx.msk $0xffff, v29  }
0x373: {  	v28 =	vadd.s32 $0x400, v28;
	v29 =	vld [tilespmem:s0+$0x1880];
	_ =	sdelay $0x4  }
0x374: {  	[tilespmem:v28+s19+$0x0] =	vst.idx.msk $0xffff, v29  }
0x375: {  	v30 =	vadd.s32 $0x100, v28;
	v29 =	vld [tilespmem:s0+$0x1890];
	_ =	sdelay $0x4  }
0x376: {  	[tilespmem:v30+s19+$0x0] =	vst.idx.msk $0xffff, v29  }
0x377: {  	v30 =	vadd.s32 $0x200, v28;
	v29 =	vld [tilespmem:s0+$0x18A0];
	_ =	sdelay $0x4  }
0x378: {  	[tilespmem:v30+s19+$0x0] =	vst.idx.msk $0xffff, v29  }
.Ltmp26:
0x379: {  	v30 =	vadd.s32 $0x300, v28;
	v29 =	vld [tilespmem:s0+$0x18B0];
	(pc) =	sbr.rel @p0 .LBB2_55-.Ltmp26, $3  }
0x37a: {  	_ =	sdelay $0x1  }
0x37b: {  	s29 =	sadd.s32 $0x200, s29  }
0x37c: {  	s28 =	sand.u32 $0x40, s26;
	s26 =	sadd.s32 $0x40, s26;
	s0 =	sand.u32 $0x1C00, s29  }
0x37d: {  	_ =	sdelay $0x3  }
0x37e: {  	s0 =	sor.u32 s28, s0;
	[tilespmem:v30+s19+$0x0] =	vst.idx.msk $0xffff, v29  }
0x37f: {  	v28 =	vadd.s32 $0x400, v28;
	v29 =	vld [tilespmem:s0+$0x1880];
	_ =	sdelay $0x4  }
0x380: {  	[tilespmem:v28+s19+$0x0] =	vst.idx.msk $0xffff, v29  }
0x381: {  	v30 =	vadd.s32 $0x100, v28;
	v29 =	vld [tilespmem:s0+$0x1890];
	_ =	sdelay $0x4  }
0x382: {  	[tilespmem:v30+s19+$0x0] =	vst.idx.msk $0xffff, v29  }
0x383: {  	v30 =	vadd.s32 $0x200, v28;
	v29 =	vld [tilespmem:s0+$0x18A0];
	_ =	sdelay $0x4  }
0x384: {  	[tilespmem:v30+s19+$0x0] =	vst.idx.msk $0xffff, v29  }
0x385: {  	v30 =	vadd.s32 $0x300, v28;
	v29 =	vld [tilespmem:s0+$0x18B0];
	_ =	sdelay $0x2  }
0x386: {  	s0 =	simm.s32 $0x0  }
0x387: {  	v28 =	vmul.u32 $0x10, v0;
	s26 =	sand.u32 $0x40, s0;
	s0 =	sand.u32 $0x1C00, s0  }
0x388: {  	s26 =	sor.u32 s26, s0;
	[tilespmem:v30+s19+$0x0] =	vst.idx.msk $0xffff, v29  }
0x389: {  	v29 =	vor.u32 $0x2, v28;
	v30 =	vld [tilespmem:s26+$0x1900];
	_ =	sdelay $0x4  }
0x38a: {  	v31 =	vand.u32 $0xFFFFFFFE, v29;
	[tilespmem:v29+s19+$0x0] =	vst.idx.msk $0xffff, v30  }
0x38b: {  	v32 =	vadd.s32 $0x100, v31;
	v30 =	vld [tilespmem:s26+$0x1910];
	_ =	sdelay $0x4  }
0x38c: {  	[tilespmem:v32+s19+$0x0] =	vst.idx.msk $0xffff, v30  }
0x38d: {  	v63 =	vadd.s32 $0x200, v31;
	v30 =	vld [tilespmem:s26+$0x1920];
	_ =	sdelay $0x4  }
0x38e: {  	[tilespmem:v63+s19+$0x0] =	vst.idx.msk $0xffff, v30  }
0x38f: {  	v31 =	vadd.s32 $0x300, v31;
	v30 =	vld [tilespmem:s26+$0x1930];
	_ =	sdelay $0x2  }
0x390: {  	s28 =	simm.s32 $0x40;
	s29 =	simm.s32 $0x200  }
0x391: {  	s30 =	simm.s32 $0x80;
	s31 =	sand.u32 $0x40, s28;
	s0 =	sand.u32 $0x1C00, s29  }
.LBB2_57:
0x392: {  	p0 =	sne.s32 s30, $0x2C0;
	s0 =	sor.u32 s31, s0;
	[tilespmem:v31+s19+$0x0] =	vst.idx.msk $0xffff, v30  }
0x393: {  	v29 =	vadd.s32 $0x400, v29;
	v30 =	vld [tilespmem:s0+$0x1900];
	_ =	sdelay $0x4  }
0x394: {  	v31 =	vand.u32 $0xFFFFFFFE, v29;
	[tilespmem:v29+s19+$0x0] =	vst.idx.msk $0xffff, v30  }
0x395: {  	v32 =	vadd.s32 $0x100, v31;
	v30 =	vld [tilespmem:s0+$0x1910];
	_ =	sdelay $0x4  }
0x396: {  	[tilespmem:v32+s19+$0x0] =	vst.idx.msk $0xffff, v30  }
0x397: {  	v32 =	vadd.s32 $0x200, v31;
	v30 =	vld [tilespmem:s0+$0x1920];
	_ =	sdelay $0x4  }
0x398: {  	[tilespmem:v32+s19+$0x0] =	vst.idx.msk $0xffff, v30  }
.Ltmp27:
0x399: {  	v31 =	vadd.s32 $0x300, v31;
	v30 =	vld [tilespmem:s0+$0x1930];
	(pc) =	sbr.rel @p0 .LBB2_57-.Ltmp27, $3  }
0x39a: {  	_ =	sdelay $0x1  }
0x39b: {  	s29 =	sadd.s32 $0x200, s29  }
0x39c: {  	s31 =	sand.u32 $0x40, s30;
	s30 =	sadd.s32 $0x40, s30;
	s0 =	sand.u32 $0x1C00, s29  }
0x39d: {  	_ =	sdelay $0x3  }
0x39e: {  	s0 =	sor.u32 s31, s0;
	[tilespmem:v31+s19+$0x0] =	vst.idx.msk $0xffff, v30  }
0x39f: {  	v29 =	vadd.s32 $0x400, v29;
	v30 =	vld [tilespmem:s0+$0x1900];
	_ =	sdelay $0x4  }
0x3a0: {  	[tilespmem:v29+s19+$0x0] =	vst.idx.msk $0xffff, v30;
	v29 =	vand.u32 $0xFFFFFFFE, v29  }
0x3a1: {  	v30 =	vld [tilespmem:s0+$0x1910];
	v31 =	vadd.s32 $0x100, v29;
	_ =	sdelay $0x4  }
0x3a2: {  	[tilespmem:v31+s19+$0x0] =	vst.idx.msk $0xffff, v30  }
0x3a3: {  	v31 =	vadd.s32 $0x200, v29;
	v30 =	vld [tilespmem:s0+$0x1920];
	_ =	sdelay $0x4  }
0x3a4: {  	[tilespmem:v31+s19+$0x0] =	vst.idx.msk $0xffff, v30  }
0x3a5: {  	v29 =	vadd.s32 $0x300, v29;
	v30 =	vld [tilespmem:s0+$0x1930];
	_ =	sdelay $0x4  }
0x3a6: {  	[tilespmem:v29+s19+$0x0] =	vst.idx.msk $0xffff, v30  }
0x3a7: {  	v29 =	vor.u32 $0x3, v28;
	v30 =	vld [tilespmem:s26+$0x1980];
	_ =	sdelay $0x4  }
0x3a8: {  	[tilespmem:v29+s19+$0x0] =	vst.idx.msk $0xffff, v30  }
0x3a9: {  	v31 =	vadd.s32 $0x100, v29;
	v30 =	vld [tilespmem:s26+$0x1990];
	_ =	sdelay $0x4  }
0x3aa: {  	[tilespmem:v31+s19+$0x0] =	vst.idx.msk $0xffff, v30  }
0x3ab: {  	v31 =	vadd.s32 $0x200, v29;
	v30 =	vld [tilespmem:s26+$0x19A0];
	_ =	sdelay $0x4  }
0x3ac: {  	[tilespmem:v31+s19+$0x0] =	vst.idx.msk $0xffff, v30  }
0x3ad: {  	v31 =	vadd.s32 $0x300, v29;
	v30 =	vld [tilespmem:s26+$0x19B0];
	_ =	sdelay $0x2  }
0x3ae: {  	s29 =	simm.s32 $0x200  }
0x3af: {  	s28 =	sand.u32 $0x40, s28;
	s0 =	sand.u32 $0x1C00, s29;
	s26 =	simm.s32 $0x80  }
.LBB2_59:
0x3b0: {  	p0 =	sne.s32 s26, $0x2C0;
	s0 =	sor.u32 s28, s0;
	[tilespmem:v31+s19+$0x0] =	vst.idx.msk $0xffff, v30  }
0x3b1: {  	v29 =	vadd.s32 $0x400, v29;
	v30 =	vld [tilespmem:s0+$0x1980];
	_ =	sdelay $0x4  }
0x3b2: {  	[tilespmem:v29+s19+$0x0] =	vst.idx.msk $0xffff, v30  }
0x3b3: {  	v31 =	vadd.s32 $0x100, v29;
	v30 =	vld [tilespmem:s0+$0x1990];
	_ =	sdelay $0x4  }
0x3b4: {  	[tilespmem:v31+s19+$0x0] =	vst.idx.msk $0xffff, v30  }
0x3b5: {  	v31 =	vadd.s32 $0x200, v29;
	v30 =	vld [tilespmem:s0+$0x19A0];
	_ =	sdelay $0x4  }
0x3b6: {  	[tilespmem:v31+s19+$0x0] =	vst.idx.msk $0xffff, v30  }
.Ltmp28:
0x3b7: {  	v31 =	vadd.s32 $0x300, v29;
	v30 =	vld [tilespmem:s0+$0x19B0];
	(pc) =	sbr.rel @p0 .LBB2_59-.Ltmp28, $3  }
0x3b8: {  	_ =	sdelay $0x1  }
0x3b9: {  	s29 =	sadd.s32 $0x200, s29  }
0x3ba: {  	s28 =	sand.u32 $0x40, s26;
	s26 =	sadd.s32 $0x40, s26;
	s0 =	sand.u32 $0x1C00, s29  }
0x3bb: {  	_ =	sdelay $0x3  }
0x3bc: {  	s0 =	sor.u32 s28, s0;
	[tilespmem:v31+s19+$0x0] =	vst.idx.msk $0xffff, v30  }
0x3bd: {  	v29 =	vadd.s32 $0x400, v29;
	v30 =	vld [tilespmem:s0+$0x1980];
	_ =	sdelay $0x4  }
0x3be: {  	[tilespmem:v29+s19+$0x0] =	vst.idx.msk $0xffff, v30  }
0x3bf: {  	v31 =	vadd.s32 $0x100, v29;
	v30 =	vld [tilespmem:s0+$0x1990];
	_ =	sdelay $0x4  }
0x3c0: {  	[tilespmem:v31+s19+$0x0] =	vst.idx.msk $0xffff, v30  }
0x3c1: {  	v31 =	vadd.s32 $0x200, v29;
	v30 =	vld [tilespmem:s0+$0x19A0];
	_ =	sdelay $0x4  }
0x3c2: {  	[tilespmem:v31+s19+$0x0] =	vst.idx.msk $0xffff, v30  }
0x3c3: {  	v29 =	vadd.s32 $0x300, v29;
	v30 =	vld [tilespmem:s0+$0x19B0]  }
0x3c4: {  	p0 =	por $0x0, $0x0;
	s0 =	simm.s32 $0x1  }
0x3c5: {  	s0 =	simm.s32 @!p0 $0x0  }
0x3c6: {  	s0 =	sshll.u32 s0, $0x6  }
0x3c7: {  	s28 =	sadd.s32 $0x0, s0  }
0x3c8: {  	s0 =	sor.u32 $0x200, s28;
	[tilespmem:v29+s19+$0x0] =	vst.idx.msk $0xffff, v30  }
0x3c9: {  	v29 =	vor.u32 $0x4, v28;
	v30 =	vld [tilespmem:s0+$0x1800];
	_ =	sdelay $0x4  }
0x3ca: {  	s26 =	sor.u32 $0x210, s28;
	v31 =	vand.u32 $0xFFFFFFFC, v29;
	[tilespmem:v29+s19+$0x0] =	vst.idx.msk $0xffff, v30  }
0x3cb: {  	v32 =	vadd.s32 $0x100, v31;
	v30 =	vld [tilespmem:s26+$0x1800];
	_ =	sdelay $0x4  }
0x3cc: {  	s26 =	sor.u32 $0x220, s28;
	[tilespmem:v32+s19+$0x0] =	vst.idx.msk $0xffff, v30  }
0x3cd: {  	v63 =	vadd.s32 $0x200, v31;
	v30 =	vld [tilespmem:s26+$0x1800];
	_ =	sdelay $0x4  }
0x3ce: {  	s0 =	sor.u32 $0x230, s28;
	[tilespmem:v63+s19+$0x0] =	vst.idx.msk $0xffff, v30  }
0x3cf: {  	v31 =	vadd.s32 $0x300, v31;
	v30 =	vld [tilespmem:s0+$0x1800]  }
0x3d0: {  	s31 =	simm.s32 $0x1;
	s30 =	simm.s32 $0x80;
	p1 =	por !p0, !p0  }
0x3d1: {  	s29 =	simm.s32 $0x0;
	s31 =	simm.s32 @!p1 $0x0;
	s26 =	simm.s32 $0x0  }
.LBB2_61:
0x3d2: {  	p2 =	sne.s32 s30, $0x2C0;
	s0 =	sshll.u32 s31, $0x6;
	s29 =	sadd.s32 $0x200, s29  }
0x3d3: {  	s0 =	sadd.s32 s0, s29  }
0x3d4: {  	s31 =	sor.u32 $0x200, s0;
	[tilespmem:v31+s19+$0x0] =	vst.idx.msk $0xffff, v30  }
0x3d5: {  	v29 =	vadd.s32 $0x400, v29;
	v30 =	vld [tilespmem:s31+$0x1800];
	_ =	sdelay $0x4  }
0x3d6: {  	v31 =	vand.u32 $0xFFFFFFFC, v29;
	s31 =	sor.u32 $0x210, s0;
	[tilespmem:v29+s19+$0x0] =	vst.idx.msk $0xffff, v30  }
0x3d7: {  	v32 =	vadd.s32 $0x100, v31;
	v30 =	vld [tilespmem:s31+$0x1800];
	_ =	sdelay $0x4  }
0x3d8: {  	s31 =	sor.u32 $0x220, s0;
	[tilespmem:v32+s19+$0x0] =	vst.idx.msk $0xffff, v30  }
0x3d9: {  	v32 =	vadd.s32 $0x200, v31;
	v30 =	vld [tilespmem:s31+$0x1800];
	_ =	sdelay $0x3  }
.Ltmp29:
0x3da: {  	(pc) =	sbr.rel @p2 .LBB2_61-.Ltmp29, $4  }
0x3db: {  	s0 =	sor.u32 $0x230, s0;
	[tilespmem:v32+s19+$0x0] =	vst.idx.msk $0xffff, v30  }
0x3dc: {  	v31 =	vadd.s32 $0x300, v31;
	v30 =	vld [tilespmem:s0+$0x1800]  }
0x3dd: {  	p1 =	por !p1, !p1;
	s31 =	simm.s32 $0x1  }
0x3de: {  	s30 =	sadd.s32 $0x40, s30;
	s31 =	simm.s32 @!p1 $0x0  }
0x3df: {  	_ =	sdelay $0x1  }
0x3e0: {  	s0 =	sshll.u32 s31, $0x6;
	s29 =	sadd.s32 $0x200, s29  }
0x3e1: {  	s0 =	sadd.s32 s0, s29  }
0x3e2: {  	s29 =	sor.u32 $0x200, s0;
	[tilespmem:v31+s19+$0x0] =	vst.idx.msk $0xffff, v30  }
0x3e3: {  	v29 =	vadd.s32 $0x400, v29;
	v30 =	vld [tilespmem:s29+$0x1800];
	_ =	sdelay $0x4  }
0x3e4: {  	s29 =	sor.u32 $0x210, s0;
	[tilespmem:v29+s19+$0x0] =	vst.idx.msk $0xffff, v30;
	v29 =	vand.u32 $0xFFFFFFFC, v29  }
0x3e5: {  	v30 =	vld [tilespmem:s29+$0x1800];
	v31 =	vadd.s32 $0x100, v29;
	_ =	sdelay $0x4  }
0x3e6: {  	s29 =	sor.u32 $0x220, s0;
	[tilespmem:v31+s19+$0x0] =	vst.idx.msk $0xffff, v30  }
0x3e7: {  	v31 =	vadd.s32 $0x200, v29;
	v30 =	vld [tilespmem:s29+$0x1800];
	_ =	sdelay $0x4  }
0x3e8: {  	s0 =	sor.u32 $0x230, s0;
	[tilespmem:v31+s19+$0x0] =	vst.idx.msk $0xffff, v30  }
0x3e9: {  	v29 =	vadd.s32 $0x300, v29;
	v30 =	vld [tilespmem:s0+$0x1800];
	_ =	sdelay $0x4  }
0x3ea: {  	s30 =	sor.u32 $0x280, s28;
	[tilespmem:v29+s19+$0x0] =	vst.idx.msk $0xffff, v30  }
0x3eb: {  	v29 =	vor.u32 $0x5, v28;
	v30 =	vld [tilespmem:s30+$0x1800];
	_ =	sdelay $0x4  }
0x3ec: {  	s31 =	sor.u32 $0x290, s28;
	[tilespmem:v29+s19+$0x0] =	vst.idx.msk $0xffff, v30  }
0x3ed: {  	v31 =	vadd.s32 $0x100, v29;
	v30 =	vld [tilespmem:s31+$0x1800];
	_ =	sdelay $0x4  }
0x3ee: {  	s30 =	sor.u32 $0x2A0, s28;
	[tilespmem:v31+s19+$0x0] =	vst.idx.msk $0xffff, v30  }
0x3ef: {  	v31 =	vadd.s32 $0x200, v29;
	v30 =	vld [tilespmem:s30+$0x1800];
	_ =	sdelay $0x4  }
0x3f0: {  	s31 =	sor.u32 $0x2B0, s28;
	[tilespmem:v31+s19+$0x0] =	vst.idx.msk $0xffff, v30  }
0x3f1: {  	v31 =	vadd.s32 $0x300, v29;
	v30 =	vld [tilespmem:s31+$0x1800]  }
0x3f2: {  	p0 =	por !p0, !p0;
	s29 =	simm.s32 $0x1  }
0x3f3: {  	s29 =	simm.s32 @!p0 $0x0;
	s28 =	simm.s32 $0x80  }
.LBB2_63:
0x3f4: {  	p1 =	sne.s32 s28, $0x2C0;
	s0 =	sshll.u32 s29, $0x6;
	s26 =	sadd.s32 $0x200, s26  }
0x3f5: {  	s0 =	sadd.s32 s0, s26  }
0x3f6: {  	s29 =	sor.u32 $0x280, s0;
	[tilespmem:v31+s19+$0x0] =	vst.idx.msk $0xffff, v30  }
0x3f7: {  	v29 =	vadd.s32 $0x400, v29;
	v30 =	vld [tilespmem:s29+$0x1800];
	_ =	sdelay $0x4  }
0x3f8: {  	s29 =	sor.u32 $0x290, s0;
	[tilespmem:v29+s19+$0x0] =	vst.idx.msk $0xffff, v30  }
0x3f9: {  	v31 =	vadd.s32 $0x100, v29;
	v30 =	vld [tilespmem:s29+$0x1800];
	_ =	sdelay $0x4  }
0x3fa: {  	s29 =	sor.u32 $0x2A0, s0;
	[tilespmem:v31+s19+$0x0] =	vst.idx.msk $0xffff, v30  }
0x3fb: {  	v31 =	vadd.s32 $0x200, v29;
	v30 =	vld [tilespmem:s29+$0x1800];
	_ =	sdelay $0x3  }
.Ltmp30:
0x3fc: {  	(pc) =	sbr.rel @p1 .LBB2_63-.Ltmp30, $4  }
0x3fd: {  	s0 =	sor.u32 $0x2B0, s0;
	[tilespmem:v31+s19+$0x0] =	vst.idx.msk $0xffff, v30  }
0x3fe: {  	v31 =	vadd.s32 $0x300, v29;
	v30 =	vld [tilespmem:s0+$0x1800]  }
0x3ff: {  	p0 =	por !p0, !p0;
	s29 =	simm.s32 $0x1  }
0x400: {  	s28 =	sadd.s32 $0x40, s28;
	s29 =	simm.s32 @!p0 $0x0  }
0x401: {  	_ =	sdelay $0x1  }
0x402: {  	s0 =	sshll.u32 s29, $0x6;
	s26 =	sadd.s32 $0x200, s26  }
0x403: {  	s0 =	sadd.s32 s0, s26  }
0x404: {  	s26 =	sor.u32 $0x280, s0;
	[tilespmem:v31+s19+$0x0] =	vst.idx.msk $0xffff, v30  }
0x405: {  	v29 =	vadd.s32 $0x400, v29;
	v30 =	vld [tilespmem:s26+$0x1800];
	_ =	sdelay $0x4  }
0x406: {  	s26 =	sor.u32 $0x290, s0;
	[tilespmem:v29+s19+$0x0] =	vst.idx.msk $0xffff, v30  }
0x407: {  	v31 =	vadd.s32 $0x100, v29;
	v30 =	vld [tilespmem:s26+$0x1800];
	_ =	sdelay $0x4  }
0x408: {  	s26 =	sor.u32 $0x2A0, s0;
	[tilespmem:v31+s19+$0x0] =	vst.idx.msk $0xffff, v30  }
0x409: {  	v31 =	vadd.s32 $0x200, v29;
	v30 =	vld [tilespmem:s26+$0x1800];
	_ =	sdelay $0x4  }
0x40a: {  	s0 =	sor.u32 $0x2B0, s0;
	[tilespmem:v31+s19+$0x0] =	vst.idx.msk $0xffff, v30  }
0x40b: {  	v29 =	vadd.s32 $0x300, v29;
	v30 =	vld [tilespmem:s0+$0x1800]  }
0x40c: {  	p0 =	por $0x0, $0x0;
	s0 =	simm.s32 $0x1  }
0x40d: {  	s0 =	simm.s32 @!p0 $0x0  }
0x40e: {  	s0 =	sshll.u32 s0, $0x6  }
0x40f: {  	s0 =	sadd.s32 $0x0, s0  }
0x410: {  	s26 =	sor.u32 $0x300, s0;
	[tilespmem:v29+s19+$0x0] =	vst.idx.msk $0xffff, v30  }
0x411: {  	v29 =	vor.u32 $0x6, v28;
	v30 =	vld [tilespmem:s26+$0x1800];
	_ =	sdelay $0x4  }
0x412: {  	s26 =	sor.u32 $0x310, s0;
	v31 =	vand.u32 $0xFFFFFFFE, v29;
	[tilespmem:v29+s19+$0x0] =	vst.idx.msk $0xffff, v30  }
0x413: {  	v32 =	vadd.s32 $0x100, v31;
	v30 =	vld [tilespmem:s26+$0x1800];
	_ =	sdelay $0x4  }
0x414: {  	s26 =	sor.u32 $0x320, s0;
	[tilespmem:v32+s19+$0x0] =	vst.idx.msk $0xffff, v30  }
0x415: {  	v63 =	vadd.s32 $0x200, v31;
	v30 =	vld [tilespmem:s26+$0x1800];
	_ =	sdelay $0x4  }
0x416: {  	s0 =	sor.u32 $0x330, s0;
	[tilespmem:v63+s19+$0x0] =	vst.idx.msk $0xffff, v30  }
0x417: {  	s28 =	simm.s32 $0x0;
	v31 =	vadd.s32 $0x300, v31;
	v30 =	vld [tilespmem:s0+$0x1800]  }
0x418: {  	s31 =	simm.s32 $0x1;
	s30 =	simm.s32 $0x80;
	p0 =	por !p0, !p0  }
0x419: {  	s29 =	simm.s32 $0x0;
	s31 =	simm.s32 @!p0 $0x0;
	s26 =	simm.s32 $0x40  }
.LBB2_65:
0x41a: {  	p1 =	sne.s32 s30, $0x2C0;
	s0 =	sshll.u32 s31, $0x6;
	s29 =	sadd.s32 $0x200, s29  }
0x41b: {  	s0 =	sadd.s32 s0, s29  }
0x41c: {  	s31 =	sor.u32 $0x300, s0;
	[tilespmem:v31+s19+$0x0] =	vst.idx.msk $0xffff, v30  }
0x41d: {  	v29 =	vadd.s32 $0x400, v29;
	v30 =	vld [tilespmem:s31+$0x1800];
	_ =	sdelay $0x4  }
0x41e: {  	v31 =	vand.u32 $0xFFFFFFFE, v29;
	s31 =	sor.u32 $0x310, s0;
	[tilespmem:v29+s19+$0x0] =	vst.idx.msk $0xffff, v30  }
0x41f: {  	v32 =	vadd.s32 $0x100, v31;
	v30 =	vld [tilespmem:s31+$0x1800];
	_ =	sdelay $0x4  }
0x420: {  	s31 =	sor.u32 $0x320, s0;
	[tilespmem:v32+s19+$0x0] =	vst.idx.msk $0xffff, v30  }
0x421: {  	v32 =	vadd.s32 $0x200, v31;
	v30 =	vld [tilespmem:s31+$0x1800];
	_ =	sdelay $0x3  }
.Ltmp31:
0x422: {  	(pc) =	sbr.rel @p1 .LBB2_65-.Ltmp31, $4  }
0x423: {  	s0 =	sor.u32 $0x330, s0;
	[tilespmem:v32+s19+$0x0] =	vst.idx.msk $0xffff, v30  }
0x424: {  	v31 =	vadd.s32 $0x300, v31;
	v30 =	vld [tilespmem:s0+$0x1800]  }
0x425: {  	p0 =	por !p0, !p0;
	s31 =	simm.s32 $0x1  }
0x426: {  	s30 =	sadd.s32 $0x40, s30;
	s31 =	simm.s32 @!p0 $0x0  }
0x427: {  	_ =	sdelay $0x1  }
0x428: {  	s0 =	sshll.u32 s31, $0x6;
	s29 =	sadd.s32 $0x200, s29  }
0x429: {  	s0 =	sadd.s32 s0, s29  }
0x42a: {  	s29 =	sor.u32 $0x300, s0;
	[tilespmem:v31+s19+$0x0] =	vst.idx.msk $0xffff, v30  }
0x42b: {  	v29 =	vadd.s32 $0x400, v29;
	v30 =	vld [tilespmem:s29+$0x1800];
	_ =	sdelay $0x4  }
0x42c: {  	s29 =	sor.u32 $0x310, s0;
	[tilespmem:v29+s19+$0x0] =	vst.idx.msk $0xffff, v30;
	v29 =	vand.u32 $0xFFFFFFFE, v29  }
0x42d: {  	v30 =	vld [tilespmem:s29+$0x1800];
	v31 =	vadd.s32 $0x100, v29;
	_ =	sdelay $0x4  }
0x42e: {  	s29 =	sor.u32 $0x320, s0;
	[tilespmem:v31+s19+$0x0] =	vst.idx.msk $0xffff, v30  }
0x42f: {  	v31 =	vadd.s32 $0x200, v29;
	v30 =	vld [tilespmem:s29+$0x1800];
	_ =	sdelay $0x4  }
0x430: {  	s0 =	sor.u32 $0x330, s0;
	[tilespmem:v31+s19+$0x0] =	vst.idx.msk $0xffff, v30  }
0x431: {  	v29 =	vadd.s32 $0x300, v29;
	v30 =	vld [tilespmem:s0+$0x1800];
	_ =	sdelay $0x3  }
0x432: {  	s31 =	sor.u32 s28, s28  }
0x433: {  	s28 =	sor.u32 $0x380, s31;
	[tilespmem:v29+s19+$0x0] =	vst.idx.msk $0xffff, v30  }
0x434: {  	v29 =	vor.u32 $0x7, v28;
	v30 =	vld [tilespmem:s28+$0x1800];
	_ =	sdelay $0x4  }
0x435: {  	s28 =	sor.u32 $0x390, s31;
	[tilespmem:v29+s19+$0x0] =	vst.idx.msk $0xffff, v30  }
0x436: {  	v31 =	vadd.s32 $0x100, v29;
	v30 =	vld [tilespmem:s28+$0x1800];
	_ =	sdelay $0x4  }
0x437: {  	s28 =	sor.u32 $0x3A0, s31;
	[tilespmem:v31+s19+$0x0] =	vst.idx.msk $0xffff, v30  }
0x438: {  	v31 =	vadd.s32 $0x200, v29;
	v30 =	vld [tilespmem:s28+$0x1800];
	_ =	sdelay $0x4  }
0x439: {  	s0 =	sor.u32 $0x3B0, s31;
	[tilespmem:v31+s19+$0x0] =	vst.idx.msk $0xffff, v30  }
0x43a: {  	v31 =	vadd.s32 $0x300, v29;
	v30 =	vld [tilespmem:s0+$0x1800];
	_ =	sdelay $0x2  }
0x43b: {  	s28 =	simm.s32 $0x200  }
0x43c: {  	s29 =	simm.s32 $0x80;
	s26 =	sor.u32 s26, s28  }
.LBB2_67:
0x43d: {  	p0 =	sne.s32 s29, $0x2C0;
	s0 =	sor.u32 $0x380, s26;
	[tilespmem:v31+s19+$0x0] =	vst.idx.msk $0xffff, v30  }
0x43e: {  	v29 =	vadd.s32 $0x400, v29;
	v30 =	vld [tilespmem:s0+$0x1800];
	_ =	sdelay $0x4  }
0x43f: {  	s0 =	sor.u32 $0x390, s26;
	[tilespmem:v29+s19+$0x0] =	vst.idx.msk $0xffff, v30  }
0x440: {  	v31 =	vadd.s32 $0x100, v29;
	v30 =	vld [tilespmem:s0+$0x1800];
	_ =	sdelay $0x4  }
0x441: {  	s0 =	sor.u32 $0x3A0, s26;
	[tilespmem:v31+s19+$0x0] =	vst.idx.msk $0xffff, v30  }
0x442: {  	v31 =	vadd.s32 $0x200, v29;
	v30 =	vld [tilespmem:s0+$0x1800];
	_ =	sdelay $0x4  }
0x443: {  	s0 =	sor.u32 $0x3B0, s26;
	[tilespmem:v31+s19+$0x0] =	vst.idx.msk $0xffff, v30  }
.Ltmp32:
0x444: {  	v31 =	vadd.s32 $0x300, v29;
	v30 =	vld [tilespmem:s0+$0x1800];
	(pc) =	sbr.rel @p0 .LBB2_67-.Ltmp32, $3  }
0x445: {  	_ =	sdelay $0x1  }
0x446: {  	s28 =	sadd.s32 $0x200, s28  }
0x447: {  	s26 =	sor.u32 s29, s28;
	s29 =	sadd.s32 $0x40, s29  }
0x448: {  	_ =	sdelay $0x3  }
0x449: {  	s0 =	sor.u32 $0x380, s26;
	[tilespmem:v31+s19+$0x0] =	vst.idx.msk $0xffff, v30  }
0x44a: {  	v29 =	vadd.s32 $0x400, v29;
	v30 =	vld [tilespmem:s0+$0x1800];
	_ =	sdelay $0x4  }
0x44b: {  	s30 =	sor.u32 $0x390, s26;
	[tilespmem:v29+s19+$0x0] =	vst.idx.msk $0xffff, v30  }
0x44c: {  	v31 =	vadd.s32 $0x100, v29;
	v30 =	vld [tilespmem:s30+$0x1800];
	_ =	sdelay $0x4  }
0x44d: {  	s31 =	sor.u32 $0x3A0, s26;
	[tilespmem:v31+s19+$0x0] =	vst.idx.msk $0xffff, v30  }
0x44e: {  	v31 =	vadd.s32 $0x200, v29;
	v30 =	vld [tilespmem:s31+$0x1800];
	_ =	sdelay $0x4  }
0x44f: {  	s28 =	sor.u32 $0x3B0, s26;
	[tilespmem:v31+s19+$0x0] =	vst.idx.msk $0xffff, v30  }
0x450: {  	s30 =	sadd.s32 $0x3, s25;
	v29 =	vadd.s32 $0x300, v29;
	v30 =	vld [tilespmem:s28+$0x1800]  }
0x451: {  	s29 =	sadd.s32 s24, s6;
	s24 =	smul.u32 $0x300, s30  }
0x452: {  	s23 =	sadd.s32 $0x1, s23;
	p0 =	seq.s32 s30, $0x29  }
0x453: {  	s0 =	sshll.u32 s29, $0x1;
	s24 =	simm.s32 @p0 $0x0;
	p0 =	sne.s32 s23, $0x14  }
.Ltmp33:
0x454: {  	s0 =	sand.u32 $0x1FFFFE00, s0;
	(pc) =	sbr.rel @p0 .LBB2_36-.Ltmp33, $4  }
0x455: {  	s0 =	sadd.s32 s4, s0;
	[tilespmem:v29+s19+$0x0] =	vst.idx.msk $0xffff, v30  }
0x456: {  	[hbm4b:s0+s2] =	stream.linear.scatter [tilespmem:s19], [sflag:$0x4], $0x3000, $0x38;
	[tilespmem:$0x9000] =	vst v63  }
0x457: {  	s31 =	sadd.s32 s24, s5  }
0x458: {  	[tilespmem:s15], [sflag:$0x2] =	stream.linear.gather [hbm4b:s31+s2], $0x1800, $0x38;
	[tilespmem:$0x9000] =	vst v63  }
0x459: {  	_ =	swait.ge [sflag:s16], $0x1800  }
0x45a: {  	[sflag:s16] =	ssyncset.done $0x0  }
0x45b: {  	[sflag:s16] =	ssyncadd.s32 $0xFFFFE800  }
0x45c: {  	s0 =	simm.s32 $0x0;
	_ =	swait.ge [sflag:s20], $0x3000  }
0x45d: {  	s23 =	sand.u32 $0x40, s0;
	s0 =	sand.u32 $0x1C00, s0;
	[sflag:s20] =	ssyncset.done $0x0  }
0x45e: {  	s23 =	sor.u32 s23, s0;
	[sflag:s20] =	ssyncadd.s32 $0xFFFFD000  }
0x45f: {  	v10 =	vld [tilespmem:s23+$0x0];
	_ =	sdelay $0x4  }
0x460: {  	[tilespmem:v28+s17+$0x0] =	vst.idx.msk $0xffff, v10;
	v10 =	vand.u32 $0xFFFFFFF0, v28  }
0x461: {  	v11 =	vld [tilespmem:s23+$0x10];
	v12 =	vadd.s32 $0x100, v10;
	_ =	sdelay $0x4  }
0x462: {  	[tilespmem:v12+s17+$0x0] =	vst.idx.msk $0xffff, v11  }
0x463: {  	v12 =	vadd.s32 $0x200, v10;
	v11 =	vld [tilespmem:s23+$0x20];
	_ =	sdelay $0x4  }
0x464: {  	[tilespmem:v12+s17+$0x0] =	vst.idx.msk $0xffff, v11  }
0x465: {  	v12 =	vadd.s32 $0x300, v10;
	v11 =	vld [tilespmem:s23+$0x30];
	_ =	sdelay $0x2  }
0x466: {  	s24 =	simm.s32 $0x40;
	s25 =	simm.s32 $0x200  }
0x467: {  	s26 =	simm.s32 $0x80;
	s28 =	sand.u32 $0x40, s24;
	s0 =	sand.u32 $0x1C00, s25;
	v10 =	vmov v28  }
.LBB2_70:
0x468: {  	p0 =	sne.s32 s26, $0x2C0;
	s0 =	sor.u32 s28, s0;
	[tilespmem:v12+s17+$0x0] =	vst.idx.msk $0xffff, v11  }
0x469: {  	v10 =	vadd.s32 $0x400, v10;
	v11 =	vld [tilespmem:s0+$0x0];
	_ =	sdelay $0x4  }
0x46a: {  	v12 =	vand.u32 $0xFFFFFFF0, v10;
	[tilespmem:v10+s17+$0x0] =	vst.idx.msk $0xffff, v11  }
0x46b: {  	v13 =	vadd.s32 $0x100, v12;
	v11 =	vld [tilespmem:s0+$0x10];
	_ =	sdelay $0x4  }
0x46c: {  	[tilespmem:v13+s17+$0x0] =	vst.idx.msk $0xffff, v11  }
0x46d: {  	v13 =	vadd.s32 $0x200, v12;
	v11 =	vld [tilespmem:s0+$0x20];
	_ =	sdelay $0x4  }
0x46e: {  	[tilespmem:v13+s17+$0x0] =	vst.idx.msk $0xffff, v11  }
.Ltmp34:
0x46f: {  	v12 =	vadd.s32 $0x300, v12;
	v11 =	vld [tilespmem:s0+$0x30];
	(pc) =	sbr.rel @p0 .LBB2_70-.Ltmp34, $3  }
0x470: {  	_ =	sdelay $0x1  }
0x471: {  	s25 =	sadd.s32 $0x200, s25  }
0x472: {  	s28 =	sand.u32 $0x40, s26;
	s26 =	sadd.s32 $0x40, s26;
	s0 =	sand.u32 $0x1C00, s25  }
0x473: {  	_ =	sdelay $0x3  }
0x474: {  	s0 =	sor.u32 s28, s0;
	[tilespmem:v12+s17+$0x0] =	vst.idx.msk $0xffff, v11  }
0x475: {  	v10 =	vadd.s32 $0x400, v10;
	v11 =	vld [tilespmem:s0+$0x0];
	_ =	sdelay $0x4  }
0x476: {  	[tilespmem:v10+s17+$0x0] =	vst.idx.msk $0xffff, v11;
	v10 =	vand.u32 $0xFFFFFFF0, v10  }
0x477: {  	v11 =	vld [tilespmem:s0+$0x10];
	v12 =	vadd.s32 $0x100, v10;
	_ =	sdelay $0x4  }
0x478: {  	[tilespmem:v12+s17+$0x0] =	vst.idx.msk $0xffff, v11  }
0x479: {  	v12 =	vadd.s32 $0x200, v10;
	v11 =	vld [tilespmem:s0+$0x20];
	_ =	sdelay $0x4  }
0x47a: {  	[tilespmem:v12+s17+$0x0] =	vst.idx.msk $0xffff, v11  }
0x47b: {  	v10 =	vadd.s32 $0x300, v10;
	v11 =	vld [tilespmem:s0+$0x30];
	_ =	sdelay $0x4  }
0x47c: {  	[tilespmem:v10+s17+$0x0] =	vst.idx.msk $0xffff, v11  }
0x47d: {  	v10 =	vor.u32 $0x1, v28;
	v11 =	vld [tilespmem:s23+$0x80];
	_ =	sdelay $0x4  }
0x47e: {  	[tilespmem:v10+s17+$0x0] =	vst.idx.msk $0xffff, v11  }
0x47f: {  	v12 =	vadd.s32 $0x100, v10;
	v11 =	vld [tilespmem:s23+$0x90];
	_ =	sdelay $0x4  }
0x480: {  	[tilespmem:v12+s17+$0x0] =	vst.idx.msk $0xffff, v11  }
0x481: {  	v12 =	vadd.s32 $0x200, v10;
	v11 =	vld [tilespmem:s23+$0xA0];
	_ =	sdelay $0x4  }
0x482: {  	[tilespmem:v12+s17+$0x0] =	vst.idx.msk $0xffff, v11  }
0x483: {  	v12 =	vadd.s32 $0x300, v10;
	v11 =	vld [tilespmem:s23+$0xB0];
	_ =	sdelay $0x2  }
0x484: {  	s25 =	simm.s32 $0x200  }
0x485: {  	s24 =	sand.u32 $0x40, s24;
	s0 =	sand.u32 $0x1C00, s25;
	s23 =	simm.s32 $0x80  }
.LBB2_72:
0x486: {  	p0 =	sne.s32 s23, $0x2C0;
	s0 =	sor.u32 s24, s0;
	[tilespmem:v12+s17+$0x0] =	vst.idx.msk $0xffff, v11  }
0x487: {  	v10 =	vadd.s32 $0x400, v10;
	v11 =	vld [tilespmem:s0+$0x80];
	_ =	sdelay $0x4  }
0x488: {  	[tilespmem:v10+s17+$0x0] =	vst.idx.msk $0xffff, v11  }
0x489: {  	v12 =	vadd.s32 $0x100, v10;
	v11 =	vld [tilespmem:s0+$0x90];
	_ =	sdelay $0x4  }
0x48a: {  	[tilespmem:v12+s17+$0x0] =	vst.idx.msk $0xffff, v11  }
0x48b: {  	v12 =	vadd.s32 $0x200, v10;
	v11 =	vld [tilespmem:s0+$0xA0];
	_ =	sdelay $0x4  }
0x48c: {  	[tilespmem:v12+s17+$0x0] =	vst.idx.msk $0xffff, v11  }
.Ltmp35:
0x48d: {  	v12 =	vadd.s32 $0x300, v10;
	v11 =	vld [tilespmem:s0+$0xB0];
	(pc) =	sbr.rel @p0 .LBB2_72-.Ltmp35, $3  }
0x48e: {  	_ =	sdelay $0x1  }
0x48f: {  	s25 =	sadd.s32 $0x200, s25  }
0x490: {  	s24 =	sand.u32 $0x40, s23;
	s23 =	sadd.s32 $0x40, s23;
	s0 =	sand.u32 $0x1C00, s25  }
0x491: {  	_ =	sdelay $0x3  }
0x492: {  	s0 =	sor.u32 s24, s0;
	[tilespmem:v12+s17+$0x0] =	vst.idx.msk $0xffff, v11  }
0x493: {  	v10 =	vadd.s32 $0x400, v10;
	v11 =	vld [tilespmem:s0+$0x80];
	_ =	sdelay $0x4  }
0x494: {  	[tilespmem:v10+s17+$0x0] =	vst.idx.msk $0xffff, v11  }
0x495: {  	v12 =	vadd.s32 $0x100, v10;
	v11 =	vld [tilespmem:s0+$0x90];
	_ =	sdelay $0x4  }
0x496: {  	[tilespmem:v12+s17+$0x0] =	vst.idx.msk $0xffff, v11  }
0x497: {  	v12 =	vadd.s32 $0x200, v10;
	v11 =	vld [tilespmem:s0+$0xA0];
	_ =	sdelay $0x4  }
0x498: {  	[tilespmem:v12+s17+$0x0] =	vst.idx.msk $0xffff, v11  }
0x499: {  	v12 =	vadd.s32 $0x300, v10;
	v11 =	vld [tilespmem:s0+$0xB0];
	_ =	sdelay $0x2  }
0x49a: {  	s31 =	simm.s32 $0x0  }
0x49b: {  	s23 =	sand.u32 $0x40, s31;
	v10 =	vmul.u32 $0x10, v0;
	s0 =	sand.u32 $0x1C00, s31  }
0x49c: {  	s23 =	sor.u32 s23, s0;
	[tilespmem:v12+s17+$0x0] =	vst.idx.msk $0xffff, v11  }
0x49d: {  	v11 =	vor.u32 $0x2, v10;
	v12 =	vld [tilespmem:s23+$0x100];
	_ =	sdelay $0x4  }
0x49e: {  	v13 =	vand.u32 $0xFFFFFFFE, v11;
	[tilespmem:v11+s17+$0x0] =	vst.idx.msk $0xffff, v12  }
0x49f: {  	v14 =	vadd.s32 $0x100, v13;
	v12 =	vld [tilespmem:s23+$0x110];
	_ =	sdelay $0x4  }
0x4a0: {  	[tilespmem:v14+s17+$0x0] =	vst.idx.msk $0xffff, v12  }
0x4a1: {  	v14 =	vadd.s32 $0x200, v13;
	v12 =	vld [tilespmem:s23+$0x120];
	_ =	sdelay $0x4  }
0x4a2: {  	[tilespmem:v14+s17+$0x0] =	vst.idx.msk $0xffff, v12  }
0x4a3: {  	v13 =	vadd.s32 $0x300, v13;
	v12 =	vld [tilespmem:s23+$0x130];
	_ =	sdelay $0x2  }
0x4a4: {  	s24 =	simm.s32 $0x40;
	s25 =	simm.s32 $0x200  }
0x4a5: {  	s26 =	simm.s32 $0x80;
	s28 =	sand.u32 $0x40, s24;
	s0 =	sand.u32 $0x1C00, s25  }
.LBB2_74:
0x4a6: {  	p0 =	sne.s32 s26, $0x2C0;
	s0 =	sor.u32 s28, s0;
	[tilespmem:v13+s17+$0x0] =	vst.idx.msk $0xffff, v12  }
0x4a7: {  	v11 =	vadd.s32 $0x400, v11;
	v12 =	vld [tilespmem:s0+$0x100];
	_ =	sdelay $0x4  }
0x4a8: {  	v13 =	vand.u32 $0xFFFFFFFE, v11;
	[tilespmem:v11+s17+$0x0] =	vst.idx.msk $0xffff, v12  }
0x4a9: {  	v14 =	vadd.s32 $0x100, v13;
	v12 =	vld [tilespmem:s0+$0x110];
	_ =	sdelay $0x4  }
0x4aa: {  	[tilespmem:v14+s17+$0x0] =	vst.idx.msk $0xffff, v12  }
0x4ab: {  	v14 =	vadd.s32 $0x200, v13;
	v12 =	vld [tilespmem:s0+$0x120];
	_ =	sdelay $0x4  }
0x4ac: {  	[tilespmem:v14+s17+$0x0] =	vst.idx.msk $0xffff, v12  }
.Ltmp36:
0x4ad: {  	v13 =	vadd.s32 $0x300, v13;
	v12 =	vld [tilespmem:s0+$0x130];
	(pc) =	sbr.rel @p0 .LBB2_74-.Ltmp36, $3  }
0x4ae: {  	_ =	sdelay $0x1  }
0x4af: {  	s25 =	sadd.s32 $0x200, s25  }
0x4b0: {  	s28 =	sand.u32 $0x40, s26;
	s26 =	sadd.s32 $0x40, s26;
	s0 =	sand.u32 $0x1C00, s25  }
0x4b1: {  	_ =	sdelay $0x3  }
0x4b2: {  	s0 =	sor.u32 s28, s0;
	[tilespmem:v13+s17+$0x0] =	vst.idx.msk $0xffff, v12  }
0x4b3: {  	v11 =	vadd.s32 $0x400, v11;
	v12 =	vld [tilespmem:s0+$0x100];
	_ =	sdelay $0x4  }
0x4b4: {  	[tilespmem:v11+s17+$0x0] =	vst.idx.msk $0xffff, v12;
	v11 =	vand.u32 $0xFFFFFFFE, v11  }
0x4b5: {  	v12 =	vld [tilespmem:s0+$0x110];
	v13 =	vadd.s32 $0x100, v11;
	_ =	sdelay $0x4  }
0x4b6: {  	[tilespmem:v13+s17+$0x0] =	vst.idx.msk $0xffff, v12  }
0x4b7: {  	v13 =	vadd.s32 $0x200, v11;
	v12 =	vld [tilespmem:s0+$0x120];
	_ =	sdelay $0x4  }
0x4b8: {  	[tilespmem:v13+s17+$0x0] =	vst.idx.msk $0xffff, v12  }
0x4b9: {  	v11 =	vadd.s32 $0x300, v11;
	v12 =	vld [tilespmem:s0+$0x130];
	_ =	sdelay $0x4  }
0x4ba: {  	[tilespmem:v11+s17+$0x0] =	vst.idx.msk $0xffff, v12  }
0x4bb: {  	v11 =	vor.u32 $0x3, v10;
	v12 =	vld [tilespmem:s23+$0x180];
	_ =	sdelay $0x4  }
0x4bc: {  	[tilespmem:v11+s17+$0x0] =	vst.idx.msk $0xffff, v12  }
0x4bd: {  	v13 =	vadd.s32 $0x100, v11;
	v12 =	vld [tilespmem:s23+$0x190];
	_ =	sdelay $0x4  }
0x4be: {  	[tilespmem:v13+s17+$0x0] =	vst.idx.msk $0xffff, v12  }
0x4bf: {  	v13 =	vadd.s32 $0x200, v11;
	v12 =	vld [tilespmem:s23+$0x1A0];
	_ =	sdelay $0x4  }
0x4c0: {  	[tilespmem:v13+s17+$0x0] =	vst.idx.msk $0xffff, v12  }
0x4c1: {  	v13 =	vadd.s32 $0x300, v11;
	v12 =	vld [tilespmem:s23+$0x1B0];
	_ =	sdelay $0x2  }
0x4c2: {  	s25 =	simm.s32 $0x200  }
0x4c3: {  	s24 =	sand.u32 $0x40, s24;
	s0 =	sand.u32 $0x1C00, s25;
	s23 =	simm.s32 $0x80  }
.LBB2_76:
0x4c4: {  	p0 =	sne.s32 s23, $0x2C0;
	s0 =	sor.u32 s24, s0;
	[tilespmem:v13+s17+$0x0] =	vst.idx.msk $0xffff, v12  }
0x4c5: {  	v11 =	vadd.s32 $0x400, v11;
	v12 =	vld [tilespmem:s0+$0x180];
	_ =	sdelay $0x4  }
0x4c6: {  	[tilespmem:v11+s17+$0x0] =	vst.idx.msk $0xffff, v12  }
0x4c7: {  	v13 =	vadd.s32 $0x100, v11;
	v12 =	vld [tilespmem:s0+$0x190];
	_ =	sdelay $0x4  }
0x4c8: {  	[tilespmem:v13+s17+$0x0] =	vst.idx.msk $0xffff, v12  }
0x4c9: {  	v13 =	vadd.s32 $0x200, v11;
	v12 =	vld [tilespmem:s0+$0x1A0];
	_ =	sdelay $0x4  }
0x4ca: {  	[tilespmem:v13+s17+$0x0] =	vst.idx.msk $0xffff, v12  }
.Ltmp37:
0x4cb: {  	v13 =	vadd.s32 $0x300, v11;
	v12 =	vld [tilespmem:s0+$0x1B0];
	(pc) =	sbr.rel @p0 .LBB2_76-.Ltmp37, $3  }
0x4cc: {  	_ =	sdelay $0x1  }
0x4cd: {  	s25 =	sadd.s32 $0x200, s25  }
0x4ce: {  	s24 =	sand.u32 $0x40, s23;
	s23 =	sadd.s32 $0x40, s23;
	s0 =	sand.u32 $0x1C00, s25  }
0x4cf: {  	_ =	sdelay $0x3  }
0x4d0: {  	s0 =	sor.u32 s24, s0;
	[tilespmem:v13+s17+$0x0] =	vst.idx.msk $0xffff, v12  }
0x4d1: {  	v11 =	vadd.s32 $0x400, v11;
	v12 =	vld [tilespmem:s0+$0x180];
	_ =	sdelay $0x4  }
0x4d2: {  	[tilespmem:v11+s17+$0x0] =	vst.idx.msk $0xffff, v12  }
0x4d3: {  	v13 =	vadd.s32 $0x100, v11;
	v12 =	vld [tilespmem:s0+$0x190];
	_ =	sdelay $0x4  }
0x4d4: {  	[tilespmem:v13+s17+$0x0] =	vst.idx.msk $0xffff, v12  }
0x4d5: {  	v13 =	vadd.s32 $0x200, v11;
	v12 =	vld [tilespmem:s0+$0x1A0];
	_ =	sdelay $0x4  }
0x4d6: {  	[tilespmem:v13+s17+$0x0] =	vst.idx.msk $0xffff, v12  }
0x4d7: {  	v11 =	vadd.s32 $0x300, v11;
	v12 =	vld [tilespmem:s0+$0x1B0]  }
0x4d8: {  	p0 =	por $0x0, $0x0;
	s0 =	simm.s32 $0x1  }
0x4d9: {  	s0 =	simm.s32 @!p0 $0x0  }
0x4da: {  	s0 =	sshll.u32 s0, $0x6  }
0x4db: {  	s24 =	sadd.s32 $0x0, s0  }
0x4dc: {  	s0 =	sor.u32 $0x200, s24;
	[tilespmem:v11+s17+$0x0] =	vst.idx.msk $0xffff, v12  }
0x4dd: {  	v11 =	vor.u32 $0x4, v10;
	v12 =	vld [tilespmem:s0+$0x0];
	_ =	sdelay $0x4  }
0x4de: {  	s29 =	sor.u32 $0x210, s24;
	v13 =	vand.u32 $0xFFFFFFFC, v11;
	[tilespmem:v11+s17+$0x0] =	vst.idx.msk $0xffff, v12  }
0x4df: {  	v14 =	vadd.s32 $0x100, v13;
	v12 =	vld [tilespmem:s29+$0x0];
	_ =	sdelay $0x4  }
0x4e0: {  	s30 =	sor.u32 $0x220, s24;
	[tilespmem:v14+s17+$0x0] =	vst.idx.msk $0xffff, v12  }
0x4e1: {  	v14 =	vadd.s32 $0x200, v13;
	v12 =	vld [tilespmem:s30+$0x0];
	_ =	sdelay $0x4  }
0x4e2: {  	s31 =	sor.u32 $0x230, s24;
	[tilespmem:v14+s17+$0x0] =	vst.idx.msk $0xffff, v12  }
0x4e3: {  	v13 =	vadd.s32 $0x300, v13;
	v12 =	vld [tilespmem:s31+$0x0]  }
0x4e4: {  	s23 =	simm.s32 $0x0;
	s28 =	simm.s32 $0x1;
	p1 =	por !p0, !p0  }
0x4e5: {  	s26 =	simm.s32 $0x80;
	s25 =	simm.s32 $0x0;
	s28 =	simm.s32 @!p1 $0x0  }
.LBB2_78:
0x4e6: {  	p2 =	sne.s32 s26, $0x2C0;
	s0 =	sshll.u32 s28, $0x6;
	s25 =	sadd.s32 $0x200, s25  }
0x4e7: {  	s0 =	sadd.s32 s0, s25  }
0x4e8: {  	s28 =	sor.u32 $0x200, s0;
	[tilespmem:v13+s17+$0x0] =	vst.idx.msk $0xffff, v12  }
0x4e9: {  	v11 =	vadd.s32 $0x400, v11;
	v12 =	vld [tilespmem:s28+$0x0];
	_ =	sdelay $0x4  }
0x4ea: {  	v13 =	vand.u32 $0xFFFFFFFC, v11;
	s28 =	sor.u32 $0x210, s0;
	[tilespmem:v11+s17+$0x0] =	vst.idx.msk $0xffff, v12  }
0x4eb: {  	v14 =	vadd.s32 $0x100, v13;
	v12 =	vld [tilespmem:s28+$0x0];
	_ =	sdelay $0x4  }
0x4ec: {  	s28 =	sor.u32 $0x220, s0;
	[tilespmem:v14+s17+$0x0] =	vst.idx.msk $0xffff, v12  }
0x4ed: {  	v14 =	vadd.s32 $0x200, v13;
	v12 =	vld [tilespmem:s28+$0x0];
	_ =	sdelay $0x3  }
.Ltmp38:
0x4ee: {  	(pc) =	sbr.rel @p2 .LBB2_78-.Ltmp38, $4  }
0x4ef: {  	s0 =	sor.u32 $0x230, s0;
	[tilespmem:v14+s17+$0x0] =	vst.idx.msk $0xffff, v12  }
0x4f0: {  	v13 =	vadd.s32 $0x300, v13;
	v12 =	vld [tilespmem:s0+$0x0]  }
0x4f1: {  	p1 =	por !p1, !p1;
	s28 =	simm.s32 $0x1  }
0x4f2: {  	s26 =	sadd.s32 $0x40, s26;
	s28 =	simm.s32 @!p1 $0x0  }
0x4f3: {  	_ =	sdelay $0x1  }
0x4f4: {  	s0 =	sshll.u32 s28, $0x6;
	s25 =	sadd.s32 $0x200, s25  }
0x4f5: {  	s0 =	sadd.s32 s0, s25  }
0x4f6: {  	s25 =	sor.u32 $0x200, s0;
	[tilespmem:v13+s17+$0x0] =	vst.idx.msk $0xffff, v12  }
0x4f7: {  	v11 =	vadd.s32 $0x400, v11;
	v12 =	vld [tilespmem:s25+$0x0];
	_ =	sdelay $0x4  }
0x4f8: {  	s31 =	sor.u32 $0x210, s0;
	[tilespmem:v11+s17+$0x0] =	vst.idx.msk $0xffff, v12;
	v11 =	vand.u32 $0xFFFFFFFC, v11  }
0x4f9: {  	v12 =	vld [tilespmem:s31+$0x0];
	v13 =	vadd.s32 $0x100, v11;
	_ =	sdelay $0x4  }
0x4fa: {  	s26 =	sor.u32 $0x220, s0;
	[tilespmem:v13+s17+$0x0] =	vst.idx.msk $0xffff, v12  }
0x4fb: {  	v13 =	vadd.s32 $0x200, v11;
	v12 =	vld [tilespmem:s26+$0x0];
	_ =	sdelay $0x4  }
0x4fc: {  	s0 =	sor.u32 $0x230, s0;
	[tilespmem:v13+s17+$0x0] =	vst.idx.msk $0xffff, v12  }
0x4fd: {  	v11 =	vadd.s32 $0x300, v11;
	v12 =	vld [tilespmem:s0+$0x0];
	_ =	sdelay $0x4  }
0x4fe: {  	s28 =	sor.u32 $0x280, s24;
	[tilespmem:v11+s17+$0x0] =	vst.idx.msk $0xffff, v12  }
0x4ff: {  	v11 =	vor.u32 $0x5, v10;
	v12 =	vld [tilespmem:s28+$0x0];
	_ =	sdelay $0x4  }
0x500: {  	s29 =	sor.u32 $0x290, s24;
	[tilespmem:v11+s17+$0x0] =	vst.idx.msk $0xffff, v12  }
0x501: {  	v13 =	vadd.s32 $0x100, v11;
	v12 =	vld [tilespmem:s29+$0x0];
	_ =	sdelay $0x4  }
0x502: {  	s30 =	sor.u32 $0x2A0, s24;
	[tilespmem:v13+s17+$0x0] =	vst.idx.msk $0xffff, v12  }
0x503: {  	v13 =	vadd.s32 $0x200, v11;
	v12 =	vld [tilespmem:s30+$0x0];
	_ =	sdelay $0x4  }
0x504: {  	s31 =	sor.u32 $0x2B0, s24;
	[tilespmem:v13+s17+$0x0] =	vst.idx.msk $0xffff, v12  }
0x505: {  	v13 =	vadd.s32 $0x300, v11;
	v12 =	vld [tilespmem:s31+$0x0]  }
0x506: {  	p0 =	por !p0, !p0;
	s25 =	simm.s32 $0x1  }
0x507: {  	s25 =	simm.s32 @!p0 $0x0;
	s24 =	simm.s32 $0x80  }
.LBB2_80:
0x508: {  	p1 =	sne.s32 s24, $0x2C0;
	s0 =	sshll.u32 s25, $0x6;
	s23 =	sadd.s32 $0x200, s23  }
0x509: {  	s0 =	sadd.s32 s0, s23  }
0x50a: {  	s25 =	sor.u32 $0x280, s0;
	[tilespmem:v13+s17+$0x0] =	vst.idx.msk $0xffff, v12  }
0x50b: {  	v11 =	vadd.s32 $0x400, v11;
	v12 =	vld [tilespmem:s25+$0x0];
	_ =	sdelay $0x4  }
0x50c: {  	s25 =	sor.u32 $0x290, s0;
	[tilespmem:v11+s17+$0x0] =	vst.idx.msk $0xffff, v12  }
0x50d: {  	v13 =	vadd.s32 $0x100, v11;
	v12 =	vld [tilespmem:s25+$0x0];
	_ =	sdelay $0x4  }
0x50e: {  	s25 =	sor.u32 $0x2A0, s0;
	[tilespmem:v13+s17+$0x0] =	vst.idx.msk $0xffff, v12  }
0x50f: {  	v13 =	vadd.s32 $0x200, v11;
	v12 =	vld [tilespmem:s25+$0x0];
	_ =	sdelay $0x3  }
.Ltmp39:
0x510: {  	(pc) =	sbr.rel @p1 .LBB2_80-.Ltmp39, $4  }
0x511: {  	s0 =	sor.u32 $0x2B0, s0;
	[tilespmem:v13+s17+$0x0] =	vst.idx.msk $0xffff, v12  }
0x512: {  	v13 =	vadd.s32 $0x300, v11;
	v12 =	vld [tilespmem:s0+$0x0]  }
0x513: {  	p0 =	por !p0, !p0;
	s25 =	simm.s32 $0x1  }
0x514: {  	s24 =	sadd.s32 $0x40, s24;
	s25 =	simm.s32 @!p0 $0x0  }
0x515: {  	_ =	sdelay $0x1  }
0x516: {  	s0 =	sshll.u32 s25, $0x6;
	s23 =	sadd.s32 $0x200, s23  }
0x517: {  	s0 =	sadd.s32 s0, s23  }
0x518: {  	s23 =	sor.u32 $0x280, s0;
	[tilespmem:v13+s17+$0x0] =	vst.idx.msk $0xffff, v12  }
0x519: {  	v11 =	vadd.s32 $0x400, v11;
	v12 =	vld [tilespmem:s23+$0x0];
	_ =	sdelay $0x4  }
0x51a: {  	s25 =	sor.u32 $0x290, s0;
	[tilespmem:v11+s17+$0x0] =	vst.idx.msk $0xffff, v12  }
0x51b: {  	v13 =	vadd.s32 $0x100, v11;
	v12 =	vld [tilespmem:s25+$0x0];
	_ =	sdelay $0x4  }
0x51c: {  	s26 =	sor.u32 $0x2A0, s0;
	[tilespmem:v13+s17+$0x0] =	vst.idx.msk $0xffff, v12  }
0x51d: {  	v13 =	vadd.s32 $0x200, v11;
	v12 =	vld [tilespmem:s26+$0x0];
	_ =	sdelay $0x4  }
0x51e: {  	s0 =	sor.u32 $0x2B0, s0;
	[tilespmem:v13+s17+$0x0] =	vst.idx.msk $0xffff, v12  }
0x51f: {  	v11 =	vadd.s32 $0x300, v11;
	v12 =	vld [tilespmem:s0+$0x0]  }
0x520: {  	p0 =	por $0x0, $0x0;
	s0 =	simm.s32 $0x1  }
0x521: {  	s0 =	simm.s32 @!p0 $0x0  }
0x522: {  	s0 =	sshll.u32 s0, $0x6  }
0x523: {  	s0 =	sadd.s32 $0x0, s0  }
0x524: {  	s29 =	sor.u32 $0x300, s0;
	[tilespmem:v11+s17+$0x0] =	vst.idx.msk $0xffff, v12  }
0x525: {  	v11 =	vor.u32 $0x6, v10;
	v12 =	vld [tilespmem:s29+$0x0];
	_ =	sdelay $0x4  }
0x526: {  	s30 =	sor.u32 $0x310, s0;
	v13 =	vand.u32 $0xFFFFFFFE, v11;
	[tilespmem:v11+s17+$0x0] =	vst.idx.msk $0xffff, v12  }
0x527: {  	v14 =	vadd.s32 $0x100, v13;
	v12 =	vld [tilespmem:s30+$0x0];
	_ =	sdelay $0x4  }
0x528: {  	s31 =	sor.u32 $0x320, s0;
	[tilespmem:v14+s17+$0x0] =	vst.idx.msk $0xffff, v12  }
0x529: {  	v14 =	vadd.s32 $0x200, v13;
	v12 =	vld [tilespmem:s31+$0x0];
	_ =	sdelay $0x4  }
0x52a: {  	s0 =	sor.u32 $0x330, s0;
	[tilespmem:v14+s17+$0x0] =	vst.idx.msk $0xffff, v12  }
0x52b: {  	s24 =	simm.s32 $0x0;
	v13 =	vadd.s32 $0x300, v13;
	v12 =	vld [tilespmem:s0+$0x0]  }
0x52c: {  	s28 =	simm.s32 $0x1;
	s23 =	simm.s32 $0x40;
	p0 =	por !p0, !p0  }
0x52d: {  	s25 =	simm.s32 $0x0;
	s26 =	simm.s32 $0x80;
	s28 =	simm.s32 @!p0 $0x0  }
.LBB2_82:
0x52e: {  	p1 =	sne.s32 s26, $0x2C0;
	s0 =	sshll.u32 s28, $0x6;
	s25 =	sadd.s32 $0x200, s25  }
0x52f: {  	s0 =	sadd.s32 s0, s25  }
0x530: {  	s28 =	sor.u32 $0x300, s0;
	[tilespmem:v13+s17+$0x0] =	vst.idx.msk $0xffff, v12  }
0x531: {  	v11 =	vadd.s32 $0x400, v11;
	v12 =	vld [tilespmem:s28+$0x0];
	_ =	sdelay $0x4  }
0x532: {  	v13 =	vand.u32 $0xFFFFFFFE, v11;
	s28 =	sor.u32 $0x310, s0;
	[tilespmem:v11+s17+$0x0] =	vst.idx.msk $0xffff, v12  }
0x533: {  	v14 =	vadd.s32 $0x100, v13;
	v12 =	vld [tilespmem:s28+$0x0];
	_ =	sdelay $0x4  }
0x534: {  	s28 =	sor.u32 $0x320, s0;
	[tilespmem:v14+s17+$0x0] =	vst.idx.msk $0xffff, v12  }
0x535: {  	v14 =	vadd.s32 $0x200, v13;
	v12 =	vld [tilespmem:s28+$0x0];
	_ =	sdelay $0x3  }
.Ltmp40:
0x536: {  	(pc) =	sbr.rel @p1 .LBB2_82-.Ltmp40, $4  }
0x537: {  	s0 =	sor.u32 $0x330, s0;
	[tilespmem:v14+s17+$0x0] =	vst.idx.msk $0xffff, v12  }
0x538: {  	v13 =	vadd.s32 $0x300, v13;
	v12 =	vld [tilespmem:s0+$0x0]  }
0x539: {  	p0 =	por !p0, !p0;
	s28 =	simm.s32 $0x1  }
0x53a: {  	s26 =	sadd.s32 $0x40, s26;
	s28 =	simm.s32 @!p0 $0x0  }
0x53b: {  	_ =	sdelay $0x1  }
0x53c: {  	s0 =	sshll.u32 s28, $0x6;
	s25 =	sadd.s32 $0x200, s25  }
0x53d: {  	s0 =	sadd.s32 s0, s25  }
0x53e: {  	s25 =	sor.u32 $0x300, s0;
	[tilespmem:v13+s17+$0x0] =	vst.idx.msk $0xffff, v12  }
0x53f: {  	v11 =	vadd.s32 $0x400, v11;
	v12 =	vld [tilespmem:s25+$0x0];
	_ =	sdelay $0x4  }
0x540: {  	s26 =	sor.u32 $0x310, s0;
	[tilespmem:v11+s17+$0x0] =	vst.idx.msk $0xffff, v12;
	v11 =	vand.u32 $0xFFFFFFFE, v11  }
0x541: {  	v12 =	vld [tilespmem:s26+$0x0];
	v13 =	vadd.s32 $0x100, v11;
	_ =	sdelay $0x4  }
0x542: {  	s28 =	sor.u32 $0x320, s0;
	[tilespmem:v13+s17+$0x0] =	vst.idx.msk $0xffff, v12  }
0x543: {  	v13 =	vadd.s32 $0x200, v11;
	v12 =	vld [tilespmem:s28+$0x0];
	_ =	sdelay $0x4  }
0x544: {  	s0 =	sor.u32 $0x330, s0;
	[tilespmem:v13+s17+$0x0] =	vst.idx.msk $0xffff, v12  }
0x545: {  	v11 =	vadd.s32 $0x300, v11;
	v12 =	vld [tilespmem:s0+$0x0];
	_ =	sdelay $0x3  }
0x546: {  	s29 =	sor.u32 s24, s24  }
0x547: {  	s24 =	sor.u32 $0x380, s29;
	[tilespmem:v11+s17+$0x0] =	vst.idx.msk $0xffff, v12  }
0x548: {  	v10 =	vor.u32 $0x7, v10;
	v11 =	vld [tilespmem:s24+$0x0];
	_ =	sdelay $0x4  }
0x549: {  	s30 =	sor.u32 $0x390, s29;
	[tilespmem:v10+s17+$0x0] =	vst.idx.msk $0xffff, v11  }
0x54a: {  	v12 =	vadd.s32 $0x100, v10;
	v11 =	vld [tilespmem:s30+$0x0];
	_ =	sdelay $0x4  }
0x54b: {  	s31 =	sor.u32 $0x3A0, s29;
	[tilespmem:v12+s17+$0x0] =	vst.idx.msk $0xffff, v11  }
0x54c: {  	v12 =	vadd.s32 $0x200, v10;
	v11 =	vld [tilespmem:s31+$0x0];
	_ =	sdelay $0x4  }
0x54d: {  	s0 =	sor.u32 $0x3B0, s29;
	[tilespmem:v12+s17+$0x0] =	vst.idx.msk $0xffff, v11  }
0x54e: {  	v12 =	vadd.s32 $0x300, v10;
	v11 =	vld [tilespmem:s0+$0x0];
	_ =	sdelay $0x2  }
0x54f: {  	s24 =	simm.s32 $0x200  }
0x550: {  	s25 =	simm.s32 $0x80;
	s23 =	sor.u32 s23, s24  }
.LBB2_84:
0x551: {  	p0 =	sne.s32 s25, $0x2C0;
	s0 =	sor.u32 $0x380, s23;
	[tilespmem:v12+s17+$0x0] =	vst.idx.msk $0xffff, v11  }
0x552: {  	v10 =	vadd.s32 $0x400, v10;
	v11 =	vld [tilespmem:s0+$0x0];
	_ =	sdelay $0x4  }
0x553: {  	s0 =	sor.u32 $0x390, s23;
	[tilespmem:v10+s17+$0x0] =	vst.idx.msk $0xffff, v11  }
0x554: {  	v12 =	vadd.s32 $0x100, v10;
	v11 =	vld [tilespmem:s0+$0x0];
	_ =	sdelay $0x4  }
0x555: {  	s0 =	sor.u32 $0x3A0, s23;
	[tilespmem:v12+s17+$0x0] =	vst.idx.msk $0xffff, v11  }
0x556: {  	v12 =	vadd.s32 $0x200, v10;
	v11 =	vld [tilespmem:s0+$0x0];
	_ =	sdelay $0x4  }
0x557: {  	s0 =	sor.u32 $0x3B0, s23;
	[tilespmem:v12+s17+$0x0] =	vst.idx.msk $0xffff, v11  }
.Ltmp41:
0x558: {  	v12 =	vadd.s32 $0x300, v10;
	v11 =	vld [tilespmem:s0+$0x0];
	(pc) =	sbr.rel @p0 .LBB2_84-.Ltmp41, $3  }
0x559: {  	_ =	sdelay $0x1  }
0x55a: {  	s24 =	sadd.s32 $0x200, s24  }
0x55b: {  	s23 =	sor.u32 s25, s24;
	s25 =	sadd.s32 $0x40, s25  }
0x55c: {  	_ =	sdelay $0x3  }
0x55d: {  	s0 =	sor.u32 $0x380, s23;
	[tilespmem:v12+s17+$0x0] =	vst.idx.msk $0xffff, v11  }
0x55e: {  	v10 =	vadd.s32 $0x400, v10;
	v11 =	vld [tilespmem:s0+$0x0];
	_ =	sdelay $0x4  }
0x55f: {  	s29 =	sor.u32 $0x390, s23;
	[tilespmem:v10+s17+$0x0] =	vst.idx.msk $0xffff, v11  }
0x560: {  	v62 =	vadd.s32 $0x100, v10;
	v11 =	vld [tilespmem:s29+$0x0];
	_ =	sdelay $0x4  }
0x561: {  	s30 =	sor.u32 $0x3A0, s23;
	[tilespmem:v62+s17+$0x0] =	vst.idx.msk $0xffff, v11  }
0x562: {  	v63 =	vadd.s32 $0x200, v10;
	v11 =	vld [tilespmem:s30+$0x0];
	_ =	sdelay $0x4  }
0x563: {  	s31 =	sor.u32 $0x3B0, s23;
	[tilespmem:v63+s17+$0x0] =	vst.idx.msk $0xffff, v11  }
0x564: {  	v10 =	vadd.s32 $0x300, v10;
	v11 =	vld [tilespmem:s31+$0x0];
	_ =	sdelay $0x4  }
0x565: {  	[tilespmem:v10+s17+$0x0] =	vst.idx.msk $0xffff, v11  }
0x566: {  	[hbm4b:s12+s2] =	stream.linear.scatter [tilespmem:s17], [sflag:$0x3], $0x3000, $0x38;
	[tilespmem:$0x9000] =	vst v63  }
0x567: {  	_ =	swait.ge [sflag:s18], $0x1800  }
0x568: {  	[sflag:s18] =	ssyncset.done $0x0  }
0x569: {  	s22 =	sadd.s32 $0x1, s22;
	[sflag:s18] =	ssyncadd.s32 $0xFFFFE800  }
0x56a: {  	p0 =	sne.s32 s22, s13;
	_ =	swait.ge [sflag:s20], $0x3000  }
.Ltmp42:
0x56b: {  	[sflag:s20] =	ssyncset.done $0x0;
	(pc) =	sbr.rel @p0 .LBB2_1-.Ltmp42, $4  }
0x56c: {  	[sflag:s20] =	ssyncadd.s32 $0xFFFFD000  }
0x56d: {  	_ =	swait.ge [sflag:s21], $0x3000  }
0x56e: {  	[sflag:s21] =	ssyncset.done $0x0  }
0x56f: {  	[sflag:s21] =	ssyncadd.s32 $0xFFFFD000  }
0x570: {  	_ =	sfence.sel $0x180000  }
0x571: {  	[bflag:$0x0] =	sbarrier.arrive $0xFFFF  }
0x572: {  	_ =	strace $0x90000047  }
0x573: {  	[bflag:$0x2] =	sbarrier.arrive $0xFFFF  }
0x574: {  	p0 =	sne.s32 s1, $0x0;
	s0 =	rddreg [dreg:$0x1]  }
0x575: {  	s0 =	sadd.s32 @!p0 $0x100000, s0  }
0x576: {  	[sflag:s0] =	ssyncadd.tile.s32 @!p0 $0x1;
	_ =	shalt  }
.Lfunc_end2:
_tile_overlayer_lowered:
.L_overlay_start_2:
0x577: {  	(tag) =	ssettag $0x2  }
0x578: {  	s0 =	rddreg [dreg:$0x0];
	s2 =	stileid.u32  }
0x579: {  	s1 =	rddreg [dreg:$0x1];
	p0 =	sne.s32 s2, $0x0  }
0x57a: {  	s3 =	rddreg [dreg:$0x2];
	[bflag:$0x3] =	sbarrier.arrive $0xFFFF;
	s2 =	simm.s32 @!p0 $0x1C05  }
0x57b: {  	[timem:s3], [sflag:s2] =	dma.local @!p0 [hbm:s0], s1  }
0x57c: {  	s0 =	simm.s32 @!p0 $0x5  }
0x57d: {  	_ =	swait.ge @!p0 [sflag:s0], s1  }
0x57e: {  	s1 =	ssub.s32 @!p0 $0x0, s1;
	[sflag:s0] =	ssyncset.done @!p0 $0x0  }
0x57f: {  	[sflag:s0] =	ssyncadd.s32 @!p0 s1  }
0x580: {  	[bflag:$0x3] =	sbarrier.arrive $0xFFFF  }
0x581: {  	_ =	shalt  }

// kernel: kernel.8.cloned.1.call-start
scs
__scs_entry_jumppad:
0x0: {  	(pc) =	sbr.rel $0x88, $3  }
0x1: {  	(tag) =	ssettag $0x0;
	lr =	simm.s32 $0x1  }
0x2: {  	[smem:$0x3F9D] =	sst lr;
	_ =	strace $0xD0000000  }
0x3: {  	_ = 	snop  }
0x4: {  	_ = 	snop  }
0x5: {  	_ = 	snop  }
0x6: {  	_ = 	snop  }
0x7: {  	_ = 	snop  }
__scs_overlays_trampoline_lowered:
0x8: {  	[smem:$0x3FAC] =	sst s0  }
0x9: {  	[smem:$0x3FAD] =	sst s1  }
0xa: {  	[smem:$0x3FAE] =	sst s2  }
0xb: {  	[smem:$0x3FAF] =	sst s3  }
0xc: {  	[smem:$0x3FB0] =	sst s4  }
0xd: {  	[smem:$0x3FB1] =	sst s5  }
0xe: {  	[smem:$0x3FB2] =	sst s6  }
0xf: {  	[smem:$0x3FB3] =	sst s7  }
0x10: {  	[smem:$0x3FB4] =	sst s8  }
0x11: {  	[smem:$0x3FB5] =	sst s9;
	s0 =	simm.s32 @!p0 $0x0  }
0x12: {  	s1 =	sld [smem:$0x3F9B];
	s0 =	simm.s32 @p0 $0x1  }
0x13: {  	[smem:$0x3FB6] =	sst s0;
	s0 =	simm.s32 @!p1 $0x0  }
0x14: {  	s2 =	sld [smem:$0x3F9A];
	s0 =	simm.s32 @p1 $0x1  }
0x15: {  	[smem:$0x3FB7] =	sst s0;
	s0 =	simm.s32 @!p2 $0x0  }
0x16: {  	s3 =	sld [smem:$0x3FDB];
	s0 =	simm.s32 @p2 $0x1  }
0x17: {  	s4 =	simm.s32 $0x1BF5;
	[smem:$0x3FB9] =	sst s0  }
0x18: {  	s0 =	sld [smem:$0x3F9C];
	_ =	swait.ge [sflag:s4], $0x0  }
0x19: {  	s7 =	sld [smem:$0x3F9D]  }
0x1a: {  	s8 =	sadd.s32 $0xFFFFE003, lr  }
0x1b: {  	s9 =	sadd.s32 $0xFFFFFEF7, lr;
	s5 =	simm.s32 $0xFFFFFFFF;
	p2 =	slt.u32 s8, $0xFFFFF086  }
0x1c: {  	p1 =	slt.u32 s9, $0xF7A;
	s5 =	simm.s32 @!p2 $0x0  }
0x1d: {  	s5 =	simm.s32 @p1 $0x1;
	p0 =	seq.s32 s7, s2  }
0x1e: {  	s7 =	smul.u32 @!p0 $0xF7A, s2;
	p2 =	seq.s32 @!p0 s5, $0x0  }
0x1f: {  	s9 =	smul.u32 $0xF7A, s1;
	s8 =	simm.s32 @!p0 $0x1BF5;
	p2 =	por !p2, p0  }
0x20: {  	[sflag:s8] =	ssyncset.s32 @!p0 $0xFFFFF086;
	s6 =	sadd.s32 @!p0 s3, s7;
	s7 =	simm.s32 @!p0 $0x108  }
0x21: {  	s3 =	sadd.s32 s3, s9;
	s6 =	sadd.s32 @!p0 $0x88, s6;
	s7 =	simm.s32 @p2 $0x1082  }
0x22: {  	[simem:s7], [sflag:s8] =	dma.local @!p0 [hbm:s6], $0xF7A  }
0x23: {  	s9 =	sor.u32 $0xD0000000, s2;
	s6 =	simm.s32 $0x108;
	_ =	swait.ge @!p0 [sflag:s8], $0x0  }
0x24: {  	s3 =	sadd.s32 $0x88, s3;
	s6 =	simm.s32 @!p1 $0x1082;
	[sflag:s4] =	ssyncset.s32 $0xFFFFF086  }
0x25: {  	[simem:s6], [sflag:s4] =	dma.local [hbm:s3], $0xF7A  }
0x26: {  	[smem:$0x3F9D] =	sst s1;
	(tag) =	ssettag s2;
	_ =	strace s9  }
0x27: {  	s1 =	sld [smem:$0x3FAD]  }
0x28: {  	s2 =	sld [smem:$0x3FAE]  }
0x29: {  	s4 =	sld [smem:$0x3FB0]  }
0x2a: {  	p0 =	seq.s32 s5, $0x0;
	s5 =	sld [smem:$0x3FB1]  }
0x2b: {  	s6 =	sld [smem:$0x3FB2]  }
0x2c: {  	s7 =	sld [smem:$0x3FB3]  }
0x2d: {  	s3 =	simm.s32 $0x108;
	s8 =	sld [smem:$0x3FB4]  }
0x2e: {  	s3 =	simm.s32 @!p0 $0x1082;
	s9 =	sld [smem:$0x3FB5]  }
0x2f: {  	lr =	sadd.s32 s0, s3;
	s0 =	sld [smem:$0x3FAC]  }
0x30: {  	s3 =	sld [smem:$0x3FAF]  }
0x31: {  	[smem:$0x3FB8] =	sst s10  }
0x32: {  	s10 =	sld [smem:$0x3FB6];
	_ =	sdelay $0x3  }
0x33: {  	p0 =	seq.s32 s10, $0x1;
	s10 =	sld [smem:$0x3FB8];
	_ =	sdelay $0x3  }
0x34: {  	[smem:$0x3FB8] =	sst s10  }
0x35: {  	s10 =	sld [smem:$0x3FB7];
	_ =	sdelay $0x3  }
0x36: {  	p1 =	seq.s32 s10, $0x1;
	s10 =	sld [smem:$0x3FB8];
	_ =	sdelay $0x3  }
0x37: {  	[smem:$0x3FB8] =	sst s10  }
0x38: {  	s10 =	sld [smem:$0x3FB9]  }
0x39: {  	_ = 	snop;
	(pc) =	sbr.ind lr, $3  }
0x3a: {  	_ = 	snop  }
0x3b: {  	_ = 	snop  }
0x3c: {  	p2 =	seq.s32 s10, $0x1;
	s10 =	sld [smem:$0x3FB8]  }
0x3d: {  	_ =	shalt  }
0x3e: {  	_ =	shalt  }
0x3f: {  	_ =	shalt  }
0x40: {  	_ =	shalt  }
0x41: {  	_ =	shalt  }
0x42: {  	_ =	shalt  }
0x43: {  	_ =	shalt  }
0x44: {  	_ =	shalt  }
0x45: {  	_ =	shalt  }
0x46: {  	_ =	shalt  }
0x47: {  	_ =	shalt  }
0x48: {  	_ =	shalt  }
0x49: {  	_ =	shalt  }
0x4a: {  	_ =	shalt  }
0x4b: {  	_ =	shalt  }
0x4c: {  	_ =	shalt  }
0x4d: {  	_ =	shalt  }
0x4e: {  	_ =	shalt  }
0x4f: {  	_ =	shalt  }
0x50: {  	_ =	shalt  }
0x51: {  	_ =	shalt  }
0x52: {  	_ =	shalt  }
0x53: {  	_ =	shalt  }
0x54: {  	_ =	shalt  }
0x55: {  	_ =	shalt  }
0x56: {  	_ =	shalt  }
0x57: {  	_ =	shalt  }
0x58: {  	_ =	shalt  }
0x59: {  	_ =	shalt  }
0x5a: {  	_ =	shalt  }
0x5b: {  	_ =	shalt  }
0x5c: {  	_ =	shalt  }
0x5d: {  	_ =	shalt  }
0x5e: {  	_ =	shalt  }
0x5f: {  	_ =	shalt  }
0x60: {  	_ =	shalt  }
0x61: {  	_ =	shalt  }
0x62: {  	_ =	shalt  }
0x63: {  	_ =	shalt  }
0x64: {  	_ =	shalt  }
0x65: {  	_ =	shalt  }
0x66: {  	_ =	shalt  }
0x67: {  	_ =	shalt  }
0x68: {  	_ =	shalt  }
0x69: {  	_ =	shalt  }
0x6a: {  	_ =	shalt  }
0x6b: {  	_ =	shalt  }
0x6c: {  	_ =	shalt  }
0x6d: {  	_ =	shalt  }
0x6e: {  	_ =	shalt  }
0x6f: {  	_ =	shalt  }
0x70: {  	_ =	shalt  }
0x71: {  	_ =	shalt  }
0x72: {  	_ =	shalt  }
0x73: {  	_ =	shalt  }
0x74: {  	_ =	shalt  }
0x75: {  	_ =	shalt  }
0x76: {  	_ =	shalt  }
0x77: {  	_ =	shalt  }
0x78: {  	_ =	shalt  }
0x79: {  	_ =	shalt  }
0x7a: {  	_ =	shalt  }
0x7b: {  	_ =	shalt  }
0x7c: {  	_ =	shalt  }
0x7d: {  	_ =	shalt  }
0x7e: {  	_ =	shalt  }
0x7f: {  	_ =	shalt  }
0x80: {  	_ =	shalt  }
0x81: {  	_ =	shalt  }
0x82: {  	_ =	shalt  }
0x83: {  	_ =	shalt  }
0x84: {  	_ =	shalt  }
0x85: {  	_ =	shalt  }
0x86: {  	_ =	shalt  }
0x87: {  	_ =	shalt  }
.Lfunc_end0:
.L_simem_size_0:
called_computation.1_lowered:
.L_overlay_start_0:
0x88: {  	s2 =	sld [smem:$0x3FD9]  }
0x89: {  	s3 =	sld [smem:$0x3FFE];
	_ =	sdelay $0x1  }
0x8a: {  	s1 =	srdreg.scid  }
0x8b: {  	s0 =	sand.u32 $0x1, s1  }
0x8c: {  	s17 =	sshll.u32 s0, $0xA;
	s2 =	sadd.s32 s3, s2  }
0x8d: {  	s2 =	sadd.s32 s2, s17  }
0x8e: {  	[smem:$0x3FC4] =	sst s2  }
0x8f: {  	_ = 	snop  }
0x90: {  	s2 =	sld [smem:$0x3FD0];
	(tm) =	ssettm $0x1  }
0x91: {  	s18 =	sld [smem:$0x3FFB];
	_ =	sdelay $0x3  }
0x92: {  	_ =	strace s18  }
0x93: {  	s3 =	sld [smem:$0x3FFC];
	_ =	sdelay $0x3  }
0x94: {  	_ =	strace s3  }
0x95: {  	s3 =	sld [smem:$0x3FFD];
	_ =	sdelay $0x3  }
0x96: {  	_ =	strace s3  }
0x97: {  	_ =	strace $0x8FFFFFFF  }
0x98: {  	s19 =	sld [smem:$0x3FDB];
	_ =	sdelay $0x1  }
0x99: {  	s4 =	simm.s32 $_scs_section_size  }
0x9a: {  	s5 =	simm.s32 $_size__tile_overlayer_lowered;
	s6 =	simm.s32 $_tile_overlayer_lowered  }
0x9b: {  	s22 =	simm.s32 $0x1BFF;
	s21 =	sshll.u32 s6, $0x1;
	s3 =	sadd.s32 s4, s19  }
0x9c: {  	s7 =	simm.s32 $0x0;
	s20 =	sshll.u32 s5, $0x1;
	s5 =	sadd.s32 s21, s3  }
0x9d: {  	[timem:s7], [sflag:s22] =	dma.local [hbm:s5], s20  }
0x9e: {  	_ =	swait.ge [sflag:s22], s20  }
0x9f: {  	s4 =	ssub.s32 $0x0, s20;
	[sflag:s22] =	ssyncset.done $0x0  }
0xa0: {  	[sflag:s22] =	ssyncadd.s32 s4;
	_ =	sdelay $0x1  }
0xa1: {  	s23 =	simm.s32 $0x1B8B  }
0xa2: {  	_ =	swait.ge [sflag:s23], $0x1  }
0xa3: {  	[sflag:s23] =	ssyncset.done $0x0  }
0xa4: {  	s25 =	simm.s32 $0x1B8E;
	s24 =	sld [smem:$0x3FFE];
	[sflag:s23] =	ssyncadd.s32 $0xFFFFFFFF  }
0xa5: {  	s26 =	simm.s32 $execute0_lowered;
	[smem:$0x3FD2] =	sst s25  }
0xa6: {  	s5 =	sshll.u32 s26, $0x1;
	_ =	strace $0x80000049;
	[dreg:$0x1] =	wrdreg $0xFFFFFFFF  }
0xa7: {  	s28 =	simm.s32 $_size_execute0_lowered;
	s3 =	sadd.s32 s3, s5;
	[dreg:$0x0] =	wrdreg $0x0  }
0xa8: {  	s5 =	sshll.u32 s28, $0x1;
	[dreg:$0x2] =	wrdreg s3  }
0xa9: {  	[dreg:$0x3] =	wrdreg s5  }
0xaa: {  	[dreg:$0x4] =	wrdreg $0xC0  }
0xab: {  	_ =	task [dreg:s7], $0x5FFFF  }
0xac: {  	[dreg:$0x1] =	wrdreg $0xFFFFFFFF  }
0xad: {  	[dreg:$0x0] =	wrdreg $0x60  }
0xae: {  	[dreg:$0x2] =	wrdreg s24  }
0xaf: {  	[dreg:$0x3] =	wrdreg s2  }
0xb0: {  	[dreg:$0x4] =	wrdreg $0x9  }
0xb1: {  	_ =	task.clear_ibuf [dreg:s7], $0x5FFFF;
	_ =	strace $0x90000049  }
0xb2: {  	s29 =	simm.s32 $0x9;
	_ =	strace $0x8000004B  }
0xb3: {  	_ =	swait.ge [sflag:s29], $0x1  }
0xb4: {  	[sflag:s29] =	ssyncadd.s32 $0xFFFFFFFF  }
0xb5: {  	_ =	strace $0x9000004B  }
0xb6: {  	_ =	sfence  }
0xb7: {  	s30 =	sld [smem:$0x0];
	_ =	sdelay $0x2  }
0xb8: {  	s31 =	sshll.u32 s1, $0xD;
	s1 =	sshrl.u32 s1, $0x2  }
0xb9: {  	s3 =	sand.u32 $0x4000, s31;
	s1 =	sadd.s32 s1, s30  }
0xba: {  	s0 =	sor.u32 s3, s0;
	s1 =	sshll.u32 s1, $0x11  }
0xbb: {  	s0 =	sor.u32 s1, s0  }
0xbc: {  	s0 =	sadd.s32 $0x8F2B, s0  }
0xbd: {  	[sflag:s0] =	ssyncadd.remote.s32 $0x1  }
0xbe: {  	_ =	sfence.sel $0xFFFF  }
0xbf: {  	[dreg:$0x0] =	wrdreg $0xFFFFFFFF;
	(pc) =	sbr.abs _section_cstart, $3  }
0xc0: {  	[dreg:$0x1] =	wrdreg $0xFFFFFFFF  }
0xc1: {  	_ =	task.clear_ibuf [dreg:s7], $0x2FFFF;
	_ =	strace $0x9FFFFFFF  }
0xc2: {  	(tm) =	ssettm $0x7FFFFFFF  }
0xc3: {  	_ =	shalt  }
tec
execute0_lowered:
.L_overlay_start_1:
0x0: {  	(tag) =	ssettag $0x1  }
0x1: {  	s1 =	srdreg.scid;
	s5 =	rddreg [dreg:$0x0]  }
0x2: {  	s0 =	stileid.u32;
	s2 =	rddreg [dreg:$0x1];
	s3 =	simm.s32 $0x0  }
0x3: {  	s10 =	simm.s32 $0x68;
	s11 =	simm.s32 $0x6C10;
	s12 =	simm.s32 $0x60  }
0x4: {  	s13 =	simm.s32 $0x7290;
	s14 =	simm.s32 $0xC8;
	s15 =	simm.s32 $0x7890  }
0x5: {  	s16 =	simm.s32 $0x130;
	s17 =	simm.s32 $0x7F10;
	s18 =	simm.s32 $0x1  }
0x6: {  	s19 =	simm.s32 $0x2;
	s20 =	simm.s32 $0x3;
	s21 =	simm.s32 $0x4  }
0x7: {  	s22 =	simm.s32 $0x6400;
	s4 =	sand.u32 $0x1, s1;
	s1 =	rddreg [dreg:$0x2]  }
0x8: {  	s23 =	simm.s32 $0x0;
	s31 =	sshll.u32 s0, $0x1;
	[smem:$0x7FF] =	sst s3  }
0x9: {  	s6 =	sor.u32 s4, s31;
	_ =	strace $0x8000004A;
	s8 =	ssub.s32 $0x2, s4  }
0xa: {  	s7 =	smul.u32 $0xC80, s6;
	s6 =	sshll.u32 s6, $0x8;
	s9 =	sshrl.u32 s8, $0x1  }
0xb: {  	s4 =	sadd.s32 $0xF6C00, s5;
	s6 =	sadd.s32 s6, s5;
	s8 =	ssub.s32 s8, s9  }
0xc: {  	s9 =	simm.s32 $0x6C00;
	s7 =	sadd.s32 s7, s5;
	s6 =	sadd.s32 $0xC00, s6  }
0xd: {  	s5 =	sadd.s32 $0x2E2C00, s7;
	s7 =	smax.u32 s8, $0x1;
	s8 =	simm.s32 $0x5  }
.LBB2_1:
0xe: {  	[tilespmem:s3], [sflag:$0x5] =	stream.linear.gather [hbm4b:s5+s3], $0x6400, $0x38;
	[tilespmem:$0x8510] =	vst v63  }
0xf: {  	_ =	swait.ge [sflag:s8], $0x6400  }
0x10: {  	[sflag:s8] =	ssyncset.done $0x0  }
0x11: {  	[sflag:s8] =	ssyncadd.s32 $0xFFFF9C00  }
0x12: {  	[tilespmem:s9], [sflag:$0x5] =	stream.linear.gather [hbm4b:s2+s3], $0x10, $0x38;
	[tilespmem:$0x8510] =	vst v63  }
0x13: {  	_ =	swait.ge [sflag:s8], $0x10  }
0x14: {  	[sflag:s8] =	ssyncset.done $0x0  }
0x15: {  	[sflag:s8] =	ssyncadd.s32 $0xFFFFFFF0  }
0x16: {  	v0 =	vld [tilespmem:$0x6C00];
	[tilespmem:s11], [sflag:$0x1] =	stream.indirect.gather [hbm4b:s4+s10], $0x10, s3, s10, $0xb8  }
0x17: {  	_ = 	snop  }
0x18: {  	[tilespmem:s13], [sflag:$0x2] =	stream.indirect.gather [hbm4b:s4+s12], $0x10, s10, s12, $0xb8;
	[tilespmem:$0x8510] =	vst v63  }
0x19: {  	_ = 	snop  }
0x1a: {  	[tilespmem:s15], [sflag:$0x3] =	stream.indirect.gather [hbm4b:s4+s10], $0x10, s14, s10, $0xb8;
	[tilespmem:$0x8510] =	vst v63  }
0x1b: {  	s24 =	simm.s32 $0x0  }
0x1c: {  	[tilespmem:s17], [sflag:$0x4] =	stream.indirect.gather [hbm4b:s4+s12], $0x10, s16, s12, $0xb8;
	[tilespmem:$0x8510] =	vst v63  }
.LBB2_2:
0x1d: {  	_ =	swait.ge [sflag:s18], $0x680  }
0x1e: {  	[sflag:s18] =	ssyncset.done $0x0  }
0x1f: {  	s25 =	simm.s32 $0x0;
	[sflag:s18] =	ssyncadd.s32 $0xFFFFF980  }
0x20: {  	v1 =	vld [tilespmem:s25+$0x6C10];
	_ =	sdelay $0x1  }
0x21: {  	v2 =	vld [tilespmem:s25+$0x6C20];
	_ =	sdelay $0x1  }
0x22: {  	v3 =	vimm.f32 $0.0e+00;
	v4 =	vld [tilespmem:s25+$0x6C30]  }
0x23: {  	v1 =	vadd.f32 v1, v3  }
0x24: {  	v3 =	vld [tilespmem:s25+$0x6C40]  }
0x25: {  	v1 =	vadd.f32 v2, v1  }
0x26: {  	v2 =	vld [tilespmem:s25+$0x6C50]  }
0x27: {  	v1 =	vadd.f32 v4, v1;
	_ =	sdelay $0x1  }
0x28: {  	v4 =	vld [tilespmem:s25+$0x6C60];
	v1 =	vadd.f32 v3, v1;
	_ =	sdelay $0x1  }
0x29: {  	v3 =	vadd.f32 v2, v1;
	v2 =	vld [tilespmem:s25+$0x6C70];
	_ =	sdelay $0x1  }
0x2a: {  	v1 =	vld [tilespmem:s25+$0x6C80]  }
0x2b: {  	s26 =	simm.s32 $0x80;
	s25 =	simm.s32 $0x400;
	v3 =	vadd.f32 v4, v3  }
.LBB2_3:
0x2c: {  	p0 =	sne.s32 s25, $0x1800;
	v4 =	vld [tilespmem:s26+$0x6C10]  }
0x2d: {  	v2 =	vadd.f32 v2, v3  }
0x2e: {  	v3 =	vld [tilespmem:s26+$0x6C20]  }
0x2f: {  	v1 =	vadd.f32 v1, v2  }
0x30: {  	v2 =	vld [tilespmem:s26+$0x6C30]  }
0x31: {  	v1 =	vadd.f32 v4, v1  }
0x32: {  	v4 =	vld [tilespmem:s26+$0x6C40]  }
0x33: {  	v1 =	vadd.f32 v3, v1  }
0x34: {  	v3 =	vld [tilespmem:s26+$0x6C50]  }
0x35: {  	v1 =	vadd.f32 v2, v1  }
0x36: {  	v5 =	vld [tilespmem:s26+$0x6C60]  }
.Ltmp0:
0x37: {  	v1 =	vadd.f32 v4, v1;
	(pc) =	sbr.rel @p0 .LBB2_3-.Ltmp0, $4  }
0x38: {  	v2 =	vld [tilespmem:s26+$0x6C70]  }
0x39: {  	v3 =	vadd.f32 v3, v1  }
0x3a: {  	v1 =	vld [tilespmem:s26+$0x6C80]  }
0x3b: {  	s26 =	sshra.s32 s25, $0x2;
	s25 =	sadd.s32 $0x200, s25;
	v3 =	vadd.f32 v5, v3  }
0x3c: {  	v4 =	vld [tilespmem:s26+$0x6C10]  }
0x3d: {  	v2 =	vadd.f32 v2, v3  }
0x3e: {  	v3 =	vld [tilespmem:s26+$0x6C20]  }
0x3f: {  	v1 =	vadd.f32 v1, v2  }
0x40: {  	v2 =	vld [tilespmem:s26+$0x6C30]  }
0x41: {  	v1 =	vadd.f32 v4, v1  }
0x42: {  	s25 =	sshll.u32 s24, $0x1;
	v4 =	vld [tilespmem:s26+$0x6C40]  }
0x43: {  	s28 =	sadd.s32 $0x2, s25;
	v1 =	vadd.f32 v3, v1  }
0x44: {  	s28 =	sand.u32 $0x7E, s28;
	v3 =	vld [tilespmem:s26+$0x6C50]  }
0x45: {  	v5 =	vld [tilespmem:s26+$0x6C70];
	s28 =	smul.u32 $0x320, s28;
	v1 =	vadd.f32 v2, v1  }
0x46: {  	v2 =	vld [tilespmem:s26+$0x6C60]  }
0x47: {  	v1 =	vadd.f32 v4, v1;
	v4 =	vld [tilespmem:s26+$0x6C80];
	s26 =	sshrl.u32 s28, $0x2  }
0x48: {  	[tilespmem:s11], [sflag:$0x1] =	stream.indirect.gather [hbm4b:s4+s10], $0x10, s26, s10, $0xb8;
	[tilespmem:$0x8510] =	vst v63  }
0x49: {  	v1 =	vadd.f32 v3, v1;
	_ =	swait.ge [sflag:s19], $0x600  }
0x4a: {  	[sflag:s19] =	ssyncset.done $0x0  }
0x4b: {  	s28 =	simm.s32 $0x0;
	v1 =	vadd.f32 v2, v1;
	[sflag:s19] =	ssyncadd.s32 $0xFFFFFA00  }
0x4c: {  	v2 =	vld [tilespmem:s28+$0x7290]  }
0x4d: {  	v1 =	vadd.f32 v5, v1  }
0x4e: {  	v3 =	vld [tilespmem:s28+$0x72A0]  }
0x4f: {  	v1 =	vadd.f32 v4, v1  }
0x50: {  	v4 =	vld [tilespmem:s28+$0x72B0]  }
0x51: {  	v1 =	vadd.f32 v2, v1  }
0x52: {  	v2 =	vld [tilespmem:s28+$0x72C0]  }
0x53: {  	v1 =	vadd.f32 v3, v1  }
0x54: {  	v3 =	vld [tilespmem:s28+$0x72D0]  }
0x55: {  	v1 =	vadd.f32 v4, v1  }
0x56: {  	v4 =	vld [tilespmem:s28+$0x72E0]  }
0x57: {  	v1 =	vadd.f32 v2, v1  }
0x58: {  	v2 =	vld [tilespmem:s28+$0x72F0]  }
0x59: {  	v3 =	vadd.f32 v3, v1  }
0x5a: {  	v1 =	vld [tilespmem:s28+$0x7300]  }
0x5b: {  	s29 =	simm.s32 $0x400;
	s28 =	simm.s32 $0x80;
	v3 =	vadd.f32 v4, v3  }
.LBB2_5:
0x5c: {  	p0 =	sne.s32 s29, $0x1600;
	v4 =	vld [tilespmem:s28+$0x7290]  }
0x5d: {  	v2 =	vadd.f32 v2, v3  }
0x5e: {  	v3 =	vld [tilespmem:s28+$0x72A0]  }
0x5f: {  	v1 =	vadd.f32 v1, v2  }
0x60: {  	v2 =	vld [tilespmem:s28+$0x72B0]  }
0x61: {  	v1 =	vadd.f32 v4, v1  }
0x62: {  	v4 =	vld [tilespmem:s28+$0x72C0]  }
0x63: {  	v1 =	vadd.f32 v3, v1  }
0x64: {  	v3 =	vld [tilespmem:s28+$0x72D0]  }
0x65: {  	v1 =	vadd.f32 v2, v1  }
0x66: {  	v5 =	vld [tilespmem:s28+$0x72E0]  }
.Ltmp1:
0x67: {  	v1 =	vadd.f32 v4, v1;
	(pc) =	sbr.rel @p0 .LBB2_5-.Ltmp1, $4  }
0x68: {  	v2 =	vld [tilespmem:s28+$0x72F0]  }
0x69: {  	v3 =	vadd.f32 v3, v1  }
0x6a: {  	v1 =	vld [tilespmem:s28+$0x7300]  }
0x6b: {  	s28 =	sshra.s32 s29, $0x2;
	s29 =	sadd.s32 $0x200, s29;
	v3 =	vadd.f32 v5, v3  }
0x6c: {  	v4 =	vld [tilespmem:s28+$0x7290]  }
0x6d: {  	v2 =	vadd.f32 v2, v3  }
0x6e: {  	v3 =	vld [tilespmem:s28+$0x72A0]  }
0x6f: {  	v1 =	vadd.f32 v1, v2  }
0x70: {  	v2 =	vld [tilespmem:s28+$0x72B0]  }
0x71: {  	v1 =	vadd.f32 v4, v1  }
0x72: {  	v4 =	vld [tilespmem:s28+$0x72C0]  }
0x73: {  	v1 =	vadd.f32 v3, v1  }
0x74: {  	v3 =	vld [tilespmem:s28+$0x72D0]  }
0x75: {  	v1 =	vadd.f32 v2, v1  }
0x76: {  	v2 =	vld [tilespmem:s28+$0x72E0]  }
0x77: {  	v1 =	vadd.f32 v4, v1  }
0x78: {  	v4 =	vld [tilespmem:s28+$0x72F0]  }
0x79: {  	v1 =	vadd.f32 v3, v1  }
0x7a: {  	v3 =	vld [tilespmem:s28+$0x7300]  }
0x7b: {  	v1 =	vadd.f32 v2, v1;
	_ =	sdelay $0x1  }
0x7c: {  	v1 =	vadd.f32 v4, v1;
	_ =	sdelay $0x1  }
0x7d: {  	v1 =	vadd.f32 v3, v1  }
0x7e: {  	s26 =	sadd.s32 $0x68, s26;
	s31 =	sshll.u32 s24, $0x5  }
0x7f: {  	[tilespmem:s13], [sflag:$0x2] =	stream.indirect.gather [hbm4b:s4+s12], $0x10, s26, s12, $0xb8;
	v1 =	vadd.f32 v1, v0;
	[tilespmem:$0x8510] =	vst v63  }
0x80: {  	s26 =	sand.u32 $0x3FFFFFE0, s31  }
0x81: {  	[tilespmem:s26+$0x6400] =	vst v1  }
0x82: {  	_ =	swait.ge [sflag:s20], $0x680  }
0x83: {  	[sflag:s20] =	ssyncset.done $0x0  }
0x84: {  	s28 =	simm.s32 $0x0;
	[sflag:s20] =	ssyncadd.s32 $0xFFFFF980  }
0x85: {  	v1 =	vld [tilespmem:s28+$0x7890];
	_ =	sdelay $0x1  }
0x86: {  	v2 =	vld [tilespmem:s28+$0x78A0];
	_ =	sdelay $0x1  }
0x87: {  	v3 =	vimm.f32 $0.0e+00;
	v4 =	vld [tilespmem:s28+$0x78B0]  }
0x88: {  	v1 =	vadd.f32 v1, v3  }
0x89: {  	v3 =	vld [tilespmem:s28+$0x78C0]  }
0x8a: {  	v1 =	vadd.f32 v2, v1  }
0x8b: {  	v2 =	vld [tilespmem:s28+$0x78D0]  }
0x8c: {  	v1 =	vadd.f32 v4, v1;
	_ =	sdelay $0x1  }
0x8d: {  	v4 =	vld [tilespmem:s28+$0x78E0];
	v1 =	vadd.f32 v3, v1;
	_ =	sdelay $0x1  }
0x8e: {  	v3 =	vadd.f32 v2, v1;
	v2 =	vld [tilespmem:s28+$0x78F0];
	_ =	sdelay $0x1  }
0x8f: {  	v1 =	vld [tilespmem:s28+$0x7900]  }
0x90: {  	s29 =	simm.s32 $0x400;
	s28 =	simm.s32 $0x80;
	v3 =	vadd.f32 v4, v3  }
.LBB2_7:
0x91: {  	p0 =	sne.s32 s29, $0x1800;
	v4 =	vld [tilespmem:s28+$0x7890]  }
0x92: {  	v2 =	vadd.f32 v2, v3  }
0x93: {  	v3 =	vld [tilespmem:s28+$0x78A0]  }
0x94: {  	v1 =	vadd.f32 v1, v2  }
0x95: {  	v2 =	vld [tilespmem:s28+$0x78B0]  }
0x96: {  	v1 =	vadd.f32 v4, v1  }
0x97: {  	v4 =	vld [tilespmem:s28+$0x78C0]  }
0x98: {  	v1 =	vadd.f32 v3, v1  }
0x99: {  	v3 =	vld [tilespmem:s28+$0x78D0]  }
0x9a: {  	v1 =	vadd.f32 v2, v1  }
0x9b: {  	v5 =	vld [tilespmem:s28+$0x78E0]  }
.Ltmp2:
0x9c: {  	v1 =	vadd.f32 v4, v1;
	(pc) =	sbr.rel @p0 .LBB2_7-.Ltmp2, $4  }
0x9d: {  	v2 =	vld [tilespmem:s28+$0x78F0]  }
0x9e: {  	v3 =	vadd.f32 v3, v1  }
0x9f: {  	v1 =	vld [tilespmem:s28+$0x7900]  }
0xa0: {  	s28 =	sshra.s32 s29, $0x2;
	s29 =	sadd.s32 $0x200, s29;
	v3 =	vadd.f32 v5, v3  }
0xa1: {  	v4 =	vld [tilespmem:s28+$0x7890]  }
0xa2: {  	v2 =	vadd.f32 v2, v3  }
0xa3: {  	v3 =	vld [tilespmem:s28+$0x78A0]  }
0xa4: {  	v1 =	vadd.f32 v1, v2  }
0xa5: {  	v2 =	vld [tilespmem:s28+$0x78B0]  }
0xa6: {  	v1 =	vadd.f32 v4, v1  }
0xa7: {  	v4 =	vld [tilespmem:s28+$0x78C0]  }
0xa8: {  	s25 =	sadd.s32 $0x3, s25;
	v1 =	vadd.f32 v3, v1  }
0xa9: {  	s25 =	sand.u32 $0x7F, s25;
	v3 =	vld [tilespmem:s28+$0x78D0]  }
0xaa: {  	s25 =	smul.u32 $0x320, s25;
	v1 =	vadd.f32 v2, v1  }
0xab: {  	v2 =	vld [tilespmem:s28+$0x78E0]  }
0xac: {  	v5 =	vld [tilespmem:s28+$0x78F0];
	s25 =	sshrl.u32 s25, $0x2;
	v1 =	vadd.f32 v4, v1  }
0xad: {  	v4 =	vld [tilespmem:s28+$0x7900];
	[tilespmem:s15], [sflag:$0x3] =	stream.indirect.gather [hbm4b:s4+s10], $0x10, s25, s10, $0xb8  }
0xae: {  	_ =	swait.ge [sflag:s21], $0x600;
	v1 =	vadd.f32 v3, v1  }
0xaf: {  	[sflag:s21] =	ssyncset.done $0x0  }
0xb0: {  	s28 =	simm.s32 $0x0;
	[sflag:s21] =	ssyncadd.s32 $0xFFFFFA00;
	v1 =	vadd.f32 v2, v1  }
0xb1: {  	v2 =	vld [tilespmem:s28+$0x7F10]  }
0xb2: {  	v1 =	vadd.f32 v5, v1  }
0xb3: {  	v3 =	vld [tilespmem:s28+$0x7F20]  }
0xb4: {  	v1 =	vadd.f32 v4, v1  }
0xb5: {  	v4 =	vld [tilespmem:s28+$0x7F30]  }
0xb6: {  	v1 =	vadd.f32 v2, v1  }
0xb7: {  	v2 =	vld [tilespmem:s28+$0x7F40]  }
0xb8: {  	v1 =	vadd.f32 v3, v1  }
0xb9: {  	v3 =	vld [tilespmem:s28+$0x7F50]  }
0xba: {  	v1 =	vadd.f32 v4, v1  }
0xbb: {  	v4 =	vld [tilespmem:s28+$0x7F60]  }
0xbc: {  	v1 =	vadd.f32 v2, v1  }
0xbd: {  	v2 =	vld [tilespmem:s28+$0x7F70]  }
0xbe: {  	v3 =	vadd.f32 v3, v1  }
0xbf: {  	v1 =	vld [tilespmem:s28+$0x7F80]  }
0xc0: {  	s29 =	simm.s32 $0x400;
	s28 =	simm.s32 $0x80;
	v3 =	vadd.f32 v4, v3  }
.LBB2_9:
0xc1: {  	p0 =	sne.s32 s29, $0x1600;
	v4 =	vld [tilespmem:s28+$0x7F10]  }
0xc2: {  	v2 =	vadd.f32 v2, v3  }
0xc3: {  	v3 =	vld [tilespmem:s28+$0x7F20]  }
0xc4: {  	v1 =	vadd.f32 v1, v2  }
0xc5: {  	v2 =	vld [tilespmem:s28+$0x7F30]  }
0xc6: {  	v1 =	vadd.f32 v4, v1  }
0xc7: {  	v4 =	vld [tilespmem:s28+$0x7F40]  }
0xc8: {  	v1 =	vadd.f32 v3, v1  }
0xc9: {  	v3 =	vld [tilespmem:s28+$0x7F50]  }
0xca: {  	v1 =	vadd.f32 v2, v1  }
0xcb: {  	v5 =	vld [tilespmem:s28+$0x7F60]  }
.Ltmp3:
0xcc: {  	v1 =	vadd.f32 v4, v1;
	(pc) =	sbr.rel @p0 .LBB2_9-.Ltmp3, $4  }
0xcd: {  	v2 =	vld [tilespmem:s28+$0x7F70]  }
0xce: {  	v3 =	vadd.f32 v3, v1  }
0xcf: {  	v1 =	vld [tilespmem:s28+$0x7F80]  }
0xd0: {  	s28 =	sshra.s32 s29, $0x2;
	s29 =	sadd.s32 $0x200, s29;
	v3 =	vadd.f32 v5, v3  }
0xd1: {  	v4 =	vld [tilespmem:s28+$0x7F10]  }
0xd2: {  	v2 =	vadd.f32 v2, v3  }
0xd3: {  	v3 =	vld [tilespmem:s28+$0x7F20]  }
0xd4: {  	v1 =	vadd.f32 v1, v2  }
0xd5: {  	v2 =	vld [tilespmem:s28+$0x7F30]  }
0xd6: {  	v1 =	vadd.f32 v4, v1  }
0xd7: {  	v62 =	vld [tilespmem:s28+$0x7F40]  }
0xd8: {  	v1 =	vadd.f32 v3, v1  }
0xd9: {  	v3 =	vld [tilespmem:s28+$0x7F50]  }
0xda: {  	v1 =	vadd.f32 v2, v1  }
0xdb: {  	v2 =	vld [tilespmem:s28+$0x7F60]  }
0xdc: {  	v1 =	vadd.f32 v62, v1  }
0xdd: {  	v63 =	vld [tilespmem:s28+$0x7F70]  }
0xde: {  	v1 =	vadd.f32 v3, v1  }
0xdf: {  	v3 =	vld [tilespmem:s28+$0x7F80]  }
0xe0: {  	v1 =	vadd.f32 v2, v1;
	_ =	sdelay $0x1  }
0xe1: {  	s24 =	sadd.s32 $0x1, s24;
	v1 =	vadd.f32 v63, v1  }
0xe2: {  	p0 =	sne.s32 s24, $0x40  }
.Ltmp4:
0xe3: {  	v1 =	vadd.f32 v3, v1;
	(pc) =	sbr.rel @p0 .LBB2_2-.Ltmp4, $4  }
0xe4: {  	_ = 	snop  }
0xe5: {  	s25 =	sadd.s32 $0x68, s25;
	v1 =	vadd.f32 v1, v0  }
0xe6: {  	[tilespmem:s17], [sflag:$0x4] =	stream.indirect.gather [hbm4b:s4+s12], $0x10, s25, s12, $0xb8;
	[tilespmem:$0x8510] =	vst v63  }
0xe7: {  	[tilespmem:s26+$0x6410] =	vst v1  }
0xe8: {  	_ =	swait.ge [sflag:s18], $0x680  }
0xe9: {  	[sflag:s18] =	ssyncset.done $0x0  }
0xea: {  	[sflag:s18] =	ssyncadd.s32 $0xFFFFF980  }
0xeb: {  	_ =	swait.ge [sflag:s19], $0x600  }
0xec: {  	[sflag:s19] =	ssyncset.done $0x0  }
0xed: {  	[sflag:s19] =	ssyncadd.s32 $0xFFFFFA00  }
0xee: {  	_ =	swait.ge [sflag:s20], $0x680  }
0xef: {  	[sflag:s20] =	ssyncset.done $0x0  }
0xf0: {  	[sflag:s20] =	ssyncadd.s32 $0xFFFFF980  }
0xf1: {  	s23 =	sadd.s32 $0x1, s23;
	_ =	swait.ge [sflag:s21], $0x600  }
0xf2: {  	p0 =	sne.s32 s23, s7;
	[sflag:s21] =	ssyncset.done $0x0  }
.Ltmp5:
0xf3: {  	[sflag:s21] =	ssyncadd.s32 $0xFFFFFA00;
	(pc) =	sbr.rel @p0 .LBB2_1-.Ltmp5, $4  }
0xf4: {  	[hbm4b:s6+s3] =	stream.linear.scatter [tilespmem:s22], [sflag:$0x5], $0x800, $0x38;
	[tilespmem:$0x8510] =	vst v63  }
0xf5: {  	_ =	swait.ge [sflag:s8], $0x800  }
0xf6: {  	[sflag:s8] =	ssyncset.done $0x0  }
0xf7: {  	[sflag:s8] =	ssyncadd.s32 $0xFFFFF800  }
0xf8: {  	_ =	sfence.sel $0x180000  }
0xf9: {  	[bflag:$0x0] =	sbarrier.arrive $0xFFFF  }
0xfa: {  	p0 =	sne.s32 s0, $0x0;
	_ =	strace $0x9000004A  }
0xfb: {  	s0 =	sadd.s32 @!p0 $0x100000, s1;
	[bflag:$0x2] =	sbarrier.arrive $0xFFFF  }
0xfc: {  	[sflag:s0] =	ssyncadd.tile.s32 @!p0 $0x1;
	_ =	shalt  }
.Lfunc_end2:
_tile_overlayer_lowered:
.L_overlay_start_2:
0xfd: {  	(tag) =	ssettag $0x2  }
0xfe: {  	s0 =	rddreg [dreg:$0x0];
	s2 =	stileid.u32  }
0xff: {  	s1 =	rddreg [dreg:$0x1];
	p0 =	sne.s32 s2, $0x0  }
0x100: {  	s3 =	rddreg [dreg:$0x2];
	[bflag:$0x3] =	sbarrier.arrive $0xFFFF;
	s2 =	simm.s32 @!p0 $0x1C05  }
0x101: {  	[timem:s3], [sflag:s2] =	dma.local @!p0 [hbm:s0], s1  }
0x102: {  	s0 =	simm.s32 @!p0 $0x5  }
0x103: {  	_ =	swait.ge @!p0 [sflag:s0], s1  }
0x104: {  	s1 =	ssub.s32 @!p0 $0x0, s1;
	[sflag:s0] =	ssyncset.done @!p0 $0x0  }
0x105: {  	[sflag:s0] =	ssyncadd.s32 @!p0 s1  }
0x106: {  	[bflag:$0x3] =	sbarrier.arrive $0xFFFF  }
0x107: {  	_ =	shalt  }

</sc_bundles>
